<compile_context>
chip_gen: v7x
topology: tpu7x:2x2x1
jax: 0.10.2.dev20260603
libtpu: 0.0.44.dev20260713+nightly
codegen_flags: <defaults>
</compile_context>

<pallas_src>
import jax
import jax.numpy as jnp
from jax import lax
from jax.experimental import pallas as pl
from jax.experimental.pallas import tpu as pltpu
from jax.experimental.pallas import tpu_sc as plsc

_N = 10000
_D = 128
_NBLK = 79
_NROWS = _NBLK * 128
_NC = 2
_NS = 16
_NW = _NC * _NS
_C = 128
_DEGR = 80


_RPT = 16
_NBUF = 2


def _sc_aggregate(table, src2d, dst2d, nround):
    mesh = plsc.VectorSubcoreMesh(core_axis_name="c", subcore_axis_name="s")
    rows_per_tile = _NROWS // _NS

    out_type = jax.ShapeDtypeStruct((_NC, _NROWS, 128), jnp.float32)

    scratch = dict(
        src_v=pltpu.VMEM((_RPT, _C), jnp.int32),
        dst_v=pltpu.VMEM((_RPT, _C), jnp.int32),
        acc_sh=pltpu.VMEM_SHARED((_NROWS, 128), jnp.float32),
        **{f"rows{b}": pltpu.VMEM((_C, 128), jnp.float32)
           for b in range(_NBUF)},
        **{f"gsem{b}": pltpu.SemaphoreType.DMA for b in range(_NBUF)},
        **{f"ssem{b}": pltpu.SemaphoreType.DMA for b in range(_NBUF)},
    )

    def body(table_hbm, src_hbm, dst_hbm, acc_out, **sc):
        c = lax.axis_index("c")
        s = lax.axis_index("s")
        wid = s * _NC + c

        zero16 = jnp.zeros((16,), jnp.float32)

        def zfill(i, carry):
            for j in range(8):
                sc["rows0"][i, pl.ds(j * 16, 16)] = zero16
            return carry
        lax.fori_loop(0, _C, zfill, 0)

        for k in range(4):
            pltpu.sync_copy(
                sc["rows0"],
                sc["acc_sh"].at[pl.ds(s * rows_per_tile + k * _C, _C)])
        pltpu.sync_copy(
            sc["rows0"].at[pl.ds(0, rows_per_tile - 4 * _C)],
            sc["acc_sh"].at[pl.ds(s * rows_per_tile + 4 * _C,
                                  rows_per_tile - 4 * _C)])

        plsc.subcore_barrier()

        rows = tuple(sc[f"rows{b}"] for b in range(_NBUF))
        gsem = tuple(sc[f"gsem{b}"] for b in range(_NBUF))
        ssem = tuple(sc[f"ssem{b}"] for b in range(_NBUF))

        def round_body(r, carry):
            pltpu.sync_copy(src_hbm.at[wid, pl.ds(r * _RPT, _RPT)],
                            sc["src_v"])
            pltpu.sync_copy(dst_hbm.at[wid, pl.ds(r * _RPT, _RPT)],
                            sc["dst_v"])

            for i in range(_NBUF):
                pltpu.async_copy(table_hbm.at[sc["src_v"].at[i]],
                                 rows[i], gsem[i])
            for i in range(_RPT):
                p = i % _NBUF
                pltpu.make_async_copy(table_hbm.at[sc["src_v"].at[i]],
                                      rows[p], gsem[p]).wait()
                pltpu.async_copy(rows[p],
                                 sc["acc_sh"].at[sc["dst_v"].at[i]],
                                 ssem[p], add=True).wait()
                if i + _NBUF < _RPT:
                    pltpu.async_copy(
                        table_hbm.at[sc["src_v"].at[i + _NBUF]],
                        rows[p], gsem[p])
            return carry
        lax.fori_loop(0, nround, round_body, 0)

        plsc.subcore_barrier()

        pltpu.sync_copy(
            sc["acc_sh"].at[pl.ds(s * rows_per_tile, rows_per_tile)],
            acc_out.at[c, pl.ds(s * rows_per_tile, rows_per_tile)])

    return pl.kernel(body, out_type=out_type, mesh=mesh,
                     scratch_types=scratch)(table, src2d, dst2d)


def _sc_degree(dst2d, nround):
    mesh = plsc.VectorSubcoreMesh(core_axis_name="c", subcore_axis_name="s")
    rows_per_tile = _NROWS // _NS

    out_type = jax.ShapeDtypeStruct((_NC, _NROWS, 128), jnp.float32)

    scratch = dict(
        dst_v=pltpu.VMEM((_RPT, _C), jnp.int32),
        ones_v=pltpu.VMEM((_C, 128), jnp.float32),
        deg_sh=pltpu.VMEM_SHARED((_NROWS, 128), jnp.float32),
        ssem=pltpu.SemaphoreType.DMA,
    )

    def body(dst_hbm, deg_out, **sc):
        c = lax.axis_index("c")
        s = lax.axis_index("s")
        wid = s * _NC + c

        zero16 = jnp.zeros((16,), jnp.float32)
        ones16 = jnp.ones((16,), jnp.float32)

        def fill_zero(i, carry):
            for j in range(8):
                sc["ones_v"][i, pl.ds(j * 16, 16)] = zero16
            return carry
        lax.fori_loop(0, _C, fill_zero, 0)

        for k in range(4):
            pltpu.sync_copy(
                sc["ones_v"],
                sc["deg_sh"].at[pl.ds(s * rows_per_tile + k * 128, 128)])
        pltpu.sync_copy(
            sc["ones_v"].at[pl.ds(0, 120)],
            sc["deg_sh"].at[pl.ds(s * rows_per_tile + 512, 120)])

        def fill_ones(i, carry):
            for j in range(8):
                sc["ones_v"][i, pl.ds(j * 16, 16)] = ones16
            return carry
        lax.fori_loop(0, _C, fill_ones, 0)

        plsc.subcore_barrier()

        def round_body(r, carry):
            pltpu.sync_copy(dst_hbm.at[wid, pl.ds(r * _RPT, _RPT)],
                            sc["dst_v"])

            def fire(i, carry2):
                pltpu.async_copy(sc["ones_v"],
                                 sc["deg_sh"].at[sc["dst_v"].at[i]],
                                 sc["ssem"], add=True)
                return carry2
            lax.fori_loop(0, _RPT, fire, 0)

            def drain(i, carry2):
                pltpu.make_async_copy(sc["ones_v"],
                                      sc["deg_sh"].at[sc["dst_v"].at[i]],
                                      sc["ssem"]).wait()
                return carry2
            lax.fori_loop(0, _RPT, drain, 0)
            return carry
        lax.fori_loop(0, nround, round_body, 0)

        plsc.subcore_barrier()

        pltpu.sync_copy(
            sc["deg_sh"].at[pl.ds(s * rows_per_tile, rows_per_tile)],
            deg_out.at[c, pl.ds(s * rows_per_tile, rows_per_tile)])

    return pl.kernel(body, out_type=out_type, mesh=mesh,
                     scratch_types=scratch)(dst2d)


def _tc_proj(x, w_l, w_r, b):
    def body(x_ref, wl_ref, wr_ref, b_ref, y_ref, z_ref):
        xb = x_ref[...]
        y_ref[...] = jnp.dot(xb, wl_ref[...],
                             preferred_element_type=jnp.float32)
        z_ref[...] = jnp.dot(xb, wr_ref[...],
                             preferred_element_type=jnp.float32) + b_ref[...]

    return pl.pallas_call(
        body,
        grid=(_NBLK,),
        in_specs=[
            pl.BlockSpec((128, 128), lambda i: (i, 0)),
            pl.BlockSpec((128, 128), lambda i: (0, 0)),
            pl.BlockSpec((128, 128), lambda i: (0, 0)),
            pl.BlockSpec((1, 128), lambda i: (0, 0)),
        ],
        out_specs=[pl.BlockSpec((128, 128), lambda i: (i, 0))] * 2,
        out_shape=[jax.ShapeDtypeStruct((_NROWS, 128), jnp.float32)] * 2,
    )(x, w_l, w_r, b.reshape(1, 128))


def _tc_combine_proj(acc, deg, z1, w_l, w_r, b):
    def body(acc_ref, deg_ref, z1_ref, wl_ref, wr_ref, b_ref,
             y2_ref, z2_ref, rdeg_ref):
        a = acc_ref[0] + acc_ref[1]
        d = (deg_ref[0] + deg_ref[1])[:, 0:1]
        r = 1.0 / jnp.maximum(d, 1.0)
        h = jnp.maximum(a * r + z1_ref[...], 0.0)
        y2_ref[...] = jnp.dot(h, wl_ref[...],
                              preferred_element_type=jnp.float32)
        z2_ref[...] = jnp.dot(h, wr_ref[...],
                              preferred_element_type=jnp.float32) + b_ref[...]
        rdeg_ref[...] = r

    return pl.pallas_call(
        body,
        grid=(_NBLK,),
        in_specs=[
            pl.BlockSpec((_NC, 128, 128), lambda i: (0, i, 0)),
            pl.BlockSpec((_NC, 128, 128), lambda i: (0, i, 0)),
            pl.BlockSpec((128, 128), lambda i: (i, 0)),
            pl.BlockSpec((128, 128), lambda i: (0, 0)),
            pl.BlockSpec((128, 128), lambda i: (0, 0)),
            pl.BlockSpec((1, 128), lambda i: (0, 0)),
        ],
        out_specs=[
            pl.BlockSpec((128, 128), lambda i: (i, 0)),
            pl.BlockSpec((128, 128), lambda i: (i, 0)),
            pl.BlockSpec((128, 1), lambda i: (i, 0)),
        ],
        out_shape=[
            jax.ShapeDtypeStruct((_NROWS, 128), jnp.float32),
            jax.ShapeDtypeStruct((_NROWS, 128), jnp.float32),
            jax.ShapeDtypeStruct((_NROWS, 1), jnp.float32),
        ],
    )(acc, deg, z1, w_l, w_r, b.reshape(1, 128))


def _tc_final(acc, rdeg, z2):
    def body(acc_ref, rdeg_ref, z2_ref, o_ref):
        a = acc_ref[0] + acc_ref[1]
        o_ref[...] = a * rdeg_ref[...] + z2_ref[...]

    return pl.pallas_call(
        body,
        grid=(_NBLK,),
        in_specs=[
            pl.BlockSpec((_NC, 128, 128), lambda i: (0, i, 0)),
            pl.BlockSpec((128, 1), lambda i: (i, 0)),
            pl.BlockSpec((128, 128), lambda i: (i, 0)),
        ],
        out_specs=pl.BlockSpec((128, 128), lambda i: (i, 0)),
        out_shape=jax.ShapeDtypeStruct((_NROWS, 128), jnp.float32),
    )(acc, rdeg, z2)


def kernel(x, edge_index, W1_l, W1_r, b1, W2_l, W2_r, b2):
    E = edge_index.shape[1]
    epr = _NW * _C * _RPT
    e_pad = ((E + epr - 1) // epr) * epr
    nround_d = e_pad // epr
    nround = nround_d

    src = jnp.pad(edge_index[0], (0, e_pad - E))
    dst = jnp.pad(edge_index[1], (0, e_pad - E), constant_values=_N)
    src2d = src.reshape(_NW, nround * _RPT, _C)
    dst2d = dst.reshape(_NW, nround * _RPT, _C)
    dst2deg = dst.reshape(_NW, nround_d * _RPT, _C)

    xp = jnp.pad(x, ((0, _NROWS - _N), (0, 0)))

    deg = _sc_degree(dst2deg, nround_d)

    y1, z1 = _tc_proj(xp, W1_l, W1_r, b1)
    acc1 = _sc_aggregate(y1, src2d, dst2d, nround)
    y2, z2, rdeg = _tc_combine_proj(acc1, deg, z1, W2_l, W2_r, b2)

    acc2 = _sc_aggregate(y2, src2d, dst2d, nround)
    out = _tc_final(acc2, rdeg, z2)
    return out[:_N]

# --- scband reference (transcript-rebuilt; emitter-appended) ---
"""Pipeline reference for scband-graph-sage-44306882625536 (READ-ONLY COPY).

The authoritative reference and input builder live on the scoring server;
editing this copy changes nothing except your own understanding.
"""

import jax, jax.numpy as jnp
import numpy as np

N = 10000
E = 320000
D = 128
H = 128
O = 128


def setup_inputs(seed: int = 0) -> dict:
    key = jax.random.key(seed)
    ks = jax.random.split(key, 9)
    x = jax.random.normal(ks[0], (N, D), dtype=jnp.float32)
    edge_index = jax.random.randint(ks[1], (2, E), 0, N, dtype=jnp.int32)
    s = 1.0 / np.sqrt(D)
    W1_l = jax.random.uniform(ks[2], (D, H), jnp.float32, -s, s)
    W1_r = jax.random.uniform(ks[3], (D, H), jnp.float32, -s, s)
    b1 = jax.random.uniform(ks[4], (H,), jnp.float32, -s, s)
    s2 = 1.0 / np.sqrt(H)
    W2_l = jax.random.uniform(ks[5], (H, O), jnp.float32, -s2, s2)
    W2_r = jax.random.uniform(ks[6], (H, O), jnp.float32, -s2, s2)
    b2 = jax.random.uniform(ks[7], (O,), jnp.float32, -s2, s2)
    return {"x": x, "edge_index": edge_index, "W1_l": W1_l, "W1_r": W1_r,
            "b1": b1, "W2_l": W2_l, "W2_r": W2_r, "b2": b2}


def _sage_conv(x, edge_index, W_l, W_r, b):
    # PyG SAGEConv with mean aggregation:
    # out = lin_l(mean_{j in N(i)} x_j) + lin_r(x_i)
    src = edge_index[0]
    dst = edge_index[1]
    msgs = jnp.take(x, src, axis=0)                       # gather
    agg = jax.ops.segment_sum(msgs, dst, num_segments=x.shape[0])  # scatter-add
    deg = jax.ops.segment_sum(jnp.ones((edge_index.shape[1],), x.dtype), dst,
                              num_segments=x.shape[0])
    agg = agg / jnp.clip(deg, 1.0, None)[:, None]
    return agg @ W_l + x @ W_r + b


def reference(x, edge_index, W1_l, W1_r, b1, W2_l, W2_r, b2):
    h = _sage_conv(x, edge_index, W1_l, W1_r, b1)
    h = jax.nn.relu(h)
    # dropout(p=0.2) is identity at inference time
    out = _sage_conv(h, edge_index, W2_l, W2_r, b2)
    return out

if __name__ == "__main__":
    import jax
    _d = setup_inputs()
    print(jax.jit(kernel)(*tuple(_d.values())))

</pallas_src>

<mosaic_0001>
#map = affine_map<(d0, d1) -> (0, 0)>
#map1 = affine_map<(d0, d1) -> (0, 0, 0)>
module attributes {stable_mosaic.version = 14 : i64} {
  func.func @body(%arg0: i32, %arg1: i32, %arg2: memref<10112x128xf32, #tpu.memory_space<hbm>>, %arg3: memref<32x80x128xi32, #tpu.memory_space<hbm>>, %arg4: memref<32x80x128xi32, #tpu.memory_space<hbm>>, %arg5: memref<2x10112x128xf32, #tpu.memory_space<hbm>>, %arg6: memref<10112x128xf32, #tpu.memory_space<vmem_shared>>, %arg7: memref<16x128xi32, #tpu.memory_space<vmem>>, %arg8: memref<!tpu.dma_semaphore, #tpu.memory_space<semaphore_mem>>, %arg9: memref<!tpu.dma_semaphore, #tpu.memory_space<semaphore_mem>>, %arg10: memref<128x128xf32, #tpu.memory_space<vmem>>, %arg11: memref<128x128xf32, #tpu.memory_space<vmem>>, %arg12: memref<16x128xi32, #tpu.memory_space<vmem>>, %arg13: memref<!tpu.dma_semaphore, #tpu.memory_space<semaphore_mem>>, %arg14: memref<!tpu.dma_semaphore, #tpu.memory_space<semaphore_mem>>) attributes {dimension_semantics = [#tpu.dimension_semantics<core_parallel>, #tpu.dimension_semantics<subcore_parallel>], iteration_bounds = array<i64: 2, 16>, scalar_prefetch = 0 : i64, scratch_operands = 9 : i64, tpu.core_type = #tpu.core_type<sc_vector_subcore>, window_params = [{transform_indices = #map}, {transform_indices = #map1}, {transform_indices = #map1}, {transform_indices = #map1}]} {
    %mul3A = arith.constant 2 : i32
    %mul3A_0 = arith.muli %arg1, %mul3A : i32
    %add3A = arith.addi %mul3A_0, %arg0 : i32
    %broadcast_in_dim3A = arith.constant 0.000000e+00 : f32
    %broadcast_in_dim3A_1 = vector.broadcast %broadcast_in_dim3A : f32 to vector<16xf32>
    %scan3A = arith.constant 0 : i32
    %scan3A_2 = arith.constant 0 : i32
    %scan3A_3 = arith.constant 128 : i32
    %scan3A_4 = arith.addi %scan3A_2, %scan3A_3 : i32
    %scan3A_5 = arith.constant 1 : i32
    scf.for %scan3A_38 = %scan3A_2 to %scan3A_4 step %scan3A_5  : i32 {
      %swap3A = arith.index_cast %scan3A_38 : i32 to index
      %swap3A_39 = arith.constant 0 : index
      %swap3A_40 = tpu.vector_load %arg10[%swap3A, %swap3A_39] {strides = array<i32>} : memref<128x128xf32, #tpu.memory_space<vmem>>, vector<1x16xf32>,
      %swap3A_41 = vector.shape_cast %swap3A_40 : vector<1x16xf32> to vector<16xf32>
      %swap3A_42 = vector.shape_cast %broadcast_in_dim3A_1 : vector<16xf32> to vector<1x16xf32>
      tpu.vector_store %arg10[%swap3A, %swap3A_39], %swap3A_42 {strides = array<i32>} : memref<128x128xf32, #tpu.memory_space<vmem>>, vector<1x16xf32>,
      %swap3A_43 = arith.index_cast %scan3A_38 : i32 to index
      %swap3A_44 = arith.constant 16 : index
      %swap3A_45 = tpu.vector_load %arg10[%swap3A_43, %swap3A_44] {strides = array<i32>} : memref<128x128xf32, #tpu.memory_space<vmem>>, vector<1x16xf32>,
      %swap3A_46 = vector.shape_cast %swap3A_45 : vector<1x16xf32> to vector<16xf32>
      %swap3A_47 = vector.shape_cast %broadcast_in_dim3A_1 : vector<16xf32> to vector<1x16xf32>
      tpu.vector_store %arg10[%swap3A_43, %swap3A_44], %swap3A_47 {strides = array<i32>} : memref<128x128xf32, #tpu.memory_space<vmem>>, vector<1x16xf32>,
      %swap3A_48 = arith.index_cast %scan3A_38 : i32 to index
      %swap3A_49 = arith.constant 32 : index
      %swap3A_50 = tpu.vector_load %arg10[%swap3A_48, %swap3A_49] {strides = array<i32>} : memref<128x128xf32, #tpu.memory_space<vmem>>, vector<1x16xf32>,
      %swap3A_51 = vector.shape_cast %swap3A_50 : vector<1x16xf32> to vector<16xf32>
      %swap3A_52 = vector.shape_cast %broadcast_in_dim3A_1 : vector<16xf32> to vector<1x16xf32>
      tpu.vector_store %arg10[%swap3A_48, %swap3A_49], %swap3A_52 {strides = array<i32>} : memref<128x128xf32, #tpu.memory_space<vmem>>, vector<1x16xf32>,
      %swap3A_53 = arith.index_cast %scan3A_38 : i32 to index
      %swap3A_54 = arith.constant 48 : index
      %swap3A_55 = tpu.vector_load %arg10[%swap3A_53, %swap3A_54] {strides = array<i32>} : memref<128x128xf32, #tpu.memory_space<vmem>>, vector<1x16xf32>,
      %swap3A_56 = vector.shape_cast %swap3A_55 : vector<1x16xf32> to vector<16xf32>
      %swap3A_57 = vector.shape_cast %broadcast_in_dim3A_1 : vector<16xf32> to vector<1x16xf32>
      tpu.vector_store %arg10[%swap3A_53, %swap3A_54], %swap3A_57 {strides = array<i32>} : memref<128x128xf32, #tpu.memory_space<vmem>>, vector<1x16xf32>,
      %swap3A_58 = arith.index_cast %scan3A_38 : i32 to index
      %swap3A_59 = arith.constant 64 : index
      %swap3A_60 = tpu.vector_load %arg10[%swap3A_58, %swap3A_59] {strides = array<i32>} : memref<128x128xf32, #tpu.memory_space<vmem>>, vector<1x16xf32>,
      %swap3A_61 = vector.shape_cast %swap3A_60 : vector<1x16xf32> to vector<16xf32>
      %swap3A_62 = vector.shape_cast %broadcast_in_dim3A_1 : vector<16xf32> to vector<1x16xf32>
      tpu.vector_store %arg10[%swap3A_58, %swap3A_59], %swap3A_62 {strides = array<i32>} : memref<128x128xf32, #tpu.memory_space<vmem>>, vector<1x16xf32>,
      %swap3A_63 = arith.index_cast %scan3A_38 : i32 to index
      %swap3A_64 = arith.constant 80 : index
      %swap3A_65 = tpu.vector_load %arg10[%swap3A_63, %swap3A_64] {strides = array<i32>} : memref<128x128xf32, #tpu.memory_space<vmem>>, vector<1x16xf32>,
      %swap3A_66 = vector.shape_cast %swap3A_65 : vector<1x16xf32> to vector<16xf32>
      %swap3A_67 = vector.shape_cast %broadcast_in_dim3A_1 : vector<16xf32> to vector<1x16xf32>
      tpu.vector_store %arg10[%swap3A_63, %swap3A_64], %swap3A_67 {strides = array<i32>} : memref<128x128xf32, #tpu.memory_space<vmem>>, vector<1x16xf32>,
      %swap3A_68 = arith.index_cast %scan3A_38 : i32 to index
      %swap3A_69 = arith.constant 96 : index
      %swap3A_70 = tpu.vector_load %arg10[%swap3A_68, %swap3A_69] {strides = array<i32>} : memref<128x128xf32, #tpu.memory_space<vmem>>, vector<1x16xf32>,
      %swap3A_71 = vector.shape_cast %swap3A_70 : vector<1x16xf32> to vector<16xf32>
      %swap3A_72 = vector.shape_cast %broadcast_in_dim3A_1 : vector<16xf32> to vector<1x16xf32>
      tpu.vector_store %arg10[%swap3A_68, %swap3A_69], %swap3A_72 {strides = array<i32>} : memref<128x128xf32, #tpu.memory_space<vmem>>, vector<1x16xf32>,
      %swap3A_73 = arith.index_cast %scan3A_38 : i32 to index
      %swap3A_74 = arith.constant 112 : index
      %swap3A_75 = tpu.vector_load %arg10[%swap3A_73, %swap3A_74] {strides = array<i32>} : memref<128x128xf32, #tpu.memory_space<vmem>>, vector<1x16xf32>,
      %swap3A_76 = vector.shape_cast %swap3A_75 : vector<1x16xf32> to vector<16xf32>
      %swap3A_77 = vector.shape_cast %broadcast_in_dim3A_1 : vector<16xf32> to vector<1x16xf32>
      tpu.vector_store %arg10[%swap3A_73, %swap3A_74], %swap3A_77 {strides = array<i32>} : memref<128x128xf32, #tpu.memory_space<vmem>>, vector<1x16xf32>,
    }
    %scan3A_6 = arith.constant 128 : i32
    %mul3A_7 = arith.constant 632 : i32
    %mul3A_8 = arith.muli %arg1, %mul3A_7 : i32
    %add3A_9 = arith.constant 0 : i32
    %add3A_10 = arith.addi %mul3A_8, %add3A_9 : i32
    "tpu.region"() ({
      %run_scoped3A = tpu.sem_alloc : memref<!tpu.dma_semaphore, #tpu.memory_space<semaphore_mem>>
      %dma_start3A = arith.constant 0 : i32
      %dma_start3A_38 = tpu.memref_slice %arg6[%add3A_10, %dma_start3A] : memref<10112x128xf32, #tpu.memory_space<vmem_shared>> -> memref<128x128xf32, #tpu.memory_space<vmem_shared>>
      %dma_start3A_39 = arith.constant 0 : i32
      %dma_start3A_40 = tpu.memref_slice %arg6[%add3A_10, %dma_start3A_39] : memref<10112x128xf32, #tpu.memory_space<vmem_shared>> -> memref<128x128xf32, #tpu.memory_space<vmem_shared>>
      tpu.enqueue_dma source(%arg10 : memref<128x128xf32, #tpu.memory_space<vmem>>) target(%dma_start3A_40 : memref<128x128xf32, #tpu.memory_space<vmem_shared>>) target_semaphore(%run_scoped3A : memref<!tpu.dma_semaphore, #tpu.memory_space<semaphore_mem>>)
      %dma_wait3A = arith.constant 0 : i32
      %dma_wait3A_41 = tpu.memref_slice %arg6[%add3A_10, %dma_wait3A] : memref<10112x128xf32, #tpu.memory_space<vmem_shared>> -> memref<128x128xf32, #tpu.memory_space<vmem_shared>>
      %dma_wait3A_42 = arith.constant 0 : i32
      %dma_wait3A_43 = tpu.memref_slice %arg6[%add3A_10, %dma_wait3A_42] : memref<10112x128xf32, #tpu.memory_space<vmem_shared>> -> memref<128x128xf32, #tpu.memory_space<vmem_shared>>
      tpu.wait_dma2 semaphore(%run_scoped3A : memref<!tpu.dma_semaphore, #tpu.memory_space<semaphore_mem>>) src(%arg10 : memref<128x128xf32, #tpu.memory_space<vmem>>) dst(%dma_wait3A_43 : memref<128x128xf32, #tpu.memory_space<vmem_shared>>)
      tpu.yield
    }) : () -> ()
    %mul3A_11 = arith.constant 632 : i32
    %mul3A_12 = arith.muli %arg1, %mul3A_11 : i32
    %add3A_13 = arith.constant 128 : i32
    %add3A_14 = arith.addi %mul3A_12, %add3A_13 : i32
    "tpu.region"() ({
      %run_scoped3A = tpu.sem_alloc : memref<!tpu.dma_semaphore, #tpu.memory_space<semaphore_mem>>
      %dma_start3A = arith.constant 0 : i32
      %dma_start3A_38 = tpu.memref_slice %arg6[%add3A_14, %dma_start3A] : memref<10112x128xf32, #tpu.memory_space<vmem_shared>> -> memref<128x128xf32, #tpu.memory_space<vmem_shared>>
      %dma_start3A_39 = arith.constant 0 : i32
      %dma_start3A_40 = tpu.memref_slice %arg6[%add3A_14, %dma_start3A_39] : memref<10112x128xf32, #tpu.memory_space<vmem_shared>> -> memref<128x128xf32, #tpu.memory_space<vmem_shared>>
      tpu.enqueue_dma source(%arg10 : memref<128x128xf32, #tpu.memory_space<vmem>>) target(%dma_start3A_40 : memref<128x128xf32, #tpu.memory_space<vmem_shared>>) target_semaphore(%run_scoped3A : memref<!tpu.dma_semaphore, #tpu.memory_space<semaphore_mem>>)
      %dma_wait3A = arith.constant 0 : i32
      %dma_wait3A_41 = tpu.memref_slice %arg6[%add3A_14, %dma_wait3A] : memref<10112x128xf32, #tpu.memory_space<vmem_shared>> -> memref<128x128xf32, #tpu.memory_space<vmem_shared>>
      %dma_wait3A_42 = arith.constant 0 : i32
      %dma_wait3A_43 = tpu.memref_slice %arg6[%add3A_14, %dma_wait3A_42] : memref<10112x128xf32, #tpu.memory_space<vmem_shared>> -> memref<128x128xf32, #tpu.memory_space<vmem_shared>>
      tpu.wait_dma2 semaphore(%run_scoped3A : memref<!tpu.dma_semaphore, #tpu.memory_space<semaphore_mem>>) src(%arg10 : memref<128x128xf32, #tpu.memory_space<vmem>>) dst(%dma_wait3A_43 : memref<128x128xf32, #tpu.memory_space<vmem_shared>>)
      tpu.yield
    }) : () -> ()
    %mul3A_15 = arith.constant 632 : i32
    %mul3A_16 = arith.muli %arg1, %mul3A_15 : i32
    %add3A_17 = arith.constant 256 : i32
    %add3A_18 = arith.addi %mul3A_16, %add3A_17 : i32
    "tpu.region"() ({
      %run_scoped3A = tpu.sem_alloc : memref<!tpu.dma_semaphore, #tpu.memory_space<semaphore_mem>>
      %dma_start3A = arith.constant 0 : i32
      %dma_start3A_38 = tpu.memref_slice %arg6[%add3A_18, %dma_start3A] : memref<10112x128xf32, #tpu.memory_space<vmem_shared>> -> memref<128x128xf32, #tpu.memory_space<vmem_shared>>
      %dma_start3A_39 = arith.constant 0 : i32
      %dma_start3A_40 = tpu.memref_slice %arg6[%add3A_18, %dma_start3A_39] : memref<10112x128xf32, #tpu.memory_space<vmem_shared>> -> memref<128x128xf32, #tpu.memory_space<vmem_shared>>
      tpu.enqueue_dma source(%arg10 : memref<128x128xf32, #tpu.memory_space<vmem>>) target(%dma_start3A_40 : memref<128x128xf32, #tpu.memory_space<vmem_shared>>) target_semaphore(%run_scoped3A : memref<!tpu.dma_semaphore, #tpu.memory_space<semaphore_mem>>)
      %dma_wait3A = arith.constant 0 : i32
      %dma_wait3A_41 = tpu.memref_slice %arg6[%add3A_18, %dma_wait3A] : memref<10112x128xf32, #tpu.memory_space<vmem_shared>> -> memref<128x128xf32, #tpu.memory_space<vmem_shared>>
      %dma_wait3A_42 = arith.constant 0 : i32
      %dma_wait3A_43 = tpu.memref_slice %arg6[%add3A_18, %dma_wait3A_42] : memref<10112x128xf32, #tpu.memory_space<vmem_shared>> -> memref<128x128xf32, #tpu.memory_space<vmem_shared>>
      tpu.wait_dma2 semaphore(%run_scoped3A : memref<!tpu.dma_semaphore, #tpu.memory_space<semaphore_mem>>) src(%arg10 : memref<128x128xf32, #tpu.memory_space<vmem>>) dst(%dma_wait3A_43 : memref<128x128xf32, #tpu.memory_space<vmem_shared>>)
      tpu.yield
    }) : () -> ()
    %mul3A_19 = arith.constant 632 : i32
    %mul3A_20 = arith.muli %arg1, %mul3A_19 : i32
    %add3A_21 = arith.constant 384 : i32
    %add3A_22 = arith.addi %mul3A_20, %add3A_21 : i32
    "tpu.region"() ({
      %run_scoped3A = tpu.sem_alloc : memref<!tpu.dma_semaphore, #tpu.memory_space<semaphore_mem>>
      %dma_start3A = arith.constant 0 : i32
      %dma_start3A_38 = tpu.memref_slice %arg6[%add3A_22, %dma_start3A] : memref<10112x128xf32, #tpu.memory_space<vmem_shared>> -> memref<128x128xf32, #tpu.memory_space<vmem_shared>>
      %dma_start3A_39 = arith.constant 0 : i32
      %dma_start3A_40 = tpu.memref_slice %arg6[%add3A_22, %dma_start3A_39] : memref<10112x128xf32, #tpu.memory_space<vmem_shared>> -> memref<128x128xf32, #tpu.memory_space<vmem_shared>>
      tpu.enqueue_dma source(%arg10 : memref<128x128xf32, #tpu.memory_space<vmem>>) target(%dma_start3A_40 : memref<128x128xf32, #tpu.memory_space<vmem_shared>>) target_semaphore(%run_scoped3A : memref<!tpu.dma_semaphore, #tpu.memory_space<semaphore_mem>>)
      %dma_wait3A = arith.constant 0 : i32
      %dma_wait3A_41 = tpu.memref_slice %arg6[%add3A_22, %dma_wait3A] : memref<10112x128xf32, #tpu.memory_space<vmem_shared>> -> memref<128x128xf32, #tpu.memory_space<vmem_shared>>
      %dma_wait3A_42 = arith.constant 0 : i32
      %dma_wait3A_43 = tpu.memref_slice %arg6[%add3A_22, %dma_wait3A_42] : memref<10112x128xf32, #tpu.memory_space<vmem_shared>> -> memref<128x128xf32, #tpu.memory_space<vmem_shared>>
      tpu.wait_dma2 semaphore(%run_scoped3A : memref<!tpu.dma_semaphore, #tpu.memory_space<semaphore_mem>>) src(%arg10 : memref<128x128xf32, #tpu.memory_space<vmem>>) dst(%dma_wait3A_43 : memref<128x128xf32, #tpu.memory_space<vmem_shared>>)
      tpu.yield
    }) : () -> ()
    %mul3A_23 = arith.constant 632 : i32
    %mul3A_24 = arith.muli %arg1, %mul3A_23 : i32
    %add3A_25 = arith.constant 512 : i32
    %add3A_26 = arith.addi %mul3A_24, %add3A_25 : i32
    "tpu.region"() ({
      %run_scoped3A = tpu.sem_alloc : memref<!tpu.dma_semaphore, #tpu.memory_space<semaphore_mem>>
      %dma_start3A = arith.constant 0 : i32
      %dma_start3A_38 = arith.constant 0 : i32
      %dma_start3A_39 = tpu.memref_slice %arg10[%dma_start3A, %dma_start3A_38] : memref<128x128xf32, #tpu.memory_space<vmem>> -> memref<120x128xf32, #tpu.memory_space<vmem>>
      %dma_start3A_40 = arith.constant 0 : i32
      %dma_start3A_41 = tpu.memref_slice %arg6[%add3A_26, %dma_start3A_40] : memref<10112x128xf32, #tpu.memory_space<vmem_shared>> -> memref<120x128xf32, #tpu.memory_space<vmem_shared>>
      %dma_start3A_42 = arith.constant 0 : i32
      %dma_start3A_43 = tpu.memref_slice %arg6[%add3A_26, %dma_start3A_42] : memref<10112x128xf32, #tpu.memory_space<vmem_shared>> -> memref<120x128xf32, #tpu.memory_space<vmem_shared>>
      %dma_start3A_44 = arith.constant 0 : i32
      %dma_start3A_45 = arith.constant 0 : i32
      %dma_start3A_46 = tpu.memref_slice %arg10[%dma_start3A_44, %dma_start3A_45] : memref<128x128xf32, #tpu.memory_space<vmem>> -> memref<120x128xf32, #tpu.memory_space<vmem>>
      tpu.enqueue_dma source(%dma_start3A_46 : memref<120x128xf32, #tpu.memory_space<vmem>>) target(%dma_start3A_43 : memref<120x128xf32, #tpu.memory_space<vmem_shared>>) target_semaphore(%run_scoped3A : memref<!tpu.dma_semaphore, #tpu.memory_space<semaphore_mem>>)
      %dma_wait3A = arith.constant 0 : i32
      %dma_wait3A_47 = arith.constant 0 : i32
      %dma_wait3A_48 = tpu.memref_slice %arg10[%dma_wait3A, %dma_wait3A_47] : memref<128x128xf32, #tpu.memory_space<vmem>> -> memref<120x128xf32, #tpu.memory_space<vmem>>
      %dma_wait3A_49 = arith.constant 0 : i32
      %dma_wait3A_50 = tpu.memref_slice %arg6[%add3A_26, %dma_wait3A_49] : memref<10112x128xf32, #tpu.memory_space<vmem_shared>> -> memref<120x128xf32, #tpu.memory_space<vmem_shared>>
      %dma_wait3A_51 = arith.constant 0 : i32
      %dma_wait3A_52 = tpu.memref_slice %arg6[%add3A_26, %dma_wait3A_51] : memref<10112x128xf32, #tpu.memory_space<vmem_shared>> -> memref<120x128xf32, #tpu.memory_space<vmem_shared>>
      %dma_wait3A_53 = arith.constant 0 : i32
      %dma_wait3A_54 = arith.constant 0 : i32
      %dma_wait3A_55 = tpu.memref_slice %arg10[%dma_wait3A_53, %dma_wait3A_54] : memref<128x128xf32, #tpu.memory_space<vmem>> -> memref<120x128xf32, #tpu.memory_space<vmem>>
      tpu.wait_dma2 semaphore(%run_scoped3A : memref<!tpu.dma_semaphore, #tpu.memory_space<semaphore_mem>>) src(%dma_wait3A_55 : memref<120x128xf32, #tpu.memory_space<vmem>>) dst(%dma_wait3A_52 : memref<120x128xf32, #tpu.memory_space<vmem_shared>>)
      tpu.yield
    }) : () -> ()
    %barrier3A = arith.constant 0 : index
    tpu.barrier barrier_id(%barrier3A)
    %scan3A_27 = arith.constant 0 : i32
    %scan3A_28 = arith.constant 0 : i32
    %scan3A_29 = arith.constant 5 : i32
    %scan3A_30 = arith.addi %scan3A_28, %scan3A_29 : i32
    %scan3A_31 = arith.constant 1 : i32
    scf.for %scan3A_38 = %scan3A_28 to %scan3A_30 step %scan3A_31  : i32 {
      %mul3A_39 = arith.constant 16 : i32
      %mul3A_40 = arith.muli %scan3A_38, %mul3A_39 : i32
      "tpu.region"() ({
        %run_scoped3A = tpu.sem_alloc : memref<!tpu.dma_semaphore, #tpu.memory_space<semaphore_mem>>
        %dma_start3A_489 = arith.constant 0 : i32
        %dma_start3A_490 = tpu.memref_slice %arg3[%add3A, %mul3A_40, %dma_start3A_489] : memref<32x80x128xi32, #tpu.memory_space<hbm>> -> memref<1x16x128xi32, #tpu.memory_space<hbm>>
        %dma_start3A_491 = tpu.memref_squeeze %dma_start3A_490 : memref<1x16x128xi32, #tpu.memory_space<hbm>> -> memref<16x128xi32, #tpu.memory_space<hbm>>
        %dma_start3A_492 = arith.constant 0 : i32
        %dma_start3A_493 = tpu.memref_slice %arg3[%add3A, %mul3A_40, %dma_start3A_492] : memref<32x80x128xi32, #tpu.memory_space<hbm>> -> memref<1x16x128xi32, #tpu.memory_space<hbm>>
        %dma_start3A_494 = tpu.memref_squeeze %dma_start3A_493 : memref<1x16x128xi32, #tpu.memory_space<hbm>> -> memref<16x128xi32, #tpu.memory_space<hbm>>
        tpu.enqueue_dma source(%dma_start3A_494 : memref<16x128xi32, #tpu.memory_space<hbm>>) target(%arg12 : memref<16x128xi32, #tpu.memory_space<vmem>>) target_semaphore(%run_scoped3A : memref<!tpu.dma_semaphore, #tpu.memory_space<semaphore_mem>>)
        %dma_wait3A_495 = arith.constant 0 : i32
        %dma_wait3A_496 = tpu.memref_slice %arg3[%add3A, %mul3A_40, %dma_wait3A_495] : memref<32x80x128xi32, #tpu.memory_space<hbm>> -> memref<1x16x128xi32, #tpu.memory_space<hbm>>
        %dma_wait3A_497 = tpu.memref_squeeze %dma_wait3A_496 : memref<1x16x128xi32, #tpu.memory_space<hbm>> -> memref<16x128xi32, #tpu.memory_space<hbm>>
        %dma_wait3A_498 = arith.constant 0 : i32
        %dma_wait3A_499 = tpu.memref_slice %arg3[%add3A, %mul3A_40, %dma_wait3A_498] : memref<32x80x128xi32, #tpu.memory_space<hbm>> -> memref<1x16x128xi32, #tpu.memory_space<hbm>>
        %dma_wait3A_500 = tpu.memref_squeeze %dma_wait3A_499 : memref<1x16x128xi32, #tpu.memory_space<hbm>> -> memref<16x128xi32, #tpu.memory_space<hbm>>
        tpu.wait_dma2 semaphore(%run_scoped3A : memref<!tpu.dma_semaphore, #tpu.memory_space<semaphore_mem>>) src(%dma_wait3A_500 : memref<16x128xi32, #tpu.memory_space<hbm>>) dst(%arg12 : memref<16x128xi32, #tpu.memory_space<vmem>>)
        tpu.yield
      }) : () -> ()
      %mul3A_41 = arith.constant 16 : i32
      %mul3A_42 = arith.muli %scan3A_38, %mul3A_41 : i32
      "tpu.region"() ({
        %run_scoped3A = tpu.sem_alloc : memref<!tpu.dma_semaphore, #tpu.memory_space<semaphore_mem>>
        %dma_start3A_489 = arith.constant 0 : i32
        %dma_start3A_490 = tpu.memref_slice %arg4[%add3A, %mul3A_42, %dma_start3A_489] : memref<32x80x128xi32, #tpu.memory_space<hbm>> -> memref<1x16x128xi32, #tpu.memory_space<hbm>>
        %dma_start3A_491 = tpu.memref_squeeze %dma_start3A_490 : memref<1x16x128xi32, #tpu.memory_space<hbm>> -> memref<16x128xi32, #tpu.memory_space<hbm>>
        %dma_start3A_492 = arith.constant 0 : i32
        %dma_start3A_493 = tpu.memref_slice %arg4[%add3A, %mul3A_42, %dma_start3A_492] : memref<32x80x128xi32, #tpu.memory_space<hbm>> -> memref<1x16x128xi32, #tpu.memory_space<hbm>>
        %dma_start3A_494 = tpu.memref_squeeze %dma_start3A_493 : memref<1x16x128xi32, #tpu.memory_space<hbm>> -> memref<16x128xi32, #tpu.memory_space<hbm>>
        tpu.enqueue_dma source(%dma_start3A_494 : memref<16x128xi32, #tpu.memory_space<hbm>>) target(%arg7 : memref<16x128xi32, #tpu.memory_space<vmem>>) target_semaphore(%run_scoped3A : memref<!tpu.dma_semaphore, #tpu.memory_space<semaphore_mem>>)
        %dma_wait3A_495 = arith.constant 0 : i32
        %dma_wait3A_496 = tpu.memref_slice %arg4[%add3A, %mul3A_42, %dma_wait3A_495] : memref<32x80x128xi32, #tpu.memory_space<hbm>> -> memref<1x16x128xi32, #tpu.memory_space<hbm>>
        %dma_wait3A_497 = tpu.memref_squeeze %dma_wait3A_496 : memref<1x16x128xi32, #tpu.memory_space<hbm>> -> memref<16x128xi32, #tpu.memory_space<hbm>>
        %dma_wait3A_498 = arith.constant 0 : i32
        %dma_wait3A_499 = tpu.memref_slice %arg4[%add3A, %mul3A_42, %dma_wait3A_498] : memref<32x80x128xi32, #tpu.memory_space<hbm>> -> memref<1x16x128xi32, #tpu.memory_space<hbm>>
        %dma_wait3A_500 = tpu.memref_squeeze %dma_wait3A_499 : memref<1x16x128xi32, #tpu.memory_space<hbm>> -> memref<16x128xi32, #tpu.memory_space<hbm>>
        tpu.wait_dma2 semaphore(%run_scoped3A : memref<!tpu.dma_semaphore, #tpu.memory_space<semaphore_mem>>) src(%dma_wait3A_500 : memref<16x128xi32, #tpu.memory_space<hbm>>) dst(%arg7 : memref<16x128xi32, #tpu.memory_space<vmem>>)
        tpu.yield
      }) : () -> ()
      %dma_start3A = arith.constant 0 : i32
      %dma_start3A_43 = arith.constant 0 : i32
      %dma_start3A_44 = tpu.memref_slice %arg12[%dma_start3A, %dma_start3A_43] : memref<16x128xi32, #tpu.memory_space<vmem>> -> memref<1x128xi32, #tpu.memory_space<vmem>>
      %dma_start3A_45 = tpu.memref_squeeze %dma_start3A_44 : memref<1x128xi32, #tpu.memory_space<vmem>> -> memref<128xi32, #tpu.memory_space<vmem>>
      %dma_start3A_46 = arith.constant 0 : i32
      %dma_start3A_47 = arith.constant 0 : i32
      %dma_start3A_48 = tpu.memref_slice %arg2[%dma_start3A_46, %dma_start3A_47] : memref<10112x128xf32, #tpu.memory_space<hbm>> -> memref<10112x128xf32, #tpu.memory_space<hbm>>
      tpu.enqueue_indirect_dma source(%dma_start3A_48 : memref<10112x128xf32, #tpu.memory_space<hbm>>) target(%arg10 : memref<128x128xf32, #tpu.memory_space<vmem>>) offsets(%dma_start3A_45 : memref<128xi32, #tpu.memory_space<vmem>>) semaphore(%arg8 : memref<!tpu.dma_semaphore, #tpu.memory_space<semaphore_mem>>)
      %dma_start3A_49 = arith.constant 1 : i32
      %dma_start3A_50 = arith.constant 0 : i32
      %dma_start3A_51 = tpu.memref_slice %arg12[%dma_start3A_49, %dma_start3A_50] : memref<16x128xi32, #tpu.memory_space<vmem>> -> memref<1x128xi32, #tpu.memory_space<vmem>>
      %dma_start3A_52 = tpu.memref_squeeze %dma_start3A_51 : memref<1x128xi32, #tpu.memory_space<vmem>> -> memref<128xi32, #tpu.memory_space<vmem>>
      %dma_start3A_53 = arith.constant 0 : i32
      %dma_start3A_54 = arith.constant 0 : i32
      %dma_start3A_55 = tpu.memref_slice %arg2[%dma_start3A_53, %dma_start3A_54] : memref<10112x128xf32, #tpu.memory_space<hbm>> -> memref<10112x128xf32, #tpu.memory_space<hbm>>
      tpu.enqueue_indirect_dma source(%dma_start3A_55 : memref<10112x128xf32, #tpu.memory_space<hbm>>) target(%arg11 : memref<128x128xf32, #tpu.memory_space<vmem>>) offsets(%dma_start3A_52 : memref<128xi32, #tpu.memory_space<vmem>>) semaphore(%arg9 : memref<!tpu.dma_semaphore, #tpu.memory_space<semaphore_mem>>)
      %dma_wait3A = arith.constant 0 : i32
      %dma_wait3A_56 = arith.constant 0 : i32
      %dma_wait3A_57 = tpu.memref_slice %arg12[%dma_wait3A, %dma_wait3A_56] : memref<16x128xi32, #tpu.memory_space<vmem>> -> memref<1x128xi32, #tpu.memory_space<vmem>>
      %dma_wait3A_58 = tpu.memref_squeeze %dma_wait3A_57 : memref<1x128xi32, #tpu.memory_space<vmem>> -> memref<128xi32, #tpu.memory_space<vmem>>
      %dma_wait3A_59 = arith.constant 0 : i32
      %dma_wait3A_60 = arith.constant 0 : i32
      %dma_wait3A_61 = tpu.memref_slice %arg2[%dma_wait3A_59, %dma_wait3A_60] : memref<10112x128xf32, #tpu.memory_space<hbm>> -> memref<10112x128xf32, #tpu.memory_space<hbm>>
      tpu.wait_indirect_dma semaphore(%arg8 : memref<!tpu.dma_semaphore, #tpu.memory_space<semaphore_mem>>) src(%dma_wait3A_61 : memref<10112x128xf32, #tpu.memory_space<hbm>>) dst(%arg10 : memref<128x128xf32, #tpu.memory_space<vmem>>)
      %dma_start3A_62 = arith.constant 0 : i32
      %dma_start3A_63 = arith.constant 0 : i32
      %dma_start3A_64 = tpu.memref_slice %arg7[%dma_start3A_62, %dma_start3A_63] : memref<16x128xi32, #tpu.memory_space<vmem>> -> memref<1x128xi32, #tpu.memory_space<vmem>>
      %dma_start3A_65 = tpu.memref_squeeze %dma_start3A_64 : memref<1x128xi32, #tpu.memory_space<vmem>> -> memref<128xi32, #tpu.memory_space<vmem>>
      %dma_start3A_66 = arith.constant 0 : i32
      %dma_start3A_67 = arith.constant 0 : i32
      %dma_start3A_68 = tpu.memref_slice %arg6[%dma_start3A_66, %dma_start3A_67] : memref<10112x128xf32, #tpu.memory_space<vmem_shared>> -> memref<10112x128xf32, #tpu.memory_space<vmem_shared>>
      tpu.enqueue_indirect_dma source(%arg10 : memref<128x128xf32, #tpu.memory_space<vmem>>) target(%dma_start3A_68 : memref<10112x128xf32, #tpu.memory_space<vmem_shared>>) offsets(%dma_start3A_65 : memref<128xi32, #tpu.memory_space<vmem>>) semaphore(%arg13 : memref<!tpu.dma_semaphore, #tpu.memory_space<semaphore_mem>>) {add = true}
      %dma_wait3A_69 = arith.constant 0 : i32
      %dma_wait3A_70 = arith.constant 0 : i32
      %dma_wait3A_71 = tpu.memref_slice %arg7[%dma_wait3A_69, %dma_wait3A_70] : memref<16x128xi32, #tpu.memory_space<vmem>> -> memref<1x128xi32, #tpu.memory_space<vmem>>
      %dma_wait3A_72 = tpu.memref_squeeze %dma_wait3A_71 : memref<1x128xi32, #tpu.memory_space<vmem>> -> memref<128xi32, #tpu.memory_space<vmem>>
      %dma_wait3A_73 = arith.constant 0 : i32
      %dma_wait3A_74 = arith.constant 0 : i32
      %dma_wait3A_75 = tpu.memref_slice %arg6[%dma_wait3A_73, %dma_wait3A_74] : memref<10112x128xf32, #tpu.memory_space<vmem_shared>> -> memref<10112x128xf32, #tpu.memory_space<vmem_shared>>
      tpu.wait_indirect_dma semaphore(%arg13 : memref<!tpu.dma_semaphore, #tpu.memory_space<semaphore_mem>>) src(%arg10 : memref<128x128xf32, #tpu.memory_space<vmem>>) dst(%dma_wait3A_75 : memref<10112x128xf32, #tpu.memory_space<vmem_shared>>)
      %dma_start3A_76 = arith.constant 2 : i32
      %dma_start3A_77 = arith.constant 0 : i32
      %dma_start3A_78 = tpu.memref_slice %arg12[%dma_start3A_76, %dma_start3A_77] : memref<16x128xi32, #tpu.memory_space<vmem>> -> memref<1x128xi32, #tpu.memory_space<vmem>>
      %dma_start3A_79 = tpu.memref_squeeze %dma_start3A_78 : memref<1x128xi32, #tpu.memory_space<vmem>> -> memref<128xi32, #tpu.memory_space<vmem>>
      %dma_start3A_80 = arith.constant 0 : i32
      %dma_start3A_81 = arith.constant 0 : i32
      %dma_start3A_82 = tpu.memref_slice %arg2[%dma_start3A_80, %dma_start3A_81] : memref<10112x128xf32, #tpu.memory_space<hbm>> -> memref<10112x128xf32, #tpu.memory_space<hbm>>
      tpu.enqueue_indirect_dma source(%dma_start3A_82 : memref<10112x128xf32, #tpu.memory_space<hbm>>) target(%arg10 : memref<128x128xf32, #tpu.memory_space<vmem>>) offsets(%dma_start3A_79 : memref<128xi32, #tpu.memory_space<vmem>>) semaphore(%arg8 : memref<!tpu.dma_semaphore, #tpu.memory_space<semaphore_mem>>)
      %dma_wait3A_83 = arith.constant 1 : i32
      %dma_wait3A_84 = arith.constant 0 : i32
      %dma_wait3A_85 = tpu.memref_slice %arg12[%dma_wait3A_83, %dma_wait3A_84] : memref<16x128xi32, #tpu.memory_space<vmem>> -> memref<1x128xi32, #tpu.memory_space<vmem>>
      %dma_wait3A_86 = tpu.memref_squeeze %dma_wait3A_85 : memref<1x128xi32, #tpu.memory_space<vmem>> -> memref<128xi32, #tpu.memory_space<vmem>>
      %dma_wait3A_87 = arith.constant 0 : i32
      %dma_wait3A_88 = arith.constant 0 : i32
      %dma_wait3A_89 = tpu.memref_slice %arg2[%dma_wait3A_87, %dma_wait3A_88] : memref<10112x128xf32, #tpu.memory_space<hbm>> -> memref<10112x128xf32, #tpu.memory_space<hbm>>
      tpu.wait_indirect_dma semaphore(%arg9 : memref<!tpu.dma_semaphore, #tpu.memory_space<semaphore_mem>>) src(%dma_wait3A_89 : memref<10112x128xf32, #tpu.memory_space<hbm>>) dst(%arg11 : memref<128x128xf32, #tpu.memory_space<vmem>>)
      %dma_start3A_90 = arith.constant 1 : i32
      %dma_start3A_91 = arith.constant 0 : i32
      %dma_start3A_92 = tpu.memref_slice %arg7[%dma_start3A_90, %dma_start3A_91] : memref<16x128xi32, #tpu.memory_space<vmem>> -> memref<1x128xi32, #tpu.memory_space<vmem>>
      %dma_start3A_93 = tpu.memref_squeeze %dma_start3A_92 : memref<1x128xi32, #tpu.memory_space<vmem>> -> memref<128xi32, #tpu.memory_space<vmem>>
      %dma_start3A_94 = arith.constant 0 : i32
      %dma_start3A_95 = arith.constant 0 : i32
      %dma_start3A_96 = tpu.memref_slice %arg6[%dma_start3A_94, %dma_start3A_95] : memref<10112x128xf32, #tpu.memory_space<vmem_shared>> -> memref<10112x128xf32, #tpu.memory_space<vmem_shared>>
      tpu.enqueue_indirect_dma source(%arg11 : memref<128x128xf32, #tpu.memory_space<vmem>>) target(%dma_start3A_96 : memref<10112x128xf32, #tpu.memory_space<vmem_shared>>) offsets(%dma_start3A_93 : memref<128xi32, #tpu.memory_space<vmem>>) semaphore(%arg14 : memref<!tpu.dma_semaphore, #tpu.memory_space<semaphore_mem>>) {add = true}
      %dma_wait3A_97 = arith.constant 1 : i32
      %dma_wait3A_98 = arith.constant 0 : i32
      %dma_wait3A_99 = tpu.memref_slice %arg7[%dma_wait3A_97, %dma_wait3A_98] : memref<16x128xi32, #tpu.memory_space<vmem>> -> memref<1x128xi32, #tpu.memory_space<vmem>>
      %dma_wait3A_100 = tpu.memref_squeeze %dma_wait3A_99 : memref<1x128xi32, #tpu.memory_space<vmem>> -> memref<128xi32, #tpu.memory_space<vmem>>
      %dma_wait3A_101 = arith.constant 0 : i32
      %dma_wait3A_102 = arith.constant 0 : i32
      %dma_wait3A_103 = tpu.memref_slice %arg6[%dma_wait3A_101, %dma_wait3A_102] : memref<10112x128xf32, #tpu.memory_space<vmem_shared>> -> memref<10112x128xf32, #tpu.memory_space<vmem_shared>>
      tpu.wait_indirect_dma semaphore(%arg14 : memref<!tpu.dma_semaphore, #tpu.memory_space<semaphore_mem>>) src(%arg11 : memref<128x128xf32, #tpu.memory_space<vmem>>) dst(%dma_wait3A_103 : memref<10112x128xf32, #tpu.memory_space<vmem_shared>>)
      %dma_start3A_104 = arith.constant 3 : i32
      %dma_start3A_105 = arith.constant 0 : i32
      %dma_start3A_106 = tpu.memref_slice %arg12[%dma_start3A_104, %dma_start3A_105] : memref<16x128xi32, #tpu.memory_space<vmem>> -> memref<1x128xi32, #tpu.memory_space<vmem>>
      %dma_start3A_107 = tpu.memref_squeeze %dma_start3A_106 : memref<1x128xi32, #tpu.memory_space<vmem>> -> memref<128xi32, #tpu.memory_space<vmem>>
      %dma_start3A_108 = arith.constant 0 : i32
      %dma_start3A_109 = arith.constant 0 : i32
      %dma_start3A_110 = tpu.memref_slice %arg2[%dma_start3A_108, %dma_start3A_109] : memref<10112x128xf32, #tpu.memory_space<hbm>> -> memref<10112x128xf32, #tpu.memory_space<hbm>>
      tpu.enqueue_indirect_dma source(%dma_start3A_110 : memref<10112x128xf32, #tpu.memory_space<hbm>>) target(%arg11 : memref<128x128xf32, #tpu.memory_space<vmem>>) offsets(%dma_start3A_107 : memref<128xi32, #tpu.memory_space<vmem>>) semaphore(%arg9 : memref<!tpu.dma_semaphore, #tpu.memory_space<semaphore_mem>>)
      %dma_wait3A_111 = arith.constant 2 : i32
      %dma_wait3A_112 = arith.constant 0 : i32
      %dma_wait3A_113 = tpu.memref_slice %arg12[%dma_wait3A_111, %dma_wait3A_112] : memref<16x128xi32, #tpu.memory_space<vmem>> -> memref<1x128xi32, #tpu.memory_space<vmem>>
      %dma_wait3A_114 = tpu.memref_squeeze %dma_wait3A_113 : memref<1x128xi32, #tpu.memory_space<vmem>> -> memref<128xi32, #tpu.memory_space<vmem>>
      %dma_wait3A_115 = arith.constant 0 : i32
      %dma_wait3A_116 = arith.constant 0 : i32
      %dma_wait3A_117 = tpu.memref_slice %arg2[%dma_wait3A_115, %dma_wait3A_116] : memref<10112x128xf32, #tpu.memory_space<hbm>> -> memref<10112x128xf32, #tpu.memory_space<hbm>>
      tpu.wait_indirect_dma semaphore(%arg8 : memref<!tpu.dma_semaphore, #tpu.memory_space<semaphore_mem>>) src(%dma_wait3A_117 : memref<10112x128xf32, #tpu.memory_space<hbm>>) dst(%arg10 : memref<128x128xf32, #tpu.memory_space<vmem>>)
      %dma_start3A_118 = arith.constant 2 : i32
      %dma_start3A_119 = arith.constant 0 : i32
      %dma_start3A_120 = tpu.memref_slice %arg7[%dma_start3A_118, %dma_start3A_119] : memref<16x128xi32, #tpu.memory_space<vmem>> -> memref<1x128xi32, #tpu.memory_space<vmem>>
      %dma_start3A_121 = tpu.memref_squeeze %dma_start3A_120 : memref<1x128xi32, #tpu.memory_space<vmem>> -> memref<128xi32, #tpu.memory_space<vmem>>
      %dma_start3A_122 = arith.constant 0 : i32
      %dma_start3A_123 = arith.constant 0 : i32
      %dma_start3A_124 = tpu.memref_slice %arg6[%dma_start3A_122, %dma_start3A_123] : memref<10112x128xf32, #tpu.memory_space<vmem_shared>> -> memref<10112x128xf32, #tpu.memory_space<vmem_shared>>
      tpu.enqueue_indirect_dma source(%arg10 : memref<128x128xf32, #tpu.memory_space<vmem>>) target(%dma_start3A_124 : memref<10112x128xf32, #tpu.memory_space<vmem_shared>>) offsets(%dma_start3A_121 : memref<128xi32, #tpu.memory_space<vmem>>) semaphore(%arg13 : memref<!tpu.dma_semaphore, #tpu.memory_space<semaphore_mem>>) {add = true}
      %dma_wait3A_125 = arith.constant 2 : i32
      %dma_wait3A_126 = arith.constant 0 : i32
      %dma_wait3A_127 = tpu.memref_slice %arg7[%dma_wait3A_125, %dma_wait3A_126] : memref<16x128xi32, #tpu.memory_space<vmem>> -> memref<1x128xi32, #tpu.memory_space<vmem>>
      %dma_wait3A_128 = tpu.memref_squeeze %dma_wait3A_127 : memref<1x128xi32, #tpu.memory_space<vmem>> -> memref<128xi32, #tpu.memory_space<vmem>>
      %dma_wait3A_129 = arith.constant 0 : i32
      %dma_wait3A_130 = arith.constant 0 : i32
      %dma_wait3A_131 = tpu.memref_slice %arg6[%dma_wait3A_129, %dma_wait3A_130] : memref<10112x128xf32, #tpu.memory_space<vmem_shared>> -> memref<10112x128xf32, #tpu.memory_space<vmem_shared>>
      tpu.wait_indirect_dma semaphore(%arg13 : memref<!tpu.dma_semaphore, #tpu.memory_space<semaphore_mem>>) src(%arg10 : memref<128x128xf32, #tpu.memory_space<vmem>>) dst(%dma_wait3A_131 : memref<10112x128xf32, #tpu.memory_space<vmem_shared>>)
      %dma_start3A_132 = arith.constant 4 : i32
      %dma_start3A_133 = arith.constant 0 : i32
      %dma_start3A_134 = tpu.memref_slice %arg12[%dma_start3A_132, %dma_start3A_133] : memref<16x128xi32, #tpu.memory_space<vmem>> -> memref<1x128xi32, #tpu.memory_space<vmem>>
      %dma_start3A_135 = tpu.memref_squeeze %dma_start3A_134 : memref<1x128xi32, #tpu.memory_space<vmem>> -> memref<128xi32, #tpu.memory_space<vmem>>
      %dma_start3A_136 = arith.constant 0 : i32
      %dma_start3A_137 = arith.constant 0 : i32
      %dma_start3A_138 = tpu.memref_slice %arg2[%dma_start3A_136, %dma_start3A_137] : memref<10112x128xf32, #tpu.memory_space<hbm>> -> memref<10112x128xf32, #tpu.memory_space<hbm>>
      tpu.enqueue_indirect_dma source(%dma_start3A_138 : memref<10112x128xf32, #tpu.memory_space<hbm>>) target(%arg10 : memref<128x128xf32, #tpu.memory_space<vmem>>) offsets(%dma_start3A_135 : memref<128xi32, #tpu.memory_space<vmem>>) semaphore(%arg8 : memref<!tpu.dma_semaphore, #tpu.memory_space<semaphore_mem>>)
      %dma_wait3A_139 = arith.constant 3 : i32
      %dma_wait3A_140 = arith.constant 0 : i32
      %dma_wait3A_141 = tpu.memref_slice %arg12[%dma_wait3A_139, %dma_wait3A_140] : memref<16x128xi32, #tpu.memory_space<vmem>> -> memref<1x128xi32, #tpu.memory_space<vmem>>
      %dma_wait3A_142 = tpu.memref_squeeze %dma_wait3A_141 : memref<1x128xi32, #tpu.memory_space<vmem>> -> memref<128xi32, #tpu.memory_space<vmem>>
      %dma_wait3A_143 = arith.constant 0 : i32
      %dma_wait3A_144 = arith.constant 0 : i32
      %dma_wait3A_145 = tpu.memref_slice %arg2[%dma_wait3A_143, %dma_wait3A_144] : memref<10112x128xf32, #tpu.memory_space<hbm>> -> memref<10112x128xf32, #tpu.memory_space<hbm>>
      tpu.wait_indirect_dma semaphore(%arg9 : memref<!tpu.dma_semaphore, #tpu.memory_space<semaphore_mem>>) src(%dma_wait3A_145 : memref<10112x128xf32, #tpu.memory_space<hbm>>) dst(%arg11 : memref<128x128xf32, #tpu.memory_space<vmem>>)
      %dma_start3A_146 = arith.constant 3 : i32
      %dma_start3A_147 = arith.constant 0 : i32
      %dma_start3A_148 = tpu.memref_slice %arg7[%dma_start3A_146, %dma_start3A_147] : memref<16x128xi32, #tpu.memory_space<vmem>> -> memref<1x128xi32, #tpu.memory_space<vmem>>
      %dma_start3A_149 = tpu.memref_squeeze %dma_start3A_148 : memref<1x128xi32, #tpu.memory_space<vmem>> -> memref<128xi32, #tpu.memory_space<vmem>>
      %dma_start3A_150 = arith.constant 0 : i32
      %dma_start3A_151 = arith.constant 0 : i32
      %dma_start3A_152 = tpu.memref_slice %arg6[%dma_start3A_150, %dma_start3A_151] : memref<10112x128xf32, #tpu.memory_space<vmem_shared>> -> memref<10112x128xf32, #tpu.memory_space<vmem_shared>>
      tpu.enqueue_indirect_dma source(%arg11 : memref<128x128xf32, #tpu.memory_space<vmem>>) target(%dma_start3A_152 : memref<10112x128xf32, #tpu.memory_space<vmem_shared>>) offsets(%dma_start3A_149 : memref<128xi32, #tpu.memory_space<vmem>>) semaphore(%arg14 : memref<!tpu.dma_semaphore, #tpu.memory_space<semaphore_mem>>) {add = true}
      %dma_wait3A_153 = arith.constant 3 : i32
      %dma_wait3A_154 = arith.constant 0 : i32
      %dma_wait3A_155 = tpu.memref_slice %arg7[%dma_wait3A_153, %dma_wait3A_154] : memref<16x128xi32, #tpu.memory_space<vmem>> -> memref<1x128xi32, #tpu.memory_space<vmem>>
      %dma_wait3A_156 = tpu.memref_squeeze %dma_wait3A_155 : memref<1x128xi32, #tpu.memory_space<vmem>> -> memref<128xi32, #tpu.memory_space<vmem>>
      %dma_wait3A_157 = arith.constant 0 : i32
      %dma_wait3A_158 = arith.constant 0 : i32
      %dma_wait3A_159 = tpu.memref_slice %arg6[%dma_wait3A_157, %dma_wait3A_158] : memref<10112x128xf32, #tpu.memory_space<vmem_shared>> -> memref<10112x128xf32, #tpu.memory_space<vmem_shared>>
      tpu.wait_indirect_dma semaphore(%arg14 : memref<!tpu.dma_semaphore, #tpu.memory_space<semaphore_mem>>) src(%arg11 : memref<128x128xf32, #tpu.memory_space<vmem>>) dst(%dma_wait3A_159 : memref<10112x128xf32, #tpu.memory_space<vmem_shared>>)
      %dma_start3A_160 = arith.constant 5 : i32
      %dma_start3A_161 = arith.constant 0 : i32
      %dma_start3A_162 = tpu.memref_slice %arg12[%dma_start3A_160, %dma_start3A_161] : memref<16x128xi32, #tpu.memory_space<vmem>> -> memref<1x128xi32, #tpu.memory_space<vmem>>
      %dma_start3A_163 = tpu.memref_squeeze %dma_start3A_162 : memref<1x128xi32, #tpu.memory_space<vmem>> -> memref<128xi32, #tpu.memory_space<vmem>>
      %dma_start3A_164 = arith.constant 0 : i32
      %dma_start3A_165 = arith.constant 0 : i32
      %dma_start3A_166 = tpu.memref_slice %arg2[%dma_start3A_164, %dma_start3A_165] : memref<10112x128xf32, #tpu.memory_space<hbm>> -> memref<10112x128xf32, #tpu.memory_space<hbm>>
      tpu.enqueue_indirect_dma source(%dma_start3A_166 : memref<10112x128xf32, #tpu.memory_space<hbm>>) target(%arg11 : memref<128x128xf32, #tpu.memory_space<vmem>>) offsets(%dma_start3A_163 : memref<128xi32, #tpu.memory_space<vmem>>) semaphore(%arg9 : memref<!tpu.dma_semaphore, #tpu.memory_space<semaphore_mem>>)
      %dma_wait3A_167 = arith.constant 4 : i32
      %dma_wait3A_168 = arith.constant 0 : i32
      %dma_wait3A_169 = tpu.memref_slice %arg12[%dma_wait3A_167, %dma_wait3A_168] : memref<16x128xi32, #tpu.memory_space<vmem>> -> memref<1x128xi32, #tpu.memory_space<vmem>>
      %dma_wait3A_170 = tpu.memref_squeeze %dma_wait3A_169 : memref<1x128xi32, #tpu.memory_space<vmem>> -> memref<128xi32, #tpu.memory_space<vmem>>
      %dma_wait3A_171 = arith.constant 0 : i32
      %dma_wait3A_172 = arith.constant 0 : i32
      %dma_wait3A_173 = tpu.memref_slice %arg2[%dma_wait3A_171, %dma_wait3A_172] : memref<10112x128xf32, #tpu.memory_space<hbm>> -> memref<10112x128xf32, #tpu.memory_space<hbm>>
      tpu.wait_indirect_dma semaphore(%arg8 : memref<!tpu.dma_semaphore, #tpu.memory_space<semaphore_mem>>) src(%dma_wait3A_173 : memref<10112x128xf32, #tpu.memory_space<hbm>>) dst(%arg10 : memref<128x128xf32, #tpu.memory_space<vmem>>)
      %dma_start3A_174 = arith.constant 4 : i32
      %dma_start3A_175 = arith.constant 0 : i32
      %dma_start3A_176 = tpu.memref_slice %arg7[%dma_start3A_174, %dma_start3A_175] : memref<16x128xi32, #tpu.memory_space<vmem>> -> memref<1x128xi32, #tpu.memory_space<vmem>>
      %dma_start3A_177 = tpu.memref_squeeze %dma_start3A_176 : memref<1x128xi32, #tpu.memory_space<vmem>> -> memref<128xi32, #tpu.memory_space<vmem>>
      %dma_start3A_178 = arith.constant 0 : i32
      %dma_start3A_179 = arith.constant 0 : i32
      %dma_start3A_180 = tpu.memref_slice %arg6[%dma_start3A_178, %dma_start3A_179] : memref<10112x128xf32, #tpu.memory_space<vmem_shared>> -> memref<10112x128xf32, #tpu.memory_space<vmem_shared>>
      tpu.enqueue_indirect_dma source(%arg10 : memref<128x128xf32, #tpu.memory_space<vmem>>) target(%dma_start3A_180 : memref<10112x128xf32, #tpu.memory_space<vmem_shared>>) offsets(%dma_start3A_177 : memref<128xi32, #tpu.memory_space<vmem>>) semaphore(%arg13 : memref<!tpu.dma_semaphore, #tpu.memory_space<semaphore_mem>>) {add = true}
      %dma_wait3A_181 = arith.constant 4 : i32
      %dma_wait3A_182 = arith.constant 0 : i32
      %dma_wait3A_183 = tpu.memref_slice %arg7[%dma_wait3A_181, %dma_wait3A_182] : memref<16x128xi32, #tpu.memory_space<vmem>> -> memref<1x128xi32, #tpu.memory_space<vmem>>
      %dma_wait3A_184 = tpu.memref_squeeze %dma_wait3A_183 : memref<1x128xi32, #tpu.memory_space<vmem>> -> memref<128xi32, #tpu.memory_space<vmem>>
      %dma_wait3A_185 = arith.constant 0 : i32
      %dma_wait3A_186 = arith.constant 0 : i32
      %dma_wait3A_187 = tpu.memref_slice %arg6[%dma_wait3A_185, %dma_wait3A_186] : memref<10112x128xf32, #tpu.memory_space<vmem_shared>> -> memref<10112x128xf32, #tpu.memory_space<vmem_shared>>
      tpu.wait_indirect_dma semaphore(%arg13 : memref<!tpu.dma_semaphore, #tpu.memory_space<semaphore_mem>>) src(%arg10 : memref<128x128xf32, #tpu.memory_space<vmem>>) dst(%dma_wait3A_187 : memref<10112x128xf32, #tpu.memory_space<vmem_shared>>)
      %dma_start3A_188 = arith.constant 6 : i32
      %dma_start3A_189 = arith.constant 0 : i32
      %dma_start3A_190 = tpu.memref_slice %arg12[%dma_start3A_188, %dma_start3A_189] : memref<16x128xi32, #tpu.memory_space<vmem>> -> memref<1x128xi32, #tpu.memory_space<vmem>>
      %dma_start3A_191 = tpu.memref_squeeze %dma_start3A_190 : memref<1x128xi32, #tpu.memory_space<vmem>> -> memref<128xi32, #tpu.memory_space<vmem>>
      %dma_start3A_192 = arith.constant 0 : i32
      %dma_start3A_193 = arith.constant 0 : i32
      %dma_start3A_194 = tpu.memref_slice %arg2[%dma_start3A_192, %dma_start3A_193] : memref<10112x128xf32, #tpu.memory_space<hbm>> -> memref<10112x128xf32, #tpu.memory_space<hbm>>
      tpu.enqueue_indirect_dma source(%dma_start3A_194 : memref<10112x128xf32, #tpu.memory_space<hbm>>) target(%arg10 : memref<128x128xf32, #tpu.memory_space<vmem>>) offsets(%dma_start3A_191 : memref<128xi32, #tpu.memory_space<vmem>>) semaphore(%arg8 : memref<!tpu.dma_semaphore, #tpu.memory_space<semaphore_mem>>)
      %dma_wait3A_195 = arith.constant 5 : i32
      %dma_wait3A_196 = arith.constant 0 : i32
      %dma_wait3A_197 = tpu.memref_slice %arg12[%dma_wait3A_195, %dma_wait3A_196] : memref<16x128xi32, #tpu.memory_space<vmem>> -> memref<1x128xi32, #tpu.memory_space<vmem>>
      %dma_wait3A_198 = tpu.memref_squeeze %dma_wait3A_197 : memref<1x128xi32, #tpu.memory_space<vmem>> -> memref<128xi32, #tpu.memory_space<vmem>>
      %dma_wait3A_199 = arith.constant 0 : i32
      %dma_wait3A_200 = arith.constant 0 : i32
      %dma_wait3A_201 = tpu.memref_slice %arg2[%dma_wait3A_199, %dma_wait3A_200] : memref<10112x128xf32, #tpu.memory_space<hbm>> -> memref<10112x128xf32, #tpu.memory_space<hbm>>
      tpu.wait_indirect_dma semaphore(%arg9 : memref<!tpu.dma_semaphore, #tpu.memory_space<semaphore_mem>>) src(%dma_wait3A_201 : memref<10112x128xf32, #tpu.memory_space<hbm>>) dst(%arg11 : memref<128x128xf32, #tpu.memory_space<vmem>>)
      %dma_start3A_202 = arith.constant 5 : i32
      %dma_start3A_203 = arith.constant 0 : i32
      %dma_start3A_204 = tpu.memref_slice %arg7[%dma_start3A_202, %dma_start3A_203] : memref<16x128xi32, #tpu.memory_space<vmem>> -> memref<1x128xi32, #tpu.memory_space<vmem>>
      %dma_start3A_205 = tpu.memref_squeeze %dma_start3A_204 : memref<1x128xi32, #tpu.memory_space<vmem>> -> memref<128xi32, #tpu.memory_space<vmem>>
      %dma_start3A_206 = arith.constant 0 : i32
      %dma_start3A_207 = arith.constant 0 : i32
      %dma_start3A_208 = tpu.memref_slice %arg6[%dma_start3A_206, %dma_start3A_207] : memref<10112x128xf32, #tpu.memory_space<vmem_shared>> -> memref<10112x128xf32, #tpu.memory_space<vmem_shared>>
      tpu.enqueue_indirect_dma source(%arg11 : memref<128x128xf32, #tpu.memory_space<vmem>>) target(%dma_start3A_208 : memref<10112x128xf32, #tpu.memory_space<vmem_shared>>) offsets(%dma_start3A_205 : memref<128xi32, #tpu.memory_space<vmem>>) semaphore(%arg14 : memref<!tpu.dma_semaphore, #tpu.memory_space<semaphore_mem>>) {add = true}
      %dma_wait3A_209 = arith.constant 5 : i32
      %dma_wait3A_210 = arith.constant 0 : i32
      %dma_wait3A_211 = tpu.memref_slice %arg7[%dma_wait3A_209, %dma_wait3A_210] : memref<16x128xi32, #tpu.memory_space<vmem>> -> memref<1x128xi32, #tpu.memory_space<vmem>>
      %dma_wait3A_212 = tpu.memref_squeeze %dma_wait3A_211 : memref<1x128xi32, #tpu.memory_space<vmem>> -> memref<128xi32, #tpu.memory_space<vmem>>
      %dma_wait3A_213 = arith.constant 0 : i32
      %dma_wait3A_214 = arith.constant 0 : i32
      %dma_wait3A_215 = tpu.memref_slice %arg6[%dma_wait3A_213, %dma_wait3A_214] : memref<10112x128xf32, #tpu.memory_space<vmem_shared>> -> memref<10112x128xf32, #tpu.memory_space<vmem_shared>>
      tpu.wait_indirect_dma semaphore(%arg14 : memref<!tpu.dma_semaphore, #tpu.memory_space<semaphore_mem>>) src(%arg11 : memref<128x128xf32, #tpu.memory_space<vmem>>) dst(%dma_wait3A_215 : memref<10112x128xf32, #tpu.memory_space<vmem_shared>>)
      %dma_start3A_216 = arith.constant 7 : i32
      %dma_start3A_217 = arith.constant 0 : i32
      %dma_start3A_218 = tpu.memref_slice %arg12[%dma_start3A_216, %dma_start3A_217] : memref<16x128xi32, #tpu.memory_space<vmem>> -> memref<1x128xi32, #tpu.memory_space<vmem>>
      %dma_start3A_219 = tpu.memref_squeeze %dma_start3A_218 : memref<1x128xi32, #tpu.memory_space<vmem>> -> memref<128xi32, #tpu.memory_space<vmem>>
      %dma_start3A_220 = arith.constant 0 : i32
      %dma_start3A_221 = arith.constant 0 : i32
      %dma_start3A_222 = tpu.memref_slice %arg2[%dma_start3A_220, %dma_start3A_221] : memref<10112x128xf32, #tpu.memory_space<hbm>> -> memref<10112x128xf32, #tpu.memory_space<hbm>>
      tpu.enqueue_indirect_dma source(%dma_start3A_222 : memref<10112x128xf32, #tpu.memory_space<hbm>>) target(%arg11 : memref<128x128xf32, #tpu.memory_space<vmem>>) offsets(%dma_start3A_219 : memref<128xi32, #tpu.memory_space<vmem>>) semaphore(%arg9 : memref<!tpu.dma_semaphore, #tpu.memory_space<semaphore_mem>>)
      %dma_wait3A_223 = arith.constant 6 : i32
      %dma_wait3A_224 = arith.constant 0 : i32
      %dma_wait3A_225 = tpu.memref_slice %arg12[%dma_wait3A_223, %dma_wait3A_224] : memref<16x128xi32, #tpu.memory_space<vmem>> -> memref<1x128xi32, #tpu.memory_space<vmem>>
      %dma_wait3A_226 = tpu.memref_squeeze %dma_wait3A_225 : memref<1x128xi32, #tpu.memory_space<vmem>> -> memref<128xi32, #tpu.memory_space<vmem>>
      %dma_wait3A_227 = arith.constant 0 : i32
      %dma_wait3A_228 = arith.constant 0 : i32
      %dma_wait3A_229 = tpu.memref_slice %arg2[%dma_wait3A_227, %dma_wait3A_228] : memref<10112x128xf32, #tpu.memory_space<hbm>> -> memref<10112x128xf32, #tpu.memory_space<hbm>>
      tpu.wait_indirect_dma semaphore(%arg8 : memref<!tpu.dma_semaphore, #tpu.memory_space<semaphore_mem>>) src(%dma_wait3A_229 : memref<10112x128xf32, #tpu.memory_space<hbm>>) dst(%arg10 : memref<128x128xf32, #tpu.memory_space<vmem>>)
      %dma_start3A_230 = arith.constant 6 : i32
      %dma_start3A_231 = arith.constant 0 : i32
      %dma_start3A_232 = tpu.memref_slice %arg7[%dma_start3A_230, %dma_start3A_231] : memref<16x128xi32, #tpu.memory_space<vmem>> -> memref<1x128xi32, #tpu.memory_space<vmem>>
      %dma_start3A_233 = tpu.memref_squeeze %dma_start3A_232 : memref<1x128xi32, #tpu.memory_space<vmem>> -> memref<128xi32, #tpu.memory_space<vmem>>
      %dma_start3A_234 = arith.constant 0 : i32
      %dma_start3A_235 = arith.constant 0 : i32
      %dma_start3A_236 = tpu.memref_slice %arg6[%dma_start3A_234, %dma_start3A_235] : memref<10112x128xf32, #tpu.memory_space<vmem_shared>> -> memref<10112x128xf32, #tpu.memory_space<vmem_shared>>
      tpu.enqueue_indirect_dma source(%arg10 : memref<128x128xf32, #tpu.memory_space<vmem>>) target(%dma_start3A_236 : memref<10112x128xf32, #tpu.memory_space<vmem_shared>>) offsets(%dma_start3A_233 : memref<128xi32, #tpu.memory_space<vmem>>) semaphore(%arg13 : memref<!tpu.dma_semaphore, #tpu.memory_space<semaphore_mem>>) {add = true}
      %dma_wait3A_237 = arith.constant 6 : i32
      %dma_wait3A_238 = arith.constant 0 : i32
      %dma_wait3A_239 = tpu.memref_slice %arg7[%dma_wait3A_237, %dma_wait3A_238] : memref<16x128xi32, #tpu.memory_space<vmem>> -> memref<1x128xi32, #tpu.memory_space<vmem>>
      %dma_wait3A_240 = tpu.memref_squeeze %dma_wait3A_239 : memref<1x128xi32, #tpu.memory_space<vmem>> -> memref<128xi32, #tpu.memory_space<vmem>>
      %dma_wait3A_241 = arith.constant 0 : i32
      %dma_wait3A_242 = arith.constant 0 : i32
      %dma_wait3A_243 = tpu.memref_slice %arg6[%dma_wait3A_241, %dma_wait3A_242] : memref<10112x128xf32, #tpu.memory_space<vmem_shared>> -> memref<10112x128xf32, #tpu.memory_space<vmem_shared>>
      tpu.wait_indirect_dma semaphore(%arg13 : memref<!tpu.dma_semaphore, #tpu.memory_space<semaphore_mem>>) src(%arg10 : memref<128x128xf32, #tpu.memory_space<vmem>>) dst(%dma_wait3A_243 : memref<10112x128xf32, #tpu.memory_space<vmem_shared>>)
      %dma_start3A_244 = arith.constant 8 : i32
      %dma_start3A_245 = arith.constant 0 : i32
      %dma_start3A_246 = tpu.memref_slice %arg12[%dma_start3A_244, %dma_start3A_245] : memref<16x128xi32, #tpu.memory_space<vmem>> -> memref<1x128xi32, #tpu.memory_space<vmem>>
      %dma_start3A_247 = tpu.memref_squeeze %dma_start3A_246 : memref<1x128xi32, #tpu.memory_space<vmem>> -> memref<128xi32, #tpu.memory_space<vmem>>
      %dma_start3A_248 = arith.constant 0 : i32
      %dma_start3A_249 = arith.constant 0 : i32
      %dma_start3A_250 = tpu.memref_slice %arg2[%dma_start3A_248, %dma_start3A_249] : memref<10112x128xf32, #tpu.memory_space<hbm>> -> memref<10112x128xf32, #tpu.memory_space<hbm>>
      tpu.enqueue_indirect_dma source(%dma_start3A_250 : memref<10112x128xf32, #tpu.memory_space<hbm>>) target(%arg10 : memref<128x128xf32, #tpu.memory_space<vmem>>) offsets(%dma_start3A_247 : memref<128xi32, #tpu.memory_space<vmem>>) semaphore(%arg8 : memref<!tpu.dma_semaphore, #tpu.memory_space<semaphore_mem>>)
      %dma_wait3A_251 = arith.constant 7 : i32
      %dma_wait3A_252 = arith.constant 0 : i32
      %dma_wait3A_253 = tpu.memref_slice %arg12[%dma_wait3A_251, %dma_wait3A_252] : memref<16x128xi32, #tpu.memory_space<vmem>> -> memref<1x128xi32, #tpu.memory_space<vmem>>
      %dma_wait3A_254 = tpu.memref_squeeze %dma_wait3A_253 : memref<1x128xi32, #tpu.memory_space<vmem>> -> memref<128xi32, #tpu.memory_space<vmem>>
      %dma_wait3A_255 = arith.constant 0 : i32
      %dma_wait3A_256 = arith.constant 0 : i32
      %dma_wait3A_257 = tpu.memref_slice %arg2[%dma_wait3A_255, %dma_wait3A_256] : memref<10112x128xf32, #tpu.memory_space<hbm>> -> memref<10112x128xf32, #tpu.memory_space<hbm>>
      tpu.wait_indirect_dma semaphore(%arg9 : memref<!tpu.dma_semaphore, #tpu.memory_space<semaphore_mem>>) src(%dma_wait3A_257 : memref<10112x128xf32, #tpu.memory_space<hbm>>) dst(%arg11 : memref<128x128xf32, #tpu.memory_space<vmem>>)
      %dma_start3A_258 = arith.constant 7 : i32
      %dma_start3A_259 = arith.constant 0 : i32
      %dma_start3A_260 = tpu.memref_slice %arg7[%dma_start3A_258, %dma_start3A_259] : memref<16x128xi32, #tpu.memory_space<vmem>> -> memref<1x128xi32, #tpu.memory_space<vmem>>
      %dma_start3A_261 = tpu.memref_squeeze %dma_start3A_260 : memref<1x128xi32, #tpu.memory_space<vmem>> -> memref<128xi32, #tpu.memory_space<vmem>>
      %dma_start3A_262 = arith.constant 0 : i32
      %dma_start3A_263 = arith.constant 0 : i32
      %dma_start3A_264 = tpu.memref_slice %arg6[%dma_start3A_262, %dma_start3A_263] : memref<10112x128xf32, #tpu.memory_space<vmem_shared>> -> memref<10112x128xf32, #tpu.memory_space<vmem_shared>>
      tpu.enqueue_indirect_dma source(%arg11 : memref<128x128xf32, #tpu.memory_space<vmem>>) target(%dma_start3A_264 : memref<10112x128xf32, #tpu.memory_space<vmem_shared>>) offsets(%dma_start3A_261 : memref<128xi32, #tpu.memory_space<vmem>>) semaphore(%arg14 : memref<!tpu.dma_semaphore, #tpu.memory_space<semaphore_mem>>) {add = true}
      %dma_wait3A_265 = arith.constant 7 : i32
      %dma_wait3A_266 = arith.constant 0 : i32
      %dma_wait3A_267 = tpu.memref_slice %arg7[%dma_wait3A_265, %dma_wait3A_266] : memref<16x128xi32, #tpu.memory_space<vmem>> -> memref<1x128xi32, #tpu.memory_space<vmem>>
      %dma_wait3A_268 = tpu.memref_squeeze %dma_wait3A_267 : memref<1x128xi32, #tpu.memory_space<vmem>> -> memref<128xi32, #tpu.memory_space<vmem>>
      %dma_wait3A_269 = arith.constant 0 : i32
      %dma_wait3A_270 = arith.constant 0 : i32
      %dma_wait3A_271 = tpu.memref_slice %arg6[%dma_wait3A_269, %dma_wait3A_270] : memref<10112x128xf32, #tpu.memory_space<vmem_shared>> -> memref<10112x128xf32, #tpu.memory_space<vmem_shared>>
      tpu.wait_indirect_dma semaphore(%arg14 : memref<!tpu.dma_semaphore, #tpu.memory_space<semaphore_mem>>) src(%arg11 : memref<128x128xf32, #tpu.memory_space<vmem>>) dst(%dma_wait3A_271 : memref<10112x128xf32, #tpu.memory_space<vmem_shared>>)
      %dma_start3A_272 = arith.constant 9 : i32
      %dma_start3A_273 = arith.constant 0 : i32
      %dma_start3A_274 = tpu.memref_slice %arg12[%dma_start3A_272, %dma_start3A_273] : memref<16x128xi32, #tpu.memory_space<vmem>> -> memref<1x128xi32, #tpu.memory_space<vmem>>
      %dma_start3A_275 = tpu.memref_squeeze %dma_start3A_274 : memref<1x128xi32, #tpu.memory_space<vmem>> -> memref<128xi32, #tpu.memory_space<vmem>>
      %dma_start3A_276 = arith.constant 0 : i32
      %dma_start3A_277 = arith.constant 0 : i32
      %dma_start3A_278 = tpu.memref_slice %arg2[%dma_start3A_276, %dma_start3A_277] : memref<10112x128xf32, #tpu.memory_space<hbm>> -> memref<10112x128xf32, #tpu.memory_space<hbm>>
      tpu.enqueue_indirect_dma source(%dma_start3A_278 : memref<10112x128xf32, #tpu.memory_space<hbm>>) target(%arg11 : memref<128x128xf32, #tpu.memory_space<vmem>>) offsets(%dma_start3A_275 : memref<128xi32, #tpu.memory_space<vmem>>) semaphore(%arg9 : memref<!tpu.dma_semaphore, #tpu.memory_space<semaphore_mem>>)
      %dma_wait3A_279 = arith.constant 8 : i32
      %dma_wait3A_280 = arith.constant 0 : i32
      %dma_wait3A_281 = tpu.memref_slice %arg12[%dma_wait3A_279, %dma_wait3A_280] : memref<16x128xi32, #tpu.memory_space<vmem>> -> memref<1x128xi32, #tpu.memory_space<vmem>>
      %dma_wait3A_282 = tpu.memref_squeeze %dma_wait3A_281 : memref<1x128xi32, #tpu.memory_space<vmem>> -> memref<128xi32, #tpu.memory_space<vmem>>
      %dma_wait3A_283 = arith.constant 0 : i32
      %dma_wait3A_284 = arith.constant 0 : i32
      %dma_wait3A_285 = tpu.memref_slice %arg2[%dma_wait3A_283, %dma_wait3A_284] : memref<10112x128xf32, #tpu.memory_space<hbm>> -> memref<10112x128xf32, #tpu.memory_space<hbm>>
      tpu.wait_indirect_dma semaphore(%arg8 : memref<!tpu.dma_semaphore, #tpu.memory_space<semaphore_mem>>) src(%dma_wait3A_285 : memref<10112x128xf32, #tpu.memory_space<hbm>>) dst(%arg10 : memref<128x128xf32, #tpu.memory_space<vmem>>)
      %dma_start3A_286 = arith.constant 8 : i32
      %dma_start3A_287 = arith.constant 0 : i32
      %dma_start3A_288 = tpu.memref_slice %arg7[%dma_start3A_286, %dma_start3A_287] : memref<16x128xi32, #tpu.memory_space<vmem>> -> memref<1x128xi32, #tpu.memory_space<vmem>>
      %dma_start3A_289 = tpu.memref_squeeze %dma_start3A_288 : memref<1x128xi32, #tpu.memory_space<vmem>> -> memref<128xi32, #tpu.memory_space<vmem>>
      %dma_start3A_290 = arith.constant 0 : i32
      %dma_start3A_291 = arith.constant 0 : i32
      %dma_start3A_292 = tpu.memref_slice %arg6[%dma_start3A_290, %dma_start3A_291] : memref<10112x128xf32, #tpu.memory_space<vmem_shared>> -> memref<10112x128xf32, #tpu.memory_space<vmem_shared>>
      tpu.enqueue_indirect_dma source(%arg10 : memref<128x128xf32, #tpu.memory_space<vmem>>) target(%dma_start3A_292 : memref<10112x128xf32, #tpu.memory_space<vmem_shared>>) offsets(%dma_start3A_289 : memref<128xi32, #tpu.memory_space<vmem>>) semaphore(%arg13 : memref<!tpu.dma_semaphore, #tpu.memory_space<semaphore_mem>>) {add = true}
      %dma_wait3A_293 = arith.constant 8 : i32
      %dma_wait3A_294 = arith.constant 0 : i32
      %dma_wait3A_295 = tpu.memref_slice %arg7[%dma_wait3A_293, %dma_wait3A_294] : memref<16x128xi32, #tpu.memory_space<vmem>> -> memref<1x128xi32, #tpu.memory_space<vmem>>
      %dma_wait3A_296 = tpu.memref_squeeze %dma_wait3A_295 : memref<1x128xi32, #tpu.memory_space<vmem>> -> memref<128xi32, #tpu.memory_space<vmem>>
      %dma_wait3A_297 = arith.constant 0 : i32
      %dma_wait3A_298 = arith.constant 0 : i32
      %dma_wait3A_299 = tpu.memref_slice %arg6[%dma_wait3A_297, %dma_wait3A_298] : memref<10112x128xf32, #tpu.memory_space<vmem_shared>> -> memref<10112x128xf32, #tpu.memory_space<vmem_shared>>
      tpu.wait_indirect_dma semaphore(%arg13 : memref<!tpu.dma_semaphore, #tpu.memory_space<semaphore_mem>>) src(%arg10 : memref<128x128xf32, #tpu.memory_space<vmem>>) dst(%dma_wait3A_299 : memref<10112x128xf32, #tpu.memory_space<vmem_shared>>)
      %dma_start3A_300 = arith.constant 10 : i32
      %dma_start3A_301 = arith.constant 0 : i32
      %dma_start3A_302 = tpu.memref_slice %arg12[%dma_start3A_300, %dma_start3A_301] : memref<16x128xi32, #tpu.memory_space<vmem>> -> memref<1x128xi32, #tpu.memory_space<vmem>>
      %dma_start3A_303 = tpu.memref_squeeze %dma_start3A_302 : memref<1x128xi32, #tpu.memory_space<vmem>> -> memref<128xi32, #tpu.memory_space<vmem>>
      %dma_start3A_304 = arith.constant 0 : i32
      %dma_start3A_305 = arith.constant 0 : i32
      %dma_start3A_306 = tpu.memref_slice %arg2[%dma_start3A_304, %dma_start3A_305] : memref<10112x128xf32, #tpu.memory_space<hbm>> -> memref<10112x128xf32, #tpu.memory_space<hbm>>
      tpu.enqueue_indirect_dma source(%dma_start3A_306 : memref<10112x128xf32, #tpu.memory_space<hbm>>) target(%arg10 : memref<128x128xf32, #tpu.memory_space<vmem>>) offsets(%dma_start3A_303 : memref<128xi32, #tpu.memory_space<vmem>>) semaphore(%arg8 : memref<!tpu.dma_semaphore, #tpu.memory_space<semaphore_mem>>)
      %dma_wait3A_307 = arith.constant 9 : i32
      %dma_wait3A_308 = arith.constant 0 : i32
      %dma_wait3A_309 = tpu.memref_slice %arg12[%dma_wait3A_307, %dma_wait3A_308] : memref<16x128xi32, #tpu.memory_space<vmem>> -> memref<1x128xi32, #tpu.memory_space<vmem>>
      %dma_wait3A_310 = tpu.memref_squeeze %dma_wait3A_309 : memref<1x128xi32, #tpu.memory_space<vmem>> -> memref<128xi32, #tpu.memory_space<vmem>>
      %dma_wait3A_311 = arith.constant 0 : i32
      %dma_wait3A_312 = arith.constant 0 : i32
      %dma_wait3A_313 = tpu.memref_slice %arg2[%dma_wait3A_311, %dma_wait3A_312] : memref<10112x128xf32, #tpu.memory_space<hbm>> -> memref<10112x128xf32, #tpu.memory_space<hbm>>
      tpu.wait_indirect_dma semaphore(%arg9 : memref<!tpu.dma_semaphore, #tpu.memory_space<semaphore_mem>>) src(%dma_wait3A_313 : memref<10112x128xf32, #tpu.memory_space<hbm>>) dst(%arg11 : memref<128x128xf32, #tpu.memory_space<vmem>>)
      %dma_start3A_314 = arith.constant 9 : i32
      %dma_start3A_315 = arith.constant 0 : i32
      %dma_start3A_316 = tpu.memref_slice %arg7[%dma_start3A_314, %dma_start3A_315] : memref<16x128xi32, #tpu.memory_space<vmem>> -> memref<1x128xi32, #tpu.memory_space<vmem>>
      %dma_start3A_317 = tpu.memref_squeeze %dma_start3A_316 : memref<1x128xi32, #tpu.memory_space<vmem>> -> memref<128xi32, #tpu.memory_space<vmem>>
      %dma_start3A_318 = arith.constant 0 : i32
      %dma_start3A_319 = arith.constant 0 : i32
      %dma_start3A_320 = tpu.memref_slice %arg6[%dma_start3A_318, %dma_start3A_319] : memref<10112x128xf32, #tpu.memory_space<vmem_shared>> -> memref<10112x128xf32, #tpu.memory_space<vmem_shared>>
      tpu.enqueue_indirect_dma source(%arg11 : memref<128x128xf32, #tpu.memory_space<vmem>>) target(%dma_start3A_320 : memref<10112x128xf32, #tpu.memory_space<vmem_shared>>) offsets(%dma_start3A_317 : memref<128xi32, #tpu.memory_space<vmem>>) semaphore(%arg14 : memref<!tpu.dma_semaphore, #tpu.memory_space<semaphore_mem>>) {add = true}
      %dma_wait3A_321 = arith.constant 9 : i32
      %dma_wait3A_322 = arith.constant 0 : i32
      %dma_wait3A_323 = tpu.memref_slice %arg7[%dma_wait3A_321, %dma_wait3A_322] : memref<16x128xi32, #tpu.memory_space<vmem>> -> memref<1x128xi32, #tpu.memory_space<vmem>>
      %dma_wait3A_324 = tpu.memref_squeeze %dma_wait3A_323 : memref<1x128xi32, #tpu.memory_space<vmem>> -> memref<128xi32, #tpu.memory_space<vmem>>
      %dma_wait3A_325 = arith.constant 0 : i32
      %dma_wait3A_326 = arith.constant 0 : i32
      %dma_wait3A_327 = tpu.memref_slice %arg6[%dma_wait3A_325, %dma_wait3A_326] : memref<10112x128xf32, #tpu.memory_space<vmem_shared>> -> memref<10112x128xf32, #tpu.memory_space<vmem_shared>>
      tpu.wait_indirect_dma semaphore(%arg14 : memref<!tpu.dma_semaphore, #tpu.memory_space<semaphore_mem>>) src(%arg11 : memref<128x128xf32, #tpu.memory_space<vmem>>) dst(%dma_wait3A_327 : memref<10112x128xf32, #tpu.memory_space<vmem_shared>>)
      %dma_start3A_328 = arith.constant 11 : i32
      %dma_start3A_329 = arith.constant 0 : i32
      %dma_start3A_330 = tpu.memref_slice %arg12[%dma_start3A_328, %dma_start3A_329] : memref<16x128xi32, #tpu.memory_space<vmem>> -> memref<1x128xi32, #tpu.memory_space<vmem>>
      %dma_start3A_331 = tpu.memref_squeeze %dma_start3A_330 : memref<1x128xi32, #tpu.memory_space<vmem>> -> memref<128xi32, #tpu.memory_space<vmem>>
      %dma_start3A_332 = arith.constant 0 : i32
      %dma_start3A_333 = arith.constant 0 : i32
      %dma_start3A_334 = tpu.memref_slice %arg2[%dma_start3A_332, %dma_start3A_333] : memref<10112x128xf32, #tpu.memory_space<hbm>> -> memref<10112x128xf32, #tpu.memory_space<hbm>>
      tpu.enqueue_indirect_dma source(%dma_start3A_334 : memref<10112x128xf32, #tpu.memory_space<hbm>>) target(%arg11 : memref<128x128xf32, #tpu.memory_space<vmem>>) offsets(%dma_start3A_331 : memref<128xi32, #tpu.memory_space<vmem>>) semaphore(%arg9 : memref<!tpu.dma_semaphore, #tpu.memory_space<semaphore_mem>>)
      %dma_wait3A_335 = arith.constant 10 : i32
      %dma_wait3A_336 = arith.constant 0 : i32
      %dma_wait3A_337 = tpu.memref_slice %arg12[%dma_wait3A_335, %dma_wait3A_336] : memref<16x128xi32, #tpu.memory_space<vmem>> -> memref<1x128xi32, #tpu.memory_space<vmem>>
      %dma_wait3A_338 = tpu.memref_squeeze %dma_wait3A_337 : memref<1x128xi32, #tpu.memory_space<vmem>> -> memref<128xi32, #tpu.memory_space<vmem>>
      %dma_wait3A_339 = arith.constant 0 : i32
      %dma_wait3A_340 = arith.constant 0 : i32
      %dma_wait3A_341 = tpu.memref_slice %arg2[%dma_wait3A_339, %dma_wait3A_340] : memref<10112x128xf32, #tpu.memory_space<hbm>> -> memref<10112x128xf32, #tpu.memory_space<hbm>>
      tpu.wait_indirect_dma semaphore(%arg8 : memref<!tpu.dma_semaphore, #tpu.memory_space<semaphore_mem>>) src(%dma_wait3A_341 : memref<10112x128xf32, #tpu.memory_space<hbm>>) dst(%arg10 : memref<128x128xf32, #tpu.memory_space<vmem>>)
      %dma_start3A_342 = arith.constant 10 : i32
      %dma_start3A_343 = arith.constant 0 : i32
      %dma_start3A_344 = tpu.memref_slice %arg7[%dma_start3A_342, %dma_start3A_343] : memref<16x128xi32, #tpu.memory_space<vmem>> -> memref<1x128xi32, #tpu.memory_space<vmem>>
      %dma_start3A_345 = tpu.memref_squeeze %dma_start3A_344 : memref<1x128xi32, #tpu.memory_space<vmem>> -> memref<128xi32, #tpu.memory_space<vmem>>
      %dma_start3A_346 = arith.constant 0 : i32
      %dma_start3A_347 = arith.constant 0 : i32
      %dma_start3A_348 = tpu.memref_slice %arg6[%dma_start3A_346, %dma_start3A_347] : memref<10112x128xf32, #tpu.memory_space<vmem_shared>> -> memref<10112x128xf32, #tpu.memory_space<vmem_shared>>
      tpu.enqueue_indirect_dma source(%arg10 : memref<128x128xf32, #tpu.memory_space<vmem>>) target(%dma_start3A_348 : memref<10112x128xf32, #tpu.memory_space<vmem_shared>>) offsets(%dma_start3A_345 : memref<128xi32, #tpu.memory_space<vmem>>) semaphore(%arg13 : memref<!tpu.dma_semaphore, #tpu.memory_space<semaphore_mem>>) {add = true}
      %dma_wait3A_349 = arith.constant 10 : i32
      %dma_wait3A_350 = arith.constant 0 : i32
      %dma_wait3A_351 = tpu.memref_slice %arg7[%dma_wait3A_349, %dma_wait3A_350] : memref<16x128xi32, #tpu.memory_space<vmem>> -> memref<1x128xi32, #tpu.memory_space<vmem>>
      %dma_wait3A_352 = tpu.memref_squeeze %dma_wait3A_351 : memref<1x128xi32, #tpu.memory_space<vmem>> -> memref<128xi32, #tpu.memory_space<vmem>>
      %dma_wait3A_353 = arith.constant 0 : i32
      %dma_wait3A_354 = arith.constant 0 : i32
      %dma_wait3A_355 = tpu.memref_slice %arg6[%dma_wait3A_353, %dma_wait3A_354] : memref<10112x128xf32, #tpu.memory_space<vmem_shared>> -> memref<10112x128xf32, #tpu.memory_space<vmem_shared>>
      tpu.wait_indirect_dma semaphore(%arg13 : memref<!tpu.dma_semaphore, #tpu.memory_space<semaphore_mem>>) src(%arg10 : memref<128x128xf32, #tpu.memory_space<vmem>>) dst(%dma_wait3A_355 : memref<10112x128xf32, #tpu.memory_space<vmem_shared>>)
      %dma_start3A_356 = arith.constant 12 : i32
      %dma_start3A_357 = arith.constant 0 : i32
      %dma_start3A_358 = tpu.memref_slice %arg12[%dma_start3A_356, %dma_start3A_357] : memref<16x128xi32, #tpu.memory_space<vmem>> -> memref<1x128xi32, #tpu.memory_space<vmem>>
      %dma_start3A_359 = tpu.memref_squeeze %dma_start3A_358 : memref<1x128xi32, #tpu.memory_space<vmem>> -> memref<128xi32, #tpu.memory_space<vmem>>
      %dma_start3A_360 = arith.constant 0 : i32
      %dma_start3A_361 = arith.constant 0 : i32
      %dma_start3A_362 = tpu.memref_slice %arg2[%dma_start3A_360, %dma_start3A_361] : memref<10112x128xf32, #tpu.memory_space<hbm>> -> memref<10112x128xf32, #tpu.memory_space<hbm>>
      tpu.enqueue_indirect_dma source(%dma_start3A_362 : memref<10112x128xf32, #tpu.memory_space<hbm>>) target(%arg10 : memref<128x128xf32, #tpu.memory_space<vmem>>) offsets(%dma_start3A_359 : memref<128xi32, #tpu.memory_space<vmem>>) semaphore(%arg8 : memref<!tpu.dma_semaphore, #tpu.memory_space<semaphore_mem>>)
      %dma_wait3A_363 = arith.constant 11 : i32
      %dma_wait3A_364 = arith.constant 0 : i32
      %dma_wait3A_365 = tpu.memref_slice %arg12[%dma_wait3A_363, %dma_wait3A_364] : memref<16x128xi32, #tpu.memory_space<vmem>> -> memref<1x128xi32, #tpu.memory_space<vmem>>
      %dma_wait3A_366 = tpu.memref_squeeze %dma_wait3A_365 : memref<1x128xi32, #tpu.memory_space<vmem>> -> memref<128xi32, #tpu.memory_space<vmem>>
      %dma_wait3A_367 = arith.constant 0 : i32
      %dma_wait3A_368 = arith.constant 0 : i32
      %dma_wait3A_369 = tpu.memref_slice %arg2[%dma_wait3A_367, %dma_wait3A_368] : memref<10112x128xf32, #tpu.memory_space<hbm>> -> memref<10112x128xf32, #tpu.memory_space<hbm>>
      tpu.wait_indirect_dma semaphore(%arg9 : memref<!tpu.dma_semaphore, #tpu.memory_space<semaphore_mem>>) src(%dma_wait3A_369 : memref<10112x128xf32, #tpu.memory_space<hbm>>) dst(%arg11 : memref<128x128xf32, #tpu.memory_space<vmem>>)
      %dma_start3A_370 = arith.constant 11 : i32
      %dma_start3A_371 = arith.constant 0 : i32
      %dma_start3A_372 = tpu.memref_slice %arg7[%dma_start3A_370, %dma_start3A_371] : memref<16x128xi32, #tpu.memory_space<vmem>> -> memref<1x128xi32, #tpu.memory_space<vmem>>
      %dma_start3A_373 = tpu.memref_squeeze %dma_start3A_372 : memref<1x128xi32, #tpu.memory_space<vmem>> -> memref<128xi32, #tpu.memory_space<vmem>>
      %dma_start3A_374 = arith.constant 0 : i32
      %dma_start3A_375 = arith.constant 0 : i32
      %dma_start3A_376 = tpu.memref_slice %arg6[%dma_start3A_374, %dma_start3A_375] : memref<10112x128xf32, #tpu.memory_space<vmem_shared>> -> memref<10112x128xf32, #tpu.memory_space<vmem_shared>>
      tpu.enqueue_indirect_dma source(%arg11 : memref<128x128xf32, #tpu.memory_space<vmem>>) target(%dma_start3A_376 : memref<10112x128xf32, #tpu.memory_space<vmem_shared>>) offsets(%dma_start3A_373 : memref<128xi32, #tpu.memory_space<vmem>>) semaphore(%arg14 : memref<!tpu.dma_semaphore, #tpu.memory_space<semaphore_mem>>) {add = true}
      %dma_wait3A_377 = arith.constant 11 : i32
      %dma_wait3A_378 = arith.constant 0 : i32
      %dma_wait3A_379 = tpu.memref_slice %arg7[%dma_wait3A_377, %dma_wait3A_378] : memref<16x128xi32, #tpu.memory_space<vmem>> -> memref<1x128xi32, #tpu.memory_space<vmem>>
      %dma_wait3A_380 = tpu.memref_squeeze %dma_wait3A_379 : memref<1x128xi32, #tpu.memory_space<vmem>> -> memref<128xi32, #tpu.memory_space<vmem>>
      %dma_wait3A_381 = arith.constant 0 : i32
      %dma_wait3A_382 = arith.constant 0 : i32
      %dma_wait3A_383 = tpu.memref_slice %arg6[%dma_wait3A_381, %dma_wait3A_382] : memref<10112x128xf32, #tpu.memory_space<vmem_shared>> -> memref<10112x128xf32, #tpu.memory_space<vmem_shared>>
      tpu.wait_indirect_dma semaphore(%arg14 : memref<!tpu.dma_semaphore, #tpu.memory_space<semaphore_mem>>) src(%arg11 : memref<128x128xf32, #tpu.memory_space<vmem>>) dst(%dma_wait3A_383 : memref<10112x128xf32, #tpu.memory_space<vmem_shared>>)
      %dma_start3A_384 = arith.constant 13 : i32
      %dma_start3A_385 = arith.constant 0 : i32
      %dma_start3A_386 = tpu.memref_slice %arg12[%dma_start3A_384, %dma_start3A_385] : memref<16x128xi32, #tpu.memory_space<vmem>> -> memref<1x128xi32, #tpu.memory_space<vmem>>
      %dma_start3A_387 = tpu.memref_squeeze %dma_start3A_386 : memref<1x128xi32, #tpu.memory_space<vmem>> -> memref<128xi32, #tpu.memory_space<vmem>>
      %dma_start3A_388 = arith.constant 0 : i32
      %dma_start3A_389 = arith.constant 0 : i32
      %dma_start3A_390 = tpu.memref_slice %arg2[%dma_start3A_388, %dma_start3A_389] : memref<10112x128xf32, #tpu.memory_space<hbm>> -> memref<10112x128xf32, #tpu.memory_space<hbm>>
      tpu.enqueue_indirect_dma source(%dma_start3A_390 : memref<10112x128xf32, #tpu.memory_space<hbm>>) target(%arg11 : memref<128x128xf32, #tpu.memory_space<vmem>>) offsets(%dma_start3A_387 : memref<128xi32, #tpu.memory_space<vmem>>) semaphore(%arg9 : memref<!tpu.dma_semaphore, #tpu.memory_space<semaphore_mem>>)
      %dma_wait3A_391 = arith.constant 12 : i32
      %dma_wait3A_392 = arith.constant 0 : i32
      %dma_wait3A_393 = tpu.memref_slice %arg12[%dma_wait3A_391, %dma_wait3A_392] : memref<16x128xi32, #tpu.memory_space<vmem>> -> memref<1x128xi32, #tpu.memory_space<vmem>>
      %dma_wait3A_394 = tpu.memref_squeeze %dma_wait3A_393 : memref<1x128xi32, #tpu.memory_space<vmem>> -> memref<128xi32, #tpu.memory_space<vmem>>
      %dma_wait3A_395 = arith.constant 0 : i32
      %dma_wait3A_396 = arith.constant 0 : i32
      %dma_wait3A_397 = tpu.memref_slice %arg2[%dma_wait3A_395, %dma_wait3A_396] : memref<10112x128xf32, #tpu.memory_space<hbm>> -> memref<10112x128xf32, #tpu.memory_space<hbm>>
      tpu.wait_indirect_dma semaphore(%arg8 : memref<!tpu.dma_semaphore, #tpu.memory_space<semaphore_mem>>) src(%dma_wait3A_397 : memref<10112x128xf32, #tpu.memory_space<hbm>>) dst(%arg10 : memref<128x128xf32, #tpu.memory_space<vmem>>)
      %dma_start3A_398 = arith.constant 12 : i32
      %dma_start3A_399 = arith.constant 0 : i32
      %dma_start3A_400 = tpu.memref_slice %arg7[%dma_start3A_398, %dma_start3A_399] : memref<16x128xi32, #tpu.memory_space<vmem>> -> memref<1x128xi32, #tpu.memory_space<vmem>>
      %dma_start3A_401 = tpu.memref_squeeze %dma_start3A_400 : memref<1x128xi32, #tpu.memory_space<vmem>> -> memref<128xi32, #tpu.memory_space<vmem>>
      %dma_start3A_402 = arith.constant 0 : i32
      %dma_start3A_403 = arith.constant 0 : i32
      %dma_start3A_404 = tpu.memref_slice %arg6[%dma_start3A_402, %dma_start3A_403] : memref<10112x128xf32, #tpu.memory_space<vmem_shared>> -> memref<10112x128xf32, #tpu.memory_space<vmem_shared>>
      tpu.enqueue_indirect_dma source(%arg10 : memref<128x128xf32, #tpu.memory_space<vmem>>) target(%dma_start3A_404 : memref<10112x128xf32, #tpu.memory_space<vmem_shared>>) offsets(%dma_start3A_401 : memref<128xi32, #tpu.memory_space<vmem>>) semaphore(%arg13 : memref<!tpu.dma_semaphore, #tpu.memory_space<semaphore_mem>>) {add = true}
      %dma_wait3A_405 = arith.constant 12 : i32
      %dma_wait3A_406 = arith.constant 0 : i32
      %dma_wait3A_407 = tpu.memref_slice %arg7[%dma_wait3A_405, %dma_wait3A_406] : memref<16x128xi32, #tpu.memory_space<vmem>> -> memref<1x128xi32, #tpu.memory_space<vmem>>
      %dma_wait3A_408 = tpu.memref_squeeze %dma_wait3A_407 : memref<1x128xi32, #tpu.memory_space<vmem>> -> memref<128xi32, #tpu.memory_space<vmem>>
      %dma_wait3A_409 = arith.constant 0 : i32
      %dma_wait3A_410 = arith.constant 0 : i32
      %dma_wait3A_411 = tpu.memref_slice %arg6[%dma_wait3A_409, %dma_wait3A_410] : memref<10112x128xf32, #tpu.memory_space<vmem_shared>> -> memref<10112x128xf32, #tpu.memory_space<vmem_shared>>
      tpu.wait_indirect_dma semaphore(%arg13 : memref<!tpu.dma_semaphore, #tpu.memory_space<semaphore_mem>>) src(%arg10 : memref<128x128xf32, #tpu.memory_space<vmem>>) dst(%dma_wait3A_411 : memref<10112x128xf32, #tpu.memory_space<vmem_shared>>)
      %dma_start3A_412 = arith.constant 14 : i32
      %dma_start3A_413 = arith.constant 0 : i32
      %dma_start3A_414 = tpu.memref_slice %arg12[%dma_start3A_412, %dma_start3A_413] : memref<16x128xi32, #tpu.memory_space<vmem>> -> memref<1x128xi32, #tpu.memory_space<vmem>>
      %dma_start3A_415 = tpu.memref_squeeze %dma_start3A_414 : memref<1x128xi32, #tpu.memory_space<vmem>> -> memref<128xi32, #tpu.memory_space<vmem>>
      %dma_start3A_416 = arith.constant 0 : i32
      %dma_start3A_417 = arith.constant 0 : i32
      %dma_start3A_418 = tpu.memref_slice %arg2[%dma_start3A_416, %dma_start3A_417] : memref<10112x128xf32, #tpu.memory_space<hbm>> -> memref<10112x128xf32, #tpu.memory_space<hbm>>
      tpu.enqueue_indirect_dma source(%dma_start3A_418 : memref<10112x128xf32, #tpu.memory_space<hbm>>) target(%arg10 : memref<128x128xf32, #tpu.memory_space<vmem>>) offsets(%dma_start3A_415 : memref<128xi32, #tpu.memory_space<vmem>>) semaphore(%arg8 : memref<!tpu.dma_semaphore, #tpu.memory_space<semaphore_mem>>)
      %dma_wait3A_419 = arith.constant 13 : i32
      %dma_wait3A_420 = arith.constant 0 : i32
      %dma_wait3A_421 = tpu.memref_slice %arg12[%dma_wait3A_419, %dma_wait3A_420] : memref<16x128xi32, #tpu.memory_space<vmem>> -> memref<1x128xi32, #tpu.memory_space<vmem>>
      %dma_wait3A_422 = tpu.memref_squeeze %dma_wait3A_421 : memref<1x128xi32, #tpu.memory_space<vmem>> -> memref<128xi32, #tpu.memory_space<vmem>>
      %dma_wait3A_423 = arith.constant 0 : i32
      %dma_wait3A_424 = arith.constant 0 : i32
      %dma_wait3A_425 = tpu.memref_slice %arg2[%dma_wait3A_423, %dma_wait3A_424] : memref<10112x128xf32, #tpu.memory_space<hbm>> -> memref<10112x128xf32, #tpu.memory_space<hbm>>
      tpu.wait_indirect_dma semaphore(%arg9 : memref<!tpu.dma_semaphore, #tpu.memory_space<semaphore_mem>>) src(%dma_wait3A_425 : memref<10112x128xf32, #tpu.memory_space<hbm>>) dst(%arg11 : memref<128x128xf32, #tpu.memory_space<vmem>>)
      %dma_start3A_426 = arith.constant 13 : i32
      %dma_start3A_427 = arith.constant 0 : i32
      %dma_start3A_428 = tpu.memref_slice %arg7[%dma_start3A_426, %dma_start3A_427] : memref<16x128xi32, #tpu.memory_space<vmem>> -> memref<1x128xi32, #tpu.memory_space<vmem>>
      %dma_start3A_429 = tpu.memref_squeeze %dma_start3A_428 : memref<1x128xi32, #tpu.memory_space<vmem>> -> memref<128xi32, #tpu.memory_space<vmem>>
      %dma_start3A_430 = arith.constant 0 : i32
      %dma_start3A_431 = arith.constant 0 : i32
      %dma_start3A_432 = tpu.memref_slice %arg6[%dma_start3A_430, %dma_start3A_431] : memref<10112x128xf32, #tpu.memory_space<vmem_shared>> -> memref<10112x128xf32, #tpu.memory_space<vmem_shared>>
      tpu.enqueue_indirect_dma source(%arg11 : memref<128x128xf32, #tpu.memory_space<vmem>>) target(%dma_start3A_432 : memref<10112x128xf32, #tpu.memory_space<vmem_shared>>) offsets(%dma_start3A_429 : memref<128xi32, #tpu.memory_space<vmem>>) semaphore(%arg14 : memref<!tpu.dma_semaphore, #tpu.memory_space<semaphore_mem>>) {add = true}
      %dma_wait3A_433 = arith.constant 13 : i32
      %dma_wait3A_434 = arith.constant 0 : i32
      %dma_wait3A_435 = tpu.memref_slice %arg7[%dma_wait3A_433, %dma_wait3A_434] : memref<16x128xi32, #tpu.memory_space<vmem>> -> memref<1x128xi32, #tpu.memory_space<vmem>>
      %dma_wait3A_436 = tpu.memref_squeeze %dma_wait3A_435 : memref<1x128xi32, #tpu.memory_space<vmem>> -> memref<128xi32, #tpu.memory_space<vmem>>
      %dma_wait3A_437 = arith.constant 0 : i32
      %dma_wait3A_438 = arith.constant 0 : i32
      %dma_wait3A_439 = tpu.memref_slice %arg6[%dma_wait3A_437, %dma_wait3A_438] : memref<10112x128xf32, #tpu.memory_space<vmem_shared>> -> memref<10112x128xf32, #tpu.memory_space<vmem_shared>>
      tpu.wait_indirect_dma semaphore(%arg14 : memref<!tpu.dma_semaphore, #tpu.memory_space<semaphore_mem>>) src(%arg11 : memref<128x128xf32, #tpu.memory_space<vmem>>) dst(%dma_wait3A_439 : memref<10112x128xf32, #tpu.memory_space<vmem_shared>>)
      %dma_start3A_440 = arith.constant 15 : i32
      %dma_start3A_441 = arith.constant 0 : i32
      %dma_start3A_442 = tpu.memref_slice %arg12[%dma_start3A_440, %dma_start3A_441] : memref<16x128xi32, #tpu.memory_space<vmem>> -> memref<1x128xi32, #tpu.memory_space<vmem>>
      %dma_start3A_443 = tpu.memref_squeeze %dma_start3A_442 : memref<1x128xi32, #tpu.memory_space<vmem>> -> memref<128xi32, #tpu.memory_space<vmem>>
      %dma_start3A_444 = arith.constant 0 : i32
      %dma_start3A_445 = arith.constant 0 : i32
      %dma_start3A_446 = tpu.memref_slice %arg2[%dma_start3A_444, %dma_start3A_445] : memref<10112x128xf32, #tpu.memory_space<hbm>> -> memref<10112x128xf32, #tpu.memory_space<hbm>>
      tpu.enqueue_indirect_dma source(%dma_start3A_446 : memref<10112x128xf32, #tpu.memory_space<hbm>>) target(%arg11 : memref<128x128xf32, #tpu.memory_space<vmem>>) offsets(%dma_start3A_443 : memref<128xi32, #tpu.memory_space<vmem>>) semaphore(%arg9 : memref<!tpu.dma_semaphore, #tpu.memory_space<semaphore_mem>>)
      %dma_wait3A_447 = arith.constant 14 : i32
      %dma_wait3A_448 = arith.constant 0 : i32
      %dma_wait3A_449 = tpu.memref_slice %arg12[%dma_wait3A_447, %dma_wait3A_448] : memref<16x128xi32, #tpu.memory_space<vmem>> -> memref<1x128xi32, #tpu.memory_space<vmem>>
      %dma_wait3A_450 = tpu.memref_squeeze %dma_wait3A_449 : memref<1x128xi32, #tpu.memory_space<vmem>> -> memref<128xi32, #tpu.memory_space<vmem>>
      %dma_wait3A_451 = arith.constant 0 : i32
      %dma_wait3A_452 = arith.constant 0 : i32
      %dma_wait3A_453 = tpu.memref_slice %arg2[%dma_wait3A_451, %dma_wait3A_452] : memref<10112x128xf32, #tpu.memory_space<hbm>> -> memref<10112x128xf32, #tpu.memory_space<hbm>>
      tpu.wait_indirect_dma semaphore(%arg8 : memref<!tpu.dma_semaphore, #tpu.memory_space<semaphore_mem>>) src(%dma_wait3A_453 : memref<10112x128xf32, #tpu.memory_space<hbm>>) dst(%arg10 : memref<128x128xf32, #tpu.memory_space<vmem>>)
      %dma_start3A_454 = arith.constant 14 : i32
      %dma_start3A_455 = arith.constant 0 : i32
      %dma_start3A_456 = tpu.memref_slice %arg7[%dma_start3A_454, %dma_start3A_455] : memref<16x128xi32, #tpu.memory_space<vmem>> -> memref<1x128xi32, #tpu.memory_space<vmem>>
      %dma_start3A_457 = tpu.memref_squeeze %dma_start3A_456 : memref<1x128xi32, #tpu.memory_space<vmem>> -> memref<128xi32, #tpu.memory_space<vmem>>
      %dma_start3A_458 = arith.constant 0 : i32
      %dma_start3A_459 = arith.constant 0 : i32
      %dma_start3A_460 = tpu.memref_slice %arg6[%dma_start3A_458, %dma_start3A_459] : memref<10112x128xf32, #tpu.memory_space<vmem_shared>> -> memref<10112x128xf32, #tpu.memory_space<vmem_shared>>
      tpu.enqueue_indirect_dma source(%arg10 : memref<128x128xf32, #tpu.memory_space<vmem>>) target(%dma_start3A_460 : memref<10112x128xf32, #tpu.memory_space<vmem_shared>>) offsets(%dma_start3A_457 : memref<128xi32, #tpu.memory_space<vmem>>) semaphore(%arg13 : memref<!tpu.dma_semaphore, #tpu.memory_space<semaphore_mem>>) {add = true}
      %dma_wait3A_461 = arith.constant 14 : i32
      %dma_wait3A_462 = arith.constant 0 : i32
      %dma_wait3A_463 = tpu.memref_slice %arg7[%dma_wait3A_461, %dma_wait3A_462] : memref<16x128xi32, #tpu.memory_space<vmem>> -> memref<1x128xi32, #tpu.memory_space<vmem>>
      %dma_wait3A_464 = tpu.memref_squeeze %dma_wait3A_463 : memref<1x128xi32, #tpu.memory_space<vmem>> -> memref<128xi32, #tpu.memory_space<vmem>>
      %dma_wait3A_465 = arith.constant 0 : i32
      %dma_wait3A_466 = arith.constant 0 : i32
      %dma_wait3A_467 = tpu.memref_slice %arg6[%dma_wait3A_465, %dma_wait3A_466] : memref<10112x128xf32, #tpu.memory_space<vmem_shared>> -> memref<10112x128xf32, #tpu.memory_space<vmem_shared>>
      tpu.wait_indirect_dma semaphore(%arg13 : memref<!tpu.dma_semaphore, #tpu.memory_space<semaphore_mem>>) src(%arg10 : memref<128x128xf32, #tpu.memory_space<vmem>>) dst(%dma_wait3A_467 : memref<10112x128xf32, #tpu.memory_space<vmem_shared>>)
      %dma_wait3A_468 = arith.constant 15 : i32
      %dma_wait3A_469 = arith.constant 0 : i32
      %dma_wait3A_470 = tpu.memref_slice %arg12[%dma_wait3A_468, %dma_wait3A_469] : memref<16x128xi32, #tpu.memory_space<vmem>> -> memref<1x128xi32, #tpu.memory_space<vmem>>
      %dma_wait3A_471 = tpu.memref_squeeze %dma_wait3A_470 : memref<1x128xi32, #tpu.memory_space<vmem>> -> memref<128xi32, #tpu.memory_space<vmem>>
      %dma_wait3A_472 = arith.constant 0 : i32
      %dma_wait3A_473 = arith.constant 0 : i32
      %dma_wait3A_474 = tpu.memref_slice %arg2[%dma_wait3A_472, %dma_wait3A_473] : memref<10112x128xf32, #tpu.memory_space<hbm>> -> memref<10112x128xf32, #tpu.memory_space<hbm>>
      tpu.wait_indirect_dma semaphore(%arg9 : memref<!tpu.dma_semaphore, #tpu.memory_space<semaphore_mem>>) src(%dma_wait3A_474 : memref<10112x128xf32, #tpu.memory_space<hbm>>) dst(%arg11 : memref<128x128xf32, #tpu.memory_space<vmem>>)
      %dma_start3A_475 = arith.constant 15 : i32
      %dma_start3A_476 = arith.constant 0 : i32
      %dma_start3A_477 = tpu.memref_slice %arg7[%dma_start3A_475, %dma_start3A_476] : memref<16x128xi32, #tpu.memory_space<vmem>> -> memref<1x128xi32, #tpu.memory_space<vmem>>
      %dma_start3A_478 = tpu.memref_squeeze %dma_start3A_477 : memref<1x128xi32, #tpu.memory_space<vmem>> -> memref<128xi32, #tpu.memory_space<vmem>>
      %dma_start3A_479 = arith.constant 0 : i32
      %dma_start3A_480 = arith.constant 0 : i32
      %dma_start3A_481 = tpu.memref_slice %arg6[%dma_start3A_479, %dma_start3A_480] : memref<10112x128xf32, #tpu.memory_space<vmem_shared>> -> memref<10112x128xf32, #tpu.memory_space<vmem_shared>>
      tpu.enqueue_indirect_dma source(%arg11 : memref<128x128xf32, #tpu.memory_space<vmem>>) target(%dma_start3A_481 : memref<10112x128xf32, #tpu.memory_space<vmem_shared>>) offsets(%dma_start3A_478 : memref<128xi32, #tpu.memory_space<vmem>>) semaphore(%arg14 : memref<!tpu.dma_semaphore, #tpu.memory_space<semaphore_mem>>) {add = true}
      %dma_wait3A_482 = arith.constant 15 : i32
      %dma_wait3A_483 = arith.constant 0 : i32
      %dma_wait3A_484 = tpu.memref_slice %arg7[%dma_wait3A_482, %dma_wait3A_483] : memref<16x128xi32, #tpu.memory_space<vmem>> -> memref<1x128xi32, #tpu.memory_space<vmem>>
      %dma_wait3A_485 = tpu.memref_squeeze %dma_wait3A_484 : memref<1x128xi32, #tpu.memory_space<vmem>> -> memref<128xi32, #tpu.memory_space<vmem>>
      %dma_wait3A_486 = arith.constant 0 : i32
      %dma_wait3A_487 = arith.constant 0 : i32
      %dma_wait3A_488 = tpu.memref_slice %arg6[%dma_wait3A_486, %dma_wait3A_487] : memref<10112x128xf32, #tpu.memory_space<vmem_shared>> -> memref<10112x128xf32, #tpu.memory_space<vmem_shared>>
      tpu.wait_indirect_dma semaphore(%arg14 : memref<!tpu.dma_semaphore, #tpu.memory_space<semaphore_mem>>) src(%arg11 : memref<128x128xf32, #tpu.memory_space<vmem>>) dst(%dma_wait3A_488 : memref<10112x128xf32, #tpu.memory_space<vmem_shared>>)
    }
    %scan3A_32 = arith.constant 5 : i32
    %barrier3A_33 = arith.constant 0 : index
    tpu.barrier barrier_id(%barrier3A_33)
    %mul3A_34 = arith.constant 632 : i32
    %mul3A_35 = arith.muli %arg1, %mul3A_34 : i32
    %mul3A_36 = arith.constant 632 : i32
    %mul3A_37 = arith.muli %arg1, %mul3A_36 : i32
    "tpu.region"() ({
      %run_scoped3A = tpu.sem_alloc : memref<!tpu.dma_semaphore, #tpu.memory_space<semaphore_mem>>
      %dma_start3A = arith.constant 0 : i32
      %dma_start3A_38 = tpu.memref_slice %arg5[%arg0, %mul3A_37, %dma_start3A] : memref<2x10112x128xf32, #tpu.memory_space<hbm>> -> memref<1x632x128xf32, #tpu.memory_space<hbm>>
      %dma_start3A_39 = tpu.memref_squeeze %dma_start3A_38 : memref<1x632x128xf32, #tpu.memory_space<hbm>> -> memref<632x128xf32, #tpu.memory_space<hbm>>
      %dma_start3A_40 = arith.constant 0 : i32
      %dma_start3A_41 = tpu.memref_slice %arg6[%mul3A_35, %dma_start3A_40] : memref<10112x128xf32, #tpu.memory_space<vmem_shared>> -> memref<632x128xf32, #tpu.memory_space<vmem_shared>>
      tpu.enqueue_dma source(%dma_start3A_41 : memref<632x128xf32, #tpu.memory_space<vmem_shared>>) target(%dma_start3A_39 : memref<632x128xf32, #tpu.memory_space<hbm>>) target_semaphore(%run_scoped3A : memref<!tpu.dma_semaphore, #tpu.memory_space<semaphore_mem>>)
      %dma_wait3A = arith.constant 0 : i32
      %dma_wait3A_42 = tpu.memref_slice %arg5[%arg0, %mul3A_37, %dma_wait3A] : memref<2x10112x128xf32, #tpu.memory_space<hbm>> -> memref<1x632x128xf32, #tpu.memory_space<hbm>>
      %dma_wait3A_43 = tpu.memref_squeeze %dma_wait3A_42 : memref<1x632x128xf32, #tpu.memory_space<hbm>> -> memref<632x128xf32, #tpu.memory_space<hbm>>
      %dma_wait3A_44 = arith.constant 0 : i32
      %dma_wait3A_45 = tpu.memref_slice %arg6[%mul3A_35, %dma_wait3A_44] : memref<10112x128xf32, #tpu.memory_space<vmem_shared>> -> memref<632x128xf32, #tpu.memory_space<vmem_shared>>
      tpu.wait_dma2 semaphore(%run_scoped3A : memref<!tpu.dma_semaphore, #tpu.memory_space<semaphore_mem>>) src(%dma_wait3A_45 : memref<632x128xf32, #tpu.memory_space<vmem_shared>>) dst(%dma_wait3A_43 : memref<632x128xf32, #tpu.memory_space<hbm>>)
      tpu.yield
    }) : () -> ()
    return
  }
}

#map = affine_map<(d0, d1) -> (0, 0, 0)>
module attributes {stable_mosaic.version = 14 : i64} {
  func.func @body(%arg0: i32, %arg1: i32, %arg2: memref<32x80x128xi32, #tpu.memory_space<hbm>>, %arg3: memref<2x10112x128xf32, #tpu.memory_space<hbm>>, %arg4: memref<10112x128xf32, #tpu.memory_space<vmem_shared>>, %arg5: memref<16x128xi32, #tpu.memory_space<vmem>>, %arg6: memref<128x128xf32, #tpu.memory_space<vmem>>, %arg7: memref<!tpu.dma_semaphore, #tpu.memory_space<semaphore_mem>>) attributes {dimension_semantics = [#tpu.dimension_semantics<core_parallel>, #tpu.dimension_semantics<subcore_parallel>], iteration_bounds = array<i64: 2, 16>, scalar_prefetch = 0 : i64, scratch_operands = 4 : i64, tpu.core_type = #tpu.core_type<sc_vector_subcore>, window_params = [{transform_indices = #map}, {transform_indices = #map}]} {
    %mul3A = arith.constant 2 : i32
    %mul3A_0 = arith.muli %arg1, %mul3A : i32
    %add3A = arith.addi %mul3A_0, %arg0 : i32
    %broadcast_in_dim3A = arith.constant 0.000000e+00 : f32
    %broadcast_in_dim3A_1 = vector.broadcast %broadcast_in_dim3A : f32 to vector<16xf32>
    %broadcast_in_dim3A_2 = arith.constant 1.000000e+00 : f32
    %broadcast_in_dim3A_3 = vector.broadcast %broadcast_in_dim3A_2 : f32 to vector<16xf32>
    %scan3A = arith.constant 0 : i32
    %scan3A_4 = arith.constant 0 : i32
    %scan3A_5 = arith.constant 128 : i32
    %scan3A_6 = arith.addi %scan3A_4, %scan3A_5 : i32
    %scan3A_7 = arith.constant 1 : i32
    scf.for %scan3A_46 = %scan3A_4 to %scan3A_6 step %scan3A_7  : i32 {
      %swap3A = arith.index_cast %scan3A_46 : i32 to index
      %swap3A_47 = arith.constant 0 : index
      %swap3A_48 = tpu.vector_load %arg6[%swap3A, %swap3A_47] {strides = array<i32>} : memref<128x128xf32, #tpu.memory_space<vmem>>, vector<1x16xf32>,
      %swap3A_49 = vector.shape_cast %swap3A_48 : vector<1x16xf32> to vector<16xf32>
      %swap3A_50 = vector.shape_cast %broadcast_in_dim3A_1 : vector<16xf32> to vector<1x16xf32>
      tpu.vector_store %arg6[%swap3A, %swap3A_47], %swap3A_50 {strides = array<i32>} : memref<128x128xf32, #tpu.memory_space<vmem>>, vector<1x16xf32>,
      %swap3A_51 = arith.index_cast %scan3A_46 : i32 to index
      %swap3A_52 = arith.constant 16 : index
      %swap3A_53 = tpu.vector_load %arg6[%swap3A_51, %swap3A_52] {strides = array<i32>} : memref<128x128xf32, #tpu.memory_space<vmem>>, vector<1x16xf32>,
      %swap3A_54 = vector.shape_cast %swap3A_53 : vector<1x16xf32> to vector<16xf32>
      %swap3A_55 = vector.shape_cast %broadcast_in_dim3A_1 : vector<16xf32> to vector<1x16xf32>
      tpu.vector_store %arg6[%swap3A_51, %swap3A_52], %swap3A_55 {strides = array<i32>} : memref<128x128xf32, #tpu.memory_space<vmem>>, vector<1x16xf32>,
      %swap3A_56 = arith.index_cast %scan3A_46 : i32 to index
      %swap3A_57 = arith.constant 32 : index
      %swap3A_58 = tpu.vector_load %arg6[%swap3A_56, %swap3A_57] {strides = array<i32>} : memref<128x128xf32, #tpu.memory_space<vmem>>, vector<1x16xf32>,
      %swap3A_59 = vector.shape_cast %swap3A_58 : vector<1x16xf32> to vector<16xf32>
      %swap3A_60 = vector.shape_cast %broadcast_in_dim3A_1 : vector<16xf32> to vector<1x16xf32>
      tpu.vector_store %arg6[%swap3A_56, %swap3A_57], %swap3A_60 {strides = array<i32>} : memref<128x128xf32, #tpu.memory_space<vmem>>, vector<1x16xf32>,
      %swap3A_61 = arith.index_cast %scan3A_46 : i32 to index
      %swap3A_62 = arith.constant 48 : index
      %swap3A_63 = tpu.vector_load %arg6[%swap3A_61, %swap3A_62] {strides = array<i32>} : memref<128x128xf32, #tpu.memory_space<vmem>>, vector<1x16xf32>,
      %swap3A_64 = vector.shape_cast %swap3A_63 : vector<1x16xf32> to vector<16xf32>
      %swap3A_65 = vector.shape_cast %broadcast_in_dim3A_1 : vector<16xf32> to vector<1x16xf32>
      tpu.vector_store %arg6[%swap3A_61, %swap3A_62], %swap3A_65 {strides = array<i32>} : memref<128x128xf32, #tpu.memory_space<vmem>>, vector<1x16xf32>,
      %swap3A_66 = arith.index_cast %scan3A_46 : i32 to index
      %swap3A_67 = arith.constant 64 : index
      %swap3A_68 = tpu.vector_load %arg6[%swap3A_66, %swap3A_67] {strides = array<i32>} : memref<128x128xf32, #tpu.memory_space<vmem>>, vector<1x16xf32>,
      %swap3A_69 = vector.shape_cast %swap3A_68 : vector<1x16xf32> to vector<16xf32>
      %swap3A_70 = vector.shape_cast %broadcast_in_dim3A_1 : vector<16xf32> to vector<1x16xf32>
      tpu.vector_store %arg6[%swap3A_66, %swap3A_67], %swap3A_70 {strides = array<i32>} : memref<128x128xf32, #tpu.memory_space<vmem>>, vector<1x16xf32>,
      %swap3A_71 = arith.index_cast %scan3A_46 : i32 to index
      %swap3A_72 = arith.constant 80 : index
      %swap3A_73 = tpu.vector_load %arg6[%swap3A_71, %swap3A_72] {strides = array<i32>} : memref<128x128xf32, #tpu.memory_space<vmem>>, vector<1x16xf32>,
      %swap3A_74 = vector.shape_cast %swap3A_73 : vector<1x16xf32> to vector<16xf32>
      %swap3A_75 = vector.shape_cast %broadcast_in_dim3A_1 : vector<16xf32> to vector<1x16xf32>
      tpu.vector_store %arg6[%swap3A_71, %swap3A_72], %swap3A_75 {strides = array<i32>} : memref<128x128xf32, #tpu.memory_space<vmem>>, vector<1x16xf32>,
      %swap3A_76 = arith.index_cast %scan3A_46 : i32 to index
      %swap3A_77 = arith.constant 96 : index
      %swap3A_78 = tpu.vector_load %arg6[%swap3A_76, %swap3A_77] {strides = array<i32>} : memref<128x128xf32, #tpu.memory_space<vmem>>, vector<1x16xf32>,
      %swap3A_79 = vector.shape_cast %swap3A_78 : vector<1x16xf32> to vector<16xf32>
      %swap3A_80 = vector.shape_cast %broadcast_in_dim3A_1 : vector<16xf32> to vector<1x16xf32>
      tpu.vector_store %arg6[%swap3A_76, %swap3A_77], %swap3A_80 {strides = array<i32>} : memref<128x128xf32, #tpu.memory_space<vmem>>, vector<1x16xf32>,
      %swap3A_81 = arith.index_cast %scan3A_46 : i32 to index
      %swap3A_82 = arith.constant 112 : index
      %swap3A_83 = tpu.vector_load %arg6[%swap3A_81, %swap3A_82] {strides = array<i32>} : memref<128x128xf32, #tpu.memory_space<vmem>>, vector<1x16xf32>,
      %swap3A_84 = vector.shape_cast %swap3A_83 : vector<1x16xf32> to vector<16xf32>
      %swap3A_85 = vector.shape_cast %broadcast_in_dim3A_1 : vector<16xf32> to vector<1x16xf32>
      tpu.vector_store %arg6[%swap3A_81, %swap3A_82], %swap3A_85 {strides = array<i32>} : memref<128x128xf32, #tpu.memory_space<vmem>>, vector<1x16xf32>,
    }
    %scan3A_8 = arith.constant 128 : i32
    %mul3A_9 = arith.constant 632 : i32
    %mul3A_10 = arith.muli %arg1, %mul3A_9 : i32
    %add3A_11 = arith.constant 0 : i32
    %add3A_12 = arith.addi %mul3A_10, %add3A_11 : i32
    "tpu.region"() ({
      %run_scoped3A = tpu.sem_alloc : memref<!tpu.dma_semaphore, #tpu.memory_space<semaphore_mem>>
      %dma_start3A = arith.constant 0 : i32
      %dma_start3A_46 = tpu.memref_slice %arg4[%add3A_12, %dma_start3A] : memref<10112x128xf32, #tpu.memory_space<vmem_shared>> -> memref<128x128xf32, #tpu.memory_space<vmem_shared>>
      %dma_start3A_47 = arith.constant 0 : i32
      %dma_start3A_48 = tpu.memref_slice %arg4[%add3A_12, %dma_start3A_47] : memref<10112x128xf32, #tpu.memory_space<vmem_shared>> -> memref<128x128xf32, #tpu.memory_space<vmem_shared>>
      tpu.enqueue_dma source(%arg6 : memref<128x128xf32, #tpu.memory_space<vmem>>) target(%dma_start3A_48 : memref<128x128xf32, #tpu.memory_space<vmem_shared>>) target_semaphore(%run_scoped3A : memref<!tpu.dma_semaphore, #tpu.memory_space<semaphore_mem>>)
      %dma_wait3A = arith.constant 0 : i32
      %dma_wait3A_49 = tpu.memref_slice %arg4[%add3A_12, %dma_wait3A] : memref<10112x128xf32, #tpu.memory_space<vmem_shared>> -> memref<128x128xf32, #tpu.memory_space<vmem_shared>>
      %dma_wait3A_50 = arith.constant 0 : i32
      %dma_wait3A_51 = tpu.memref_slice %arg4[%add3A_12, %dma_wait3A_50] : memref<10112x128xf32, #tpu.memory_space<vmem_shared>> -> memref<128x128xf32, #tpu.memory_space<vmem_shared>>
      tpu.wait_dma2 semaphore(%run_scoped3A : memref<!tpu.dma_semaphore, #tpu.memory_space<semaphore_mem>>) src(%arg6 : memref<128x128xf32, #tpu.memory_space<vmem>>) dst(%dma_wait3A_51 : memref<128x128xf32, #tpu.memory_space<vmem_shared>>)
      tpu.yield
    }) : () -> ()
    %mul3A_13 = arith.constant 632 : i32
    %mul3A_14 = arith.muli %arg1, %mul3A_13 : i32
    %add3A_15 = arith.constant 128 : i32
    %add3A_16 = arith.addi %mul3A_14, %add3A_15 : i32
    "tpu.region"() ({
      %run_scoped3A = tpu.sem_alloc : memref<!tpu.dma_semaphore, #tpu.memory_space<semaphore_mem>>
      %dma_start3A = arith.constant 0 : i32
      %dma_start3A_46 = tpu.memref_slice %arg4[%add3A_16, %dma_start3A] : memref<10112x128xf32, #tpu.memory_space<vmem_shared>> -> memref<128x128xf32, #tpu.memory_space<vmem_shared>>
      %dma_start3A_47 = arith.constant 0 : i32
      %dma_start3A_48 = tpu.memref_slice %arg4[%add3A_16, %dma_start3A_47] : memref<10112x128xf32, #tpu.memory_space<vmem_shared>> -> memref<128x128xf32, #tpu.memory_space<vmem_shared>>
      tpu.enqueue_dma source(%arg6 : memref<128x128xf32, #tpu.memory_space<vmem>>) target(%dma_start3A_48 : memref<128x128xf32, #tpu.memory_space<vmem_shared>>) target_semaphore(%run_scoped3A : memref<!tpu.dma_semaphore, #tpu.memory_space<semaphore_mem>>)
      %dma_wait3A = arith.constant 0 : i32
      %dma_wait3A_49 = tpu.memref_slice %arg4[%add3A_16, %dma_wait3A] : memref<10112x128xf32, #tpu.memory_space<vmem_shared>> -> memref<128x128xf32, #tpu.memory_space<vmem_shared>>
      %dma_wait3A_50 = arith.constant 0 : i32
      %dma_wait3A_51 = tpu.memref_slice %arg4[%add3A_16, %dma_wait3A_50] : memref<10112x128xf32, #tpu.memory_space<vmem_shared>> -> memref<128x128xf32, #tpu.memory_space<vmem_shared>>
      tpu.wait_dma2 semaphore(%run_scoped3A : memref<!tpu.dma_semaphore, #tpu.memory_space<semaphore_mem>>) src(%arg6 : memref<128x128xf32, #tpu.memory_space<vmem>>) dst(%dma_wait3A_51 : memref<128x128xf32, #tpu.memory_space<vmem_shared>>)
      tpu.yield
    }) : () -> ()
    %mul3A_17 = arith.constant 632 : i32
    %mul3A_18 = arith.muli %arg1, %mul3A_17 : i32
    %add3A_19 = arith.constant 256 : i32
    %add3A_20 = arith.addi %mul3A_18, %add3A_19 : i32
    "tpu.region"() ({
      %run_scoped3A = tpu.sem_alloc : memref<!tpu.dma_semaphore, #tpu.memory_space<semaphore_mem>>
      %dma_start3A = arith.constant 0 : i32
      %dma_start3A_46 = tpu.memref_slice %arg4[%add3A_20, %dma_start3A] : memref<10112x128xf32, #tpu.memory_space<vmem_shared>> -> memref<128x128xf32, #tpu.memory_space<vmem_shared>>
      %dma_start3A_47 = arith.constant 0 : i32
      %dma_start3A_48 = tpu.memref_slice %arg4[%add3A_20, %dma_start3A_47] : memref<10112x128xf32, #tpu.memory_space<vmem_shared>> -> memref<128x128xf32, #tpu.memory_space<vmem_shared>>
      tpu.enqueue_dma source(%arg6 : memref<128x128xf32, #tpu.memory_space<vmem>>) target(%dma_start3A_48 : memref<128x128xf32, #tpu.memory_space<vmem_shared>>) target_semaphore(%run_scoped3A : memref<!tpu.dma_semaphore, #tpu.memory_space<semaphore_mem>>)
      %dma_wait3A = arith.constant 0 : i32
      %dma_wait3A_49 = tpu.memref_slice %arg4[%add3A_20, %dma_wait3A] : memref<10112x128xf32, #tpu.memory_space<vmem_shared>> -> memref<128x128xf32, #tpu.memory_space<vmem_shared>>
      %dma_wait3A_50 = arith.constant 0 : i32
      %dma_wait3A_51 = tpu.memref_slice %arg4[%add3A_20, %dma_wait3A_50] : memref<10112x128xf32, #tpu.memory_space<vmem_shared>> -> memref<128x128xf32, #tpu.memory_space<vmem_shared>>
      tpu.wait_dma2 semaphore(%run_scoped3A : memref<!tpu.dma_semaphore, #tpu.memory_space<semaphore_mem>>) src(%arg6 : memref<128x128xf32, #tpu.memory_space<vmem>>) dst(%dma_wait3A_51 : memref<128x128xf32, #tpu.memory_space<vmem_shared>>)
      tpu.yield
    }) : () -> ()
    %mul3A_21 = arith.constant 632 : i32
    %mul3A_22 = arith.muli %arg1, %mul3A_21 : i32
    %add3A_23 = arith.constant 384 : i32
    %add3A_24 = arith.addi %mul3A_22, %add3A_23 : i32
    "tpu.region"() ({
      %run_scoped3A = tpu.sem_alloc : memref<!tpu.dma_semaphore, #tpu.memory_space<semaphore_mem>>
      %dma_start3A = arith.constant 0 : i32
      %dma_start3A_46 = tpu.memref_slice %arg4[%add3A_24, %dma_start3A] : memref<10112x128xf32, #tpu.memory_space<vmem_shared>> -> memref<128x128xf32, #tpu.memory_space<vmem_shared>>
      %dma_start3A_47 = arith.constant 0 : i32
      %dma_start3A_48 = tpu.memref_slice %arg4[%add3A_24, %dma_start3A_47] : memref<10112x128xf32, #tpu.memory_space<vmem_shared>> -> memref<128x128xf32, #tpu.memory_space<vmem_shared>>
      tpu.enqueue_dma source(%arg6 : memref<128x128xf32, #tpu.memory_space<vmem>>) target(%dma_start3A_48 : memref<128x128xf32, #tpu.memory_space<vmem_shared>>) target_semaphore(%run_scoped3A : memref<!tpu.dma_semaphore, #tpu.memory_space<semaphore_mem>>)
      %dma_wait3A = arith.constant 0 : i32
      %dma_wait3A_49 = tpu.memref_slice %arg4[%add3A_24, %dma_wait3A] : memref<10112x128xf32, #tpu.memory_space<vmem_shared>> -> memref<128x128xf32, #tpu.memory_space<vmem_shared>>
      %dma_wait3A_50 = arith.constant 0 : i32
      %dma_wait3A_51 = tpu.memref_slice %arg4[%add3A_24, %dma_wait3A_50] : memref<10112x128xf32, #tpu.memory_space<vmem_shared>> -> memref<128x128xf32, #tpu.memory_space<vmem_shared>>
      tpu.wait_dma2 semaphore(%run_scoped3A : memref<!tpu.dma_semaphore, #tpu.memory_space<semaphore_mem>>) src(%arg6 : memref<128x128xf32, #tpu.memory_space<vmem>>) dst(%dma_wait3A_51 : memref<128x128xf32, #tpu.memory_space<vmem_shared>>)
      tpu.yield
    }) : () -> ()
    %mul3A_25 = arith.constant 632 : i32
    %mul3A_26 = arith.muli %arg1, %mul3A_25 : i32
    %add3A_27 = arith.constant 512 : i32
    %add3A_28 = arith.addi %mul3A_26, %add3A_27 : i32
    "tpu.region"() ({
      %run_scoped3A = tpu.sem_alloc : memref<!tpu.dma_semaphore, #tpu.memory_space<semaphore_mem>>
      %dma_start3A = arith.constant 0 : i32
      %dma_start3A_46 = arith.constant 0 : i32
      %dma_start3A_47 = tpu.memref_slice %arg6[%dma_start3A, %dma_start3A_46] : memref<128x128xf32, #tpu.memory_space<vmem>> -> memref<120x128xf32, #tpu.memory_space<vmem>>
      %dma_start3A_48 = arith.constant 0 : i32
      %dma_start3A_49 = tpu.memref_slice %arg4[%add3A_28, %dma_start3A_48] : memref<10112x128xf32, #tpu.memory_space<vmem_shared>> -> memref<120x128xf32, #tpu.memory_space<vmem_shared>>
      %dma_start3A_50 = arith.constant 0 : i32
      %dma_start3A_51 = tpu.memref_slice %arg4[%add3A_28, %dma_start3A_50] : memref<10112x128xf32, #tpu.memory_space<vmem_shared>> -> memref<120x128xf32, #tpu.memory_space<vmem_shared>>
      %dma_start3A_52 = arith.constant 0 : i32
      %dma_start3A_53 = arith.constant 0 : i32
      %dma_start3A_54 = tpu.memref_slice %arg6[%dma_start3A_52, %dma_start3A_53] : memref<128x128xf32, #tpu.memory_space<vmem>> -> memref<120x128xf32, #tpu.memory_space<vmem>>
      tpu.enqueue_dma source(%dma_start3A_54 : memref<120x128xf32, #tpu.memory_space<vmem>>) target(%dma_start3A_51 : memref<120x128xf32, #tpu.memory_space<vmem_shared>>) target_semaphore(%run_scoped3A : memref<!tpu.dma_semaphore, #tpu.memory_space<semaphore_mem>>)
      %dma_wait3A = arith.constant 0 : i32
      %dma_wait3A_55 = arith.constant 0 : i32
      %dma_wait3A_56 = tpu.memref_slice %arg6[%dma_wait3A, %dma_wait3A_55] : memref<128x128xf32, #tpu.memory_space<vmem>> -> memref<120x128xf32, #tpu.memory_space<vmem>>
      %dma_wait3A_57 = arith.constant 0 : i32
      %dma_wait3A_58 = tpu.memref_slice %arg4[%add3A_28, %dma_wait3A_57] : memref<10112x128xf32, #tpu.memory_space<vmem_shared>> -> memref<120x128xf32, #tpu.memory_space<vmem_shared>>
      %dma_wait3A_59 = arith.constant 0 : i32
      %dma_wait3A_60 = tpu.memref_slice %arg4[%add3A_28, %dma_wait3A_59] : memref<10112x128xf32, #tpu.memory_space<vmem_shared>> -> memref<120x128xf32, #tpu.memory_space<vmem_shared>>
      %dma_wait3A_61 = arith.constant 0 : i32
      %dma_wait3A_62 = arith.constant 0 : i32
      %dma_wait3A_63 = tpu.memref_slice %arg6[%dma_wait3A_61, %dma_wait3A_62] : memref<128x128xf32, #tpu.memory_space<vmem>> -> memref<120x128xf32, #tpu.memory_space<vmem>>
      tpu.wait_dma2 semaphore(%run_scoped3A : memref<!tpu.dma_semaphore, #tpu.memory_space<semaphore_mem>>) src(%dma_wait3A_63 : memref<120x128xf32, #tpu.memory_space<vmem>>) dst(%dma_wait3A_60 : memref<120x128xf32, #tpu.memory_space<vmem_shared>>)
      tpu.yield
    }) : () -> ()
    %scan3A_29 = arith.constant 0 : i32
    %scan3A_30 = arith.constant 0 : i32
    %scan3A_31 = arith.constant 128 : i32
    %scan3A_32 = arith.addi %scan3A_30, %scan3A_31 : i32
    %scan3A_33 = arith.constant 1 : i32
    scf.for %scan3A_46 = %scan3A_30 to %scan3A_32 step %scan3A_33  : i32 {
      %swap3A = arith.index_cast %scan3A_46 : i32 to index
      %swap3A_47 = arith.constant 0 : index
      %swap3A_48 = tpu.vector_load %arg6[%swap3A, %swap3A_47] {strides = array<i32>} : memref<128x128xf32, #tpu.memory_space<vmem>>, vector<1x16xf32>,
      %swap3A_49 = vector.shape_cast %swap3A_48 : vector<1x16xf32> to vector<16xf32>
      %swap3A_50 = vector.shape_cast %broadcast_in_dim3A_3 : vector<16xf32> to vector<1x16xf32>
      tpu.vector_store %arg6[%swap3A, %swap3A_47], %swap3A_50 {strides = array<i32>} : memref<128x128xf32, #tpu.memory_space<vmem>>, vector<1x16xf32>,
      %swap3A_51 = arith.index_cast %scan3A_46 : i32 to index
      %swap3A_52 = arith.constant 16 : index
      %swap3A_53 = tpu.vector_load %arg6[%swap3A_51, %swap3A_52] {strides = array<i32>} : memref<128x128xf32, #tpu.memory_space<vmem>>, vector<1x16xf32>,
      %swap3A_54 = vector.shape_cast %swap3A_53 : vector<1x16xf32> to vector<16xf32>
      %swap3A_55 = vector.shape_cast %broadcast_in_dim3A_3 : vector<16xf32> to vector<1x16xf32>
      tpu.vector_store %arg6[%swap3A_51, %swap3A_52], %swap3A_55 {strides = array<i32>} : memref<128x128xf32, #tpu.memory_space<vmem>>, vector<1x16xf32>,
      %swap3A_56 = arith.index_cast %scan3A_46 : i32 to index
      %swap3A_57 = arith.constant 32 : index
      %swap3A_58 = tpu.vector_load %arg6[%swap3A_56, %swap3A_57] {strides = array<i32>} : memref<128x128xf32, #tpu.memory_space<vmem>>, vector<1x16xf32>,
      %swap3A_59 = vector.shape_cast %swap3A_58 : vector<1x16xf32> to vector<16xf32>
      %swap3A_60 = vector.shape_cast %broadcast_in_dim3A_3 : vector<16xf32> to vector<1x16xf32>
      tpu.vector_store %arg6[%swap3A_56, %swap3A_57], %swap3A_60 {strides = array<i32>} : memref<128x128xf32, #tpu.memory_space<vmem>>, vector<1x16xf32>,
      %swap3A_61 = arith.index_cast %scan3A_46 : i32 to index
      %swap3A_62 = arith.constant 48 : index
      %swap3A_63 = tpu.vector_load %arg6[%swap3A_61, %swap3A_62] {strides = array<i32>} : memref<128x128xf32, #tpu.memory_space<vmem>>, vector<1x16xf32>,
      %swap3A_64 = vector.shape_cast %swap3A_63 : vector<1x16xf32> to vector<16xf32>
      %swap3A_65 = vector.shape_cast %broadcast_in_dim3A_3 : vector<16xf32> to vector<1x16xf32>
      tpu.vector_store %arg6[%swap3A_61, %swap3A_62], %swap3A_65 {strides = array<i32>} : memref<128x128xf32, #tpu.memory_space<vmem>>, vector<1x16xf32>,
      %swap3A_66 = arith.index_cast %scan3A_46 : i32 to index
      %swap3A_67 = arith.constant 64 : index
      %swap3A_68 = tpu.vector_load %arg6[%swap3A_66, %swap3A_67] {strides = array<i32>} : memref<128x128xf32, #tpu.memory_space<vmem>>, vector<1x16xf32>,
      %swap3A_69 = vector.shape_cast %swap3A_68 : vector<1x16xf32> to vector<16xf32>
      %swap3A_70 = vector.shape_cast %broadcast_in_dim3A_3 : vector<16xf32> to vector<1x16xf32>
      tpu.vector_store %arg6[%swap3A_66, %swap3A_67], %swap3A_70 {strides = array<i32>} : memref<128x128xf32, #tpu.memory_space<vmem>>, vector<1x16xf32>,
      %swap3A_71 = arith.index_cast %scan3A_46 : i32 to index
      %swap3A_72 = arith.constant 80 : index
      %swap3A_73 = tpu.vector_load %arg6[%swap3A_71, %swap3A_72] {strides = array<i32>} : memref<128x128xf32, #tpu.memory_space<vmem>>, vector<1x16xf32>,
      %swap3A_74 = vector.shape_cast %swap3A_73 : vector<1x16xf32> to vector<16xf32>
      %swap3A_75 = vector.shape_cast %broadcast_in_dim3A_3 : vector<16xf32> to vector<1x16xf32>
      tpu.vector_store %arg6[%swap3A_71, %swap3A_72], %swap3A_75 {strides = array<i32>} : memref<128x128xf32, #tpu.memory_space<vmem>>, vector<1x16xf32>,
      %swap3A_76 = arith.index_cast %scan3A_46 : i32 to index
      %swap3A_77 = arith.constant 96 : index
      %swap3A_78 = tpu.vector_load %arg6[%swap3A_76, %swap3A_77] {strides = array<i32>} : memref<128x128xf32, #tpu.memory_space<vmem>>, vector<1x16xf32>,
      %swap3A_79 = vector.shape_cast %swap3A_78 : vector<1x16xf32> to vector<16xf32>
      %swap3A_80 = vector.shape_cast %broadcast_in_dim3A_3 : vector<16xf32> to vector<1x16xf32>
      tpu.vector_store %arg6[%swap3A_76, %swap3A_77], %swap3A_80 {strides = array<i32>} : memref<128x128xf32, #tpu.memory_space<vmem>>, vector<1x16xf32>,
      %swap3A_81 = arith.index_cast %scan3A_46 : i32 to index
      %swap3A_82 = arith.constant 112 : index
      %swap3A_83 = tpu.vector_load %arg6[%swap3A_81, %swap3A_82] {strides = array<i32>} : memref<128x128xf32, #tpu.memory_space<vmem>>, vector<1x16xf32>,
      %swap3A_84 = vector.shape_cast %swap3A_83 : vector<1x16xf32> to vector<16xf32>
      %swap3A_85 = vector.shape_cast %broadcast_in_dim3A_3 : vector<16xf32> to vector<1x16xf32>
      tpu.vector_store %arg6[%swap3A_81, %swap3A_82], %swap3A_85 {strides = array<i32>} : memref<128x128xf32, #tpu.memory_space<vmem>>, vector<1x16xf32>,
    }
    %scan3A_34 = arith.constant 128 : i32
    %barrier3A = arith.constant 0 : index
    tpu.barrier barrier_id(%barrier3A)
    %scan3A_35 = arith.constant 0 : i32
    %scan3A_36 = arith.constant 0 : i32
    %scan3A_37 = arith.constant 5 : i32
    %scan3A_38 = arith.addi %scan3A_36, %scan3A_37 : i32
    %scan3A_39 = arith.constant 1 : i32
    scf.for %scan3A_46 = %scan3A_36 to %scan3A_38 step %scan3A_39  : i32 {
      %mul3A_47 = arith.constant 16 : i32
      %mul3A_48 = arith.muli %scan3A_46, %mul3A_47 : i32
      "tpu.region"() ({
        %run_scoped3A = tpu.sem_alloc : memref<!tpu.dma_semaphore, #tpu.memory_space<semaphore_mem>>
        %dma_start3A = arith.constant 0 : i32
        %dma_start3A_61 = tpu.memref_slice %arg2[%add3A, %mul3A_48, %dma_start3A] : memref<32x80x128xi32, #tpu.memory_space<hbm>> -> memref<1x16x128xi32, #tpu.memory_space<hbm>>
        %dma_start3A_62 = tpu.memref_squeeze %dma_start3A_61 : memref<1x16x128xi32, #tpu.memory_space<hbm>> -> memref<16x128xi32, #tpu.memory_space<hbm>>
        %dma_start3A_63 = arith.constant 0 : i32
        %dma_start3A_64 = tpu.memref_slice %arg2[%add3A, %mul3A_48, %dma_start3A_63] : memref<32x80x128xi32, #tpu.memory_space<hbm>> -> memref<1x16x128xi32, #tpu.memory_space<hbm>>
        %dma_start3A_65 = tpu.memref_squeeze %dma_start3A_64 : memref<1x16x128xi32, #tpu.memory_space<hbm>> -> memref<16x128xi32, #tpu.memory_space<hbm>>
        tpu.enqueue_dma source(%dma_start3A_65 : memref<16x128xi32, #tpu.memory_space<hbm>>) target(%arg5 : memref<16x128xi32, #tpu.memory_space<vmem>>) target_semaphore(%run_scoped3A : memref<!tpu.dma_semaphore, #tpu.memory_space<semaphore_mem>>)
        %dma_wait3A = arith.constant 0 : i32
        %dma_wait3A_66 = tpu.memref_slice %arg2[%add3A, %mul3A_48, %dma_wait3A] : memref<32x80x128xi32, #tpu.memory_space<hbm>> -> memref<1x16x128xi32, #tpu.memory_space<hbm>>
        %dma_wait3A_67 = tpu.memref_squeeze %dma_wait3A_66 : memref<1x16x128xi32, #tpu.memory_space<hbm>> -> memref<16x128xi32, #tpu.memory_space<hbm>>
        %dma_wait3A_68 = arith.constant 0 : i32
        %dma_wait3A_69 = tpu.memref_slice %arg2[%add3A, %mul3A_48, %dma_wait3A_68] : memref<32x80x128xi32, #tpu.memory_space<hbm>> -> memref<1x16x128xi32, #tpu.memory_space<hbm>>
        %dma_wait3A_70 = tpu.memref_squeeze %dma_wait3A_69 : memref<1x16x128xi32, #tpu.memory_space<hbm>> -> memref<16x128xi32, #tpu.memory_space<hbm>>
        tpu.wait_dma2 semaphore(%run_scoped3A : memref<!tpu.dma_semaphore, #tpu.memory_space<semaphore_mem>>) src(%dma_wait3A_70 : memref<16x128xi32, #tpu.memory_space<hbm>>) dst(%arg5 : memref<16x128xi32, #tpu.memory_space<vmem>>)
        tpu.yield
      }) : () -> ()
      %scan3A_49 = arith.constant 0 : i32
      %scan3A_50 = arith.constant 0 : i32
      %scan3A_51 = arith.constant 16 : i32
      %scan3A_52 = arith.addi %scan3A_50, %scan3A_51 : i32
      %scan3A_53 = arith.constant 1 : i32
      scf.for %scan3A_61 = %scan3A_50 to %scan3A_52 step %scan3A_53  : i32 {
        %dma_start3A = arith.constant 0 : i32
        %dma_start3A_62 = tpu.memref_slice %arg5[%scan3A_61, %dma_start3A] : memref<16x128xi32, #tpu.memory_space<vmem>> -> memref<1x128xi32, #tpu.memory_space<vmem>>
        %dma_start3A_63 = tpu.memref_squeeze %dma_start3A_62 : memref<1x128xi32, #tpu.memory_space<vmem>> -> memref<128xi32, #tpu.memory_space<vmem>>
        %dma_start3A_64 = arith.constant 0 : i32
        %dma_start3A_65 = arith.constant 0 : i32
        %dma_start3A_66 = tpu.memref_slice %arg4[%dma_start3A_64, %dma_start3A_65] : memref<10112x128xf32, #tpu.memory_space<vmem_shared>> -> memref<10112x128xf32, #tpu.memory_space<vmem_shared>>
        tpu.enqueue_indirect_dma source(%arg6 : memref<128x128xf32, #tpu.memory_space<vmem>>) target(%dma_start3A_66 : memref<10112x128xf32, #tpu.memory_space<vmem_shared>>) offsets(%dma_start3A_63 : memref<128xi32, #tpu.memory_space<vmem>>) semaphore(%arg7 : memref<!tpu.dma_semaphore, #tpu.memory_space<semaphore_mem>>) {add = true}
      }
      %scan3A_54 = arith.constant 16 : i32
      %scan3A_55 = arith.constant 0 : i32
      %scan3A_56 = arith.constant 0 : i32
      %scan3A_57 = arith.constant 16 : i32
      %scan3A_58 = arith.addi %scan3A_56, %scan3A_57 : i32
      %scan3A_59 = arith.constant 1 : i32
      scf.for %scan3A_61 = %scan3A_56 to %scan3A_58 step %scan3A_59  : i32 {
        %dma_wait3A = arith.constant 0 : i32
        %dma_wait3A_62 = tpu.memref_slice %arg5[%scan3A_61, %dma_wait3A] : memref<16x128xi32, #tpu.memory_space<vmem>> -> memref<1x128xi32, #tpu.memory_space<vmem>>
        %dma_wait3A_63 = tpu.memref_squeeze %dma_wait3A_62 : memref<1x128xi32, #tpu.memory_space<vmem>> -> memref<128xi32, #tpu.memory_space<vmem>>
        %dma_wait3A_64 = arith.constant 0 : i32
        %dma_wait3A_65 = arith.constant 0 : i32
        %dma_wait3A_66 = tpu.memref_slice %arg4[%dma_wait3A_64, %dma_wait3A_65] : memref<10112x128xf32, #tpu.memory_space<vmem_shared>> -> memref<10112x128xf32, #tpu.memory_space<vmem_shared>>
        tpu.wait_indirect_dma semaphore(%arg7 : memref<!tpu.dma_semaphore, #tpu.memory_space<semaphore_mem>>) src(%arg6 : memref<128x128xf32, #tpu.memory_space<vmem>>) dst(%dma_wait3A_66 : memref<10112x128xf32, #tpu.memory_space<vmem_shared>>)
      }
      %scan3A_60 = arith.constant 16 : i32
    }
    %scan3A_40 = arith.constant 5 : i32
    %barrier3A_41 = arith.constant 0 : index
    tpu.barrier barrier_id(%barrier3A_41)
    %mul3A_42 = arith.constant 632 : i32
    %mul3A_43 = arith.muli %arg1, %mul3A_42 : i32
    %mul3A_44 = arith.constant 632 : i32
    %mul3A_45 = arith.muli %arg1, %mul3A_44 : i32
    "tpu.region"() ({
      %run_scoped3A = tpu.sem_alloc : memref<!tpu.dma_semaphore, #tpu.memory_space<semaphore_mem>>
      %dma_start3A = arith.constant 0 : i32
      %dma_start3A_46 = tpu.memref_slice %arg3[%arg0, %mul3A_45, %dma_start3A] : memref<2x10112x128xf32, #tpu.memory_space<hbm>> -> memref<1x632x128xf32, #tpu.memory_space<hbm>>
      %dma_start3A_47 = tpu.memref_squeeze %dma_start3A_46 : memref<1x632x128xf32, #tpu.memory_space<hbm>> -> memref<632x128xf32, #tpu.memory_space<hbm>>
      %dma_start3A_48 = arith.constant 0 : i32
      %dma_start3A_49 = tpu.memref_slice %arg4[%mul3A_43, %dma_start3A_48] : memref<10112x128xf32, #tpu.memory_space<vmem_shared>> -> memref<632x128xf32, #tpu.memory_space<vmem_shared>>
      tpu.enqueue_dma source(%dma_start3A_49 : memref<632x128xf32, #tpu.memory_space<vmem_shared>>) target(%dma_start3A_47 : memref<632x128xf32, #tpu.memory_space<hbm>>) target_semaphore(%run_scoped3A : memref<!tpu.dma_semaphore, #tpu.memory_space<semaphore_mem>>)
      %dma_wait3A = arith.constant 0 : i32
      %dma_wait3A_50 = tpu.memref_slice %arg3[%arg0, %mul3A_45, %dma_wait3A] : memref<2x10112x128xf32, #tpu.memory_space<hbm>> -> memref<1x632x128xf32, #tpu.memory_space<hbm>>
      %dma_wait3A_51 = tpu.memref_squeeze %dma_wait3A_50 : memref<1x632x128xf32, #tpu.memory_space<hbm>> -> memref<632x128xf32, #tpu.memory_space<hbm>>
      %dma_wait3A_52 = arith.constant 0 : i32
      %dma_wait3A_53 = tpu.memref_slice %arg4[%mul3A_43, %dma_wait3A_52] : memref<10112x128xf32, #tpu.memory_space<vmem_shared>> -> memref<632x128xf32, #tpu.memory_space<vmem_shared>>
      tpu.wait_dma2 semaphore(%run_scoped3A : memref<!tpu.dma_semaphore, #tpu.memory_space<semaphore_mem>>) src(%dma_wait3A_53 : memref<632x128xf32, #tpu.memory_space<vmem_shared>>) dst(%dma_wait3A_51 : memref<632x128xf32, #tpu.memory_space<hbm>>)
      tpu.yield
    }) : () -> ()
    return
  }
}

#map = affine_map<(d0, d1) -> (0, 0)>
#map1 = affine_map<(d0, d1) -> (0, 0, 0)>
module attributes {stable_mosaic.version = 14 : i64} {
  func.func @body(%arg0: i32, %arg1: i32, %arg2: memref<10112x128xf32, #tpu.memory_space<hbm>>, %arg3: memref<32x80x128xi32, #tpu.memory_space<hbm>>, %arg4: memref<32x80x128xi32, #tpu.memory_space<hbm>>, %arg5: memref<2x10112x128xf32, #tpu.memory_space<hbm>>, %arg6: memref<10112x128xf32, #tpu.memory_space<vmem_shared>>, %arg7: memref<16x128xi32, #tpu.memory_space<vmem>>, %arg8: memref<!tpu.dma_semaphore, #tpu.memory_space<semaphore_mem>>, %arg9: memref<!tpu.dma_semaphore, #tpu.memory_space<semaphore_mem>>, %arg10: memref<128x128xf32, #tpu.memory_space<vmem>>, %arg11: memref<128x128xf32, #tpu.memory_space<vmem>>, %arg12: memref<16x128xi32, #tpu.memory_space<vmem>>, %arg13: memref<!tpu.dma_semaphore, #tpu.memory_space<semaphore_mem>>, %arg14: memref<!tpu.dma_semaphore, #tpu.memory_space<semaphore_mem>>) attributes {dimension_semantics = [#tpu.dimension_semantics<core_parallel>, #tpu.dimension_semantics<subcore_parallel>], iteration_bounds = array<i64: 2, 16>, scalar_prefetch = 0 : i64, scratch_operands = 9 : i64, tpu.core_type = #tpu.core_type<sc_vector_subcore>, window_params = [{transform_indices = #map}, {transform_indices = #map1}, {transform_indices = #map1}, {transform_indices = #map1}]} {
    %mul3A = arith.constant 2 : i32
    %mul3A_0 = arith.muli %arg1, %mul3A : i32
    %add3A = arith.addi %mul3A_0, %arg0 : i32
    %broadcast_in_dim3A = arith.constant 0.000000e+00 : f32
    %broadcast_in_dim3A_1 = vector.broadcast %broadcast_in_dim3A : f32 to vector<16xf32>
    %scan3A = arith.constant 0 : i32
    %scan3A_2 = arith.constant 0 : i32
    %scan3A_3 = arith.constant 128 : i32
    %scan3A_4 = arith.addi %scan3A_2, %scan3A_3 : i32
    %scan3A_5 = arith.constant 1 : i32
    scf.for %scan3A_38 = %scan3A_2 to %scan3A_4 step %scan3A_5  : i32 {
      %swap3A = arith.index_cast %scan3A_38 : i32 to index
      %swap3A_39 = arith.constant 0 : index
      %swap3A_40 = tpu.vector_load %arg10[%swap3A, %swap3A_39] {strides = array<i32>} : memref<128x128xf32, #tpu.memory_space<vmem>>, vector<1x16xf32>,
      %swap3A_41 = vector.shape_cast %swap3A_40 : vector<1x16xf32> to vector<16xf32>
      %swap3A_42 = vector.shape_cast %broadcast_in_dim3A_1 : vector<16xf32> to vector<1x16xf32>
      tpu.vector_store %arg10[%swap3A, %swap3A_39], %swap3A_42 {strides = array<i32>} : memref<128x128xf32, #tpu.memory_space<vmem>>, vector<1x16xf32>,
      %swap3A_43 = arith.index_cast %scan3A_38 : i32 to index
      %swap3A_44 = arith.constant 16 : index
      %swap3A_45 = tpu.vector_load %arg10[%swap3A_43, %swap3A_44] {strides = array<i32>} : memref<128x128xf32, #tpu.memory_space<vmem>>, vector<1x16xf32>,
      %swap3A_46 = vector.shape_cast %swap3A_45 : vector<1x16xf32> to vector<16xf32>
      %swap3A_47 = vector.shape_cast %broadcast_in_dim3A_1 : vector<16xf32> to vector<1x16xf32>
      tpu.vector_store %arg10[%swap3A_43, %swap3A_44], %swap3A_47 {strides = array<i32>} : memref<128x128xf32, #tpu.memory_space<vmem>>, vector<1x16xf32>,
      %swap3A_48 = arith.index_cast %scan3A_38 : i32 to index
      %swap3A_49 = arith.constant 32 : index
      %swap3A_50 = tpu.vector_load %arg10[%swap3A_48, %swap3A_49] {strides = array<i32>} : memref<128x128xf32, #tpu.memory_space<vmem>>, vector<1x16xf32>,
      %swap3A_51 = vector.shape_cast %swap3A_50 : vector<1x16xf32> to vector<16xf32>
      %swap3A_52 = vector.shape_cast %broadcast_in_dim3A_1 : vector<16xf32> to vector<1x16xf32>
      tpu.vector_store %arg10[%swap3A_48, %swap3A_49], %swap3A_52 {strides = array<i32>} : memref<128x128xf32, #tpu.memory_space<vmem>>, vector<1x16xf32>,
      %swap3A_53 = arith.index_cast %scan3A_38 : i32 to index
      %swap3A_54 = arith.constant 48 : index
      %swap3A_55 = tpu.vector_load %arg10[%swap3A_53, %swap3A_54] {strides = array<i32>} : memref<128x128xf32, #tpu.memory_space<vmem>>, vector<1x16xf32>,
      %swap3A_56 = vector.shape_cast %swap3A_55 : vector<1x16xf32> to vector<16xf32>
      %swap3A_57 = vector.shape_cast %broadcast_in_dim3A_1 : vector<16xf32> to vector<1x16xf32>
      tpu.vector_store %arg10[%swap3A_53, %swap3A_54], %swap3A_57 {strides = array<i32>} : memref<128x128xf32, #tpu.memory_space<vmem>>, vector<1x16xf32>,
      %swap3A_58 = arith.index_cast %scan3A_38 : i32 to index
      %swap3A_59 = arith.constant 64 : index
      %swap3A_60 = tpu.vector_load %arg10[%swap3A_58, %swap3A_59] {strides = array<i32>} : memref<128x128xf32, #tpu.memory_space<vmem>>, vector<1x16xf32>,
      %swap3A_61 = vector.shape_cast %swap3A_60 : vector<1x16xf32> to vector<16xf32>
      %swap3A_62 = vector.shape_cast %broadcast_in_dim3A_1 : vector<16xf32> to vector<1x16xf32>
      tpu.vector_store %arg10[%swap3A_58, %swap3A_59], %swap3A_62 {strides = array<i32>} : memref<128x128xf32, #tpu.memory_space<vmem>>, vector<1x16xf32>,
      %swap3A_63 = arith.index_cast %scan3A_38 : i32 to index
      %swap3A_64 = arith.constant 80 : index
      %swap3A_65 = tpu.vector_load %arg10[%swap3A_63, %swap3A_64] {strides = array<i32>} : memref<128x128xf32, #tpu.memory_space<vmem>>, vector<1x16xf32>,
      %swap3A_66 = vector.shape_cast %swap3A_65 : vector<1x16xf32> to vector<16xf32>
      %swap3A_67 = vector.shape_cast %broadcast_in_dim3A_1 : vector<16xf32> to vector<1x16xf32>
      tpu.vector_store %arg10[%swap3A_63, %swap3A_64], %swap3A_67 {strides = array<i32>} : memref<128x128xf32, #tpu.memory_space<vmem>>, vector<1x16xf32>,
      %swap3A_68 = arith.index_cast %scan3A_38 : i32 to index
      %swap3A_69 = arith.constant 96 : index
      %swap3A_70 = tpu.vector_load %arg10[%swap3A_68, %swap3A_69] {strides = array<i32>} : memref<128x128xf32, #tpu.memory_space<vmem>>, vector<1x16xf32>,
      %swap3A_71 = vector.shape_cast %swap3A_70 : vector<1x16xf32> to vector<16xf32>
      %swap3A_72 = vector.shape_cast %broadcast_in_dim3A_1 : vector<16xf32> to vector<1x16xf32>
      tpu.vector_store %arg10[%swap3A_68, %swap3A_69], %swap3A_72 {strides = array<i32>} : memref<128x128xf32, #tpu.memory_space<vmem>>, vector<1x16xf32>,
      %swap3A_73 = arith.index_cast %scan3A_38 : i32 to index
      %swap3A_74 = arith.constant 112 : index
      %swap3A_75 = tpu.vector_load %arg10[%swap3A_73, %swap3A_74] {strides = array<i32>} : memref<128x128xf32, #tpu.memory_space<vmem>>, vector<1x16xf32>,
      %swap3A_76 = vector.shape_cast %swap3A_75 : vector<1x16xf32> to vector<16xf32>
      %swap3A_77 = vector.shape_cast %broadcast_in_dim3A_1 : vector<16xf32> to vector<1x16xf32>
      tpu.vector_store %arg10[%swap3A_73, %swap3A_74], %swap3A_77 {strides = array<i32>} : memref<128x128xf32, #tpu.memory_space<vmem>>, vector<1x16xf32>,
    }
    %scan3A_6 = arith.constant 128 : i32
    %mul3A_7 = arith.constant 632 : i32
    %mul3A_8 = arith.muli %arg1, %mul3A_7 : i32
    %add3A_9 = arith.constant 0 : i32
    %add3A_10 = arith.addi %mul3A_8, %add3A_9 : i32
    "tpu.region"() ({
      %run_scoped3A = tpu.sem_alloc : memref<!tpu.dma_semaphore, #tpu.memory_space<semaphore_mem>>
      %dma_start3A = arith.constant 0 : i32
      %dma_start3A_38 = tpu.memref_slice %arg6[%add3A_10, %dma_start3A] : memref<10112x128xf32, #tpu.memory_space<vmem_shared>> -> memref<128x128xf32, #tpu.memory_space<vmem_shared>>
      %dma_start3A_39 = arith.constant 0 : i32
      %dma_start3A_40 = tpu.memref_slice %arg6[%add3A_10, %dma_start3A_39] : memref<10112x128xf32, #tpu.memory_space<vmem_shared>> -> memref<128x128xf32, #tpu.memory_space<vmem_shared>>
      tpu.enqueue_dma source(%arg10 : memref<128x128xf32, #tpu.memory_space<vmem>>) target(%dma_start3A_40 : memref<128x128xf32, #tpu.memory_space<vmem_shared>>) target_semaphore(%run_scoped3A : memref<!tpu.dma_semaphore, #tpu.memory_space<semaphore_mem>>)
      %dma_wait3A = arith.constant 0 : i32
      %dma_wait3A_41 = tpu.memref_slice %arg6[%add3A_10, %dma_wait3A] : memref<10112x128xf32, #tpu.memory_space<vmem_shared>> -> memref<128x128xf32, #tpu.memory_space<vmem_shared>>
      %dma_wait3A_42 = arith.constant 0 : i32
      %dma_wait3A_43 = tpu.memref_slice %arg6[%add3A_10, %dma_wait3A_42] : memref<10112x128xf32, #tpu.memory_space<vmem_shared>> -> memref<128x128xf32, #tpu.memory_space<vmem_shared>>
      tpu.wait_dma2 semaphore(%run_scoped3A : memref<!tpu.dma_semaphore, #tpu.memory_space<semaphore_mem>>) src(%arg10 : memref<128x128xf32, #tpu.memory_space<vmem>>) dst(%dma_wait3A_43 : memref<128x128xf32, #tpu.memory_space<vmem_shared>>)
      tpu.yield
    }) : () -> ()
    %mul3A_11 = arith.constant 632 : i32
    %mul3A_12 = arith.muli %arg1, %mul3A_11 : i32
    %add3A_13 = arith.constant 128 : i32
    %add3A_14 = arith.addi %mul3A_12, %add3A_13 : i32
    "tpu.region"() ({
      %run_scoped3A = tpu.sem_alloc : memref<!tpu.dma_semaphore, #tpu.memory_space<semaphore_mem>>
      %dma_start3A = arith.constant 0 : i32
      %dma_start3A_38 = tpu.memref_slice %arg6[%add3A_14, %dma_start3A] : memref<10112x128xf32, #tpu.memory_space<vmem_shared>> -> memref<128x128xf32, #tpu.memory_space<vmem_shared>>
      %dma_start3A_39 = arith.constant 0 : i32
      %dma_start3A_40 = tpu.memref_slice %arg6[%add3A_14, %dma_start3A_39] : memref<10112x128xf32, #tpu.memory_space<vmem_shared>> -> memref<128x128xf32, #tpu.memory_space<vmem_shared>>
      tpu.enqueue_dma source(%arg10 : memref<128x128xf32, #tpu.memory_space<vmem>>) target(%dma_start3A_40 : memref<128x128xf32, #tpu.memory_space<vmem_shared>>) target_semaphore(%run_scoped3A : memref<!tpu.dma_semaphore, #tpu.memory_space<semaphore_mem>>)
      %dma_wait3A = arith.constant 0 : i32
      %dma_wait3A_41 = tpu.memref_slice %arg6[%add3A_14, %dma_wait3A] : memref<10112x128xf32, #tpu.memory_space<vmem_shared>> -> memref<128x128xf32, #tpu.memory_space<vmem_shared>>
      %dma_wait3A_42 = arith.constant 0 : i32
      %dma_wait3A_43 = tpu.memref_slice %arg6[%add3A_14, %dma_wait3A_42] : memref<10112x128xf32, #tpu.memory_space<vmem_shared>> -> memref<128x128xf32, #tpu.memory_space<vmem_shared>>
      tpu.wait_dma2 semaphore(%run_scoped3A : memref<!tpu.dma_semaphore, #tpu.memory_space<semaphore_mem>>) src(%arg10 : memref<128x128xf32, #tpu.memory_space<vmem>>) dst(%dma_wait3A_43 : memref<128x128xf32, #tpu.memory_space<vmem_shared>>)
      tpu.yield
    }) : () -> ()
    %mul3A_15 = arith.constant 632 : i32
    %mul3A_16 = arith.muli %arg1, %mul3A_15 : i32
    %add3A_17 = arith.constant 256 : i32
    %add3A_18 = arith.addi %mul3A_16, %add3A_17 : i32
    "tpu.region"() ({
      %run_scoped3A = tpu.sem_alloc : memref<!tpu.dma_semaphore, #tpu.memory_space<semaphore_mem>>
      %dma_start3A = arith.constant 0 : i32
      %dma_start3A_38 = tpu.memref_slice %arg6[%add3A_18, %dma_start3A] : memref<10112x128xf32, #tpu.memory_space<vmem_shared>> -> memref<128x128xf32, #tpu.memory_space<vmem_shared>>
      %dma_start3A_39 = arith.constant 0 : i32
      %dma_start3A_40 = tpu.memref_slice %arg6[%add3A_18, %dma_start3A_39] : memref<10112x128xf32, #tpu.memory_space<vmem_shared>> -> memref<128x128xf32, #tpu.memory_space<vmem_shared>>
      tpu.enqueue_dma source(%arg10 : memref<128x128xf32, #tpu.memory_space<vmem>>) target(%dma_start3A_40 : memref<128x128xf32, #tpu.memory_space<vmem_shared>>) target_semaphore(%run_scoped3A : memref<!tpu.dma_semaphore, #tpu.memory_space<semaphore_mem>>)
      %dma_wait3A = arith.constant 0 : i32
      %dma_wait3A_41 = tpu.memref_slice %arg6[%add3A_18, %dma_wait3A] : memref<10112x128xf32, #tpu.memory_space<vmem_shared>> -> memref<128x128xf32, #tpu.memory_space<vmem_shared>>
      %dma_wait3A_42 = arith.constant 0 : i32
      %dma_wait3A_43 = tpu.memref_slice %arg6[%add3A_18, %dma_wait3A_42] : memref<10112x128xf32, #tpu.memory_space<vmem_shared>> -> memref<128x128xf32, #tpu.memory_space<vmem_shared>>
      tpu.wait_dma2 semaphore(%run_scoped3A : memref<!tpu.dma_semaphore, #tpu.memory_space<semaphore_mem>>) src(%arg10 : memref<128x128xf32, #tpu.memory_space<vmem>>) dst(%dma_wait3A_43 : memref<128x128xf32, #tpu.memory_space<vmem_shared>>)
      tpu.yield
    }) : () -> ()
    %mul3A_19 = arith.constant 632 : i32
    %mul3A_20 = arith.muli %arg1, %mul3A_19 : i32
    %add3A_21 = arith.constant 384 : i32
    %add3A_22 = arith.addi %mul3A_20, %add3A_21 : i32
    "tpu.region"() ({
      %run_scoped3A = tpu.sem_alloc : memref<!tpu.dma_semaphore, #tpu.memory_space<semaphore_mem>>
      %dma_start3A = arith.constant 0 : i32
      %dma_start3A_38 = tpu.memref_slice %arg6[%add3A_22, %dma_start3A] : memref<10112x128xf32, #tpu.memory_space<vmem_shared>> -> memref<128x128xf32, #tpu.memory_space<vmem_shared>>
      %dma_start3A_39 = arith.constant 0 : i32
      %dma_start3A_40 = tpu.memref_slice %arg6[%add3A_22, %dma_start3A_39] : memref<10112x128xf32, #tpu.memory_space<vmem_shared>> -> memref<128x128xf32, #tpu.memory_space<vmem_shared>>
      tpu.enqueue_dma source(%arg10 : memref<128x128xf32, #tpu.memory_space<vmem>>) target(%dma_start3A_40 : memref<128x128xf32, #tpu.memory_space<vmem_shared>>) target_semaphore(%run_scoped3A : memref<!tpu.dma_semaphore, #tpu.memory_space<semaphore_mem>>)
      %dma_wait3A = arith.constant 0 : i32
      %dma_wait3A_41 = tpu.memref_slice %arg6[%add3A_22, %dma_wait3A] : memref<10112x128xf32, #tpu.memory_space<vmem_shared>> -> memref<128x128xf32, #tpu.memory_space<vmem_shared>>
      %dma_wait3A_42 = arith.constant 0 : i32
      %dma_wait3A_43 = tpu.memref_slice %arg6[%add3A_22, %dma_wait3A_42] : memref<10112x128xf32, #tpu.memory_space<vmem_shared>> -> memref<128x128xf32, #tpu.memory_space<vmem_shared>>
      tpu.wait_dma2 semaphore(%run_scoped3A : memref<!tpu.dma_semaphore, #tpu.memory_space<semaphore_mem>>) src(%arg10 : memref<128x128xf32, #tpu.memory_space<vmem>>) dst(%dma_wait3A_43 : memref<128x128xf32, #tpu.memory_space<vmem_shared>>)
      tpu.yield
    }) : () -> ()
    %mul3A_23 = arith.constant 632 : i32
    %mul3A_24 = arith.muli %arg1, %mul3A_23 : i32
    %add3A_25 = arith.constant 512 : i32
    %add3A_26 = arith.addi %mul3A_24, %add3A_25 : i32
    "tpu.region"() ({
      %run_scoped3A = tpu.sem_alloc : memref<!tpu.dma_semaphore, #tpu.memory_space<semaphore_mem>>
      %dma_start3A = arith.constant 0 : i32
      %dma_start3A_38 = arith.constant 0 : i32
      %dma_start3A_39 = tpu.memref_slice %arg10[%dma_start3A, %dma_start3A_38] : memref<128x128xf32, #tpu.memory_space<vmem>> -> memref<120x128xf32, #tpu.memory_space<vmem>>
      %dma_start3A_40 = arith.constant 0 : i32
      %dma_start3A_41 = tpu.memref_slice %arg6[%add3A_26, %dma_start3A_40] : memref<10112x128xf32, #tpu.memory_space<vmem_shared>> -> memref<120x128xf32, #tpu.memory_space<vmem_shared>>
      %dma_start3A_42 = arith.constant 0 : i32
      %dma_start3A_43 = tpu.memref_slice %arg6[%add3A_26, %dma_start3A_42] : memref<10112x128xf32, #tpu.memory_space<vmem_shared>> -> memref<120x128xf32, #tpu.memory_space<vmem_shared>>
      %dma_start3A_44 = arith.constant 0 : i32
      %dma_start3A_45 = arith.constant 0 : i32
      %dma_start3A_46 = tpu.memref_slice %arg10[%dma_start3A_44, %dma_start3A_45] : memref<128x128xf32, #tpu.memory_space<vmem>> -> memref<120x128xf32, #tpu.memory_space<vmem>>
      tpu.enqueue_dma source(%dma_start3A_46 : memref<120x128xf32, #tpu.memory_space<vmem>>) target(%dma_start3A_43 : memref<120x128xf32, #tpu.memory_space<vmem_shared>>) target_semaphore(%run_scoped3A : memref<!tpu.dma_semaphore, #tpu.memory_space<semaphore_mem>>)
      %dma_wait3A = arith.constant 0 : i32
      %dma_wait3A_47 = arith.constant 0 : i32
      %dma_wait3A_48 = tpu.memref_slice %arg10[%dma_wait3A, %dma_wait3A_47] : memref<128x128xf32, #tpu.memory_space<vmem>> -> memref<120x128xf32, #tpu.memory_space<vmem>>
      %dma_wait3A_49 = arith.constant 0 : i32
      %dma_wait3A_50 = tpu.memref_slice %arg6[%add3A_26, %dma_wait3A_49] : memref<10112x128xf32, #tpu.memory_space<vmem_shared>> -> memref<120x128xf32, #tpu.memory_space<vmem_shared>>
      %dma_wait3A_51 = arith.constant 0 : i32
      %dma_wait3A_52 = tpu.memref_slice %arg6[%add3A_26, %dma_wait3A_51] : memref<10112x128xf32, #tpu.memory_space<vmem_shared>> -> memref<120x128xf32, #tpu.memory_space<vmem_shared>>
      %dma_wait3A_53 = arith.constant 0 : i32
      %dma_wait3A_54 = arith.constant 0 : i32
      %dma_wait3A_55 = tpu.memref_slice %arg10[%dma_wait3A_53, %dma_wait3A_54] : memref<128x128xf32, #tpu.memory_space<vmem>> -> memref<120x128xf32, #tpu.memory_space<vmem>>
      tpu.wait_dma2 semaphore(%run_scoped3A : memref<!tpu.dma_semaphore, #tpu.memory_space<semaphore_mem>>) src(%dma_wait3A_55 : memref<120x128xf32, #tpu.memory_space<vmem>>) dst(%dma_wait3A_52 : memref<120x128xf32, #tpu.memory_space<vmem_shared>>)
      tpu.yield
    }) : () -> ()
    %barrier3A = arith.constant 0 : index
    tpu.barrier barrier_id(%barrier3A)
    %scan3A_27 = arith.constant 0 : i32
    %scan3A_28 = arith.constant 0 : i32
    %scan3A_29 = arith.constant 5 : i32
    %scan3A_30 = arith.addi %scan3A_28, %scan3A_29 : i32
    %scan3A_31 = arith.constant 1 : i32
    scf.for %scan3A_38 = %scan3A_28 to %scan3A_30 step %scan3A_31  : i32 {
      %mul3A_39 = arith.constant 16 : i32
      %mul3A_40 = arith.muli %scan3A_38, %mul3A_39 : i32
      "tpu.region"() ({
        %run_scoped3A = tpu.sem_alloc : memref<!tpu.dma_semaphore, #tpu.memory_space<semaphore_mem>>
        %dma_start3A_489 = arith.constant 0 : i32
        %dma_start3A_490 = tpu.memref_slice %arg3[%add3A, %mul3A_40, %dma_start3A_489] : memref<32x80x128xi32, #tpu.memory_space<hbm>> -> memref<1x16x128xi32, #tpu.memory_space<hbm>>
        %dma_start3A_491 = tpu.memref_squeeze %dma_start3A_490 : memref<1x16x128xi32, #tpu.memory_space<hbm>> -> memref<16x128xi32, #tpu.memory_space<hbm>>
        %dma_start3A_492 = arith.constant 0 : i32
        %dma_start3A_493 = tpu.memref_slice %arg3[%add3A, %mul3A_40, %dma_start3A_492] : memref<32x80x128xi32, #tpu.memory_space<hbm>> -> memref<1x16x128xi32, #tpu.memory_space<hbm>>
        %dma_start3A_494 = tpu.memref_squeeze %dma_start3A_493 : memref<1x16x128xi32, #tpu.memory_space<hbm>> -> memref<16x128xi32, #tpu.memory_space<hbm>>
        tpu.enqueue_dma source(%dma_start3A_494 : memref<16x128xi32, #tpu.memory_space<hbm>>) target(%arg12 : memref<16x128xi32, #tpu.memory_space<vmem>>) target_semaphore(%run_scoped3A : memref<!tpu.dma_semaphore, #tpu.memory_space<semaphore_mem>>)
        %dma_wait3A_495 = arith.constant 0 : i32
        %dma_wait3A_496 = tpu.memref_slice %arg3[%add3A, %mul3A_40, %dma_wait3A_495] : memref<32x80x128xi32, #tpu.memory_space<hbm>> -> memref<1x16x128xi32, #tpu.memory_space<hbm>>
        %dma_wait3A_497 = tpu.memref_squeeze %dma_wait3A_496 : memref<1x16x128xi32, #tpu.memory_space<hbm>> -> memref<16x128xi32, #tpu.memory_space<hbm>>
        %dma_wait3A_498 = arith.constant 0 : i32
        %dma_wait3A_499 = tpu.memref_slice %arg3[%add3A, %mul3A_40, %dma_wait3A_498] : memref<32x80x128xi32, #tpu.memory_space<hbm>> -> memref<1x16x128xi32, #tpu.memory_space<hbm>>
        %dma_wait3A_500 = tpu.memref_squeeze %dma_wait3A_499 : memref<1x16x128xi32, #tpu.memory_space<hbm>> -> memref<16x128xi32, #tpu.memory_space<hbm>>
        tpu.wait_dma2 semaphore(%run_scoped3A : memref<!tpu.dma_semaphore, #tpu.memory_space<semaphore_mem>>) src(%dma_wait3A_500 : memref<16x128xi32, #tpu.memory_space<hbm>>) dst(%arg12 : memref<16x128xi32, #tpu.memory_space<vmem>>)
        tpu.yield
      }) : () -> ()
      %mul3A_41 = arith.constant 16 : i32
      %mul3A_42 = arith.muli %scan3A_38, %mul3A_41 : i32
      "tpu.region"() ({
        %run_scoped3A = tpu.sem_alloc : memref<!tpu.dma_semaphore, #tpu.memory_space<semaphore_mem>>
        %dma_start3A_489 = arith.constant 0 : i32
        %dma_start3A_490 = tpu.memref_slice %arg4[%add3A, %mul3A_42, %dma_start3A_489] : memref<32x80x128xi32, #tpu.memory_space<hbm>> -> memref<1x16x128xi32, #tpu.memory_space<hbm>>
        %dma_start3A_491 = tpu.memref_squeeze %dma_start3A_490 : memref<1x16x128xi32, #tpu.memory_space<hbm>> -> memref<16x128xi32, #tpu.memory_space<hbm>>
        %dma_start3A_492 = arith.constant 0 : i32
        %dma_start3A_493 = tpu.memref_slice %arg4[%add3A, %mul3A_42, %dma_start3A_492] : memref<32x80x128xi32, #tpu.memory_space<hbm>> -> memref<1x16x128xi32, #tpu.memory_space<hbm>>
        %dma_start3A_494 = tpu.memref_squeeze %dma_start3A_493 : memref<1x16x128xi32, #tpu.memory_space<hbm>> -> memref<16x128xi32, #tpu.memory_space<hbm>>
        tpu.enqueue_dma source(%dma_start3A_494 : memref<16x128xi32, #tpu.memory_space<hbm>>) target(%arg7 : memref<16x128xi32, #tpu.memory_space<vmem>>) target_semaphore(%run_scoped3A : memref<!tpu.dma_semaphore, #tpu.memory_space<semaphore_mem>>)
        %dma_wait3A_495 = arith.constant 0 : i32
        %dma_wait3A_496 = tpu.memref_slice %arg4[%add3A, %mul3A_42, %dma_wait3A_495] : memref<32x80x128xi32, #tpu.memory_space<hbm>> -> memref<1x16x128xi32, #tpu.memory_space<hbm>>
        %dma_wait3A_497 = tpu.memref_squeeze %dma_wait3A_496 : memref<1x16x128xi32, #tpu.memory_space<hbm>> -> memref<16x128xi32, #tpu.memory_space<hbm>>
        %dma_wait3A_498 = arith.constant 0 : i32
        %dma_wait3A_499 = tpu.memref_slice %arg4[%add3A, %mul3A_42, %dma_wait3A_498] : memref<32x80x128xi32, #tpu.memory_space<hbm>> -> memref<1x16x128xi32, #tpu.memory_space<hbm>>
        %dma_wait3A_500 = tpu.memref_squeeze %dma_wait3A_499 : memref<1x16x128xi32, #tpu.memory_space<hbm>> -> memref<16x128xi32, #tpu.memory_space<hbm>>
        tpu.wait_dma2 semaphore(%run_scoped3A : memref<!tpu.dma_semaphore, #tpu.memory_space<semaphore_mem>>) src(%dma_wait3A_500 : memref<16x128xi32, #tpu.memory_space<hbm>>) dst(%arg7 : memref<16x128xi32, #tpu.memory_space<vmem>>)
        tpu.yield
      }) : () -> ()
      %dma_start3A = arith.constant 0 : i32
      %dma_start3A_43 = arith.constant 0 : i32
      %dma_start3A_44 = tpu.memref_slice %arg12[%dma_start3A, %dma_start3A_43] : memref<16x128xi32, #tpu.memory_space<vmem>> -> memref<1x128xi32, #tpu.memory_space<vmem>>
      %dma_start3A_45 = tpu.memref_squeeze %dma_start3A_44 : memref<1x128xi32, #tpu.memory_space<vmem>> -> memref<128xi32, #tpu.memory_space<vmem>>
      %dma_start3A_46 = arith.constant 0 : i32
      %dma_start3A_47 = arith.constant 0 : i32
      %dma_start3A_48 = tpu.memref_slice %arg2[%dma_start3A_46, %dma_start3A_47] : memref<10112x128xf32, #tpu.memory_space<hbm>> -> memref<10112x128xf32, #tpu.memory_space<hbm>>
      tpu.enqueue_indirect_dma source(%dma_start3A_48 : memref<10112x128xf32, #tpu.memory_space<hbm>>) target(%arg10 : memref<128x128xf32, #tpu.memory_space<vmem>>) offsets(%dma_start3A_45 : memref<128xi32, #tpu.memory_space<vmem>>) semaphore(%arg8 : memref<!tpu.dma_semaphore, #tpu.memory_space<semaphore_mem>>)
      %dma_start3A_49 = arith.constant 1 : i32
      %dma_start3A_50 = arith.constant 0 : i32
      %dma_start3A_51 = tpu.memref_slice %arg12[%dma_start3A_49, %dma_start3A_50] : memref<16x128xi32, #tpu.memory_space<vmem>> -> memref<1x128xi32, #tpu.memory_space<vmem>>
      %dma_start3A_52 = tpu.memref_squeeze %dma_start3A_51 : memref<1x128xi32, #tpu.memory_space<vmem>> -> memref<128xi32, #tpu.memory_space<vmem>>
      %dma_start3A_53 = arith.constant 0 : i32
      %dma_start3A_54 = arith.constant 0 : i32
      %dma_start3A_55 = tpu.memref_slice %arg2[%dma_start3A_53, %dma_start3A_54] : memref<10112x128xf32, #tpu.memory_space<hbm>> -> memref<10112x128xf32, #tpu.memory_space<hbm>>
      tpu.enqueue_indirect_dma source(%dma_start3A_55 : memref<10112x128xf32, #tpu.memory_space<hbm>>) target(%arg11 : memref<128x128xf32, #tpu.memory_space<vmem>>) offsets(%dma_start3A_52 : memref<128xi32, #tpu.memory_space<vmem>>) semaphore(%arg9 : memref<!tpu.dma_semaphore, #tpu.memory_space<semaphore_mem>>)
      %dma_wait3A = arith.constant 0 : i32
      %dma_wait3A_56 = arith.constant 0 : i32
      %dma_wait3A_57 = tpu.memref_slice %arg12[%dma_wait3A, %dma_wait3A_56] : memref<16x128xi32, #tpu.memory_space<vmem>> -> memref<1x128xi32, #tpu.memory_space<vmem>>
      %dma_wait3A_58 = tpu.memref_squeeze %dma_wait3A_57 : memref<1x128xi32, #tpu.memory_space<vmem>> -> memref<128xi32, #tpu.memory_space<vmem>>
      %dma_wait3A_59 = arith.constant 0 : i32
      %dma_wait3A_60 = arith.constant 0 : i32
      %dma_wait3A_61 = tpu.memref_slice %arg2[%dma_wait3A_59, %dma_wait3A_60] : memref<10112x128xf32, #tpu.memory_space<hbm>> -> memref<10112x128xf32, #tpu.memory_space<hbm>>
      tpu.wait_indirect_dma semaphore(%arg8 : memref<!tpu.dma_semaphore, #tpu.memory_space<semaphore_mem>>) src(%dma_wait3A_61 : memref<10112x128xf32, #tpu.memory_space<hbm>>) dst(%arg10 : memref<128x128xf32, #tpu.memory_space<vmem>>)
      %dma_start3A_62 = arith.constant 0 : i32
      %dma_start3A_63 = arith.constant 0 : i32
      %dma_start3A_64 = tpu.memref_slice %arg7[%dma_start3A_62, %dma_start3A_63] : memref<16x128xi32, #tpu.memory_space<vmem>> -> memref<1x128xi32, #tpu.memory_space<vmem>>
      %dma_start3A_65 = tpu.memref_squeeze %dma_start3A_64 : memref<1x128xi32, #tpu.memory_space<vmem>> -> memref<128xi32, #tpu.memory_space<vmem>>
      %dma_start3A_66 = arith.constant 0 : i32
      %dma_start3A_67 = arith.constant 0 : i32
      %dma_start3A_68 = tpu.memref_slice %arg6[%dma_start3A_66, %dma_start3A_67] : memref<10112x128xf32, #tpu.memory_space<vmem_shared>> -> memref<10112x128xf32, #tpu.memory_space<vmem_shared>>
      tpu.enqueue_indirect_dma source(%arg10 : memref<128x128xf32, #tpu.memory_space<vmem>>) target(%dma_start3A_68 : memref<10112x128xf32, #tpu.memory_space<vmem_shared>>) offsets(%dma_start3A_65 : memref<128xi32, #tpu.memory_space<vmem>>) semaphore(%arg13 : memref<!tpu.dma_semaphore, #tpu.memory_space<semaphore_mem>>) {add = true}
      %dma_wait3A_69 = arith.constant 0 : i32
      %dma_wait3A_70 = arith.constant 0 : i32
      %dma_wait3A_71 = tpu.memref_slice %arg7[%dma_wait3A_69, %dma_wait3A_70] : memref<16x128xi32, #tpu.memory_space<vmem>> -> memref<1x128xi32, #tpu.memory_space<vmem>>
      %dma_wait3A_72 = tpu.memref_squeeze %dma_wait3A_71 : memref<1x128xi32, #tpu.memory_space<vmem>> -> memref<128xi32, #tpu.memory_space<vmem>>
      %dma_wait3A_73 = arith.constant 0 : i32
      %dma_wait3A_74 = arith.constant 0 : i32
      %dma_wait3A_75 = tpu.memref_slice %arg6[%dma_wait3A_73, %dma_wait3A_74] : memref<10112x128xf32, #tpu.memory_space<vmem_shared>> -> memref<10112x128xf32, #tpu.memory_space<vmem_shared>>
      tpu.wait_indirect_dma semaphore(%arg13 : memref<!tpu.dma_semaphore, #tpu.memory_space<semaphore_mem>>) src(%arg10 : memref<128x128xf32, #tpu.memory_space<vmem>>) dst(%dma_wait3A_75 : memref<10112x128xf32, #tpu.memory_space<vmem_shared>>)
      %dma_start3A_76 = arith.constant 2 : i32
      %dma_start3A_77 = arith.constant 0 : i32
      %dma_start3A_78 = tpu.memref_slice %arg12[%dma_start3A_76, %dma_start3A_77] : memref<16x128xi32, #tpu.memory_space<vmem>> -> memref<1x128xi32, #tpu.memory_space<vmem>>
      %dma_start3A_79 = tpu.memref_squeeze %dma_start3A_78 : memref<1x128xi32, #tpu.memory_space<vmem>> -> memref<128xi32, #tpu.memory_space<vmem>>
      %dma_start3A_80 = arith.constant 0 : i32
      %dma_start3A_81 = arith.constant 0 : i32
      %dma_start3A_82 = tpu.memref_slice %arg2[%dma_start3A_80, %dma_start3A_81] : memref<10112x128xf32, #tpu.memory_space<hbm>> -> memref<10112x128xf32, #tpu.memory_space<hbm>>
      tpu.enqueue_indirect_dma source(%dma_start3A_82 : memref<10112x128xf32, #tpu.memory_space<hbm>>) target(%arg10 : memref<128x128xf32, #tpu.memory_space<vmem>>) offsets(%dma_start3A_79 : memref<128xi32, #tpu.memory_space<vmem>>) semaphore(%arg8 : memref<!tpu.dma_semaphore, #tpu.memory_space<semaphore_mem>>)
      %dma_wait3A_83 = arith.constant 1 : i32
      %dma_wait3A_84 = arith.constant 0 : i32
      %dma_wait3A_85 = tpu.memref_slice %arg12[%dma_wait3A_83, %dma_wait3A_84] : memref<16x128xi32, #tpu.memory_space<vmem>> -> memref<1x128xi32, #tpu.memory_space<vmem>>
      %dma_wait3A_86 = tpu.memref_squeeze %dma_wait3A_85 : memref<1x128xi32, #tpu.memory_space<vmem>> -> memref<128xi32, #tpu.memory_space<vmem>>
      %dma_wait3A_87 = arith.constant 0 : i32
      %dma_wait3A_88 = arith.constant 0 : i32
      %dma_wait3A_89 = tpu.memref_slice %arg2[%dma_wait3A_87, %dma_wait3A_88] : memref<10112x128xf32, #tpu.memory_space<hbm>> -> memref<10112x128xf32, #tpu.memory_space<hbm>>
      tpu.wait_indirect_dma semaphore(%arg9 : memref<!tpu.dma_semaphore, #tpu.memory_space<semaphore_mem>>) src(%dma_wait3A_89 : memref<10112x128xf32, #tpu.memory_space<hbm>>) dst(%arg11 : memref<128x128xf32, #tpu.memory_space<vmem>>)
      %dma_start3A_90 = arith.constant 1 : i32
      %dma_start3A_91 = arith.constant 0 : i32
      %dma_start3A_92 = tpu.memref_slice %arg7[%dma_start3A_90, %dma_start3A_91] : memref<16x128xi32, #tpu.memory_space<vmem>> -> memref<1x128xi32, #tpu.memory_space<vmem>>
      %dma_start3A_93 = tpu.memref_squeeze %dma_start3A_92 : memref<1x128xi32, #tpu.memory_space<vmem>> -> memref<128xi32, #tpu.memory_space<vmem>>
      %dma_start3A_94 = arith.constant 0 : i32
      %dma_start3A_95 = arith.constant 0 : i32
      %dma_start3A_96 = tpu.memref_slice %arg6[%dma_start3A_94, %dma_start3A_95] : memref<10112x128xf32, #tpu.memory_space<vmem_shared>> -> memref<10112x128xf32, #tpu.memory_space<vmem_shared>>
      tpu.enqueue_indirect_dma source(%arg11 : memref<128x128xf32, #tpu.memory_space<vmem>>) target(%dma_start3A_96 : memref<10112x128xf32, #tpu.memory_space<vmem_shared>>) offsets(%dma_start3A_93 : memref<128xi32, #tpu.memory_space<vmem>>) semaphore(%arg14 : memref<!tpu.dma_semaphore, #tpu.memory_space<semaphore_mem>>) {add = true}
      %dma_wait3A_97 = arith.constant 1 : i32
      %dma_wait3A_98 = arith.constant 0 : i32
      %dma_wait3A_99 = tpu.memref_slice %arg7[%dma_wait3A_97, %dma_wait3A_98] : memref<16x128xi32, #tpu.memory_space<vmem>> -> memref<1x128xi32, #tpu.memory_space<vmem>>
      %dma_wait3A_100 = tpu.memref_squeeze %dma_wait3A_99 : memref<1x128xi32, #tpu.memory_space<vmem>> -> memref<128xi32, #tpu.memory_space<vmem>>
      %dma_wait3A_101 = arith.constant 0 : i32
      %dma_wait3A_102 = arith.constant 0 : i32
      %dma_wait3A_103 = tpu.memref_slice %arg6[%dma_wait3A_101, %dma_wait3A_102] : memref<10112x128xf32, #tpu.memory_space<vmem_shared>> -> memref<10112x128xf32, #tpu.memory_space<vmem_shared>>
      tpu.wait_indirect_dma semaphore(%arg14 : memref<!tpu.dma_semaphore, #tpu.memory_space<semaphore_mem>>) src(%arg11 : memref<128x128xf32, #tpu.memory_space<vmem>>) dst(%dma_wait3A_103 : memref<10112x128xf32, #tpu.memory_space<vmem_shared>>)
      %dma_start3A_104 = arith.constant 3 : i32
      %dma_start3A_105 = arith.constant 0 : i32
      %dma_start3A_106 = tpu.memref_slice %arg12[%dma_start3A_104, %dma_start3A_105] : memref<16x128xi32, #tpu.memory_space<vmem>> -> memref<1x128xi32, #tpu.memory_space<vmem>>
      %dma_start3A_107 = tpu.memref_squeeze %dma_start3A_106 : memref<1x128xi32, #tpu.memory_space<vmem>> -> memref<128xi32, #tpu.memory_space<vmem>>
      %dma_start3A_108 = arith.constant 0 : i32
      %dma_start3A_109 = arith.constant 0 : i32
      %dma_start3A_110 = tpu.memref_slice %arg2[%dma_start3A_108, %dma_start3A_109] : memref<10112x128xf32, #tpu.memory_space<hbm>> -> memref<10112x128xf32, #tpu.memory_space<hbm>>
      tpu.enqueue_indirect_dma source(%dma_start3A_110 : memref<10112x128xf32, #tpu.memory_space<hbm>>) target(%arg11 : memref<128x128xf32, #tpu.memory_space<vmem>>) offsets(%dma_start3A_107 : memref<128xi32, #tpu.memory_space<vmem>>) semaphore(%arg9 : memref<!tpu.dma_semaphore, #tpu.memory_space<semaphore_mem>>)
      %dma_wait3A_111 = arith.constant 2 : i32
      %dma_wait3A_112 = arith.constant 0 : i32
      %dma_wait3A_113 = tpu.memref_slice %arg12[%dma_wait3A_111, %dma_wait3A_112] : memref<16x128xi32, #tpu.memory_space<vmem>> -> memref<1x128xi32, #tpu.memory_space<vmem>>
      %dma_wait3A_114 = tpu.memref_squeeze %dma_wait3A_113 : memref<1x128xi32, #tpu.memory_space<vmem>> -> memref<128xi32, #tpu.memory_space<vmem>>
      %dma_wait3A_115 = arith.constant 0 : i32
      %dma_wait3A_116 = arith.constant 0 : i32
      %dma_wait3A_117 = tpu.memref_slice %arg2[%dma_wait3A_115, %dma_wait3A_116] : memref<10112x128xf32, #tpu.memory_space<hbm>> -> memref<10112x128xf32, #tpu.memory_space<hbm>>
      tpu.wait_indirect_dma semaphore(%arg8 : memref<!tpu.dma_semaphore, #tpu.memory_space<semaphore_mem>>) src(%dma_wait3A_117 : memref<10112x128xf32, #tpu.memory_space<hbm>>) dst(%arg10 : memref<128x128xf32, #tpu.memory_space<vmem>>)
      %dma_start3A_118 = arith.constant 2 : i32
      %dma_start3A_119 = arith.constant 0 : i32
      %dma_start3A_120 = tpu.memref_slice %arg7[%dma_start3A_118, %dma_start3A_119] : memref<16x128xi32, #tpu.memory_space<vmem>> -> memref<1x128xi32, #tpu.memory_space<vmem>>
      %dma_start3A_121 = tpu.memref_squeeze %dma_start3A_120 : memref<1x128xi32, #tpu.memory_space<vmem>> -> memref<128xi32, #tpu.memory_space<vmem>>
      %dma_start3A_122 = arith.constant 0 : i32
      %dma_start3A_123 = arith.constant 0 : i32
      %dma_start3A_124 = tpu.memref_slice %arg6[%dma_start3A_122, %dma_start3A_123] : memref<10112x128xf32, #tpu.memory_space<vmem_shared>> -> memref<10112x128xf32, #tpu.memory_space<vmem_shared>>
      tpu.enqueue_indirect_dma source(%arg10 : memref<128x128xf32, #tpu.memory_space<vmem>>) target(%dma_start3A_124 : memref<10112x128xf32, #tpu.memory_space<vmem_shared>>) offsets(%dma_start3A_121 : memref<128xi32, #tpu.memory_space<vmem>>) semaphore(%arg13 : memref<!tpu.dma_semaphore, #tpu.memory_space<semaphore_mem>>) {add = true}
      %dma_wait3A_125 = arith.constant 2 : i32
      %dma_wait3A_126 = arith.constant 0 : i32
      %dma_wait3A_127 = tpu.memref_slice %arg7[%dma_wait3A_125, %dma_wait3A_126] : memref<16x128xi32, #tpu.memory_space<vmem>> -> memref<1x128xi32, #tpu.memory_space<vmem>>
      %dma_wait3A_128 = tpu.memref_squeeze %dma_wait3A_127 : memref<1x128xi32, #tpu.memory_space<vmem>> -> memref<128xi32, #tpu.memory_space<vmem>>
      %dma_wait3A_129 = arith.constant 0 : i32
      %dma_wait3A_130 = arith.constant 0 : i32
      %dma_wait3A_131 = tpu.memref_slice %arg6[%dma_wait3A_129, %dma_wait3A_130] : memref<10112x128xf32, #tpu.memory_space<vmem_shared>> -> memref<10112x128xf32, #tpu.memory_space<vmem_shared>>
      tpu.wait_indirect_dma semaphore(%arg13 : memref<!tpu.dma_semaphore, #tpu.memory_space<semaphore_mem>>) src(%arg10 : memref<128x128xf32, #tpu.memory_space<vmem>>) dst(%dma_wait3A_131 : memref<10112x128xf32, #tpu.memory_space<vmem_shared>>)
      %dma_start3A_132 = arith.constant 4 : i32
      %dma_start3A_133 = arith.constant 0 : i32
      %dma_start3A_134 = tpu.memref_slice %arg12[%dma_start3A_132, %dma_start3A_133] : memref<16x128xi32, #tpu.memory_space<vmem>> -> memref<1x128xi32, #tpu.memory_space<vmem>>
      %dma_start3A_135 = tpu.memref_squeeze %dma_start3A_134 : memref<1x128xi32, #tpu.memory_space<vmem>> -> memref<128xi32, #tpu.memory_space<vmem>>
      %dma_start3A_136 = arith.constant 0 : i32
      %dma_start3A_137 = arith.constant 0 : i32
      %dma_start3A_138 = tpu.memref_slice %arg2[%dma_start3A_136, %dma_start3A_137] : memref<10112x128xf32, #tpu.memory_space<hbm>> -> memref<10112x128xf32, #tpu.memory_space<hbm>>
      tpu.enqueue_indirect_dma source(%dma_start3A_138 : memref<10112x128xf32, #tpu.memory_space<hbm>>) target(%arg10 : memref<128x128xf32, #tpu.memory_space<vmem>>) offsets(%dma_start3A_135 : memref<128xi32, #tpu.memory_space<vmem>>) semaphore(%arg8 : memref<!tpu.dma_semaphore, #tpu.memory_space<semaphore_mem>>)
      %dma_wait3A_139 = arith.constant 3 : i32
      %dma_wait3A_140 = arith.constant 0 : i32
      %dma_wait3A_141 = tpu.memref_slice %arg12[%dma_wait3A_139, %dma_wait3A_140] : memref<16x128xi32, #tpu.memory_space<vmem>> -> memref<1x128xi32, #tpu.memory_space<vmem>>
      %dma_wait3A_142 = tpu.memref_squeeze %dma_wait3A_141 : memref<1x128xi32, #tpu.memory_space<vmem>> -> memref<128xi32, #tpu.memory_space<vmem>>
      %dma_wait3A_143 = arith.constant 0 : i32
      %dma_wait3A_144 = arith.constant 0 : i32
      %dma_wait3A_145 = tpu.memref_slice %arg2[%dma_wait3A_143, %dma_wait3A_144] : memref<10112x128xf32, #tpu.memory_space<hbm>> -> memref<10112x128xf32, #tpu.memory_space<hbm>>
      tpu.wait_indirect_dma semaphore(%arg9 : memref<!tpu.dma_semaphore, #tpu.memory_space<semaphore_mem>>) src(%dma_wait3A_145 : memref<10112x128xf32, #tpu.memory_space<hbm>>) dst(%arg11 : memref<128x128xf32, #tpu.memory_space<vmem>>)
      %dma_start3A_146 = arith.constant 3 : i32
      %dma_start3A_147 = arith.constant 0 : i32
      %dma_start3A_148 = tpu.memref_slice %arg7[%dma_start3A_146, %dma_start3A_147] : memref<16x128xi32, #tpu.memory_space<vmem>> -> memref<1x128xi32, #tpu.memory_space<vmem>>
      %dma_start3A_149 = tpu.memref_squeeze %dma_start3A_148 : memref<1x128xi32, #tpu.memory_space<vmem>> -> memref<128xi32, #tpu.memory_space<vmem>>
      %dma_start3A_150 = arith.constant 0 : i32
      %dma_start3A_151 = arith.constant 0 : i32
      %dma_start3A_152 = tpu.memref_slice %arg6[%dma_start3A_150, %dma_start3A_151] : memref<10112x128xf32, #tpu.memory_space<vmem_shared>> -> memref<10112x128xf32, #tpu.memory_space<vmem_shared>>
      tpu.enqueue_indirect_dma source(%arg11 : memref<128x128xf32, #tpu.memory_space<vmem>>) target(%dma_start3A_152 : memref<10112x128xf32, #tpu.memory_space<vmem_shared>>) offsets(%dma_start3A_149 : memref<128xi32, #tpu.memory_space<vmem>>) semaphore(%arg14 : memref<!tpu.dma_semaphore, #tpu.memory_space<semaphore_mem>>) {add = true}
      %dma_wait3A_153 = arith.constant 3 : i32
      %dma_wait3A_154 = arith.constant 0 : i32
      %dma_wait3A_155 = tpu.memref_slice %arg7[%dma_wait3A_153, %dma_wait3A_154] : memref<16x128xi32, #tpu.memory_space<vmem>> -> memref<1x128xi32, #tpu.memory_space<vmem>>
      %dma_wait3A_156 = tpu.memref_squeeze %dma_wait3A_155 : memref<1x128xi32, #tpu.memory_space<vmem>> -> memref<128xi32, #tpu.memory_space<vmem>>
      %dma_wait3A_157 = arith.constant 0 : i32
      %dma_wait3A_158 = arith.constant 0 : i32
      %dma_wait3A_159 = tpu.memref_slice %arg6[%dma_wait3A_157, %dma_wait3A_158] : memref<10112x128xf32, #tpu.memory_space<vmem_shared>> -> memref<10112x128xf32, #tpu.memory_space<vmem_shared>>
      tpu.wait_indirect_dma semaphore(%arg14 : memref<!tpu.dma_semaphore, #tpu.memory_space<semaphore_mem>>) src(%arg11 : memref<128x128xf32, #tpu.memory_space<vmem>>) dst(%dma_wait3A_159 : memref<10112x128xf32, #tpu.memory_space<vmem_shared>>)
      %dma_start3A_160 = arith.constant 5 : i32
      %dma_start3A_161 = arith.constant 0 : i32
      %dma_start3A_162 = tpu.memref_slice %arg12[%dma_start3A_160, %dma_start3A_161] : memref<16x128xi32, #tpu.memory_space<vmem>> -> memref<1x128xi32, #tpu.memory_space<vmem>>
      %dma_start3A_163 = tpu.memref_squeeze %dma_start3A_162 : memref<1x128xi32, #tpu.memory_space<vmem>> -> memref<128xi32, #tpu.memory_space<vmem>>
      %dma_start3A_164 = arith.constant 0 : i32
      %dma_start3A_165 = arith.constant 0 : i32
      %dma_start3A_166 = tpu.memref_slice %arg2[%dma_start3A_164, %dma_start3A_165] : memref<10112x128xf32, #tpu.memory_space<hbm>> -> memref<10112x128xf32, #tpu.memory_space<hbm>>
      tpu.enqueue_indirect_dma source(%dma_start3A_166 : memref<10112x128xf32, #tpu.memory_space<hbm>>) target(%arg11 : memref<128x128xf32, #tpu.memory_space<vmem>>) offsets(%dma_start3A_163 : memref<128xi32, #tpu.memory_space<vmem>>) semaphore(%arg9 : memref<!tpu.dma_semaphore, #tpu.memory_space<semaphore_mem>>)
      %dma_wait3A_167 = arith.constant 4 : i32
      %dma_wait3A_168 = arith.constant 0 : i32
      %dma_wait3A_169 = tpu.memref_slice %arg12[%dma_wait3A_167, %dma_wait3A_168] : memref<16x128xi32, #tpu.memory_space<vmem>> -> memref<1x128xi32, #tpu.memory_space<vmem>>
      %dma_wait3A_170 = tpu.memref_squeeze %dma_wait3A_169 : memref<1x128xi32, #tpu.memory_space<vmem>> -> memref<128xi32, #tpu.memory_space<vmem>>
      %dma_wait3A_171 = arith.constant 0 : i32
      %dma_wait3A_172 = arith.constant 0 : i32
      %dma_wait3A_173 = tpu.memref_slice %arg2[%dma_wait3A_171, %dma_wait3A_172] : memref<10112x128xf32, #tpu.memory_space<hbm>> -> memref<10112x128xf32, #tpu.memory_space<hbm>>
      tpu.wait_indirect_dma semaphore(%arg8 : memref<!tpu.dma_semaphore, #tpu.memory_space<semaphore_mem>>) src(%dma_wait3A_173 : memref<10112x128xf32, #tpu.memory_space<hbm>>) dst(%arg10 : memref<128x128xf32, #tpu.memory_space<vmem>>)
      %dma_start3A_174 = arith.constant 4 : i32
      %dma_start3A_175 = arith.constant 0 : i32
      %dma_start3A_176 = tpu.memref_slice %arg7[%dma_start3A_174, %dma_start3A_175] : memref<16x128xi32, #tpu.memory_space<vmem>> -> memref<1x128xi32, #tpu.memory_space<vmem>>
      %dma_start3A_177 = tpu.memref_squeeze %dma_start3A_176 : memref<1x128xi32, #tpu.memory_space<vmem>> -> memref<128xi32, #tpu.memory_space<vmem>>
      %dma_start3A_178 = arith.constant 0 : i32
      %dma_start3A_179 = arith.constant 0 : i32
      %dma_start3A_180 = tpu.memref_slice %arg6[%dma_start3A_178, %dma_start3A_179] : memref<10112x128xf32, #tpu.memory_space<vmem_shared>> -> memref<10112x128xf32, #tpu.memory_space<vmem_shared>>
      tpu.enqueue_indirect_dma source(%arg10 : memref<128x128xf32, #tpu.memory_space<vmem>>) target(%dma_start3A_180 : memref<10112x128xf32, #tpu.memory_space<vmem_shared>>) offsets(%dma_start3A_177 : memref<128xi32, #tpu.memory_space<vmem>>) semaphore(%arg13 : memref<!tpu.dma_semaphore, #tpu.memory_space<semaphore_mem>>) {add = true}
      %dma_wait3A_181 = arith.constant 4 : i32
      %dma_wait3A_182 = arith.constant 0 : i32
      %dma_wait3A_183 = tpu.memref_slice %arg7[%dma_wait3A_181, %dma_wait3A_182] : memref<16x128xi32, #tpu.memory_space<vmem>> -> memref<1x128xi32, #tpu.memory_space<vmem>>
      %dma_wait3A_184 = tpu.memref_squeeze %dma_wait3A_183 : memref<1x128xi32, #tpu.memory_space<vmem>> -> memref<128xi32, #tpu.memory_space<vmem>>
      %dma_wait3A_185 = arith.constant 0 : i32
      %dma_wait3A_186 = arith.constant 0 : i32
      %dma_wait3A_187 = tpu.memref_slice %arg6[%dma_wait3A_185, %dma_wait3A_186] : memref<10112x128xf32, #tpu.memory_space<vmem_shared>> -> memref<10112x128xf32, #tpu.memory_space<vmem_shared>>
      tpu.wait_indirect_dma semaphore(%arg13 : memref<!tpu.dma_semaphore, #tpu.memory_space<semaphore_mem>>) src(%arg10 : memref<128x128xf32, #tpu.memory_space<vmem>>) dst(%dma_wait3A_187 : memref<10112x128xf32, #tpu.memory_space<vmem_shared>>)
      %dma_start3A_188 = arith.constant 6 : i32
      %dma_start3A_189 = arith.constant 0 : i32
      %dma_start3A_190 = tpu.memref_slice %arg12[%dma_start3A_188, %dma_start3A_189] : memref<16x128xi32, #tpu.memory_space<vmem>> -> memref<1x128xi32, #tpu.memory_space<vmem>>
      %dma_start3A_191 = tpu.memref_squeeze %dma_start3A_190 : memref<1x128xi32, #tpu.memory_space<vmem>> -> memref<128xi32, #tpu.memory_space<vmem>>
      %dma_start3A_192 = arith.constant 0 : i32
      %dma_start3A_193 = arith.constant 0 : i32
      %dma_start3A_194 = tpu.memref_slice %arg2[%dma_start3A_192, %dma_start3A_193] : memref<10112x128xf32, #tpu.memory_space<hbm>> -> memref<10112x128xf32, #tpu.memory_space<hbm>>
      tpu.enqueue_indirect_dma source(%dma_start3A_194 : memref<10112x128xf32, #tpu.memory_space<hbm>>) target(%arg10 : memref<128x128xf32, #tpu.memory_space<vmem>>) offsets(%dma_start3A_191 : memref<128xi32, #tpu.memory_space<vmem>>) semaphore(%arg8 : memref<!tpu.dma_semaphore, #tpu.memory_space<semaphore_mem>>)
      %dma_wait3A_195 = arith.constant 5 : i32
      %dma_wait3A_196 = arith.constant 0 : i32
      %dma_wait3A_197 = tpu.memref_slice %arg12[%dma_wait3A_195, %dma_wait3A_196] : memref<16x128xi32, #tpu.memory_space<vmem>> -> memref<1x128xi32, #tpu.memory_space<vmem>>
      %dma_wait3A_198 = tpu.memref_squeeze %dma_wait3A_197 : memref<1x128xi32, #tpu.memory_space<vmem>> -> memref<128xi32, #tpu.memory_space<vmem>>
      %dma_wait3A_199 = arith.constant 0 : i32
      %dma_wait3A_200 = arith.constant 0 : i32
      %dma_wait3A_201 = tpu.memref_slice %arg2[%dma_wait3A_199, %dma_wait3A_200] : memref<10112x128xf32, #tpu.memory_space<hbm>> -> memref<10112x128xf32, #tpu.memory_space<hbm>>
      tpu.wait_indirect_dma semaphore(%arg9 : memref<!tpu.dma_semaphore, #tpu.memory_space<semaphore_mem>>) src(%dma_wait3A_201 : memref<10112x128xf32, #tpu.memory_space<hbm>>) dst(%arg11 : memref<128x128xf32, #tpu.memory_space<vmem>>)
      %dma_start3A_202 = arith.constant 5 : i32
      %dma_start3A_203 = arith.constant 0 : i32
      %dma_start3A_204 = tpu.memref_slice %arg7[%dma_start3A_202, %dma_start3A_203] : memref<16x128xi32, #tpu.memory_space<vmem>> -> memref<1x128xi32, #tpu.memory_space<vmem>>
      %dma_start3A_205 = tpu.memref_squeeze %dma_start3A_204 : memref<1x128xi32, #tpu.memory_space<vmem>> -> memref<128xi32, #tpu.memory_space<vmem>>
      %dma_start3A_206 = arith.constant 0 : i32
      %dma_start3A_207 = arith.constant 0 : i32
      %dma_start3A_208 = tpu.memref_slice %arg6[%dma_start3A_206, %dma_start3A_207] : memref<10112x128xf32, #tpu.memory_space<vmem_shared>> -> memref<10112x128xf32, #tpu.memory_space<vmem_shared>>
      tpu.enqueue_indirect_dma source(%arg11 : memref<128x128xf32, #tpu.memory_space<vmem>>) target(%dma_start3A_208 : memref<10112x128xf32, #tpu.memory_space<vmem_shared>>) offsets(%dma_start3A_205 : memref<128xi32, #tpu.memory_space<vmem>>) semaphore(%arg14 : memref<!tpu.dma_semaphore, #tpu.memory_space<semaphore_mem>>) {add = true}
      %dma_wait3A_209 = arith.constant 5 : i32
      %dma_wait3A_210 = arith.constant 0 : i32
      %dma_wait3A_211 = tpu.memref_slice %arg7[%dma_wait3A_209, %dma_wait3A_210] : memref<16x128xi32, #tpu.memory_space<vmem>> -> memref<1x128xi32, #tpu.memory_space<vmem>>
      %dma_wait3A_212 = tpu.memref_squeeze %dma_wait3A_211 : memref<1x128xi32, #tpu.memory_space<vmem>> -> memref<128xi32, #tpu.memory_space<vmem>>
      %dma_wait3A_213 = arith.constant 0 : i32
      %dma_wait3A_214 = arith.constant 0 : i32
      %dma_wait3A_215 = tpu.memref_slice %arg6[%dma_wait3A_213, %dma_wait3A_214] : memref<10112x128xf32, #tpu.memory_space<vmem_shared>> -> memref<10112x128xf32, #tpu.memory_space<vmem_shared>>
      tpu.wait_indirect_dma semaphore(%arg14 : memref<!tpu.dma_semaphore, #tpu.memory_space<semaphore_mem>>) src(%arg11 : memref<128x128xf32, #tpu.memory_space<vmem>>) dst(%dma_wait3A_215 : memref<10112x128xf32, #tpu.memory_space<vmem_shared>>)
      %dma_start3A_216 = arith.constant 7 : i32
      %dma_start3A_217 = arith.constant 0 : i32
      %dma_start3A_218 = tpu.memref_slice %arg12[%dma_start3A_216, %dma_start3A_217] : memref<16x128xi32, #tpu.memory_space<vmem>> -> memref<1x128xi32, #tpu.memory_space<vmem>>
      %dma_start3A_219 = tpu.memref_squeeze %dma_start3A_218 : memref<1x128xi32, #tpu.memory_space<vmem>> -> memref<128xi32, #tpu.memory_space<vmem>>
      %dma_start3A_220 = arith.constant 0 : i32
      %dma_start3A_221 = arith.constant 0 : i32
      %dma_start3A_222 = tpu.memref_slice %arg2[%dma_start3A_220, %dma_start3A_221] : memref<10112x128xf32, #tpu.memory_space<hbm>> -> memref<10112x128xf32, #tpu.memory_space<hbm>>
      tpu.enqueue_indirect_dma source(%dma_start3A_222 : memref<10112x128xf32, #tpu.memory_space<hbm>>) target(%arg11 : memref<128x128xf32, #tpu.memory_space<vmem>>) offsets(%dma_start3A_219 : memref<128xi32, #tpu.memory_space<vmem>>) semaphore(%arg9 : memref<!tpu.dma_semaphore, #tpu.memory_space<semaphore_mem>>)
      %dma_wait3A_223 = arith.constant 6 : i32
      %dma_wait3A_224 = arith.constant 0 : i32
      %dma_wait3A_225 = tpu.memref_slice %arg12[%dma_wait3A_223, %dma_wait3A_224] : memref<16x128xi32, #tpu.memory_space<vmem>> -> memref<1x128xi32, #tpu.memory_space<vmem>>
      %dma_wait3A_226 = tpu.memref_squeeze %dma_wait3A_225 : memref<1x128xi32, #tpu.memory_space<vmem>> -> memref<128xi32, #tpu.memory_space<vmem>>
      %dma_wait3A_227 = arith.constant 0 : i32
      %dma_wait3A_228 = arith.constant 0 : i32
      %dma_wait3A_229 = tpu.memref_slice %arg2[%dma_wait3A_227, %dma_wait3A_228] : memref<10112x128xf32, #tpu.memory_space<hbm>> -> memref<10112x128xf32, #tpu.memory_space<hbm>>
      tpu.wait_indirect_dma semaphore(%arg8 : memref<!tpu.dma_semaphore, #tpu.memory_space<semaphore_mem>>) src(%dma_wait3A_229 : memref<10112x128xf32, #tpu.memory_space<hbm>>) dst(%arg10 : memref<128x128xf32, #tpu.memory_space<vmem>>)
      %dma_start3A_230 = arith.constant 6 : i32
      %dma_start3A_231 = arith.constant 0 : i32
      %dma_start3A_232 = tpu.memref_slice %arg7[%dma_start3A_230, %dma_start3A_231] : memref<16x128xi32, #tpu.memory_space<vmem>> -> memref<1x128xi32, #tpu.memory_space<vmem>>
      %dma_start3A_233 = tpu.memref_squeeze %dma_start3A_232 : memref<1x128xi32, #tpu.memory_space<vmem>> -> memref<128xi32, #tpu.memory_space<vmem>>
      %dma_start3A_234 = arith.constant 0 : i32
      %dma_start3A_235 = arith.constant 0 : i32
      %dma_start3A_236 = tpu.memref_slice %arg6[%dma_start3A_234, %dma_start3A_235] : memref<10112x128xf32, #tpu.memory_space<vmem_shared>> -> memref<10112x128xf32, #tpu.memory_space<vmem_shared>>
      tpu.enqueue_indirect_dma source(%arg10 : memref<128x128xf32, #tpu.memory_space<vmem>>) target(%dma_start3A_236 : memref<10112x128xf32, #tpu.memory_space<vmem_shared>>) offsets(%dma_start3A_233 : memref<128xi32, #tpu.memory_space<vmem>>) semaphore(%arg13 : memref<!tpu.dma_semaphore, #tpu.memory_space<semaphore_mem>>) {add = true}
      %dma_wait3A_237 = arith.constant 6 : i32
      %dma_wait3A_238 = arith.constant 0 : i32
      %dma_wait3A_239 = tpu.memref_slice %arg7[%dma_wait3A_237, %dma_wait3A_238] : memref<16x128xi32, #tpu.memory_space<vmem>> -> memref<1x128xi32, #tpu.memory_space<vmem>>
      %dma_wait3A_240 = tpu.memref_squeeze %dma_wait3A_239 : memref<1x128xi32, #tpu.memory_space<vmem>> -> memref<128xi32, #tpu.memory_space<vmem>>
      %dma_wait3A_241 = arith.constant 0 : i32
      %dma_wait3A_242 = arith.constant 0 : i32
      %dma_wait3A_243 = tpu.memref_slice %arg6[%dma_wait3A_241, %dma_wait3A_242] : memref<10112x128xf32, #tpu.memory_space<vmem_shared>> -> memref<10112x128xf32, #tpu.memory_space<vmem_shared>>
      tpu.wait_indirect_dma semaphore(%arg13 : memref<!tpu.dma_semaphore, #tpu.memory_space<semaphore_mem>>) src(%arg10 : memref<128x128xf32, #tpu.memory_space<vmem>>) dst(%dma_wait3A_243 : memref<10112x128xf32, #tpu.memory_space<vmem_shared>>)
      %dma_start3A_244 = arith.constant 8 : i32
      %dma_start3A_245 = arith.constant 0 : i32
      %dma_start3A_246 = tpu.memref_slice %arg12[%dma_start3A_244, %dma_start3A_245] : memref<16x128xi32, #tpu.memory_space<vmem>> -> memref<1x128xi32, #tpu.memory_space<vmem>>
      %dma_start3A_247 = tpu.memref_squeeze %dma_start3A_246 : memref<1x128xi32, #tpu.memory_space<vmem>> -> memref<128xi32, #tpu.memory_space<vmem>>
      %dma_start3A_248 = arith.constant 0 : i32
      %dma_start3A_249 = arith.constant 0 : i32
      %dma_start3A_250 = tpu.memref_slice %arg2[%dma_start3A_248, %dma_start3A_249] : memref<10112x128xf32, #tpu.memory_space<hbm>> -> memref<10112x128xf32, #tpu.memory_space<hbm>>
      tpu.enqueue_indirect_dma source(%dma_start3A_250 : memref<10112x128xf32, #tpu.memory_space<hbm>>) target(%arg10 : memref<128x128xf32, #tpu.memory_space<vmem>>) offsets(%dma_start3A_247 : memref<128xi32, #tpu.memory_space<vmem>>) semaphore(%arg8 : memref<!tpu.dma_semaphore, #tpu.memory_space<semaphore_mem>>)
      %dma_wait3A_251 = arith.constant 7 : i32
      %dma_wait3A_252 = arith.constant 0 : i32
      %dma_wait3A_253 = tpu.memref_slice %arg12[%dma_wait3A_251, %dma_wait3A_252] : memref<16x128xi32, #tpu.memory_space<vmem>> -> memref<1x128xi32, #tpu.memory_space<vmem>>
      %dma_wait3A_254 = tpu.memref_squeeze %dma_wait3A_253 : memref<1x128xi32, #tpu.memory_space<vmem>> -> memref<128xi32, #tpu.memory_space<vmem>>
      %dma_wait3A_255 = arith.constant 0 : i32
      %dma_wait3A_256 = arith.constant 0 : i32
      %dma_wait3A_257 = tpu.memref_slice %arg2[%dma_wait3A_255, %dma_wait3A_256] : memref<10112x128xf32, #tpu.memory_space<hbm>> -> memref<10112x128xf32, #tpu.memory_space<hbm>>
      tpu.wait_indirect_dma semaphore(%arg9 : memref<!tpu.dma_semaphore, #tpu.memory_space<semaphore_mem>>) src(%dma_wait3A_257 : memref<10112x128xf32, #tpu.memory_space<hbm>>) dst(%arg11 : memref<128x128xf32, #tpu.memory_space<vmem>>)
      %dma_start3A_258 = arith.constant 7 : i32
      %dma_start3A_259 = arith.constant 0 : i32
      %dma_start3A_260 = tpu.memref_slice %arg7[%dma_start3A_258, %dma_start3A_259] : memref<16x128xi32, #tpu.memory_space<vmem>> -> memref<1x128xi32, #tpu.memory_space<vmem>>
      %dma_start3A_261 = tpu.memref_squeeze %dma_start3A_260 : memref<1x128xi32, #tpu.memory_space<vmem>> -> memref<128xi32, #tpu.memory_space<vmem>>
      %dma_start3A_262 = arith.constant 0 : i32
      %dma_start3A_263 = arith.constant 0 : i32
      %dma_start3A_264 = tpu.memref_slice %arg6[%dma_start3A_262, %dma_start3A_263] : memref<10112x128xf32, #tpu.memory_space<vmem_shared>> -> memref<10112x128xf32, #tpu.memory_space<vmem_shared>>
      tpu.enqueue_indirect_dma source(%arg11 : memref<128x128xf32, #tpu.memory_space<vmem>>) target(%dma_start3A_264 : memref<10112x128xf32, #tpu.memory_space<vmem_shared>>) offsets(%dma_start3A_261 : memref<128xi32, #tpu.memory_space<vmem>>) semaphore(%arg14 : memref<!tpu.dma_semaphore, #tpu.memory_space<semaphore_mem>>) {add = true}
      %dma_wait3A_265 = arith.constant 7 : i32
      %dma_wait3A_266 = arith.constant 0 : i32
      %dma_wait3A_267 = tpu.memref_slice %arg7[%dma_wait3A_265, %dma_wait3A_266] : memref<16x128xi32, #tpu.memory_space<vmem>> -> memref<1x128xi32, #tpu.memory_space<vmem>>
      %dma_wait3A_268 = tpu.memref_squeeze %dma_wait3A_267 : memref<1x128xi32, #tpu.memory_space<vmem>> -> memref<128xi32, #tpu.memory_space<vmem>>
      %dma_wait3A_269 = arith.constant 0 : i32
      %dma_wait3A_270 = arith.constant 0 : i32
      %dma_wait3A_271 = tpu.memref_slice %arg6[%dma_wait3A_269, %dma_wait3A_270] : memref<10112x128xf32, #tpu.memory_space<vmem_shared>> -> memref<10112x128xf32, #tpu.memory_space<vmem_shared>>
      tpu.wait_indirect_dma semaphore(%arg14 : memref<!tpu.dma_semaphore, #tpu.memory_space<semaphore_mem>>) src(%arg11 : memref<128x128xf32, #tpu.memory_space<vmem>>) dst(%dma_wait3A_271 : memref<10112x128xf32, #tpu.memory_space<vmem_shared>>)
      %dma_start3A_272 = arith.constant 9 : i32
      %dma_start3A_273 = arith.constant 0 : i32
      %dma_start3A_274 = tpu.memref_slice %arg12[%dma_start3A_272, %dma_start3A_273] : memref<16x128xi32, #tpu.memory_space<vmem>> -> memref<1x128xi32, #tpu.memory_space<vmem>>
      %dma_start3A_275 = tpu.memref_squeeze %dma_start3A_274 : memref<1x128xi32, #tpu.memory_space<vmem>> -> memref<128xi32, #tpu.memory_space<vmem>>
      %dma_start3A_276 = arith.constant 0 : i32
      %dma_start3A_277 = arith.constant 0 : i32
      %dma_start3A_278 = tpu.memref_slice %arg2[%dma_start3A_276, %dma_start3A_277] : memref<10112x128xf32, #tpu.memory_space<hbm>> -> memref<10112x128xf32, #tpu.memory_space<hbm>>
      tpu.enqueue_indirect_dma source(%dma_start3A_278 : memref<10112x128xf32, #tpu.memory_space<hbm>>) target(%arg11 : memref<128x128xf32, #tpu.memory_space<vmem>>) offsets(%dma_start3A_275 : memref<128xi32, #tpu.memory_space<vmem>>) semaphore(%arg9 : memref<!tpu.dma_semaphore, #tpu.memory_space<semaphore_mem>>)
      %dma_wait3A_279 = arith.constant 8 : i32
      %dma_wait3A_280 = arith.constant 0 : i32
      %dma_wait3A_281 = tpu.memref_slice %arg12[%dma_wait3A_279, %dma_wait3A_280] : memref<16x128xi32, #tpu.memory_space<vmem>> -> memref<1x128xi32, #tpu.memory_space<vmem>>
      %dma_wait3A_282 = tpu.memref_squeeze %dma_wait3A_281 : memref<1x128xi32, #tpu.memory_space<vmem>> -> memref<128xi32, #tpu.memory_space<vmem>>
      %dma_wait3A_283 = arith.constant 0 : i32
      %dma_wait3A_284 = arith.constant 0 : i32
      %dma_wait3A_285 = tpu.memref_slice %arg2[%dma_wait3A_283, %dma_wait3A_284] : memref<10112x128xf32, #tpu.memory_space<hbm>> -> memref<10112x128xf32, #tpu.memory_space<hbm>>
      tpu.wait_indirect_dma semaphore(%arg8 : memref<!tpu.dma_semaphore, #tpu.memory_space<semaphore_mem>>) src(%dma_wait3A_285 : memref<10112x128xf32, #tpu.memory_space<hbm>>) dst(%arg10 : memref<128x128xf32, #tpu.memory_space<vmem>>)
      %dma_start3A_286 = arith.constant 8 : i32
      %dma_start3A_287 = arith.constant 0 : i32
      %dma_start3A_288 = tpu.memref_slice %arg7[%dma_start3A_286, %dma_start3A_287] : memref<16x128xi32, #tpu.memory_space<vmem>> -> memref<1x128xi32, #tpu.memory_space<vmem>>
      %dma_start3A_289 = tpu.memref_squeeze %dma_start3A_288 : memref<1x128xi32, #tpu.memory_space<vmem>> -> memref<128xi32, #tpu.memory_space<vmem>>
      %dma_start3A_290 = arith.constant 0 : i32
      %dma_start3A_291 = arith.constant 0 : i32
      %dma_start3A_292 = tpu.memref_slice %arg6[%dma_start3A_290, %dma_start3A_291] : memref<10112x128xf32, #tpu.memory_space<vmem_shared>> -> memref<10112x128xf32, #tpu.memory_space<vmem_shared>>
      tpu.enqueue_indirect_dma source(%arg10 : memref<128x128xf32, #tpu.memory_space<vmem>>) target(%dma_start3A_292 : memref<10112x128xf32, #tpu.memory_space<vmem_shared>>) offsets(%dma_start3A_289 : memref<128xi32, #tpu.memory_space<vmem>>) semaphore(%arg13 : memref<!tpu.dma_semaphore, #tpu.memory_space<semaphore_mem>>) {add = true}
      %dma_wait3A_293 = arith.constant 8 : i32
      %dma_wait3A_294 = arith.constant 0 : i32
      %dma_wait3A_295 = tpu.memref_slice %arg7[%dma_wait3A_293, %dma_wait3A_294] : memref<16x128xi32, #tpu.memory_space<vmem>> -> memref<1x128xi32, #tpu.memory_space<vmem>>
      %dma_wait3A_296 = tpu.memref_squeeze %dma_wait3A_295 : memref<1x128xi32, #tpu.memory_space<vmem>> -> memref<128xi32, #tpu.memory_space<vmem>>
      %dma_wait3A_297 = arith.constant 0 : i32
      %dma_wait3A_298 = arith.constant 0 : i32
      %dma_wait3A_299 = tpu.memref_slice %arg6[%dma_wait3A_297, %dma_wait3A_298] : memref<10112x128xf32, #tpu.memory_space<vmem_shared>> -> memref<10112x128xf32, #tpu.memory_space<vmem_shared>>
      tpu.wait_indirect_dma semaphore(%arg13 : memref<!tpu.dma_semaphore, #tpu.memory_space<semaphore_mem>>) src(%arg10 : memref<128x128xf32, #tpu.memory_space<vmem>>) dst(%dma_wait3A_299 : memref<10112x128xf32, #tpu.memory_space<vmem_shared>>)
      %dma_start3A_300 = arith.constant 10 : i32
      %dma_start3A_301 = arith.constant 0 : i32
      %dma_start3A_302 = tpu.memref_slice %arg12[%dma_start3A_300, %dma_start3A_301] : memref<16x128xi32, #tpu.memory_space<vmem>> -> memref<1x128xi32, #tpu.memory_space<vmem>>
      %dma_start3A_303 = tpu.memref_squeeze %dma_start3A_302 : memref<1x128xi32, #tpu.memory_space<vmem>> -> memref<128xi32, #tpu.memory_space<vmem>>
      %dma_start3A_304 = arith.constant 0 : i32
      %dma_start3A_305 = arith.constant 0 : i32
      %dma_start3A_306 = tpu.memref_slice %arg2[%dma_start3A_304, %dma_start3A_305] : memref<10112x128xf32, #tpu.memory_space<hbm>> -> memref<10112x128xf32, #tpu.memory_space<hbm>>
      tpu.enqueue_indirect_dma source(%dma_start3A_306 : memref<10112x128xf32, #tpu.memory_space<hbm>>) target(%arg10 : memref<128x128xf32, #tpu.memory_space<vmem>>) offsets(%dma_start3A_303 : memref<128xi32, #tpu.memory_space<vmem>>) semaphore(%arg8 : memref<!tpu.dma_semaphore, #tpu.memory_space<semaphore_mem>>)
      %dma_wait3A_307 = arith.constant 9 : i32
      %dma_wait3A_308 = arith.constant 0 : i32
      %dma_wait3A_309 = tpu.memref_slice %arg12[%dma_wait3A_307, %dma_wait3A_308] : memref<16x128xi32, #tpu.memory_space<vmem>> -> memref<1x128xi32, #tpu.memory_space<vmem>>
      %dma_wait3A_310 = tpu.memref_squeeze %dma_wait3A_309 : memref<1x128xi32, #tpu.memory_space<vmem>> -> memref<128xi32, #tpu.memory_space<vmem>>
      %dma_wait3A_311 = arith.constant 0 : i32
      %dma_wait3A_312 = arith.constant 0 : i32
      %dma_wait3A_313 = tpu.memref_slice %arg2[%dma_wait3A_311, %dma_wait3A_312] : memref<10112x128xf32, #tpu.memory_space<hbm>> -> memref<10112x128xf32, #tpu.memory_space<hbm>>
      tpu.wait_indirect_dma semaphore(%arg9 : memref<!tpu.dma_semaphore, #tpu.memory_space<semaphore_mem>>) src(%dma_wait3A_313 : memref<10112x128xf32, #tpu.memory_space<hbm>>) dst(%arg11 : memref<128x128xf32, #tpu.memory_space<vmem>>)
      %dma_start3A_314 = arith.constant 9 : i32
      %dma_start3A_315 = arith.constant 0 : i32
      %dma_start3A_316 = tpu.memref_slice %arg7[%dma_start3A_314, %dma_start3A_315] : memref<16x128xi32, #tpu.memory_space<vmem>> -> memref<1x128xi32, #tpu.memory_space<vmem>>
      %dma_start3A_317 = tpu.memref_squeeze %dma_start3A_316 : memref<1x128xi32, #tpu.memory_space<vmem>> -> memref<128xi32, #tpu.memory_space<vmem>>
      %dma_start3A_318 = arith.constant 0 : i32
      %dma_start3A_319 = arith.constant 0 : i32
      %dma_start3A_320 = tpu.memref_slice %arg6[%dma_start3A_318, %dma_start3A_319] : memref<10112x128xf32, #tpu.memory_space<vmem_shared>> -> memref<10112x128xf32, #tpu.memory_space<vmem_shared>>
      tpu.enqueue_indirect_dma source(%arg11 : memref<128x128xf32, #tpu.memory_space<vmem>>) target(%dma_start3A_320 : memref<10112x128xf32, #tpu.memory_space<vmem_shared>>) offsets(%dma_start3A_317 : memref<128xi32, #tpu.memory_space<vmem>>) semaphore(%arg14 : memref<!tpu.dma_semaphore, #tpu.memory_space<semaphore_mem>>) {add = true}
      %dma_wait3A_321 = arith.constant 9 : i32
      %dma_wait3A_322 = arith.constant 0 : i32
      %dma_wait3A_323 = tpu.memref_slice %arg7[%dma_wait3A_321, %dma_wait3A_322] : memref<16x128xi32, #tpu.memory_space<vmem>> -> memref<1x128xi32, #tpu.memory_space<vmem>>
      %dma_wait3A_324 = tpu.memref_squeeze %dma_wait3A_323 : memref<1x128xi32, #tpu.memory_space<vmem>> -> memref<128xi32, #tpu.memory_space<vmem>>
      %dma_wait3A_325 = arith.constant 0 : i32
      %dma_wait3A_326 = arith.constant 0 : i32
      %dma_wait3A_327 = tpu.memref_slice %arg6[%dma_wait3A_325, %dma_wait3A_326] : memref<10112x128xf32, #tpu.memory_space<vmem_shared>> -> memref<10112x128xf32, #tpu.memory_space<vmem_shared>>
      tpu.wait_indirect_dma semaphore(%arg14 : memref<!tpu.dma_semaphore, #tpu.memory_space<semaphore_mem>>) src(%arg11 : memref<128x128xf32, #tpu.memory_space<vmem>>) dst(%dma_wait3A_327 : memref<10112x128xf32, #tpu.memory_space<vmem_shared>>)
      %dma_start3A_328 = arith.constant 11 : i32
      %dma_start3A_329 = arith.constant 0 : i32
      %dma_start3A_330 = tpu.memref_slice %arg12[%dma_start3A_328, %dma_start3A_329] : memref<16x128xi32, #tpu.memory_space<vmem>> -> memref<1x128xi32, #tpu.memory_space<vmem>>
      %dma_start3A_331 = tpu.memref_squeeze %dma_start3A_330 : memref<1x128xi32, #tpu.memory_space<vmem>> -> memref<128xi32, #tpu.memory_space<vmem>>
      %dma_start3A_332 = arith.constant 0 : i32
      %dma_start3A_333 = arith.constant 0 : i32
      %dma_start3A_334 = tpu.memref_slice %arg2[%dma_start3A_332, %dma_start3A_333] : memref<10112x128xf32, #tpu.memory_space<hbm>> -> memref<10112x128xf32, #tpu.memory_space<hbm>>
      tpu.enqueue_indirect_dma source(%dma_start3A_334 : memref<10112x128xf32, #tpu.memory_space<hbm>>) target(%arg11 : memref<128x128xf32, #tpu.memory_space<vmem>>) offsets(%dma_start3A_331 : memref<128xi32, #tpu.memory_space<vmem>>) semaphore(%arg9 : memref<!tpu.dma_semaphore, #tpu.memory_space<semaphore_mem>>)
      %dma_wait3A_335 = arith.constant 10 : i32
      %dma_wait3A_336 = arith.constant 0 : i32
      %dma_wait3A_337 = tpu.memref_slice %arg12[%dma_wait3A_335, %dma_wait3A_336] : memref<16x128xi32, #tpu.memory_space<vmem>> -> memref<1x128xi32, #tpu.memory_space<vmem>>
      %dma_wait3A_338 = tpu.memref_squeeze %dma_wait3A_337 : memref<1x128xi32, #tpu.memory_space<vmem>> -> memref<128xi32, #tpu.memory_space<vmem>>
      %dma_wait3A_339 = arith.constant 0 : i32
      %dma_wait3A_340 = arith.constant 0 : i32
      %dma_wait3A_341 = tpu.memref_slice %arg2[%dma_wait3A_339, %dma_wait3A_340] : memref<10112x128xf32, #tpu.memory_space<hbm>> -> memref<10112x128xf32, #tpu.memory_space<hbm>>
      tpu.wait_indirect_dma semaphore(%arg8 : memref<!tpu.dma_semaphore, #tpu.memory_space<semaphore_mem>>) src(%dma_wait3A_341 : memref<10112x128xf32, #tpu.memory_space<hbm>>) dst(%arg10 : memref<128x128xf32, #tpu.memory_space<vmem>>)
      %dma_start3A_342 = arith.constant 10 : i32
      %dma_start3A_343 = arith.constant 0 : i32
      %dma_start3A_344 = tpu.memref_slice %arg7[%dma_start3A_342, %dma_start3A_343] : memref<16x128xi32, #tpu.memory_space<vmem>> -> memref<1x128xi32, #tpu.memory_space<vmem>>
      %dma_start3A_345 = tpu.memref_squeeze %dma_start3A_344 : memref<1x128xi32, #tpu.memory_space<vmem>> -> memref<128xi32, #tpu.memory_space<vmem>>
      %dma_start3A_346 = arith.constant 0 : i32
      %dma_start3A_347 = arith.constant 0 : i32
      %dma_start3A_348 = tpu.memref_slice %arg6[%dma_start3A_346, %dma_start3A_347] : memref<10112x128xf32, #tpu.memory_space<vmem_shared>> -> memref<10112x128xf32, #tpu.memory_space<vmem_shared>>
      tpu.enqueue_indirect_dma source(%arg10 : memref<128x128xf32, #tpu.memory_space<vmem>>) target(%dma_start3A_348 : memref<10112x128xf32, #tpu.memory_space<vmem_shared>>) offsets(%dma_start3A_345 : memref<128xi32, #tpu.memory_space<vmem>>) semaphore(%arg13 : memref<!tpu.dma_semaphore, #tpu.memory_space<semaphore_mem>>) {add = true}
      %dma_wait3A_349 = arith.constant 10 : i32
      %dma_wait3A_350 = arith.constant 0 : i32
      %dma_wait3A_351 = tpu.memref_slice %arg7[%dma_wait3A_349, %dma_wait3A_350] : memref<16x128xi32, #tpu.memory_space<vmem>> -> memref<1x128xi32, #tpu.memory_space<vmem>>
      %dma_wait3A_352 = tpu.memref_squeeze %dma_wait3A_351 : memref<1x128xi32, #tpu.memory_space<vmem>> -> memref<128xi32, #tpu.memory_space<vmem>>
      %dma_wait3A_353 = arith.constant 0 : i32
      %dma_wait3A_354 = arith.constant 0 : i32
      %dma_wait3A_355 = tpu.memref_slice %arg6[%dma_wait3A_353, %dma_wait3A_354] : memref<10112x128xf32, #tpu.memory_space<vmem_shared>> -> memref<10112x128xf32, #tpu.memory_space<vmem_shared>>
      tpu.wait_indirect_dma semaphore(%arg13 : memref<!tpu.dma_semaphore, #tpu.memory_space<semaphore_mem>>) src(%arg10 : memref<128x128xf32, #tpu.memory_space<vmem>>) dst(%dma_wait3A_355 : memref<10112x128xf32, #tpu.memory_space<vmem_shared>>)
      %dma_start3A_356 = arith.constant 12 : i32
      %dma_start3A_357 = arith.constant 0 : i32
      %dma_start3A_358 = tpu.memref_slice %arg12[%dma_start3A_356, %dma_start3A_357] : memref<16x128xi32, #tpu.memory_space<vmem>> -> memref<1x128xi32, #tpu.memory_space<vmem>>
      %dma_start3A_359 = tpu.memref_squeeze %dma_start3A_358 : memref<1x128xi32, #tpu.memory_space<vmem>> -> memref<128xi32, #tpu.memory_space<vmem>>
      %dma_start3A_360 = arith.constant 0 : i32
      %dma_start3A_361 = arith.constant 0 : i32
      %dma_start3A_362 = tpu.memref_slice %arg2[%dma_start3A_360, %dma_start3A_361] : memref<10112x128xf32, #tpu.memory_space<hbm>> -> memref<10112x128xf32, #tpu.memory_space<hbm>>
      tpu.enqueue_indirect_dma source(%dma_start3A_362 : memref<10112x128xf32, #tpu.memory_space<hbm>>) target(%arg10 : memref<128x128xf32, #tpu.memory_space<vmem>>) offsets(%dma_start3A_359 : memref<128xi32, #tpu.memory_space<vmem>>) semaphore(%arg8 : memref<!tpu.dma_semaphore, #tpu.memory_space<semaphore_mem>>)
      %dma_wait3A_363 = arith.constant 11 : i32
      %dma_wait3A_364 = arith.constant 0 : i32
      %dma_wait3A_365 = tpu.memref_slice %arg12[%dma_wait3A_363, %dma_wait3A_364] : memref<16x128xi32, #tpu.memory_space<vmem>> -> memref<1x128xi32, #tpu.memory_space<vmem>>
      %dma_wait3A_366 = tpu.memref_squeeze %dma_wait3A_365 : memref<1x128xi32, #tpu.memory_space<vmem>> -> memref<128xi32, #tpu.memory_space<vmem>>
      %dma_wait3A_367 = arith.constant 0 : i32
      %dma_wait3A_368 = arith.constant 0 : i32
      %dma_wait3A_369 = tpu.memref_slice %arg2[%dma_wait3A_367, %dma_wait3A_368] : memref<10112x128xf32, #tpu.memory_space<hbm>> -> memref<10112x128xf32, #tpu.memory_space<hbm>>
      tpu.wait_indirect_dma semaphore(%arg9 : memref<!tpu.dma_semaphore, #tpu.memory_space<semaphore_mem>>) src(%dma_wait3A_369 : memref<10112x128xf32, #tpu.memory_space<hbm>>) dst(%arg11 : memref<128x128xf32, #tpu.memory_space<vmem>>)
      %dma_start3A_370 = arith.constant 11 : i32
      %dma_start3A_371 = arith.constant 0 : i32
      %dma_start3A_372 = tpu.memref_slice %arg7[%dma_start3A_370, %dma_start3A_371] : memref<16x128xi32, #tpu.memory_space<vmem>> -> memref<1x128xi32, #tpu.memory_space<vmem>>
      %dma_start3A_373 = tpu.memref_squeeze %dma_start3A_372 : memref<1x128xi32, #tpu.memory_space<vmem>> -> memref<128xi32, #tpu.memory_space<vmem>>
      %dma_start3A_374 = arith.constant 0 : i32
      %dma_start3A_375 = arith.constant 0 : i32
      %dma_start3A_376 = tpu.memref_slice %arg6[%dma_start3A_374, %dma_start3A_375] : memref<10112x128xf32, #tpu.memory_space<vmem_shared>> -> memref<10112x128xf32, #tpu.memory_space<vmem_shared>>
      tpu.enqueue_indirect_dma source(%arg11 : memref<128x128xf32, #tpu.memory_space<vmem>>) target(%dma_start3A_376 : memref<10112x128xf32, #tpu.memory_space<vmem_shared>>) offsets(%dma_start3A_373 : memref<128xi32, #tpu.memory_space<vmem>>) semaphore(%arg14 : memref<!tpu.dma_semaphore, #tpu.memory_space<semaphore_mem>>) {add = true}
      %dma_wait3A_377 = arith.constant 11 : i32
      %dma_wait3A_378 = arith.constant 0 : i32
      %dma_wait3A_379 = tpu.memref_slice %arg7[%dma_wait3A_377, %dma_wait3A_378] : memref<16x128xi32, #tpu.memory_space<vmem>> -> memref<1x128xi32, #tpu.memory_space<vmem>>
      %dma_wait3A_380 = tpu.memref_squeeze %dma_wait3A_379 : memref<1x128xi32, #tpu.memory_space<vmem>> -> memref<128xi32, #tpu.memory_space<vmem>>
      %dma_wait3A_381 = arith.constant 0 : i32
      %dma_wait3A_382 = arith.constant 0 : i32
      %dma_wait3A_383 = tpu.memref_slice %arg6[%dma_wait3A_381, %dma_wait3A_382] : memref<10112x128xf32, #tpu.memory_space<vmem_shared>> -> memref<10112x128xf32, #tpu.memory_space<vmem_shared>>
      tpu.wait_indirect_dma semaphore(%arg14 : memref<!tpu.dma_semaphore, #tpu.memory_space<semaphore_mem>>) src(%arg11 : memref<128x128xf32, #tpu.memory_space<vmem>>) dst(%dma_wait3A_383 : memref<10112x128xf32, #tpu.memory_space<vmem_shared>>)
      %dma_start3A_384 = arith.constant 13 : i32
      %dma_start3A_385 = arith.constant 0 : i32
      %dma_start3A_386 = tpu.memref_slice %arg12[%dma_start3A_384, %dma_start3A_385] : memref<16x128xi32, #tpu.memory_space<vmem>> -> memref<1x128xi32, #tpu.memory_space<vmem>>
      %dma_start3A_387 = tpu.memref_squeeze %dma_start3A_386 : memref<1x128xi32, #tpu.memory_space<vmem>> -> memref<128xi32, #tpu.memory_space<vmem>>
      %dma_start3A_388 = arith.constant 0 : i32
      %dma_start3A_389 = arith.constant 0 : i32
      %dma_start3A_390 = tpu.memref_slice %arg2[%dma_start3A_388, %dma_start3A_389] : memref<10112x128xf32, #tpu.memory_space<hbm>> -> memref<10112x128xf32, #tpu.memory_space<hbm>>
      tpu.enqueue_indirect_dma source(%dma_start3A_390 : memref<10112x128xf32, #tpu.memory_space<hbm>>) target(%arg11 : memref<128x128xf32, #tpu.memory_space<vmem>>) offsets(%dma_start3A_387 : memref<128xi32, #tpu.memory_space<vmem>>) semaphore(%arg9 : memref<!tpu.dma_semaphore, #tpu.memory_space<semaphore_mem>>)
      %dma_wait3A_391 = arith.constant 12 : i32
      %dma_wait3A_392 = arith.constant 0 : i32
      %dma_wait3A_393 = tpu.memref_slice %arg12[%dma_wait3A_391, %dma_wait3A_392] : memref<16x128xi32, #tpu.memory_space<vmem>> -> memref<1x128xi32, #tpu.memory_space<vmem>>
      %dma_wait3A_394 = tpu.memref_squeeze %dma_wait3A_393 : memref<1x128xi32, #tpu.memory_space<vmem>> -> memref<128xi32, #tpu.memory_space<vmem>>
      %dma_wait3A_395 = arith.constant 0 : i32
      %dma_wait3A_396 = arith.constant 0 : i32
      %dma_wait3A_397 = tpu.memref_slice %arg2[%dma_wait3A_395, %dma_wait3A_396] : memref<10112x128xf32, #tpu.memory_space<hbm>> -> memref<10112x128xf32, #tpu.memory_space<hbm>>
      tpu.wait_indirect_dma semaphore(%arg8 : memref<!tpu.dma_semaphore, #tpu.memory_space<semaphore_mem>>) src(%dma_wait3A_397 : memref<10112x128xf32, #tpu.memory_space<hbm>>) dst(%arg10 : memref<128x128xf32, #tpu.memory_space<vmem>>)
      %dma_start3A_398 = arith.constant 12 : i32
      %dma_start3A_399 = arith.constant 0 : i32
      %dma_start3A_400 = tpu.memref_slice %arg7[%dma_start3A_398, %dma_start3A_399] : memref<16x128xi32, #tpu.memory_space<vmem>> -> memref<1x128xi32, #tpu.memory_space<vmem>>
      %dma_start3A_401 = tpu.memref_squeeze %dma_start3A_400 : memref<1x128xi32, #tpu.memory_space<vmem>> -> memref<128xi32, #tpu.memory_space<vmem>>
      %dma_start3A_402 = arith.constant 0 : i32
      %dma_start3A_403 = arith.constant 0 : i32
      %dma_start3A_404 = tpu.memref_slice %arg6[%dma_start3A_402, %dma_start3A_403] : memref<10112x128xf32, #tpu.memory_space<vmem_shared>> -> memref<10112x128xf32, #tpu.memory_space<vmem_shared>>
      tpu.enqueue_indirect_dma source(%arg10 : memref<128x128xf32, #tpu.memory_space<vmem>>) target(%dma_start3A_404 : memref<10112x128xf32, #tpu.memory_space<vmem_shared>>) offsets(%dma_start3A_401 : memref<128xi32, #tpu.memory_space<vmem>>) semaphore(%arg13 : memref<!tpu.dma_semaphore, #tpu.memory_space<semaphore_mem>>) {add = true}
      %dma_wait3A_405 = arith.constant 12 : i32
      %dma_wait3A_406 = arith.constant 0 : i32
      %dma_wait3A_407 = tpu.memref_slice %arg7[%dma_wait3A_405, %dma_wait3A_406] : memref<16x128xi32, #tpu.memory_space<vmem>> -> memref<1x128xi32, #tpu.memory_space<vmem>>
      %dma_wait3A_408 = tpu.memref_squeeze %dma_wait3A_407 : memref<1x128xi32, #tpu.memory_space<vmem>> -> memref<128xi32, #tpu.memory_space<vmem>>
      %dma_wait3A_409 = arith.constant 0 : i32
      %dma_wait3A_410 = arith.constant 0 : i32
      %dma_wait3A_411 = tpu.memref_slice %arg6[%dma_wait3A_409, %dma_wait3A_410] : memref<10112x128xf32, #tpu.memory_space<vmem_shared>> -> memref<10112x128xf32, #tpu.memory_space<vmem_shared>>
      tpu.wait_indirect_dma semaphore(%arg13 : memref<!tpu.dma_semaphore, #tpu.memory_space<semaphore_mem>>) src(%arg10 : memref<128x128xf32, #tpu.memory_space<vmem>>) dst(%dma_wait3A_411 : memref<10112x128xf32, #tpu.memory_space<vmem_shared>>)
      %dma_start3A_412 = arith.constant 14 : i32
      %dma_start3A_413 = arith.constant 0 : i32
      %dma_start3A_414 = tpu.memref_slice %arg12[%dma_start3A_412, %dma_start3A_413] : memref<16x128xi32, #tpu.memory_space<vmem>> -> memref<1x128xi32, #tpu.memory_space<vmem>>
      %dma_start3A_415 = tpu.memref_squeeze %dma_start3A_414 : memref<1x128xi32, #tpu.memory_space<vmem>> -> memref<128xi32, #tpu.memory_space<vmem>>
      %dma_start3A_416 = arith.constant 0 : i32
      %dma_start3A_417 = arith.constant 0 : i32
      %dma_start3A_418 = tpu.memref_slice %arg2[%dma_start3A_416, %dma_start3A_417] : memref<10112x128xf32, #tpu.memory_space<hbm>> -> memref<10112x128xf32, #tpu.memory_space<hbm>>
      tpu.enqueue_indirect_dma source(%dma_start3A_418 : memref<10112x128xf32, #tpu.memory_space<hbm>>) target(%arg10 : memref<128x128xf32, #tpu.memory_space<vmem>>) offsets(%dma_start3A_415 : memref<128xi32, #tpu.memory_space<vmem>>) semaphore(%arg8 : memref<!tpu.dma_semaphore, #tpu.memory_space<semaphore_mem>>)
      %dma_wait3A_419 = arith.constant 13 : i32
      %dma_wait3A_420 = arith.constant 0 : i32
      %dma_wait3A_421 = tpu.memref_slice %arg12[%dma_wait3A_419, %dma_wait3A_420] : memref<16x128xi32, #tpu.memory_space<vmem>> -> memref<1x128xi32, #tpu.memory_space<vmem>>
      %dma_wait3A_422 = tpu.memref_squeeze %dma_wait3A_421 : memref<1x128xi32, #tpu.memory_space<vmem>> -> memref<128xi32, #tpu.memory_space<vmem>>
      %dma_wait3A_423 = arith.constant 0 : i32
      %dma_wait3A_424 = arith.constant 0 : i32
      %dma_wait3A_425 = tpu.memref_slice %arg2[%dma_wait3A_423, %dma_wait3A_424] : memref<10112x128xf32, #tpu.memory_space<hbm>> -> memref<10112x128xf32, #tpu.memory_space<hbm>>
      tpu.wait_indirect_dma semaphore(%arg9 : memref<!tpu.dma_semaphore, #tpu.memory_space<semaphore_mem>>) src(%dma_wait3A_425 : memref<10112x128xf32, #tpu.memory_space<hbm>>) dst(%arg11 : memref<128x128xf32, #tpu.memory_space<vmem>>)
      %dma_start3A_426 = arith.constant 13 : i32
      %dma_start3A_427 = arith.constant 0 : i32
      %dma_start3A_428 = tpu.memref_slice %arg7[%dma_start3A_426, %dma_start3A_427] : memref<16x128xi32, #tpu.memory_space<vmem>> -> memref<1x128xi32, #tpu.memory_space<vmem>>
      %dma_start3A_429 = tpu.memref_squeeze %dma_start3A_428 : memref<1x128xi32, #tpu.memory_space<vmem>> -> memref<128xi32, #tpu.memory_space<vmem>>
      %dma_start3A_430 = arith.constant 0 : i32
      %dma_start3A_431 = arith.constant 0 : i32
      %dma_start3A_432 = tpu.memref_slice %arg6[%dma_start3A_430, %dma_start3A_431] : memref<10112x128xf32, #tpu.memory_space<vmem_shared>> -> memref<10112x128xf32, #tpu.memory_space<vmem_shared>>
      tpu.enqueue_indirect_dma source(%arg11 : memref<128x128xf32, #tpu.memory_space<vmem>>) target(%dma_start3A_432 : memref<10112x128xf32, #tpu.memory_space<vmem_shared>>) offsets(%dma_start3A_429 : memref<128xi32, #tpu.memory_space<vmem>>) semaphore(%arg14 : memref<!tpu.dma_semaphore, #tpu.memory_space<semaphore_mem>>) {add = true}
      %dma_wait3A_433 = arith.constant 13 : i32
      %dma_wait3A_434 = arith.constant 0 : i32
      %dma_wait3A_435 = tpu.memref_slice %arg7[%dma_wait3A_433, %dma_wait3A_434] : memref<16x128xi32, #tpu.memory_space<vmem>> -> memref<1x128xi32, #tpu.memory_space<vmem>>
      %dma_wait3A_436 = tpu.memref_squeeze %dma_wait3A_435 : memref<1x128xi32, #tpu.memory_space<vmem>> -> memref<128xi32, #tpu.memory_space<vmem>>
      %dma_wait3A_437 = arith.constant 0 : i32
      %dma_wait3A_438 = arith.constant 0 : i32
      %dma_wait3A_439 = tpu.memref_slice %arg6[%dma_wait3A_437, %dma_wait3A_438] : memref<10112x128xf32, #tpu.memory_space<vmem_shared>> -> memref<10112x128xf32, #tpu.memory_space<vmem_shared>>
      tpu.wait_indirect_dma semaphore(%arg14 : memref<!tpu.dma_semaphore, #tpu.memory_space<semaphore_mem>>) src(%arg11 : memref<128x128xf32, #tpu.memory_space<vmem>>) dst(%dma_wait3A_439 : memref<10112x128xf32, #tpu.memory_space<vmem_shared>>)
      %dma_start3A_440 = arith.constant 15 : i32
      %dma_start3A_441 = arith.constant 0 : i32
      %dma_start3A_442 = tpu.memref_slice %arg12[%dma_start3A_440, %dma_start3A_441] : memref<16x128xi32, #tpu.memory_space<vmem>> -> memref<1x128xi32, #tpu.memory_space<vmem>>
      %dma_start3A_443 = tpu.memref_squeeze %dma_start3A_442 : memref<1x128xi32, #tpu.memory_space<vmem>> -> memref<128xi32, #tpu.memory_space<vmem>>
      %dma_start3A_444 = arith.constant 0 : i32
      %dma_start3A_445 = arith.constant 0 : i32
      %dma_start3A_446 = tpu.memref_slice %arg2[%dma_start3A_444, %dma_start3A_445] : memref<10112x128xf32, #tpu.memory_space<hbm>> -> memref<10112x128xf32, #tpu.memory_space<hbm>>
      tpu.enqueue_indirect_dma source(%dma_start3A_446 : memref<10112x128xf32, #tpu.memory_space<hbm>>) target(%arg11 : memref<128x128xf32, #tpu.memory_space<vmem>>) offsets(%dma_start3A_443 : memref<128xi32, #tpu.memory_space<vmem>>) semaphore(%arg9 : memref<!tpu.dma_semaphore, #tpu.memory_space<semaphore_mem>>)
      %dma_wait3A_447 = arith.constant 14 : i32
      %dma_wait3A_448 = arith.constant 0 : i32
      %dma_wait3A_449 = tpu.memref_slice %arg12[%dma_wait3A_447, %dma_wait3A_448] : memref<16x128xi32, #tpu.memory_space<vmem>> -> memref<1x128xi32, #tpu.memory_space<vmem>>
      %dma_wait3A_450 = tpu.memref_squeeze %dma_wait3A_449 : memref<1x128xi32, #tpu.memory_space<vmem>> -> memref<128xi32, #tpu.memory_space<vmem>>
      %dma_wait3A_451 = arith.constant 0 : i32
      %dma_wait3A_452 = arith.constant 0 : i32
      %dma_wait3A_453 = tpu.memref_slice %arg2[%dma_wait3A_451, %dma_wait3A_452] : memref<10112x128xf32, #tpu.memory_space<hbm>> -> memref<10112x128xf32, #tpu.memory_space<hbm>>
      tpu.wait_indirect_dma semaphore(%arg8 : memref<!tpu.dma_semaphore, #tpu.memory_space<semaphore_mem>>) src(%dma_wait3A_453 : memref<10112x128xf32, #tpu.memory_space<hbm>>) dst(%arg10 : memref<128x128xf32, #tpu.memory_space<vmem>>)
      %dma_start3A_454 = arith.constant 14 : i32
      %dma_start3A_455 = arith.constant 0 : i32
      %dma_start3A_456 = tpu.memref_slice %arg7[%dma_start3A_454, %dma_start3A_455] : memref<16x128xi32, #tpu.memory_space<vmem>> -> memref<1x128xi32, #tpu.memory_space<vmem>>
      %dma_start3A_457 = tpu.memref_squeeze %dma_start3A_456 : memref<1x128xi32, #tpu.memory_space<vmem>> -> memref<128xi32, #tpu.memory_space<vmem>>
      %dma_start3A_458 = arith.constant 0 : i32
      %dma_start3A_459 = arith.constant 0 : i32
      %dma_start3A_460 = tpu.memref_slice %arg6[%dma_start3A_458, %dma_start3A_459] : memref<10112x128xf32, #tpu.memory_space<vmem_shared>> -> memref<10112x128xf32, #tpu.memory_space<vmem_shared>>
      tpu.enqueue_indirect_dma source(%arg10 : memref<128x128xf32, #tpu.memory_space<vmem>>) target(%dma_start3A_460 : memref<10112x128xf32, #tpu.memory_space<vmem_shared>>) offsets(%dma_start3A_457 : memref<128xi32, #tpu.memory_space<vmem>>) semaphore(%arg13 : memref<!tpu.dma_semaphore, #tpu.memory_space<semaphore_mem>>) {add = true}
      %dma_wait3A_461 = arith.constant 14 : i32
      %dma_wait3A_462 = arith.constant 0 : i32
      %dma_wait3A_463 = tpu.memref_slice %arg7[%dma_wait3A_461, %dma_wait3A_462] : memref<16x128xi32, #tpu.memory_space<vmem>> -> memref<1x128xi32, #tpu.memory_space<vmem>>
      %dma_wait3A_464 = tpu.memref_squeeze %dma_wait3A_463 : memref<1x128xi32, #tpu.memory_space<vmem>> -> memref<128xi32, #tpu.memory_space<vmem>>
      %dma_wait3A_465 = arith.constant 0 : i32
      %dma_wait3A_466 = arith.constant 0 : i32
      %dma_wait3A_467 = tpu.memref_slice %arg6[%dma_wait3A_465, %dma_wait3A_466] : memref<10112x128xf32, #tpu.memory_space<vmem_shared>> -> memref<10112x128xf32, #tpu.memory_space<vmem_shared>>
      tpu.wait_indirect_dma semaphore(%arg13 : memref<!tpu.dma_semaphore, #tpu.memory_space<semaphore_mem>>) src(%arg10 : memref<128x128xf32, #tpu.memory_space<vmem>>) dst(%dma_wait3A_467 : memref<10112x128xf32, #tpu.memory_space<vmem_shared>>)
      %dma_wait3A_468 = arith.constant 15 : i32
      %dma_wait3A_469 = arith.constant 0 : i32
      %dma_wait3A_470 = tpu.memref_slice %arg12[%dma_wait3A_468, %dma_wait3A_469] : memref<16x128xi32, #tpu.memory_space<vmem>> -> memref<1x128xi32, #tpu.memory_space<vmem>>
      %dma_wait3A_471 = tpu.memref_squeeze %dma_wait3A_470 : memref<1x128xi32, #tpu.memory_space<vmem>> -> memref<128xi32, #tpu.memory_space<vmem>>
      %dma_wait3A_472 = arith.constant 0 : i32
      %dma_wait3A_473 = arith.constant 0 : i32
      %dma_wait3A_474 = tpu.memref_slice %arg2[%dma_wait3A_472, %dma_wait3A_473] : memref<10112x128xf32, #tpu.memory_space<hbm>> -> memref<10112x128xf32, #tpu.memory_space<hbm>>
      tpu.wait_indirect_dma semaphore(%arg9 : memref<!tpu.dma_semaphore, #tpu.memory_space<semaphore_mem>>) src(%dma_wait3A_474 : memref<10112x128xf32, #tpu.memory_space<hbm>>) dst(%arg11 : memref<128x128xf32, #tpu.memory_space<vmem>>)
      %dma_start3A_475 = arith.constant 15 : i32
      %dma_start3A_476 = arith.constant 0 : i32
      %dma_start3A_477 = tpu.memref_slice %arg7[%dma_start3A_475, %dma_start3A_476] : memref<16x128xi32, #tpu.memory_space<vmem>> -> memref<1x128xi32, #tpu.memory_space<vmem>>
      %dma_start3A_478 = tpu.memref_squeeze %dma_start3A_477 : memref<1x128xi32, #tpu.memory_space<vmem>> -> memref<128xi32, #tpu.memory_space<vmem>>
      %dma_start3A_479 = arith.constant 0 : i32
      %dma_start3A_480 = arith.constant 0 : i32
      %dma_start3A_481 = tpu.memref_slice %arg6[%dma_start3A_479, %dma_start3A_480] : memref<10112x128xf32, #tpu.memory_space<vmem_shared>> -> memref<10112x128xf32, #tpu.memory_space<vmem_shared>>
      tpu.enqueue_indirect_dma source(%arg11 : memref<128x128xf32, #tpu.memory_space<vmem>>) target(%dma_start3A_481 : memref<10112x128xf32, #tpu.memory_space<vmem_shared>>) offsets(%dma_start3A_478 : memref<128xi32, #tpu.memory_space<vmem>>) semaphore(%arg14 : memref<!tpu.dma_semaphore, #tpu.memory_space<semaphore_mem>>) {add = true}
      %dma_wait3A_482 = arith.constant 15 : i32
      %dma_wait3A_483 = arith.constant 0 : i32
      %dma_wait3A_484 = tpu.memref_slice %arg7[%dma_wait3A_482, %dma_wait3A_483] : memref<16x128xi32, #tpu.memory_space<vmem>> -> memref<1x128xi32, #tpu.memory_space<vmem>>
      %dma_wait3A_485 = tpu.memref_squeeze %dma_wait3A_484 : memref<1x128xi32, #tpu.memory_space<vmem>> -> memref<128xi32, #tpu.memory_space<vmem>>
      %dma_wait3A_486 = arith.constant 0 : i32
      %dma_wait3A_487 = arith.constant 0 : i32
      %dma_wait3A_488 = tpu.memref_slice %arg6[%dma_wait3A_486, %dma_wait3A_487] : memref<10112x128xf32, #tpu.memory_space<vmem_shared>> -> memref<10112x128xf32, #tpu.memory_space<vmem_shared>>
      tpu.wait_indirect_dma semaphore(%arg14 : memref<!tpu.dma_semaphore, #tpu.memory_space<semaphore_mem>>) src(%arg11 : memref<128x128xf32, #tpu.memory_space<vmem>>) dst(%dma_wait3A_488 : memref<10112x128xf32, #tpu.memory_space<vmem_shared>>)
    }
    %scan3A_32 = arith.constant 5 : i32
    %barrier3A_33 = arith.constant 0 : index
    tpu.barrier barrier_id(%barrier3A_33)
    %mul3A_34 = arith.constant 632 : i32
    %mul3A_35 = arith.muli %arg1, %mul3A_34 : i32
    %mul3A_36 = arith.constant 632 : i32
    %mul3A_37 = arith.muli %arg1, %mul3A_36 : i32
    "tpu.region"() ({
      %run_scoped3A = tpu.sem_alloc : memref<!tpu.dma_semaphore, #tpu.memory_space<semaphore_mem>>
      %dma_start3A = arith.constant 0 : i32
      %dma_start3A_38 = tpu.memref_slice %arg5[%arg0, %mul3A_37, %dma_start3A] : memref<2x10112x128xf32, #tpu.memory_space<hbm>> -> memref<1x632x128xf32, #tpu.memory_space<hbm>>
      %dma_start3A_39 = tpu.memref_squeeze %dma_start3A_38 : memref<1x632x128xf32, #tpu.memory_space<hbm>> -> memref<632x128xf32, #tpu.memory_space<hbm>>
      %dma_start3A_40 = arith.constant 0 : i32
      %dma_start3A_41 = tpu.memref_slice %arg6[%mul3A_35, %dma_start3A_40] : memref<10112x128xf32, #tpu.memory_space<vmem_shared>> -> memref<632x128xf32, #tpu.memory_space<vmem_shared>>
      tpu.enqueue_dma source(%dma_start3A_41 : memref<632x128xf32, #tpu.memory_space<vmem_shared>>) target(%dma_start3A_39 : memref<632x128xf32, #tpu.memory_space<hbm>>) target_semaphore(%run_scoped3A : memref<!tpu.dma_semaphore, #tpu.memory_space<semaphore_mem>>)
      %dma_wait3A = arith.constant 0 : i32
      %dma_wait3A_42 = tpu.memref_slice %arg5[%arg0, %mul3A_37, %dma_wait3A] : memref<2x10112x128xf32, #tpu.memory_space<hbm>> -> memref<1x632x128xf32, #tpu.memory_space<hbm>>
      %dma_wait3A_43 = tpu.memref_squeeze %dma_wait3A_42 : memref<1x632x128xf32, #tpu.memory_space<hbm>> -> memref<632x128xf32, #tpu.memory_space<hbm>>
      %dma_wait3A_44 = arith.constant 0 : i32
      %dma_wait3A_45 = tpu.memref_slice %arg6[%mul3A_35, %dma_wait3A_44] : memref<10112x128xf32, #tpu.memory_space<vmem_shared>> -> memref<632x128xf32, #tpu.memory_space<vmem_shared>>
      tpu.wait_dma2 semaphore(%run_scoped3A : memref<!tpu.dma_semaphore, #tpu.memory_space<semaphore_mem>>) src(%dma_wait3A_45 : memref<632x128xf32, #tpu.memory_space<vmem_shared>>) dst(%dma_wait3A_43 : memref<632x128xf32, #tpu.memory_space<hbm>>)
      tpu.yield
    }) : () -> ()
    return
  }
}

module attributes {stable_mosaic.version = 14 : i64} {
  func.func @body(%arg0: i32, %arg1: memref<128x128xf32, #tpu.memory_space<vmem>>, %arg2: memref<128x128xf32, #tpu.memory_space<vmem>>, %arg3: memref<128x128xf32, #tpu.memory_space<vmem>>, %arg4: memref<1x128xf32, #tpu.memory_space<vmem>>, %arg5: memref<128x128xf32, #tpu.memory_space<vmem>>, %arg6: memref<128x128xf32, #tpu.memory_space<vmem>>) attributes {dimension_semantics = [#tpu.dimension_semantics<arbitrary>], iteration_bounds = array<i64: 79>, scalar_prefetch = 0 : i64, scratch_operands = 0 : i64, tpu.core_type = #tpu.core_type<tc>, window_params = [{transform_indices = @transform_0, window_bounds = array<i64: 128, 128>}, {pipeline_mode = #tpu.pipeline_mode<synchronous>, transform_indices = @transform_1, window_bounds = array<i64: 128, 128>}, {pipeline_mode = #tpu.pipeline_mode<synchronous>, transform_indices = @transform_2, window_bounds = array<i64: 128, 128>}, {pipeline_mode = #tpu.pipeline_mode<synchronous>, transform_indices = @transform_3, window_bounds = array<i64: 1, 128>}, {transform_indices = @transform_4, window_bounds = array<i64: 128, 128>}, {transform_indices = @transform_5, window_bounds = array<i64: 128, 128>}]} {
    %get3A = arith.constant 0 : index
    %get3A_0 = arith.constant 0 : index
    %get3A_1 = vector.load %arg1[%get3A, %get3A_0] : memref<128x128xf32, #tpu.memory_space<vmem>>, vector<128x128xf32>
    %get3A_2 = arith.constant 0 : index
    %get3A_3 = arith.constant 0 : index
    %get3A_4 = vector.load %arg2[%get3A_2, %get3A_3] : memref<128x128xf32, #tpu.memory_space<vmem>>, vector<128x128xf32>
    %dot_general3A = arith.constant dense<0.000000e+00> : vector<128x128xf32>
    %dot_general3A_5 = tpu.matmul %get3A_1, %get3A_4, %dot_general3A {dimension_numbers = #tpu.dot_dimension_numbers<[1], [0], [0], [1], [0, 0, 1, 1], [], []>, transpose_lhs_hint = false} : vector<128x128xf32>, vector<128x128xf32>, vector<128x128xf32> -> vector<128x128xf32>
    %swap3A = arith.constant 0 : index
    %swap3A_6 = arith.constant 0 : index
    %swap3A_7 = vector.load %arg5[%swap3A, %swap3A_6] : memref<128x128xf32, #tpu.memory_space<vmem>>, vector<128x128xf32>
    tpu.vector_store %arg5[%swap3A, %swap3A_6], %dot_general3A_5 {strides = array<i32>} : memref<128x128xf32, #tpu.memory_space<vmem>>, vector<128x128xf32>,
    %get3A_8 = arith.constant 0 : index
    %get3A_9 = arith.constant 0 : index
    %get3A_10 = vector.load %arg3[%get3A_8, %get3A_9] : memref<128x128xf32, #tpu.memory_space<vmem>>, vector<128x128xf32>
    %dot_general3A_11 = arith.constant dense<0.000000e+00> : vector<128x128xf32>
    %dot_general3A_12 = tpu.matmul %get3A_1, %get3A_10, %dot_general3A_11 {dimension_numbers = #tpu.dot_dimension_numbers<[1], [0], [0], [1], [0, 0, 1, 1], [], []>, transpose_lhs_hint = false} : vector<128x128xf32>, vector<128x128xf32>, vector<128x128xf32> -> vector<128x128xf32>
    %get3A_13 = arith.constant 0 : index
    %get3A_14 = arith.constant 0 : index
    %get3A_15 = vector.load %arg4[%get3A_13, %get3A_14] : memref<1x128xf32, #tpu.memory_space<vmem>>, vector<1x128xf32>
    %add3A = vector.broadcast %get3A_15 : vector<1x128xf32> to vector<128x128xf32>
    %add3A_16 = arith.addf %dot_general3A_12, %add3A : vector<128x128xf32>
    %swap3A_17 = arith.constant 0 : index
    %swap3A_18 = arith.constant 0 : index
    %swap3A_19 = vector.load %arg6[%swap3A_17, %swap3A_18] : memref<128x128xf32, #tpu.memory_space<vmem>>, vector<128x128xf32>
    tpu.vector_store %arg6[%swap3A_17, %swap3A_18], %add3A_16 {strides = array<i32>} : memref<128x128xf32, #tpu.memory_space<vmem>>, vector<128x128xf32>,
    return
  }
  func.func @transform_0(%arg0: i32) -> (i32, i32) {
    %c0_i32 = arith.constant 0 : i32
    %c0_i32_0 = arith.constant 0 : i32
    return %arg0, %c0_i32 : i32, i32
  }
  func.func @transform_1(%arg0: i32) -> (i32, i32) {
    %c0_i32 = arith.constant 0 : i32
    %c0_i32_0 = arith.constant 0 : i32
    %c0_i32_1 = arith.constant 0 : i32
    return %c0_i32, %c0_i32_0 : i32, i32
  }
  func.func @transform_2(%arg0: i32) -> (i32, i32) {
    %c0_i32 = arith.constant 0 : i32
    %c0_i32_0 = arith.constant 0 : i32
    %c0_i32_1 = arith.constant 0 : i32
    return %c0_i32, %c0_i32_0 : i32, i32
  }
  func.func @transform_3(%arg0: i32) -> (i32, i32) {
    %c0_i32 = arith.constant 0 : i32
    %c0_i32_0 = arith.constant 0 : i32
    %c0_i32_1 = arith.constant 0 : i32
    return %c0_i32, %c0_i32_0 : i32, i32
  }
  func.func @transform_4(%arg0: i32) -> (i32, i32) {
    %c0_i32 = arith.constant 0 : i32
    %c0_i32_0 = arith.constant 0 : i32
    return %arg0, %c0_i32 : i32, i32
  }
  func.func @transform_5(%arg0: i32) -> (i32, i32) {
    %c0_i32 = arith.constant 0 : i32
    %c0_i32_0 = arith.constant 0 : i32
    return %arg0, %c0_i32 : i32, i32
  }
}

module attributes {stable_mosaic.version = 14 : i64} {
  func.func @body(%arg0: i32, %arg1: memref<2x128x128xf32, #tpu.memory_space<vmem>>, %arg2: memref<2x128x128xf32, #tpu.memory_space<vmem>>, %arg3: memref<128x128xf32, #tpu.memory_space<vmem>>, %arg4: memref<128x128xf32, #tpu.memory_space<vmem>>, %arg5: memref<128x128xf32, #tpu.memory_space<vmem>>, %arg6: memref<1x128xf32, #tpu.memory_space<vmem>>, %arg7: memref<128x128xf32, #tpu.memory_space<vmem>>, %arg8: memref<128x128xf32, #tpu.memory_space<vmem>>, %arg9: memref<128x1xf32, #tpu.memory_space<vmem>>) attributes {dimension_semantics = [#tpu.dimension_semantics<arbitrary>], iteration_bounds = array<i64: 79>, scalar_prefetch = 0 : i64, scratch_operands = 0 : i64, tpu.core_type = #tpu.core_type<tc>, window_params = [{transform_indices = @transform_0, window_bounds = array<i64: 2, 128, 128>}, {transform_indices = @transform_1, window_bounds = array<i64: 2, 128, 128>}, {transform_indices = @transform_2, window_bounds = array<i64: 128, 128>}, {pipeline_mode = #tpu.pipeline_mode<synchronous>, transform_indices = @transform_3, window_bounds = array<i64: 128, 128>}, {pipeline_mode = #tpu.pipeline_mode<synchronous>, transform_indices = @transform_4, window_bounds = array<i64: 128, 128>}, {pipeline_mode = #tpu.pipeline_mode<synchronous>, transform_indices = @transform_5, window_bounds = array<i64: 1, 128>}, {transform_indices = @transform_6, window_bounds = array<i64: 128, 128>}, {transform_indices = @transform_7, window_bounds = array<i64: 128, 128>}, {transform_indices = @transform_8, window_bounds = array<i64: 128, 1>}]} {
    %get3A = arith.constant 0 : index
    %get3A_0 = arith.constant 0 : index
    %get3A_1 = arith.constant 0 : index
    %get3A_2 = vector.load %arg1[%get3A, %get3A_0, %get3A_1] : memref<2x128x128xf32, #tpu.memory_space<vmem>>, vector<1x128x128xf32>
    %get3A_3 = vector.shape_cast %get3A_2 : vector<1x128x128xf32> to vector<128x128xf32>
    %get3A_4 = arith.constant 1 : index
    %get3A_5 = arith.constant 0 : index
    %get3A_6 = arith.constant 0 : index
    %get3A_7 = vector.load %arg1[%get3A_4, %get3A_5, %get3A_6] : memref<2x128x128xf32, #tpu.memory_space<vmem>>, vector<1x128x128xf32>
    %get3A_8 = vector.shape_cast %get3A_7 : vector<1x128x128xf32> to vector<128x128xf32>
    %add3A = arith.addf %get3A_3, %get3A_8 : vector<128x128xf32>
    %get3A_9 = arith.constant 0 : index
    %get3A_10 = arith.constant 0 : index
    %get3A_11 = arith.constant 0 : index
    %get3A_12 = vector.load %arg2[%get3A_9, %get3A_10, %get3A_11] : memref<2x128x128xf32, #tpu.memory_space<vmem>>, vector<1x128x128xf32>
    %get3A_13 = vector.shape_cast %get3A_12 : vector<1x128x128xf32> to vector<128x128xf32>
    %get3A_14 = arith.constant 1 : index
    %get3A_15 = arith.constant 0 : index
    %get3A_16 = arith.constant 0 : index
    %get3A_17 = vector.load %arg2[%get3A_14, %get3A_15, %get3A_16] : memref<2x128x128xf32, #tpu.memory_space<vmem>>, vector<1x128x128xf32>
    %get3A_18 = vector.shape_cast %get3A_17 : vector<1x128x128xf32> to vector<128x128xf32>
    %add3A_19 = arith.addf %get3A_13, %get3A_18 : vector<128x128xf32>
    %slice3A = vector.extract_strided_slice %add3A_19 {offsets = [0, 0], sizes = [128, 1], strides = [1, 1]} : vector<128x128xf32> to vector<128x1xf32>
    %max3A = arith.constant 1.000000e+00 : f32
    %max3A_20 = vector.broadcast %max3A : f32 to vector<128x1xf32>
    %max3A_21 = arith.maximumf %slice3A, %max3A_20 : vector<128x1xf32>
    %div3A = arith.constant 1.000000e+00 : f32
    %div3A_22 = vector.broadcast %div3A : f32 to vector<128x1xf32>
    %div3A_23 = arith.divf %div3A_22, %max3A_21 : vector<128x1xf32>
    %mul3A = vector.broadcast %div3A_23 : vector<128x1xf32> to vector<128x128xf32>
    %mul3A_24 = arith.mulf %add3A, %mul3A : vector<128x128xf32>
    %get3A_25 = arith.constant 0 : index
    %get3A_26 = arith.constant 0 : index
    %get3A_27 = vector.load %arg3[%get3A_25, %get3A_26] : memref<128x128xf32, #tpu.memory_space<vmem>>, vector<128x128xf32>
    %add3A_28 = arith.addf %mul3A_24, %get3A_27 : vector<128x128xf32>
    %max3A_29 = arith.constant 0.000000e+00 : f32
    %max3A_30 = vector.broadcast %max3A_29 : f32 to vector<128x128xf32>
    %max3A_31 = arith.maximumf %add3A_28, %max3A_30 : vector<128x128xf32>
    %get3A_32 = arith.constant 0 : index
    %get3A_33 = arith.constant 0 : index
    %get3A_34 = vector.load %arg4[%get3A_32, %get3A_33] : memref<128x128xf32, #tpu.memory_space<vmem>>, vector<128x128xf32>
    %dot_general3A = arith.constant dense<0.000000e+00> : vector<128x128xf32>
    %dot_general3A_35 = tpu.matmul %max3A_31, %get3A_34, %dot_general3A {dimension_numbers = #tpu.dot_dimension_numbers<[1], [0], [0], [1], [0, 0, 1, 1], [], []>, transpose_lhs_hint = false} : vector<128x128xf32>, vector<128x128xf32>, vector<128x128xf32> -> vector<128x128xf32>
    %swap3A = arith.constant 0 : index
    %swap3A_36 = arith.constant 0 : index
    %swap3A_37 = vector.load %arg7[%swap3A, %swap3A_36] : memref<128x128xf32, #tpu.memory_space<vmem>>, vector<128x128xf32>
    tpu.vector_store %arg7[%swap3A, %swap3A_36], %dot_general3A_35 {strides = array<i32>} : memref<128x128xf32, #tpu.memory_space<vmem>>, vector<128x128xf32>,
    %get3A_38 = arith.constant 0 : index
    %get3A_39 = arith.constant 0 : index
    %get3A_40 = vector.load %arg5[%get3A_38, %get3A_39] : memref<128x128xf32, #tpu.memory_space<vmem>>, vector<128x128xf32>
    %dot_general3A_41 = arith.constant dense<0.000000e+00> : vector<128x128xf32>
    %dot_general3A_42 = tpu.matmul %max3A_31, %get3A_40, %dot_general3A_41 {dimension_numbers = #tpu.dot_dimension_numbers<[1], [0], [0], [1], [0, 0, 1, 1], [], []>, transpose_lhs_hint = false} : vector<128x128xf32>, vector<128x128xf32>, vector<128x128xf32> -> vector<128x128xf32>
    %get3A_43 = arith.constant 0 : index
    %get3A_44 = arith.constant 0 : index
    %get3A_45 = vector.load %arg6[%get3A_43, %get3A_44] : memref<1x128xf32, #tpu.memory_space<vmem>>, vector<1x128xf32>
    %add3A_46 = vector.broadcast %get3A_45 : vector<1x128xf32> to vector<128x128xf32>
    %add3A_47 = arith.addf %dot_general3A_42, %add3A_46 : vector<128x128xf32>
    %swap3A_48 = arith.constant 0 : index
    %swap3A_49 = arith.constant 0 : index
    %swap3A_50 = vector.load %arg8[%swap3A_48, %swap3A_49] : memref<128x128xf32, #tpu.memory_space<vmem>>, vector<128x128xf32>
    tpu.vector_store %arg8[%swap3A_48, %swap3A_49], %add3A_47 {strides = array<i32>} : memref<128x128xf32, #tpu.memory_space<vmem>>, vector<128x128xf32>,
    %swap3A_51 = arith.constant 0 : index
    %swap3A_52 = arith.constant 0 : index
    %swap3A_53 = vector.load %arg9[%swap3A_51, %swap3A_52] : memref<128x1xf32, #tpu.memory_space<vmem>>, vector<128x1xf32>
    tpu.vector_store %arg9[%swap3A_51, %swap3A_52], %div3A_23 {strides = array<i32>} : memref<128x1xf32, #tpu.memory_space<vmem>>, vector<128x1xf32>,
    return
  }
  func.func @transform_0(%arg0: i32) -> (i32, i32, i32) {
    %c0_i32 = arith.constant 0 : i32
    %c0_i32_0 = arith.constant 0 : i32
    %c0_i32_1 = arith.constant 0 : i32
    return %c0_i32, %arg0, %c0_i32_0 : i32, i32, i32
  }
  func.func @transform_1(%arg0: i32) -> (i32, i32, i32) {
    %c0_i32 = arith.constant 0 : i32
    %c0_i32_0 = arith.constant 0 : i32
    %c0_i32_1 = arith.constant 0 : i32
    return %c0_i32, %arg0, %c0_i32_0 : i32, i32, i32
  }
  func.func @transform_2(%arg0: i32) -> (i32, i32) {
    %c0_i32 = arith.constant 0 : i32
    %c0_i32_0 = arith.constant 0 : i32
    return %arg0, %c0_i32 : i32, i32
  }
  func.func @transform_3(%arg0: i32) -> (i32, i32) {
    %c0_i32 = arith.constant 0 : i32
    %c0_i32_0 = arith.constant 0 : i32
    %c0_i32_1 = arith.constant 0 : i32
    return %c0_i32, %c0_i32_0 : i32, i32
  }
  func.func @transform_4(%arg0: i32) -> (i32, i32) {
    %c0_i32 = arith.constant 0 : i32
    %c0_i32_0 = arith.constant 0 : i32
    %c0_i32_1 = arith.constant 0 : i32
    return %c0_i32, %c0_i32_0 : i32, i32
  }
  func.func @transform_5(%arg0: i32) -> (i32, i32) {
    %c0_i32 = arith.constant 0 : i32
    %c0_i32_0 = arith.constant 0 : i32
    %c0_i32_1 = arith.constant 0 : i32
    return %c0_i32, %c0_i32_0 : i32, i32
  }
  func.func @transform_6(%arg0: i32) -> (i32, i32) {
    %c0_i32 = arith.constant 0 : i32
    %c0_i32_0 = arith.constant 0 : i32
    return %arg0, %c0_i32 : i32, i32
  }
  func.func @transform_7(%arg0: i32) -> (i32, i32) {
    %c0_i32 = arith.constant 0 : i32
    %c0_i32_0 = arith.constant 0 : i32
    return %arg0, %c0_i32 : i32, i32
  }
  func.func @transform_8(%arg0: i32) -> (i32, i32) {
    %c0_i32 = arith.constant 0 : i32
    %c0_i32_0 = arith.constant 0 : i32
    return %arg0, %c0_i32 : i32, i32
  }
}

module attributes {stable_mosaic.version = 14 : i64} {
  func.func @body(%arg0: i32, %arg1: memref<2x128x128xf32, #tpu.memory_space<vmem>>, %arg2: memref<128x1xf32, #tpu.memory_space<vmem>>, %arg3: memref<128x128xf32, #tpu.memory_space<vmem>>, %arg4: memref<128x128xf32, #tpu.memory_space<vmem>>) attributes {dimension_semantics = [#tpu.dimension_semantics<arbitrary>], iteration_bounds = array<i64: 79>, scalar_prefetch = 0 : i64, scratch_operands = 0 : i64, tpu.core_type = #tpu.core_type<tc>, window_params = [{transform_indices = @transform_0, window_bounds = array<i64: 2, 128, 128>}, {transform_indices = @transform_1, window_bounds = array<i64: 128, 1>}, {transform_indices = @transform_2, window_bounds = array<i64: 128, 128>}, {transform_indices = @transform_3, window_bounds = array<i64: 128, 128>}]} {
    %get3A = arith.constant 0 : index
    %get3A_0 = arith.constant 0 : index
    %get3A_1 = arith.constant 0 : index
    %get3A_2 = vector.load %arg1[%get3A, %get3A_0, %get3A_1] : memref<2x128x128xf32, #tpu.memory_space<vmem>>, vector<1x128x128xf32>
    %get3A_3 = vector.shape_cast %get3A_2 : vector<1x128x128xf32> to vector<128x128xf32>
    %get3A_4 = arith.constant 1 : index
    %get3A_5 = arith.constant 0 : index
    %get3A_6 = arith.constant 0 : index
    %get3A_7 = vector.load %arg1[%get3A_4, %get3A_5, %get3A_6] : memref<2x128x128xf32, #tpu.memory_space<vmem>>, vector<1x128x128xf32>
    %get3A_8 = vector.shape_cast %get3A_7 : vector<1x128x128xf32> to vector<128x128xf32>
    %add3A = arith.addf %get3A_3, %get3A_8 : vector<128x128xf32>
    %get3A_9 = arith.constant 0 : index
    %get3A_10 = arith.constant 0 : index
    %get3A_11 = vector.load %arg2[%get3A_9, %get3A_10] : memref<128x1xf32, #tpu.memory_space<vmem>>, vector<128x1xf32>
    %mul3A = vector.broadcast %get3A_11 : vector<128x1xf32> to vector<128x128xf32>
    %mul3A_12 = arith.mulf %add3A, %mul3A : vector<128x128xf32>
    %get3A_13 = arith.constant 0 : index
    %get3A_14 = arith.constant 0 : index
    %get3A_15 = vector.load %arg3[%get3A_13, %get3A_14] : memref<128x128xf32, #tpu.memory_space<vmem>>, vector<128x128xf32>
    %add3A_16 = arith.addf %mul3A_12, %get3A_15 : vector<128x128xf32>
    %swap3A = arith.constant 0 : index
    %swap3A_17 = arith.constant 0 : index
    %swap3A_18 = vector.load %arg4[%swap3A, %swap3A_17] : memref<128x128xf32, #tpu.memory_space<vmem>>, vector<128x128xf32>
    tpu.vector_store %arg4[%swap3A, %swap3A_17], %add3A_16 {strides = array<i32>} : memref<128x128xf32, #tpu.memory_space<vmem>>, vector<128x128xf32>,
    return
  }
  func.func @transform_0(%arg0: i32) -> (i32, i32, i32) {
    %c0_i32 = arith.constant 0 : i32
    %c0_i32_0 = arith.constant 0 : i32
    %c0_i32_1 = arith.constant 0 : i32
    return %c0_i32, %arg0, %c0_i32_0 : i32, i32, i32
  }
  func.func @transform_1(%arg0: i32) -> (i32, i32) {
    %c0_i32 = arith.constant 0 : i32
    %c0_i32_0 = arith.constant 0 : i32
    return %arg0, %c0_i32 : i32, i32
  }
  func.func @transform_2(%arg0: i32) -> (i32, i32) {
    %c0_i32 = arith.constant 0 : i32
    %c0_i32_0 = arith.constant 0 : i32
    return %arg0, %c0_i32 : i32, i32
  }
  func.func @transform_3(%arg0: i32) -> (i32, i32) {
    %c0_i32 = arith.constant 0 : i32
    %c0_i32_0 = arith.constant 0 : i32
    return %arg0, %c0_i32 : i32, i32
  }
}

</mosaic_0001>

<sc_bundles>
// kernel: kernel.11.cloned.1.call-start
scs
__scs_entry_jumppad:
0x0: {  	(pc) =	sbr.rel $0x88, $3  }
0x1: {  	(tag) =	ssettag $0x0;
	lr =	simm.s32 $0x1  }
0x2: {  	[smem:$0x3F99] =	sst lr;
	_ =	strace $0xD0000000  }
0x3: {  	_ = 	snop  }
0x4: {  	_ = 	snop  }
0x5: {  	_ = 	snop  }
0x6: {  	_ = 	snop  }
0x7: {  	_ = 	snop  }
__scs_overlays_trampoline_lowered:
0x8: {  	[smem:$0x3FA8] =	sst s0  }
0x9: {  	[smem:$0x3FA9] =	sst s1  }
0xa: {  	[smem:$0x3FAA] =	sst s2  }
0xb: {  	[smem:$0x3FAB] =	sst s3  }
0xc: {  	[smem:$0x3FAC] =	sst s4  }
0xd: {  	[smem:$0x3FAD] =	sst s5  }
0xe: {  	[smem:$0x3FAE] =	sst s6  }
0xf: {  	[smem:$0x3FAF] =	sst s7  }
0x10: {  	[smem:$0x3FB0] =	sst s8  }
0x11: {  	[smem:$0x3FB1] =	sst s9;
	s0 =	simm.s32 @!p0 $0x0  }
0x12: {  	s1 =	sld [smem:$0x3F97];
	s0 =	simm.s32 @p0 $0x1  }
0x13: {  	[smem:$0x3FB2] =	sst s0;
	s0 =	simm.s32 @!p1 $0x0  }
0x14: {  	s2 =	sld [smem:$0x3F96];
	s0 =	simm.s32 @p1 $0x1  }
0x15: {  	[smem:$0x3FB3] =	sst s0;
	s0 =	simm.s32 @!p2 $0x0  }
0x16: {  	s3 =	sld [smem:$0x3FDB];
	s0 =	simm.s32 @p2 $0x1  }
0x17: {  	s4 =	simm.s32 $0x1BF5;
	[smem:$0x3FB5] =	sst s0  }
0x18: {  	s0 =	sld [smem:$0x3F98];
	_ =	swait.ge [sflag:s4], $0x0  }
0x19: {  	s7 =	sld [smem:$0x3F99]  }
0x1a: {  	s8 =	sadd.s32 $0xFFFFE003, lr  }
0x1b: {  	s9 =	sadd.s32 $0xFFFFFEF7, lr;
	s5 =	simm.s32 $0xFFFFFFFF;
	p2 =	slt.u32 s8, $0xFFFFF086  }
0x1c: {  	p1 =	slt.u32 s9, $0xF7A;
	s5 =	simm.s32 @!p2 $0x0  }
0x1d: {  	s5 =	simm.s32 @p1 $0x1;
	p0 =	seq.s32 s7, s2  }
0x1e: {  	s7 =	smul.u32 @!p0 $0xF7A, s2;
	p2 =	seq.s32 @!p0 s5, $0x0  }
0x1f: {  	s9 =	smul.u32 $0xF7A, s1;
	s8 =	simm.s32 @!p0 $0x1BF5;
	p2 =	por !p2, p0  }
0x20: {  	[sflag:s8] =	ssyncset.s32 @!p0 $0xFFFFF086;
	s6 =	sadd.s32 @!p0 s3, s7;
	s7 =	simm.s32 @!p0 $0x108  }
0x21: {  	s3 =	sadd.s32 s3, s9;
	s6 =	sadd.s32 @!p0 $0x88, s6;
	s7 =	simm.s32 @p2 $0x1082  }
0x22: {  	[simem:s7], [sflag:s8] =	dma.local @!p0 [hbm:s6], $0xF7A  }
0x23: {  	s9 =	sor.u32 $0xD0000000, s2;
	s6 =	simm.s32 $0x108;
	_ =	swait.ge @!p0 [sflag:s8], $0x0  }
0x24: {  	s3 =	sadd.s32 $0x88, s3;
	s6 =	simm.s32 @!p1 $0x1082;
	[sflag:s4] =	ssyncset.s32 $0xFFFFF086  }
0x25: {  	[simem:s6], [sflag:s4] =	dma.local [hbm:s3], $0xF7A  }
0x26: {  	[smem:$0x3F99] =	sst s1;
	(tag) =	ssettag s2;
	_ =	strace s9  }
0x27: {  	s1 =	sld [smem:$0x3FA9]  }
0x28: {  	s2 =	sld [smem:$0x3FAA]  }
0x29: {  	s4 =	sld [smem:$0x3FAC]  }
0x2a: {  	p0 =	seq.s32 s5, $0x0;
	s5 =	sld [smem:$0x3FAD]  }
0x2b: {  	s6 =	sld [smem:$0x3FAE]  }
0x2c: {  	s7 =	sld [smem:$0x3FAF]  }
0x2d: {  	s3 =	simm.s32 $0x108;
	s8 =	sld [smem:$0x3FB0]  }
0x2e: {  	s3 =	simm.s32 @!p0 $0x1082;
	s9 =	sld [smem:$0x3FB1]  }
0x2f: {  	lr =	sadd.s32 s0, s3;
	s0 =	sld [smem:$0x3FA8]  }
0x30: {  	s3 =	sld [smem:$0x3FAB]  }
0x31: {  	[smem:$0x3FB4] =	sst s10  }
0x32: {  	s10 =	sld [smem:$0x3FB2];
	_ =	sdelay $0x3  }
0x33: {  	p0 =	seq.s32 s10, $0x1;
	s10 =	sld [smem:$0x3FB4];
	_ =	sdelay $0x3  }
0x34: {  	[smem:$0x3FB4] =	sst s10  }
0x35: {  	s10 =	sld [smem:$0x3FB3];
	_ =	sdelay $0x3  }
0x36: {  	p1 =	seq.s32 s10, $0x1;
	s10 =	sld [smem:$0x3FB4];
	_ =	sdelay $0x3  }
0x37: {  	[smem:$0x3FB4] =	sst s10  }
0x38: {  	s10 =	sld [smem:$0x3FB5]  }
0x39: {  	_ = 	snop;
	(pc) =	sbr.ind lr, $3  }
0x3a: {  	_ = 	snop  }
0x3b: {  	_ = 	snop  }
0x3c: {  	p2 =	seq.s32 s10, $0x1;
	s10 =	sld [smem:$0x3FB4]  }
0x3d: {  	_ =	shalt  }
0x3e: {  	_ =	shalt  }
0x3f: {  	_ =	shalt  }
0x40: {  	_ =	shalt  }
0x41: {  	_ =	shalt  }
0x42: {  	_ =	shalt  }
0x43: {  	_ =	shalt  }
0x44: {  	_ =	shalt  }
0x45: {  	_ =	shalt  }
0x46: {  	_ =	shalt  }
0x47: {  	_ =	shalt  }
0x48: {  	_ =	shalt  }
0x49: {  	_ =	shalt  }
0x4a: {  	_ =	shalt  }
0x4b: {  	_ =	shalt  }
0x4c: {  	_ =	shalt  }
0x4d: {  	_ =	shalt  }
0x4e: {  	_ =	shalt  }
0x4f: {  	_ =	shalt  }
0x50: {  	_ =	shalt  }
0x51: {  	_ =	shalt  }
0x52: {  	_ =	shalt  }
0x53: {  	_ =	shalt  }
0x54: {  	_ =	shalt  }
0x55: {  	_ =	shalt  }
0x56: {  	_ =	shalt  }
0x57: {  	_ =	shalt  }
0x58: {  	_ =	shalt  }
0x59: {  	_ =	shalt  }
0x5a: {  	_ =	shalt  }
0x5b: {  	_ =	shalt  }
0x5c: {  	_ =	shalt  }
0x5d: {  	_ =	shalt  }
0x5e: {  	_ =	shalt  }
0x5f: {  	_ =	shalt  }
0x60: {  	_ =	shalt  }
0x61: {  	_ =	shalt  }
0x62: {  	_ =	shalt  }
0x63: {  	_ =	shalt  }
0x64: {  	_ =	shalt  }
0x65: {  	_ =	shalt  }
0x66: {  	_ =	shalt  }
0x67: {  	_ =	shalt  }
0x68: {  	_ =	shalt  }
0x69: {  	_ =	shalt  }
0x6a: {  	_ =	shalt  }
0x6b: {  	_ =	shalt  }
0x6c: {  	_ =	shalt  }
0x6d: {  	_ =	shalt  }
0x6e: {  	_ =	shalt  }
0x6f: {  	_ =	shalt  }
0x70: {  	_ =	shalt  }
0x71: {  	_ =	shalt  }
0x72: {  	_ =	shalt  }
0x73: {  	_ =	shalt  }
0x74: {  	_ =	shalt  }
0x75: {  	_ =	shalt  }
0x76: {  	_ =	shalt  }
0x77: {  	_ =	shalt  }
0x78: {  	_ =	shalt  }
0x79: {  	_ =	shalt  }
0x7a: {  	_ =	shalt  }
0x7b: {  	_ =	shalt  }
0x7c: {  	_ =	shalt  }
0x7d: {  	_ =	shalt  }
0x7e: {  	_ =	shalt  }
0x7f: {  	_ =	shalt  }
0x80: {  	_ =	shalt  }
0x81: {  	_ =	shalt  }
0x82: {  	_ =	shalt  }
0x83: {  	_ =	shalt  }
0x84: {  	_ =	shalt  }
0x85: {  	_ =	shalt  }
0x86: {  	_ =	shalt  }
0x87: {  	_ =	shalt  }
.Lfunc_end0:
.L_simem_size_0:
called_computation.1_lowered:
.L_overlay_start_0:
0x88: {  	s2 =	sld [smem:$0x3FD9]  }
0x89: {  	s3 =	sld [smem:$0x3FFE];
	_ =	sdelay $0x1  }
0x8a: {  	s1 =	srdreg.scid  }
0x8b: {  	s0 =	sand.u32 $0x1, s1  }
0x8c: {  	s17 =	sshll.u32 s0, $0xA;
	s2 =	sadd.s32 s3, s2  }
0x8d: {  	s2 =	sadd.s32 s2, s17  }
0x8e: {  	[smem:$0x3FC0] =	sst s2  }
0x8f: {  	_ = 	snop  }
0x90: {  	s2 =	sld [smem:$0x3FD0];
	(tm) =	ssettm $0x1  }
0x91: {  	s18 =	sld [smem:$0x3FFB];
	_ =	sdelay $0x3  }
0x92: {  	_ =	strace s18  }
0x93: {  	s3 =	sld [smem:$0x3FFC];
	_ =	sdelay $0x3  }
0x94: {  	_ =	strace s3  }
0x95: {  	s3 =	sld [smem:$0x3FFD];
	_ =	sdelay $0x3  }
0x96: {  	_ =	strace s3  }
0x97: {  	_ =	strace $0x8FFFFFFF  }
0x98: {  	s19 =	sld [smem:$0x3FDB];
	_ =	sdelay $0x1  }
0x99: {  	s4 =	simm.s32 $_scs_section_size  }
0x9a: {  	s5 =	simm.s32 $_size__tile_overlayer_lowered;
	s6 =	simm.s32 $_tile_overlayer_lowered  }
0x9b: {  	s22 =	simm.s32 $0x1BFF;
	s21 =	sshll.u32 s6, $0x1;
	s3 =	sadd.s32 s4, s19  }
0x9c: {  	s7 =	simm.s32 $0x0;
	s20 =	sshll.u32 s5, $0x1;
	s5 =	sadd.s32 s21, s3  }
0x9d: {  	[timem:s7], [sflag:s22] =	dma.local [hbm:s5], s20  }
0x9e: {  	_ =	swait.ge [sflag:s22], s20  }
0x9f: {  	s4 =	ssub.s32 $0x0, s20;
	[sflag:s22] =	ssyncset.done $0x0  }
0xa0: {  	[sflag:s22] =	ssyncadd.s32 s4;
	_ =	sdelay $0x1  }
0xa1: {  	s23 =	simm.s32 $0x1B8B  }
0xa2: {  	_ =	swait.ge [sflag:s23], $0x1  }
0xa3: {  	[sflag:s23] =	ssyncset.done $0x0  }
0xa4: {  	s25 =	simm.s32 $0x1B8E;
	s24 =	sld [smem:$0x3FFE];
	[sflag:s23] =	ssyncadd.s32 $0xFFFFFFFF  }
0xa5: {  	s26 =	simm.s32 $execute0_lowered;
	[smem:$0x3FD2] =	sst s25  }
0xa6: {  	s5 =	sshll.u32 s26, $0x1;
	_ =	strace $0x80000046;
	[dreg:$0x1] =	wrdreg $0xFFFFFFFF  }
0xa7: {  	s28 =	simm.s32 $_size_execute0_lowered;
	s3 =	sadd.s32 s3, s5;
	[dreg:$0x0] =	wrdreg $0x0  }
0xa8: {  	s5 =	sshll.u32 s28, $0x1;
	[dreg:$0x2] =	wrdreg s3  }
0xa9: {  	[dreg:$0x3] =	wrdreg s5  }
0xaa: {  	[dreg:$0x4] =	wrdreg $0xC0  }
0xab: {  	_ =	task [dreg:s7], $0x5FFFF  }
0xac: {  	[dreg:$0x1] =	wrdreg $0xFFFFFFFF  }
0xad: {  	[dreg:$0x0] =	wrdreg $0x60  }
0xae: {  	[dreg:$0x2] =	wrdreg s24  }
0xaf: {  	[dreg:$0x3] =	wrdreg s2  }
0xb0: {  	[dreg:$0x4] =	wrdreg $0x0  }
0xb1: {  	[dreg:$0x5] =	wrdreg $0xA  }
0xb2: {  	_ =	task.clear_ibuf [dreg:s7], $0x6FFFF;
	_ =	strace $0x90000046  }
0xb3: {  	s29 =	simm.s32 $0xA;
	_ =	strace $0x80000048  }
0xb4: {  	_ =	swait.ge [sflag:s29], $0x1  }
0xb5: {  	[sflag:s29] =	ssyncadd.s32 $0xFFFFFFFF  }
0xb6: {  	_ =	strace $0x90000048  }
0xb7: {  	_ =	sfence  }
0xb8: {  	s30 =	sld [smem:$0x0];
	_ =	sdelay $0x2  }
0xb9: {  	s31 =	sshll.u32 s1, $0xD;
	s1 =	sshrl.u32 s1, $0x2  }
0xba: {  	s3 =	sand.u32 $0x4000, s31;
	s1 =	sadd.s32 s1, s30  }
0xbb: {  	s0 =	sor.u32 s3, s0;
	s1 =	sshll.u32 s1, $0x11  }
0xbc: {  	s0 =	sor.u32 s1, s0  }
0xbd: {  	s0 =	sadd.s32 $0x8F2B, s0  }
0xbe: {  	[sflag:s0] =	ssyncadd.remote.s32 $0x1  }
0xbf: {  	_ =	sfence.sel $0xFFFF  }
0xc0: {  	[dreg:$0x0] =	wrdreg $0xFFFFFFFF;
	(pc) =	sbr.abs _section_cstart, $3  }
0xc1: {  	[dreg:$0x1] =	wrdreg $0xFFFFFFFF  }
0xc2: {  	_ =	task.clear_ibuf [dreg:s7], $0x2FFFF;
	_ =	strace $0x9FFFFFFF  }
0xc3: {  	(tm) =	ssettm $0x7FFFFFFF  }
tec
execute0_lowered:
.L_overlay_start_1:
0x0: {  	(tag) =	ssettag $0x1  }
0x1: {  	s0 =	srdreg.scid;
	s1 =	rddreg [dreg:$0x0]  }
0x2: {  	s9 =	stileid.u32;
	s5 =	rddreg [dreg:$0x1]  }
0x3: {  	s2 =	rddreg [dreg:$0x2];
	s3 =	simm.s32 $0x0;
	s11 =	simm.s32 $0x13C80  }
0x4: {  	s13 =	simm.s32 $0x1C580;
	s15 =	simm.s32 $0x13D00;
	s16 =	simm.s32 $0x1C600  }
0x5: {  	s17 =	simm.s32 $0x13D80;
	s18 =	simm.s32 $0x1C680;
	[smem:$0x7FF] =	sst s3  }
0x6: {  	s19 =	simm.s32 $0x13E00;
	_ =	strace $0x80000047;
	[dreg:$0x8] =	wrdreg s11  }
0x7: {  	s20 =	simm.s32 $0x1C700;
	s21 =	simm.s32 $0x13E80;
	[dreg:$0x9] =	wrdreg s13  }
0x8: {  	s22 =	simm.s32 $0x1C780;
	s23 =	simm.s32 $0x13F00;
	[dreg:$0xa] =	wrdreg s15  }
0x9: {  	s24 =	simm.s32 $0x1C800;
	s28 =	simm.s32 $0x1CA00;
	[dreg:$0xb] =	wrdreg s16  }
0xa: {  	s29 =	simm.s32 $0x14180;
	s4 =	smul.u32 $0x5000, s9;
	[dreg:$0xc] =	wrdreg s17  }
0xb: {  	s30 =	simm.s32 $0x1CA80;
	s8 =	smul.u32 $0x13C00, s9;
	[dreg:$0xd] =	wrdreg s18  }
0xc: {  	s0 =	sand.u32 $0x1, s0;
	s9 =	smul.u32 $0x4F000, s9;
	[dreg:$0xe] =	wrdreg s19  }
0xd: {  	s31 =	simm.s32 $0x14200;
	s6 =	smul.u32 $0x2800, s0;
	[dreg:$0xf] =	wrdreg s20  }
0xe: {  	s7 =	smul.u32 $0x13C000, s0;
	s0 =	ssub.s32 $0x2, s0;
	[dreg:$0x10] =	wrdreg s21  }
0xf: {  	s13 =	simm.s32 $0x5;
	s15 =	simm.s32 $0x13C00;
	[dreg:$0x11] =	wrdreg s22  }
0x10: {  	s16 =	simm.s32 $0x80;
	s17 =	simm.s32 $0x18400;
	[dreg:$0x12] =	wrdreg s23  }
0x11: {  	s18 =	simm.s32 $0x1;
	[dreg:$0x13] =	wrdreg s24;
	s19 =	simm.s32 $0x3  }
0x12: {  	s20 =	simm.s32 $0x2;
	s26 =	sshrl.u32 s0, $0x1;
	s6 =	sadd.s32 s6, s4  }
0x13: {  	s7 =	sadd.s32 s8, s7;
	s4 =	sadd.s32 $0xBA00, s1;
	s0 =	ssub.s32 s0, s26  }
0x14: {  	s26 =	simm.s32 $0x1C880;
	s6 =	sshrl.u32 s6, $0x3;
	s7 =	sshrl.u32 s7, $0x3  }
0x15: {  	s0 =	smax.u32 s0, $0x1;
	[dreg:$0x15] =	wrdreg s26;
	s25 =	sadd.s32 s6, s1  }
0x16: {  	s1 =	sadd.s32 s7, s1;
	s5 =	sadd.s32 s6, s5;
	[dreg:$0x1c] =	wrdreg s0  }
0x17: {  	s7 =	sshrl.u32 s9, $0x2;
	s9 =	simm.s32 $0x1C500;
	[dreg:$0x5] =	wrdreg s5  }
0x18: {  	s21 =	simm.s32 $0x4;
	s8 =	sadd.s32 $0x1A00, s25;
	[dreg:$0x7] =	wrdreg s9  }
0x19: {  	s22 =	simm.s32 $0x14000;
	s6 =	sadd.s32 s7, s2;
	[dreg:$0x4] =	wrdreg s8  }
0x1a: {  	s23 =	simm.s32 $0x1C900;
	s1 =	sadd.s32 $0x33200, s1;
	[dreg:$0x16] =	wrdreg s6  }
0x1b: {  	s24 =	simm.s32 $0x14080;
	s25 =	simm.s32 $0x13F80;
	[dreg:$0x1b] =	wrdreg s1  }
0x1c: {  	s26 =	simm.s32 $0x14100;
	s8 =	simm.s32 $0x1C480;
	[dreg:$0x14] =	wrdreg s25  }
0x1d: {  	s0 =	simm.s32 $0x14280;
	s10 =	sadd.s32 $0x4000, s6;
	[dreg:$0x6] =	wrdreg s8  }
0x1e: {  	s7 =	simm.s32 $0x14300;
	s12 =	sadd.s32 $0x8000, s6;
	[dreg:$0x17] =	wrdreg s10  }
0x1f: {  	s9 =	simm.s32 $0x0;
	s14 =	sadd.s32 $0xC000, s6;
	[dreg:$0x18] =	wrdreg s12  }
0x20: {  	s6 =	sadd.s32 $0x10000, s6;
	s25 =	simm.s32 $0x1C980;
	[dreg:$0x19] =	wrdreg s14  }
0x21: {  	s1 =	simm.s32 $0x1CB00;
	[dreg:$0x1a] =	wrdreg s6;
	s12 =	simm.s32 $0x14400  }
0x22: {  	v0 =	vimm.f32 $0.0e+00;
	s14 =	simm.s32 $0x1C400;
	s6 =	simm.s32 $0x1CB80;
	s8 =	simm.s32 $0x14380  }
.LBB2_1:
0x23: {  	s10 =	simm.s32 $0x0;
	s11 =	simm.s32 $0x200  }
.LBB2_2:
0x24: {  	p0 =	sne.s32 s11, $0xFE00;
	[tilespmem:s10+$0x14470] =	vst v0  }
0x25: {  	[tilespmem:s10+$0x14400] =	vst v0  }
0x26: {  	[tilespmem:s10+$0x14410] =	vst v0  }
.Ltmp0:
0x27: {  	[tilespmem:s10+$0x14420] =	vst v0;
	(pc) =	sbr.rel @p0 .LBB2_2-.Ltmp0, $4  }
0x28: {  	[tilespmem:s10+$0x14430] =	vst v0  }
0x29: {  	[tilespmem:s10+$0x14440] =	vst v0  }
0x2a: {  	[tilespmem:s10+$0x14450] =	vst v0  }
0x2b: {  	[tilespmem:s10+$0x14460] =	vst v0;
	s10 =	sshra.s32 s11, $0x2;
	s11 =	sadd.s32 $0x200, s11  }
0x2c: {  	[tilespmem:s10+$0x14470] =	vst v0  }
0x2d: {  	[tilespmem:s10+$0x14400] =	vst v0  }
0x2e: {  	[tilespmem:s10+$0x14410] =	vst v0  }
0x2f: {  	[tilespmem:s10+$0x14420] =	vst v0  }
0x30: {  	[tilespmem:s10+$0x14430] =	vst v0  }
0x31: {  	[tilespmem:s10+$0x14440] =	vst v0  }
0x32: {  	[dreg:$0x1d] =	wrdreg s9;
	[tilespmem:s10+$0x14450] =	vst v0  }
0x33: {  	[tilespmem:s10+$0x14460] =	vst v0;
	s5 =	rddreg [dreg:$0x16]  }
0x34: {  	[spmem:s5] =	stream.linear.scatter [tilespmem:s12], [sflag:$0x5], $0x4000, $0x38;
	[tilespmem:$0x1CC00] =	vst v63  }
0x35: {  	_ =	swait.ge [sflag:s13], $0x4000  }
0x36: {  	[sflag:s13] =	ssyncset.done $0x0  }
0x37: {  	s11 =	rddreg [dreg:$0x17];
	[sflag:s13] =	ssyncadd.s32 $0xFFFFC000  }
0x38: {  	[spmem:s11] =	stream.linear.scatter [tilespmem:s12], [sflag:$0x5], $0x4000, $0x38;
	[tilespmem:$0x1CC00] =	vst v63  }
0x39: {  	_ =	swait.ge [sflag:s13], $0x4000  }
0x3a: {  	[sflag:s13] =	ssyncset.done $0x0  }
0x3b: {  	s9 =	rddreg [dreg:$0x18];
	[sflag:s13] =	ssyncadd.s32 $0xFFFFC000  }
0x3c: {  	[spmem:s9] =	stream.linear.scatter [tilespmem:s12], [sflag:$0x5], $0x4000, $0x38;
	[tilespmem:$0x1CC00] =	vst v63  }
0x3d: {  	_ =	swait.ge [sflag:s13], $0x4000  }
0x3e: {  	[sflag:s13] =	ssyncset.done $0x0  }
0x3f: {  	s10 =	rddreg [dreg:$0x19];
	[sflag:s13] =	ssyncadd.s32 $0xFFFFC000  }
0x40: {  	[spmem:s10] =	stream.linear.scatter [tilespmem:s12], [sflag:$0x5], $0x4000, $0x38;
	[tilespmem:$0x1CC00] =	vst v63  }
0x41: {  	_ =	swait.ge [sflag:s13], $0x4000  }
0x42: {  	[sflag:s13] =	ssyncset.done $0x0  }
0x43: {  	s11 =	rddreg [dreg:$0x1a];
	[sflag:s13] =	ssyncadd.s32 $0xFFFFC000  }
0x44: {  	[spmem:s11] =	stream.linear.scatter [tilespmem:s12], [sflag:$0x5], $0x3C00, $0x38;
	[tilespmem:$0x1CC00] =	vst v63  }
0x45: {  	_ =	swait.ge [sflag:s13], $0x3C00  }
0x46: {  	[sflag:s13] =	ssyncset.done $0x0  }
0x47: {  	[sflag:s13] =	ssyncadd.s32 $0xFFFFC400  }
0x48: {  	[bflag:$0x0] =	sbarrier.arrive $0xFFFF  }
0x49: {  	s9 =	rddreg [dreg:$0x5]  }
0x4a: {  	s5 =	sadd.s32 $0x0, s9  }
0x4b: {  	[tilespmem:s14], [sflag:$0x5] =	stream.linear.gather [hbm4b:s5+s3], $0x800, $0x38;
	[tilespmem:$0x1CC00] =	vst v63  }
0x4c: {  	_ =	swait.ge [sflag:s13], $0x800  }
0x4d: {  	s10 =	rddreg [dreg:$0x4];
	[sflag:s13] =	ssyncset.done $0x0  }
0x4e: {  	[sflag:s13] =	ssyncadd.s32 $0xFFFFF800;
	s5 =	sadd.s32 $0x0, s10  }
0x4f: {  	[tilespmem:s15], [sflag:$0x5] =	stream.linear.gather [hbm4b:s5+s3], $0x800, $0x38;
	[tilespmem:$0x1CC00] =	vst v63  }
0x50: {  	_ =	swait.ge [sflag:s13], $0x800  }
0x51: {  	[sflag:s13] =	ssyncset.done $0x0  }
0x52: {  	[sflag:s13] =	ssyncadd.s32 $0xFFFFF800  }
0x53: {  	[tilespmem:s12], [sflag:$0x1] =	stream.indirect.gather [hbm4b:s4+s16], $0x80, s14, s16, $0xb8;
	[tilespmem:$0x1CC00] =	vst v63  }
0x54: {  	s11 =	rddreg [dreg:$0x6]  }
0x55: {  	[tilespmem:s17], [sflag:$0x2] =	stream.indirect.gather [hbm4b:s4+s16], $0x80, s11, s16, $0xb8;
	[tilespmem:$0x1CC00] =	vst v63  }
0x56: {  	_ =	swait.ge [sflag:s18], $0x4000  }
0x57: {  	[sflag:s18] =	ssyncset.done $0x0  }
0x58: {  	[sflag:s18] =	ssyncadd.s32 $0xFFFFC000  }
0x59: {  	[spmem:s2] =	stream.indirect.scatter.add.f32 [tilespmem:s12], [sflag:$0x3], $0x80, s15, s16, $0xb8;
	[tilespmem:$0x1CC00] =	vst v63  }
0x5a: {  	_ =	swait.ge [sflag:s19], $0x4000  }
0x5b: {  	[sflag:s19] =	ssyncset.done $0x0  }
0x5c: {  	s9 =	rddreg [dreg:$0x7];
	[sflag:s19] =	ssyncadd.s32 $0xFFFFC000  }
0x5d: {  	[tilespmem:s12], [sflag:$0x1] =	stream.indirect.gather [hbm4b:s4+s16], $0x80, s9, s16, $0xb8;
	[tilespmem:$0x1CC00] =	vst v63  }
0x5e: {  	_ =	swait.ge [sflag:s20], $0x4000  }
0x5f: {  	[sflag:s20] =	ssyncset.done $0x0  }
0x60: {  	s10 =	rddreg [dreg:$0x8];
	[sflag:s20] =	ssyncadd.s32 $0xFFFFC000  }
0x61: {  	[spmem:s2] =	stream.indirect.scatter.add.f32 [tilespmem:s17], [sflag:$0x4], $0x80, s10, s16, $0xb8;
	[tilespmem:$0x1CC00] =	vst v63  }
0x62: {  	_ =	swait.ge [sflag:s21], $0x4000  }
0x63: {  	[sflag:s21] =	ssyncset.done $0x0  }
0x64: {  	s11 =	rddreg [dreg:$0x9];
	[sflag:s21] =	ssyncadd.s32 $0xFFFFC000  }
0x65: {  	[tilespmem:s17], [sflag:$0x2] =	stream.indirect.gather [hbm4b:s4+s16], $0x80, s11, s16, $0xb8;
	[tilespmem:$0x1CC00] =	vst v63  }
0x66: {  	_ =	swait.ge [sflag:s18], $0x4000  }
0x67: {  	[sflag:s18] =	ssyncset.done $0x0  }
0x68: {  	s9 =	rddreg [dreg:$0xa];
	[sflag:s18] =	ssyncadd.s32 $0xFFFFC000  }
0x69: {  	[spmem:s2] =	stream.indirect.scatter.add.f32 [tilespmem:s12], [sflag:$0x3], $0x80, s9, s16, $0xb8;
	[tilespmem:$0x1CC00] =	vst v63  }
0x6a: {  	_ =	swait.ge [sflag:s19], $0x4000  }
0x6b: {  	[sflag:s19] =	ssyncset.done $0x0  }
0x6c: {  	s10 =	rddreg [dreg:$0xb];
	[sflag:s19] =	ssyncadd.s32 $0xFFFFC000  }
0x6d: {  	[tilespmem:s12], [sflag:$0x1] =	stream.indirect.gather [hbm4b:s4+s16], $0x80, s10, s16, $0xb8;
	[tilespmem:$0x1CC00] =	vst v63  }
0x6e: {  	_ =	swait.ge [sflag:s20], $0x4000  }
0x6f: {  	[sflag:s20] =	ssyncset.done $0x0  }
0x70: {  	s11 =	rddreg [dreg:$0xc];
	[sflag:s20] =	ssyncadd.s32 $0xFFFFC000  }
0x71: {  	[spmem:s2] =	stream.indirect.scatter.add.f32 [tilespmem:s17], [sflag:$0x4], $0x80, s11, s16, $0xb8;
	[tilespmem:$0x1CC00] =	vst v63  }
0x72: {  	_ =	swait.ge [sflag:s21], $0x4000  }
0x73: {  	[sflag:s21] =	ssyncset.done $0x0  }
0x74: {  	s9 =	rddreg [dreg:$0xd];
	[sflag:s21] =	ssyncadd.s32 $0xFFFFC000  }
0x75: {  	[tilespmem:s17], [sflag:$0x2] =	stream.indirect.gather [hbm4b:s4+s16], $0x80, s9, s16, $0xb8;
	[tilespmem:$0x1CC00] =	vst v63  }
0x76: {  	_ =	swait.ge [sflag:s18], $0x4000  }
0x77: {  	[sflag:s18] =	ssyncset.done $0x0  }
0x78: {  	s10 =	rddreg [dreg:$0xe];
	[sflag:s18] =	ssyncadd.s32 $0xFFFFC000  }
0x79: {  	[spmem:s2] =	stream.indirect.scatter.add.f32 [tilespmem:s12], [sflag:$0x3], $0x80, s10, s16, $0xb8;
	[tilespmem:$0x1CC00] =	vst v63  }
0x7a: {  	_ =	swait.ge [sflag:s19], $0x4000  }
0x7b: {  	[sflag:s19] =	ssyncset.done $0x0  }
0x7c: {  	s11 =	rddreg [dreg:$0xf];
	[sflag:s19] =	ssyncadd.s32 $0xFFFFC000  }
0x7d: {  	[tilespmem:s12], [sflag:$0x1] =	stream.indirect.gather [hbm4b:s4+s16], $0x80, s11, s16, $0xb8;
	[tilespmem:$0x1CC00] =	vst v63  }
0x7e: {  	_ =	swait.ge [sflag:s20], $0x4000  }
0x7f: {  	[sflag:s20] =	ssyncset.done $0x0  }
0x80: {  	s9 =	rddreg [dreg:$0x10];
	[sflag:s20] =	ssyncadd.s32 $0xFFFFC000  }
0x81: {  	[spmem:s2] =	stream.indirect.scatter.add.f32 [tilespmem:s17], [sflag:$0x4], $0x80, s9, s16, $0xb8;
	[tilespmem:$0x1CC00] =	vst v63  }
0x82: {  	_ =	swait.ge [sflag:s21], $0x4000  }
0x83: {  	[sflag:s21] =	ssyncset.done $0x0  }
0x84: {  	s10 =	rddreg [dreg:$0x11];
	[sflag:s21] =	ssyncadd.s32 $0xFFFFC000  }
0x85: {  	[tilespmem:s17], [sflag:$0x2] =	stream.indirect.gather [hbm4b:s4+s16], $0x80, s10, s16, $0xb8;
	[tilespmem:$0x1CC00] =	vst v63  }
0x86: {  	_ =	swait.ge [sflag:s18], $0x4000  }
0x87: {  	[sflag:s18] =	ssyncset.done $0x0  }
0x88: {  	s11 =	rddreg [dreg:$0x12];
	[sflag:s18] =	ssyncadd.s32 $0xFFFFC000  }
0x89: {  	[spmem:s2] =	stream.indirect.scatter.add.f32 [tilespmem:s12], [sflag:$0x3], $0x80, s11, s16, $0xb8;
	[tilespmem:$0x1CC00] =	vst v63  }
0x8a: {  	_ =	swait.ge [sflag:s19], $0x4000  }
0x8b: {  	[sflag:s19] =	ssyncset.done $0x0  }
0x8c: {  	s9 =	rddreg [dreg:$0x13];
	[sflag:s19] =	ssyncadd.s32 $0xFFFFC000  }
0x8d: {  	[tilespmem:s12], [sflag:$0x1] =	stream.indirect.gather [hbm4b:s4+s16], $0x80, s9, s16, $0xb8;
	[tilespmem:$0x1CC00] =	vst v63  }
0x8e: {  	_ =	swait.ge [sflag:s20], $0x4000  }
0x8f: {  	[sflag:s20] =	ssyncset.done $0x0  }
0x90: {  	s10 =	rddreg [dreg:$0x14];
	[sflag:s20] =	ssyncadd.s32 $0xFFFFC000  }
0x91: {  	[spmem:s2] =	stream.indirect.scatter.add.f32 [tilespmem:s17], [sflag:$0x4], $0x80, s10, s16, $0xb8;
	[tilespmem:$0x1CC00] =	vst v63  }
0x92: {  	_ =	swait.ge [sflag:s21], $0x4000  }
0x93: {  	[sflag:s21] =	ssyncset.done $0x0  }
0x94: {  	s11 =	rddreg [dreg:$0x15];
	[sflag:s21] =	ssyncadd.s32 $0xFFFFC000  }
0x95: {  	[tilespmem:s17], [sflag:$0x2] =	stream.indirect.gather [hbm4b:s4+s16], $0x80, s11, s16, $0xb8;
	[tilespmem:$0x1CC00] =	vst v63  }
0x96: {  	_ =	swait.ge [sflag:s18], $0x4000  }
0x97: {  	[sflag:s18] =	ssyncset.done $0x0  }
0x98: {  	[sflag:s18] =	ssyncadd.s32 $0xFFFFC000  }
0x99: {  	[spmem:s2] =	stream.indirect.scatter.add.f32 [tilespmem:s12], [sflag:$0x3], $0x80, s22, s16, $0xb8;
	[tilespmem:$0x1CC00] =	vst v63  }
0x9a: {  	_ =	swait.ge [sflag:s19], $0x4000  }
0x9b: {  	[sflag:s19] =	ssyncset.done $0x0  }
0x9c: {  	[sflag:s19] =	ssyncadd.s32 $0xFFFFC000  }
0x9d: {  	[tilespmem:s12], [sflag:$0x1] =	stream.indirect.gather [hbm4b:s4+s16], $0x80, s23, s16, $0xb8;
	[tilespmem:$0x1CC00] =	vst v63  }
0x9e: {  	_ =	swait.ge [sflag:s20], $0x4000  }
0x9f: {  	[sflag:s20] =	ssyncset.done $0x0  }
0xa0: {  	[sflag:s20] =	ssyncadd.s32 $0xFFFFC000  }
0xa1: {  	[spmem:s2] =	stream.indirect.scatter.add.f32 [tilespmem:s17], [sflag:$0x4], $0x80, s24, s16, $0xb8;
	[tilespmem:$0x1CC00] =	vst v63  }
0xa2: {  	_ =	swait.ge [sflag:s21], $0x4000  }
0xa3: {  	[sflag:s21] =	ssyncset.done $0x0  }
0xa4: {  	[sflag:s21] =	ssyncadd.s32 $0xFFFFC000  }
0xa5: {  	[tilespmem:s17], [sflag:$0x2] =	stream.indirect.gather [hbm4b:s4+s16], $0x80, s25, s16, $0xb8;
	[tilespmem:$0x1CC00] =	vst v63  }
0xa6: {  	_ =	swait.ge [sflag:s18], $0x4000  }
0xa7: {  	[sflag:s18] =	ssyncset.done $0x0  }
0xa8: {  	[sflag:s18] =	ssyncadd.s32 $0xFFFFC000  }
0xa9: {  	[spmem:s2] =	stream.indirect.scatter.add.f32 [tilespmem:s12], [sflag:$0x3], $0x80, s26, s16, $0xb8;
	[tilespmem:$0x1CC00] =	vst v63  }
0xaa: {  	_ =	swait.ge [sflag:s19], $0x4000  }
0xab: {  	[sflag:s19] =	ssyncset.done $0x0  }
0xac: {  	[sflag:s19] =	ssyncadd.s32 $0xFFFFC000  }
0xad: {  	[tilespmem:s12], [sflag:$0x1] =	stream.indirect.gather [hbm4b:s4+s16], $0x80, s28, s16, $0xb8;
	[tilespmem:$0x1CC00] =	vst v63  }
0xae: {  	_ =	swait.ge [sflag:s20], $0x4000  }
0xaf: {  	[sflag:s20] =	ssyncset.done $0x0  }
0xb0: {  	[sflag:s20] =	ssyncadd.s32 $0xFFFFC000  }
0xb1: {  	[spmem:s2] =	stream.indirect.scatter.add.f32 [tilespmem:s17], [sflag:$0x4], $0x80, s29, s16, $0xb8;
	[tilespmem:$0x1CC00] =	vst v63  }
0xb2: {  	_ =	swait.ge [sflag:s21], $0x4000  }
0xb3: {  	[sflag:s21] =	ssyncset.done $0x0  }
0xb4: {  	[sflag:s21] =	ssyncadd.s32 $0xFFFFC000  }
0xb5: {  	[tilespmem:s17], [sflag:$0x2] =	stream.indirect.gather [hbm4b:s4+s16], $0x80, s30, s16, $0xb8;
	[tilespmem:$0x1CC00] =	vst v63  }
0xb6: {  	_ =	swait.ge [sflag:s18], $0x4000  }
0xb7: {  	[sflag:s18] =	ssyncset.done $0x0  }
0xb8: {  	[sflag:s18] =	ssyncadd.s32 $0xFFFFC000  }
0xb9: {  	[spmem:s2] =	stream.indirect.scatter.add.f32 [tilespmem:s12], [sflag:$0x3], $0x80, s31, s16, $0xb8;
	[tilespmem:$0x1CC00] =	vst v63  }
0xba: {  	_ =	swait.ge [sflag:s19], $0x4000  }
0xbb: {  	[sflag:s19] =	ssyncset.done $0x0  }
0xbc: {  	[sflag:s19] =	ssyncadd.s32 $0xFFFFC000  }
0xbd: {  	[tilespmem:s12], [sflag:$0x1] =	stream.indirect.gather [hbm4b:s4+s16], $0x80, s1, s16, $0xb8;
	[tilespmem:$0x1CC00] =	vst v63  }
0xbe: {  	_ =	swait.ge [sflag:s20], $0x4000  }
0xbf: {  	[sflag:s20] =	ssyncset.done $0x0  }
0xc0: {  	[sflag:s20] =	ssyncadd.s32 $0xFFFFC000  }
0xc1: {  	[spmem:s2] =	stream.indirect.scatter.add.f32 [tilespmem:s17], [sflag:$0x4], $0x80, s0, s16, $0xb8;
	[tilespmem:$0x1CC00] =	vst v63  }
0xc2: {  	_ =	swait.ge [sflag:s21], $0x4000  }
0xc3: {  	[sflag:s21] =	ssyncset.done $0x0  }
0xc4: {  	[sflag:s21] =	ssyncadd.s32 $0xFFFFC000  }
0xc5: {  	[tilespmem:s17], [sflag:$0x2] =	stream.indirect.gather [hbm4b:s4+s16], $0x80, s6, s16, $0xb8;
	[tilespmem:$0x1CC00] =	vst v63  }
0xc6: {  	_ =	swait.ge [sflag:s18], $0x4000  }
0xc7: {  	[sflag:s18] =	ssyncset.done $0x0  }
0xc8: {  	[sflag:s18] =	ssyncadd.s32 $0xFFFFC000  }
0xc9: {  	[spmem:s2] =	stream.indirect.scatter.add.f32 [tilespmem:s12], [sflag:$0x3], $0x80, s7, s16, $0xb8;
	[tilespmem:$0x1CC00] =	vst v63  }
0xca: {  	_ =	swait.ge [sflag:s19], $0x4000  }
0xcb: {  	[sflag:s19] =	ssyncset.done $0x0  }
0xcc: {  	[sflag:s19] =	ssyncadd.s32 $0xFFFFC000  }
0xcd: {  	_ =	swait.ge [sflag:s20], $0x4000  }
0xce: {  	[sflag:s20] =	ssyncset.done $0x0  }
0xcf: {  	[sflag:s20] =	ssyncadd.s32 $0xFFFFC000  }
0xd0: {  	[spmem:s2] =	stream.indirect.scatter.add.f32 [tilespmem:s17], [sflag:$0x4], $0x80, s8, s16, $0xb8;
	[tilespmem:$0x1CC00] =	vst v63  }
0xd1: {  	s10 =	simm.s32 $0x100;
	_ =	swait.ge [sflag:s21], $0x4000  }
0xd2: {  	s11 =	simm.s32 $0x200;
	s5 =	rddreg [dreg:$0x5];
	[sflag:s21] =	ssyncset.done $0x0  }
.LBB2_4:
0xd3: {  	[sflag:s21] =	ssyncadd.s32 $0xFFFFC000;
	s5 =	sadd.s32 s10, s5  }
0xd4: {  	[tilespmem:s14], [sflag:$0x5] =	stream.linear.gather [hbm4b:s5+s3], $0x800, $0x38;
	[tilespmem:$0x1CC00] =	vst v63  }
0xd5: {  	_ =	swait.ge [sflag:s13], $0x800  }
0xd6: {  	s5 =	rddreg [dreg:$0x4];
	[sflag:s13] =	ssyncset.done $0x0  }
0xd7: {  	[sflag:s13] =	ssyncadd.s32 $0xFFFFF800;
	s5 =	sadd.s32 s10, s5  }
0xd8: {  	[tilespmem:s15], [sflag:$0x5] =	stream.linear.gather [hbm4b:s5+s3], $0x800, $0x38;
	[tilespmem:$0x1CC00] =	vst v63  }
0xd9: {  	_ =	swait.ge [sflag:s13], $0x800  }
0xda: {  	[sflag:s13] =	ssyncset.done $0x0  }
0xdb: {  	s9 =	smov.u32 s11;
	[sflag:s13] =	ssyncadd.s32 $0xFFFFF800  }
0xdc: {  	[tilespmem:s12], [sflag:$0x1] =	stream.indirect.gather [hbm4b:s4+s16], $0x80, s14, s16, $0xb8;
	[tilespmem:$0x1CC00] =	vst v63  }
0xdd: {  	s10 =	smov.u32 s9;
	s9 =	rddreg [dreg:$0x6]  }
0xde: {  	[tilespmem:s17], [sflag:$0x2] =	stream.indirect.gather [hbm4b:s4+s16], $0x80, s9, s16, $0xb8;
	[tilespmem:$0x1CC00] =	vst v63  }
0xdf: {  	_ =	swait.ge [sflag:s18], $0x4000  }
0xe0: {  	[sflag:s18] =	ssyncset.done $0x0  }
0xe1: {  	[sflag:s18] =	ssyncadd.s32 $0xFFFFC000  }
0xe2: {  	[spmem:s2] =	stream.indirect.scatter.add.f32 [tilespmem:s12], [sflag:$0x3], $0x80, s15, s16, $0xb8;
	[tilespmem:$0x1CC00] =	vst v63  }
0xe3: {  	_ =	swait.ge [sflag:s19], $0x4000  }
0xe4: {  	[sflag:s19] =	ssyncset.done $0x0  }
0xe5: {  	s9 =	rddreg [dreg:$0x7];
	[sflag:s19] =	ssyncadd.s32 $0xFFFFC000  }
0xe6: {  	[tilespmem:s12], [sflag:$0x1] =	stream.indirect.gather [hbm4b:s4+s16], $0x80, s9, s16, $0xb8;
	[tilespmem:$0x1CC00] =	vst v63  }
0xe7: {  	_ =	swait.ge [sflag:s20], $0x4000  }
0xe8: {  	[sflag:s20] =	ssyncset.done $0x0  }
0xe9: {  	s9 =	rddreg [dreg:$0x8];
	[sflag:s20] =	ssyncadd.s32 $0xFFFFC000  }
0xea: {  	[spmem:s2] =	stream.indirect.scatter.add.f32 [tilespmem:s17], [sflag:$0x4], $0x80, s9, s16, $0xb8;
	[tilespmem:$0x1CC00] =	vst v63  }
0xeb: {  	_ =	swait.ge [sflag:s21], $0x4000  }
0xec: {  	[sflag:s21] =	ssyncset.done $0x0  }
0xed: {  	s9 =	rddreg [dreg:$0x9];
	[sflag:s21] =	ssyncadd.s32 $0xFFFFC000  }
0xee: {  	[tilespmem:s17], [sflag:$0x2] =	stream.indirect.gather [hbm4b:s4+s16], $0x80, s9, s16, $0xb8;
	[tilespmem:$0x1CC00] =	vst v63  }
0xef: {  	_ =	swait.ge [sflag:s18], $0x4000  }
0xf0: {  	[sflag:s18] =	ssyncset.done $0x0  }
0xf1: {  	s9 =	rddreg [dreg:$0xa];
	[sflag:s18] =	ssyncadd.s32 $0xFFFFC000  }
0xf2: {  	[spmem:s2] =	stream.indirect.scatter.add.f32 [tilespmem:s12], [sflag:$0x3], $0x80, s9, s16, $0xb8;
	[tilespmem:$0x1CC00] =	vst v63  }
0xf3: {  	_ =	swait.ge [sflag:s19], $0x4000  }
0xf4: {  	[sflag:s19] =	ssyncset.done $0x0  }
0xf5: {  	s9 =	rddreg [dreg:$0xb];
	[sflag:s19] =	ssyncadd.s32 $0xFFFFC000  }
0xf6: {  	[tilespmem:s12], [sflag:$0x1] =	stream.indirect.gather [hbm4b:s4+s16], $0x80, s9, s16, $0xb8;
	[tilespmem:$0x1CC00] =	vst v63  }
0xf7: {  	_ =	swait.ge [sflag:s20], $0x4000  }
0xf8: {  	[sflag:s20] =	ssyncset.done $0x0  }
0xf9: {  	s9 =	rddreg [dreg:$0xc];
	[sflag:s20] =	ssyncadd.s32 $0xFFFFC000  }
0xfa: {  	[spmem:s2] =	stream.indirect.scatter.add.f32 [tilespmem:s17], [sflag:$0x4], $0x80, s9, s16, $0xb8;
	[tilespmem:$0x1CC00] =	vst v63  }
0xfb: {  	_ =	swait.ge [sflag:s21], $0x4000  }
0xfc: {  	[sflag:s21] =	ssyncset.done $0x0  }
0xfd: {  	s9 =	rddreg [dreg:$0xd];
	[sflag:s21] =	ssyncadd.s32 $0xFFFFC000  }
0xfe: {  	[tilespmem:s17], [sflag:$0x2] =	stream.indirect.gather [hbm4b:s4+s16], $0x80, s9, s16, $0xb8;
	[tilespmem:$0x1CC00] =	vst v63  }
0xff: {  	_ =	swait.ge [sflag:s18], $0x4000  }
0x100: {  	[sflag:s18] =	ssyncset.done $0x0  }
0x101: {  	s9 =	rddreg [dreg:$0xe];
	[sflag:s18] =	ssyncadd.s32 $0xFFFFC000  }
0x102: {  	[spmem:s2] =	stream.indirect.scatter.add.f32 [tilespmem:s12], [sflag:$0x3], $0x80, s9, s16, $0xb8;
	[tilespmem:$0x1CC00] =	vst v63  }
0x103: {  	_ =	swait.ge [sflag:s19], $0x4000  }
0x104: {  	[sflag:s19] =	ssyncset.done $0x0  }
0x105: {  	s9 =	rddreg [dreg:$0xf];
	[sflag:s19] =	ssyncadd.s32 $0xFFFFC000  }
0x106: {  	[tilespmem:s12], [sflag:$0x1] =	stream.indirect.gather [hbm4b:s4+s16], $0x80, s9, s16, $0xb8;
	[tilespmem:$0x1CC00] =	vst v63  }
0x107: {  	_ =	swait.ge [sflag:s20], $0x4000  }
0x108: {  	[sflag:s20] =	ssyncset.done $0x0  }
0x109: {  	s9 =	rddreg [dreg:$0x10];
	[sflag:s20] =	ssyncadd.s32 $0xFFFFC000  }
0x10a: {  	[spmem:s2] =	stream.indirect.scatter.add.f32 [tilespmem:s17], [sflag:$0x4], $0x80, s9, s16, $0xb8;
	[tilespmem:$0x1CC00] =	vst v63  }
0x10b: {  	_ =	swait.ge [sflag:s21], $0x4000  }
0x10c: {  	[sflag:s21] =	ssyncset.done $0x0  }
0x10d: {  	s9 =	rddreg [dreg:$0x11];
	[sflag:s21] =	ssyncadd.s32 $0xFFFFC000  }
0x10e: {  	[tilespmem:s17], [sflag:$0x2] =	stream.indirect.gather [hbm4b:s4+s16], $0x80, s9, s16, $0xb8;
	[tilespmem:$0x1CC00] =	vst v63  }
0x10f: {  	_ =	swait.ge [sflag:s18], $0x4000  }
0x110: {  	[sflag:s18] =	ssyncset.done $0x0  }
0x111: {  	s9 =	rddreg [dreg:$0x12];
	[sflag:s18] =	ssyncadd.s32 $0xFFFFC000  }
0x112: {  	[spmem:s2] =	stream.indirect.scatter.add.f32 [tilespmem:s12], [sflag:$0x3], $0x80, s9, s16, $0xb8;
	[tilespmem:$0x1CC00] =	vst v63  }
0x113: {  	_ =	swait.ge [sflag:s19], $0x4000  }
0x114: {  	[sflag:s19] =	ssyncset.done $0x0  }
0x115: {  	s9 =	rddreg [dreg:$0x13];
	[sflag:s19] =	ssyncadd.s32 $0xFFFFC000  }
0x116: {  	[tilespmem:s12], [sflag:$0x1] =	stream.indirect.gather [hbm4b:s4+s16], $0x80, s9, s16, $0xb8;
	[tilespmem:$0x1CC00] =	vst v63  }
0x117: {  	_ =	swait.ge [sflag:s20], $0x4000  }
0x118: {  	[sflag:s20] =	ssyncset.done $0x0  }
0x119: {  	s9 =	rddreg [dreg:$0x14];
	[sflag:s20] =	ssyncadd.s32 $0xFFFFC000  }
0x11a: {  	[spmem:s2] =	stream.indirect.scatter.add.f32 [tilespmem:s17], [sflag:$0x4], $0x80, s9, s16, $0xb8;
	[tilespmem:$0x1CC00] =	vst v63  }
0x11b: {  	_ =	swait.ge [sflag:s21], $0x4000  }
0x11c: {  	[sflag:s21] =	ssyncset.done $0x0  }
0x11d: {  	s9 =	rddreg [dreg:$0x15];
	[sflag:s21] =	ssyncadd.s32 $0xFFFFC000  }
0x11e: {  	[tilespmem:s17], [sflag:$0x2] =	stream.indirect.gather [hbm4b:s4+s16], $0x80, s9, s16, $0xb8;
	[tilespmem:$0x1CC00] =	vst v63  }
0x11f: {  	_ =	swait.ge [sflag:s18], $0x4000  }
0x120: {  	[sflag:s18] =	ssyncset.done $0x0  }
0x121: {  	[sflag:s18] =	ssyncadd.s32 $0xFFFFC000  }
0x122: {  	[spmem:s2] =	stream.indirect.scatter.add.f32 [tilespmem:s12], [sflag:$0x3], $0x80, s22, s16, $0xb8;
	[tilespmem:$0x1CC00] =	vst v63  }
0x123: {  	_ =	swait.ge [sflag:s19], $0x4000  }
0x124: {  	[sflag:s19] =	ssyncset.done $0x0  }
0x125: {  	[sflag:s19] =	ssyncadd.s32 $0xFFFFC000  }
0x126: {  	[tilespmem:s12], [sflag:$0x1] =	stream.indirect.gather [hbm4b:s4+s16], $0x80, s23, s16, $0xb8;
	[tilespmem:$0x1CC00] =	vst v63  }
0x127: {  	_ =	swait.ge [sflag:s20], $0x4000  }
0x128: {  	[sflag:s20] =	ssyncset.done $0x0  }
0x129: {  	[sflag:s20] =	ssyncadd.s32 $0xFFFFC000  }
0x12a: {  	[spmem:s2] =	stream.indirect.scatter.add.f32 [tilespmem:s17], [sflag:$0x4], $0x80, s24, s16, $0xb8;
	[tilespmem:$0x1CC00] =	vst v63  }
0x12b: {  	_ =	swait.ge [sflag:s21], $0x4000  }
0x12c: {  	[sflag:s21] =	ssyncset.done $0x0  }
0x12d: {  	[sflag:s21] =	ssyncadd.s32 $0xFFFFC000  }
0x12e: {  	[tilespmem:s17], [sflag:$0x2] =	stream.indirect.gather [hbm4b:s4+s16], $0x80, s25, s16, $0xb8;
	[tilespmem:$0x1CC00] =	vst v63  }
0x12f: {  	_ =	swait.ge [sflag:s18], $0x4000  }
0x130: {  	[sflag:s18] =	ssyncset.done $0x0  }
0x131: {  	[sflag:s18] =	ssyncadd.s32 $0xFFFFC000  }
0x132: {  	[spmem:s2] =	stream.indirect.scatter.add.f32 [tilespmem:s12], [sflag:$0x3], $0x80, s26, s16, $0xb8;
	[tilespmem:$0x1CC00] =	vst v63  }
0x133: {  	_ =	swait.ge [sflag:s19], $0x4000  }
0x134: {  	[sflag:s19] =	ssyncset.done $0x0  }
0x135: {  	[sflag:s19] =	ssyncadd.s32 $0xFFFFC000  }
0x136: {  	[tilespmem:s12], [sflag:$0x1] =	stream.indirect.gather [hbm4b:s4+s16], $0x80, s28, s16, $0xb8;
	[tilespmem:$0x1CC00] =	vst v63  }
0x137: {  	_ =	swait.ge [sflag:s20], $0x4000  }
0x138: {  	[sflag:s20] =	ssyncset.done $0x0  }
0x139: {  	[sflag:s20] =	ssyncadd.s32 $0xFFFFC000  }
0x13a: {  	[spmem:s2] =	stream.indirect.scatter.add.f32 [tilespmem:s17], [sflag:$0x4], $0x80, s29, s16, $0xb8;
	[tilespmem:$0x1CC00] =	vst v63  }
0x13b: {  	_ =	swait.ge [sflag:s21], $0x4000  }
0x13c: {  	[sflag:s21] =	ssyncset.done $0x0  }
0x13d: {  	[sflag:s21] =	ssyncadd.s32 $0xFFFFC000  }
0x13e: {  	[tilespmem:s17], [sflag:$0x2] =	stream.indirect.gather [hbm4b:s4+s16], $0x80, s30, s16, $0xb8;
	[tilespmem:$0x1CC00] =	vst v63  }
0x13f: {  	_ =	swait.ge [sflag:s18], $0x4000  }
0x140: {  	[sflag:s18] =	ssyncset.done $0x0  }
0x141: {  	[sflag:s18] =	ssyncadd.s32 $0xFFFFC000  }
0x142: {  	[spmem:s2] =	stream.indirect.scatter.add.f32 [tilespmem:s12], [sflag:$0x3], $0x80, s31, s16, $0xb8;
	[tilespmem:$0x1CC00] =	vst v63  }
0x143: {  	_ =	swait.ge [sflag:s19], $0x4000  }
0x144: {  	[sflag:s19] =	ssyncset.done $0x0  }
0x145: {  	[sflag:s19] =	ssyncadd.s32 $0xFFFFC000  }
0x146: {  	[tilespmem:s12], [sflag:$0x1] =	stream.indirect.gather [hbm4b:s4+s16], $0x80, s1, s16, $0xb8;
	[tilespmem:$0x1CC00] =	vst v63  }
0x147: {  	_ =	swait.ge [sflag:s20], $0x4000  }
0x148: {  	[sflag:s20] =	ssyncset.done $0x0  }
0x149: {  	[sflag:s20] =	ssyncadd.s32 $0xFFFFC000  }
0x14a: {  	[spmem:s2] =	stream.indirect.scatter.add.f32 [tilespmem:s17], [sflag:$0x4], $0x80, s0, s16, $0xb8;
	[tilespmem:$0x1CC00] =	vst v63  }
0x14b: {  	_ =	swait.ge [sflag:s21], $0x4000  }
0x14c: {  	[sflag:s21] =	ssyncset.done $0x0  }
0x14d: {  	[sflag:s21] =	ssyncadd.s32 $0xFFFFC000  }
0x14e: {  	[tilespmem:s17], [sflag:$0x2] =	stream.indirect.gather [hbm4b:s4+s16], $0x80, s6, s16, $0xb8;
	[tilespmem:$0x1CC00] =	vst v63  }
0x14f: {  	_ =	swait.ge [sflag:s18], $0x4000  }
0x150: {  	[sflag:s18] =	ssyncset.done $0x0  }
0x151: {  	[sflag:s18] =	ssyncadd.s32 $0xFFFFC000  }
0x152: {  	[spmem:s2] =	stream.indirect.scatter.add.f32 [tilespmem:s12], [sflag:$0x3], $0x80, s7, s16, $0xb8;
	[tilespmem:$0x1CC00] =	vst v63  }
0x153: {  	_ =	swait.ge [sflag:s19], $0x4000  }
0x154: {  	[sflag:s19] =	ssyncset.done $0x0  }
0x155: {  	[sflag:s19] =	ssyncadd.s32 $0xFFFFC000  }
0x156: {  	p0 =	sne.s32 s11, $0x400;
	_ =	swait.ge [sflag:s20], $0x4000  }
.Ltmp1:
0x157: {  	[sflag:s20] =	ssyncset.done $0x0;
	(pc) =	sbr.rel @p0 .LBB2_4-.Ltmp1, $4  }
0x158: {  	[sflag:s20] =	ssyncadd.s32 $0xFFFFC000  }
0x159: {  	[spmem:s2] =	stream.indirect.scatter.add.f32 [tilespmem:s17], [sflag:$0x4], $0x80, s8, s16, $0xb8;
	[tilespmem:$0x1CC00] =	vst v63  }
0x15a: {  	_ =	swait.ge [sflag:s21], $0x4000  }
0x15b: {  	s11 =	sadd.s32 $0x100, s11;
	s5 =	rddreg [dreg:$0x5];
	[sflag:s21] =	ssyncset.done $0x0  }
0x15c: {  	[sflag:s21] =	ssyncadd.s32 $0xFFFFC000;
	s5 =	sadd.s32 s10, s5  }
0x15d: {  	[tilespmem:s14], [sflag:$0x5] =	stream.linear.gather [hbm4b:s5+s3], $0x800, $0x38;
	[tilespmem:$0x1CC00] =	vst v63  }
0x15e: {  	_ =	swait.ge [sflag:s13], $0x800  }
0x15f: {  	s11 =	rddreg [dreg:$0x4];
	[sflag:s13] =	ssyncset.done $0x0  }
0x160: {  	[sflag:s13] =	ssyncadd.s32 $0xFFFFF800;
	s5 =	sadd.s32 s10, s11  }
0x161: {  	[tilespmem:s15], [sflag:$0x5] =	stream.linear.gather [hbm4b:s5+s3], $0x800, $0x38;
	[tilespmem:$0x1CC00] =	vst v63  }
0x162: {  	_ =	swait.ge [sflag:s13], $0x800  }
0x163: {  	[sflag:s13] =	ssyncset.done $0x0  }
0x164: {  	[sflag:s13] =	ssyncadd.s32 $0xFFFFF800  }
0x165: {  	[tilespmem:s12], [sflag:$0x1] =	stream.indirect.gather [hbm4b:s4+s16], $0x80, s14, s16, $0xb8;
	[tilespmem:$0x1CC00] =	vst v63  }
0x166: {  	s9 =	rddreg [dreg:$0x6]  }
0x167: {  	[tilespmem:s17], [sflag:$0x2] =	stream.indirect.gather [hbm4b:s4+s16], $0x80, s9, s16, $0xb8;
	[tilespmem:$0x1CC00] =	vst v63  }
0x168: {  	_ =	swait.ge [sflag:s18], $0x4000  }
0x169: {  	[sflag:s18] =	ssyncset.done $0x0  }
0x16a: {  	[sflag:s18] =	ssyncadd.s32 $0xFFFFC000  }
0x16b: {  	[spmem:s2] =	stream.indirect.scatter.add.f32 [tilespmem:s12], [sflag:$0x3], $0x80, s15, s16, $0xb8;
	[tilespmem:$0x1CC00] =	vst v63  }
0x16c: {  	_ =	swait.ge [sflag:s19], $0x4000  }
0x16d: {  	[sflag:s19] =	ssyncset.done $0x0  }
0x16e: {  	s10 =	rddreg [dreg:$0x7];
	[sflag:s19] =	ssyncadd.s32 $0xFFFFC000  }
0x16f: {  	[tilespmem:s12], [sflag:$0x1] =	stream.indirect.gather [hbm4b:s4+s16], $0x80, s10, s16, $0xb8;
	[tilespmem:$0x1CC00] =	vst v63  }
0x170: {  	_ =	swait.ge [sflag:s20], $0x4000  }
0x171: {  	[sflag:s20] =	ssyncset.done $0x0  }
0x172: {  	s11 =	rddreg [dreg:$0x8];
	[sflag:s20] =	ssyncadd.s32 $0xFFFFC000  }
0x173: {  	[spmem:s2] =	stream.indirect.scatter.add.f32 [tilespmem:s17], [sflag:$0x4], $0x80, s11, s16, $0xb8;
	[tilespmem:$0x1CC00] =	vst v63  }
0x174: {  	_ =	swait.ge [sflag:s21], $0x4000  }
0x175: {  	[sflag:s21] =	ssyncset.done $0x0  }
0x176: {  	s9 =	rddreg [dreg:$0x9];
	[sflag:s21] =	ssyncadd.s32 $0xFFFFC000  }
0x177: {  	[tilespmem:s17], [sflag:$0x2] =	stream.indirect.gather [hbm4b:s4+s16], $0x80, s9, s16, $0xb8;
	[tilespmem:$0x1CC00] =	vst v63  }
0x178: {  	_ =	swait.ge [sflag:s18], $0x4000  }
0x179: {  	[sflag:s18] =	ssyncset.done $0x0  }
0x17a: {  	s10 =	rddreg [dreg:$0xa];
	[sflag:s18] =	ssyncadd.s32 $0xFFFFC000  }
0x17b: {  	[spmem:s2] =	stream.indirect.scatter.add.f32 [tilespmem:s12], [sflag:$0x3], $0x80, s10, s16, $0xb8;
	[tilespmem:$0x1CC00] =	vst v63  }
0x17c: {  	_ =	swait.ge [sflag:s19], $0x4000  }
0x17d: {  	[sflag:s19] =	ssyncset.done $0x0  }
0x17e: {  	s11 =	rddreg [dreg:$0xb];
	[sflag:s19] =	ssyncadd.s32 $0xFFFFC000  }
0x17f: {  	[tilespmem:s12], [sflag:$0x1] =	stream.indirect.gather [hbm4b:s4+s16], $0x80, s11, s16, $0xb8;
	[tilespmem:$0x1CC00] =	vst v63  }
0x180: {  	_ =	swait.ge [sflag:s20], $0x4000  }
0x181: {  	[sflag:s20] =	ssyncset.done $0x0  }
0x182: {  	s9 =	rddreg [dreg:$0xc];
	[sflag:s20] =	ssyncadd.s32 $0xFFFFC000  }
0x183: {  	[spmem:s2] =	stream.indirect.scatter.add.f32 [tilespmem:s17], [sflag:$0x4], $0x80, s9, s16, $0xb8;
	[tilespmem:$0x1CC00] =	vst v63  }
0x184: {  	_ =	swait.ge [sflag:s21], $0x4000  }
0x185: {  	[sflag:s21] =	ssyncset.done $0x0  }
0x186: {  	s10 =	rddreg [dreg:$0xd];
	[sflag:s21] =	ssyncadd.s32 $0xFFFFC000  }
0x187: {  	[tilespmem:s17], [sflag:$0x2] =	stream.indirect.gather [hbm4b:s4+s16], $0x80, s10, s16, $0xb8;
	[tilespmem:$0x1CC00] =	vst v63  }
0x188: {  	_ =	swait.ge [sflag:s18], $0x4000  }
0x189: {  	[sflag:s18] =	ssyncset.done $0x0  }
0x18a: {  	s11 =	rddreg [dreg:$0xe];
	[sflag:s18] =	ssyncadd.s32 $0xFFFFC000  }
0x18b: {  	[spmem:s2] =	stream.indirect.scatter.add.f32 [tilespmem:s12], [sflag:$0x3], $0x80, s11, s16, $0xb8;
	[tilespmem:$0x1CC00] =	vst v63  }
0x18c: {  	_ =	swait.ge [sflag:s19], $0x4000  }
0x18d: {  	[sflag:s19] =	ssyncset.done $0x0  }
0x18e: {  	s9 =	rddreg [dreg:$0xf];
	[sflag:s19] =	ssyncadd.s32 $0xFFFFC000  }
0x18f: {  	[tilespmem:s12], [sflag:$0x1] =	stream.indirect.gather [hbm4b:s4+s16], $0x80, s9, s16, $0xb8;
	[tilespmem:$0x1CC00] =	vst v63  }
0x190: {  	_ =	swait.ge [sflag:s20], $0x4000  }
0x191: {  	[sflag:s20] =	ssyncset.done $0x0  }
0x192: {  	s10 =	rddreg [dreg:$0x10];
	[sflag:s20] =	ssyncadd.s32 $0xFFFFC000  }
0x193: {  	[spmem:s2] =	stream.indirect.scatter.add.f32 [tilespmem:s17], [sflag:$0x4], $0x80, s10, s16, $0xb8;
	[tilespmem:$0x1CC00] =	vst v63  }
0x194: {  	_ =	swait.ge [sflag:s21], $0x4000  }
0x195: {  	[sflag:s21] =	ssyncset.done $0x0  }
0x196: {  	s11 =	rddreg [dreg:$0x11];
	[sflag:s21] =	ssyncadd.s32 $0xFFFFC000  }
0x197: {  	[tilespmem:s17], [sflag:$0x2] =	stream.indirect.gather [hbm4b:s4+s16], $0x80, s11, s16, $0xb8;
	[tilespmem:$0x1CC00] =	vst v63  }
0x198: {  	_ =	swait.ge [sflag:s18], $0x4000  }
0x199: {  	[sflag:s18] =	ssyncset.done $0x0  }
0x19a: {  	s9 =	rddreg [dreg:$0x12];
	[sflag:s18] =	ssyncadd.s32 $0xFFFFC000  }
0x19b: {  	[spmem:s2] =	stream.indirect.scatter.add.f32 [tilespmem:s12], [sflag:$0x3], $0x80, s9, s16, $0xb8;
	[tilespmem:$0x1CC00] =	vst v63  }
0x19c: {  	_ =	swait.ge [sflag:s19], $0x4000  }
0x19d: {  	[sflag:s19] =	ssyncset.done $0x0  }
0x19e: {  	s10 =	rddreg [dreg:$0x13];
	[sflag:s19] =	ssyncadd.s32 $0xFFFFC000  }
0x19f: {  	[tilespmem:s12], [sflag:$0x1] =	stream.indirect.gather [hbm4b:s4+s16], $0x80, s10, s16, $0xb8;
	[tilespmem:$0x1CC00] =	vst v63  }
0x1a0: {  	_ =	swait.ge [sflag:s20], $0x4000  }
0x1a1: {  	[sflag:s20] =	ssyncset.done $0x0  }
0x1a2: {  	s11 =	rddreg [dreg:$0x14];
	[sflag:s20] =	ssyncadd.s32 $0xFFFFC000  }
0x1a3: {  	[spmem:s2] =	stream.indirect.scatter.add.f32 [tilespmem:s17], [sflag:$0x4], $0x80, s11, s16, $0xb8;
	[tilespmem:$0x1CC00] =	vst v63  }
0x1a4: {  	_ =	swait.ge [sflag:s21], $0x4000  }
0x1a5: {  	[sflag:s21] =	ssyncset.done $0x0  }
0x1a6: {  	s9 =	rddreg [dreg:$0x15];
	[sflag:s21] =	ssyncadd.s32 $0xFFFFC000  }
0x1a7: {  	[tilespmem:s17], [sflag:$0x2] =	stream.indirect.gather [hbm4b:s4+s16], $0x80, s9, s16, $0xb8;
	[tilespmem:$0x1CC00] =	vst v63  }
0x1a8: {  	_ =	swait.ge [sflag:s18], $0x4000  }
0x1a9: {  	[sflag:s18] =	ssyncset.done $0x0  }
0x1aa: {  	[sflag:s18] =	ssyncadd.s32 $0xFFFFC000  }
0x1ab: {  	[spmem:s2] =	stream.indirect.scatter.add.f32 [tilespmem:s12], [sflag:$0x3], $0x80, s22, s16, $0xb8;
	[tilespmem:$0x1CC00] =	vst v63  }
0x1ac: {  	_ =	swait.ge [sflag:s19], $0x4000  }
0x1ad: {  	[sflag:s19] =	ssyncset.done $0x0  }
0x1ae: {  	[sflag:s19] =	ssyncadd.s32 $0xFFFFC000  }
0x1af: {  	[tilespmem:s12], [sflag:$0x1] =	stream.indirect.gather [hbm4b:s4+s16], $0x80, s23, s16, $0xb8;
	[tilespmem:$0x1CC00] =	vst v63  }
0x1b0: {  	_ =	swait.ge [sflag:s20], $0x4000  }
0x1b1: {  	[sflag:s20] =	ssyncset.done $0x0  }
0x1b2: {  	[sflag:s20] =	ssyncadd.s32 $0xFFFFC000  }
0x1b3: {  	[spmem:s2] =	stream.indirect.scatter.add.f32 [tilespmem:s17], [sflag:$0x4], $0x80, s24, s16, $0xb8;
	[tilespmem:$0x1CC00] =	vst v63  }
0x1b4: {  	_ =	swait.ge [sflag:s21], $0x4000  }
0x1b5: {  	[sflag:s21] =	ssyncset.done $0x0  }
0x1b6: {  	[sflag:s21] =	ssyncadd.s32 $0xFFFFC000  }
0x1b7: {  	[tilespmem:s17], [sflag:$0x2] =	stream.indirect.gather [hbm4b:s4+s16], $0x80, s25, s16, $0xb8;
	[tilespmem:$0x1CC00] =	vst v63  }
0x1b8: {  	_ =	swait.ge [sflag:s18], $0x4000  }
0x1b9: {  	[sflag:s18] =	ssyncset.done $0x0  }
0x1ba: {  	[sflag:s18] =	ssyncadd.s32 $0xFFFFC000  }
0x1bb: {  	[spmem:s2] =	stream.indirect.scatter.add.f32 [tilespmem:s12], [sflag:$0x3], $0x80, s26, s16, $0xb8;
	[tilespmem:$0x1CC00] =	vst v63  }
0x1bc: {  	_ =	swait.ge [sflag:s19], $0x4000  }
0x1bd: {  	[sflag:s19] =	ssyncset.done $0x0  }
0x1be: {  	[sflag:s19] =	ssyncadd.s32 $0xFFFFC000  }
0x1bf: {  	[tilespmem:s12], [sflag:$0x1] =	stream.indirect.gather [hbm4b:s4+s16], $0x80, s28, s16, $0xb8;
	[tilespmem:$0x1CC00] =	vst v63  }
0x1c0: {  	_ =	swait.ge [sflag:s20], $0x4000  }
0x1c1: {  	[sflag:s20] =	ssyncset.done $0x0  }
0x1c2: {  	[sflag:s20] =	ssyncadd.s32 $0xFFFFC000  }
0x1c3: {  	[spmem:s2] =	stream.indirect.scatter.add.f32 [tilespmem:s17], [sflag:$0x4], $0x80, s29, s16, $0xb8;
	[tilespmem:$0x1CC00] =	vst v63  }
0x1c4: {  	_ =	swait.ge [sflag:s21], $0x4000  }
0x1c5: {  	[sflag:s21] =	ssyncset.done $0x0  }
0x1c6: {  	[sflag:s21] =	ssyncadd.s32 $0xFFFFC000  }
0x1c7: {  	[tilespmem:s17], [sflag:$0x2] =	stream.indirect.gather [hbm4b:s4+s16], $0x80, s30, s16, $0xb8;
	[tilespmem:$0x1CC00] =	vst v63  }
0x1c8: {  	_ =	swait.ge [sflag:s18], $0x4000  }
0x1c9: {  	[sflag:s18] =	ssyncset.done $0x0  }
0x1ca: {  	[sflag:s18] =	ssyncadd.s32 $0xFFFFC000  }
0x1cb: {  	[spmem:s2] =	stream.indirect.scatter.add.f32 [tilespmem:s12], [sflag:$0x3], $0x80, s31, s16, $0xb8;
	[tilespmem:$0x1CC00] =	vst v63  }
0x1cc: {  	_ =	swait.ge [sflag:s19], $0x4000  }
0x1cd: {  	[sflag:s19] =	ssyncset.done $0x0  }
0x1ce: {  	[sflag:s19] =	ssyncadd.s32 $0xFFFFC000  }
0x1cf: {  	[tilespmem:s12], [sflag:$0x1] =	stream.indirect.gather [hbm4b:s4+s16], $0x80, s1, s16, $0xb8;
	[tilespmem:$0x1CC00] =	vst v63  }
0x1d0: {  	_ =	swait.ge [sflag:s20], $0x4000  }
0x1d1: {  	[sflag:s20] =	ssyncset.done $0x0  }
0x1d2: {  	[sflag:s20] =	ssyncadd.s32 $0xFFFFC000  }
0x1d3: {  	[spmem:s2] =	stream.indirect.scatter.add.f32 [tilespmem:s17], [sflag:$0x4], $0x80, s0, s16, $0xb8;
	[tilespmem:$0x1CC00] =	vst v63  }
0x1d4: {  	_ =	swait.ge [sflag:s21], $0x4000  }
0x1d5: {  	[sflag:s21] =	ssyncset.done $0x0  }
0x1d6: {  	[sflag:s21] =	ssyncadd.s32 $0xFFFFC000  }
0x1d7: {  	[tilespmem:s17], [sflag:$0x2] =	stream.indirect.gather [hbm4b:s4+s16], $0x80, s6, s16, $0xb8;
	[tilespmem:$0x1CC00] =	vst v63  }
0x1d8: {  	_ =	swait.ge [sflag:s18], $0x4000  }
0x1d9: {  	[sflag:s18] =	ssyncset.done $0x0  }
0x1da: {  	[sflag:s18] =	ssyncadd.s32 $0xFFFFC000  }
0x1db: {  	[spmem:s2] =	stream.indirect.scatter.add.f32 [tilespmem:s12], [sflag:$0x3], $0x80, s7, s16, $0xb8;
	[tilespmem:$0x1CC00] =	vst v63  }
0x1dc: {  	_ =	swait.ge [sflag:s19], $0x4000  }
0x1dd: {  	[sflag:s19] =	ssyncset.done $0x0  }
0x1de: {  	[sflag:s19] =	ssyncadd.s32 $0xFFFFC000  }
0x1df: {  	_ =	swait.ge [sflag:s20], $0x4000  }
0x1e0: {  	[sflag:s20] =	ssyncset.done $0x0  }
0x1e1: {  	[sflag:s20] =	ssyncadd.s32 $0xFFFFC000  }
0x1e2: {  	[spmem:s2] =	stream.indirect.scatter.add.f32 [tilespmem:s17], [sflag:$0x4], $0x80, s8, s16, $0xb8;
	[tilespmem:$0x1CC00] =	vst v63  }
0x1e3: {  	_ =	swait.ge [sflag:s21], $0x4000  }
0x1e4: {  	[sflag:s21] =	ssyncset.done $0x0  }
0x1e5: {  	[sflag:s21] =	ssyncadd.s32 $0xFFFFC000  }
0x1e6: {  	s10 =	stileid.u32;
	[bflag:$0x0] =	sbarrier.arrive $0xFFFF  }
0x1e7: {  	s5 =	sshll.u32 s10, $0x6;
	s9 =	rddreg [dreg:$0x16]  }
0x1e8: {  	s5 =	sor.u32 $0x1C05, s5;
	s11 =	rddreg [dreg:$0x1b];
	s9 =	sshrl.u32 s9, $0x3  }
0x1e9: {  	[hbm:s11], [sflag:s5] =	dma.local [spmem:s9], $0x2780  }
0x1ea: {  	_ =	swait.ge [sflag:s13], $0x2780  }
0x1eb: {  	s10 =	rddreg [dreg:$0x1d]  }
0x1ec: {  	s11 =	rddreg [dreg:$0x1c];
	s9 =	sadd.s32 $0x1, s10  }
0x1ed: {  	p0 =	sne.s32 s9, s11  }
.Ltmp2:
0x1ee: {  	_ = 	snop;
	(pc) =	sbr.rel @p0 .LBB2_1-.Ltmp2, $3  }
0x1ef: {  	_ =	sdelay $0x1  }
0x1f0: {  	[sflag:s13] =	ssyncset.done $0x0  }
0x1f1: {  	[sflag:s13] =	ssyncadd.s32 $0xFFFFD880  }
0x1f2: {  	_ =	sfence.sel $0x180000  }
0x1f3: {  	[bflag:$0x0] =	sbarrier.arrive $0xFFFF  }
0x1f4: {  	_ =	strace $0x90000047  }
0x1f5: {  	s0 =	stileid.u32;
	[bflag:$0x2] =	sbarrier.arrive $0xFFFF  }
0x1f6: {  	p0 =	sne.s32 s0, $0x0;
	s0 =	rddreg [dreg:$0x3]  }
0x1f7: {  	s0 =	sadd.s32 @!p0 $0x100000, s0  }
0x1f8: {  	[sflag:s0] =	ssyncadd.tile.s32 @!p0 $0x1;
	_ =	shalt  }
.Lfunc_end2:
_tile_overlayer_lowered:
.L_overlay_start_2:
0x1f9: {  	(tag) =	ssettag $0x2  }
0x1fa: {  	s0 =	rddreg [dreg:$0x0];
	s2 =	stileid.u32  }
0x1fb: {  	s1 =	rddreg [dreg:$0x1];
	p0 =	sne.s32 s2, $0x0  }
0x1fc: {  	s3 =	rddreg [dreg:$0x2];
	[bflag:$0x3] =	sbarrier.arrive $0xFFFF;
	s2 =	simm.s32 @!p0 $0x1C05  }
0x1fd: {  	[timem:s3], [sflag:s2] =	dma.local @!p0 [hbm:s0], s1  }
0x1fe: {  	s0 =	simm.s32 @!p0 $0x5  }
0x1ff: {  	_ =	swait.ge @!p0 [sflag:s0], s1  }
0x200: {  	s1 =	ssub.s32 @!p0 $0x0, s1;
	[sflag:s0] =	ssyncset.done @!p0 $0x0  }
0x201: {  	[sflag:s0] =	ssyncadd.s32 @!p0 s1  }
0x202: {  	[bflag:$0x3] =	sbarrier.arrive $0xFFFF  }
0x203: {  	_ =	shalt  }

// kernel: kernel.14.cloned.1.call-start
scs
__scs_entry_jumppad:
0x0: {  	(pc) =	sbr.rel $0x88, $3  }
0x1: {  	(tag) =	ssettag $0x0;
	lr =	simm.s32 $0x1  }
0x2: {  	[smem:$0x3F99] =	sst lr;
	_ =	strace $0xD0000000  }
0x3: {  	_ = 	snop  }
0x4: {  	_ = 	snop  }
0x5: {  	_ = 	snop  }
0x6: {  	_ = 	snop  }
0x7: {  	_ = 	snop  }
__scs_overlays_trampoline_lowered:
0x8: {  	[smem:$0x3FA8] =	sst s0  }
0x9: {  	[smem:$0x3FA9] =	sst s1  }
0xa: {  	[smem:$0x3FAA] =	sst s2  }
0xb: {  	[smem:$0x3FAB] =	sst s3  }
0xc: {  	[smem:$0x3FAC] =	sst s4  }
0xd: {  	[smem:$0x3FAD] =	sst s5  }
0xe: {  	[smem:$0x3FAE] =	sst s6  }
0xf: {  	[smem:$0x3FAF] =	sst s7  }
0x10: {  	[smem:$0x3FB0] =	sst s8  }
0x11: {  	[smem:$0x3FB1] =	sst s9;
	s0 =	simm.s32 @!p0 $0x0  }
0x12: {  	s1 =	sld [smem:$0x3F97];
	s0 =	simm.s32 @p0 $0x1  }
0x13: {  	[smem:$0x3FB2] =	sst s0;
	s0 =	simm.s32 @!p1 $0x0  }
0x14: {  	s2 =	sld [smem:$0x3F96];
	s0 =	simm.s32 @p1 $0x1  }
0x15: {  	[smem:$0x3FB3] =	sst s0;
	s0 =	simm.s32 @!p2 $0x0  }
0x16: {  	s3 =	sld [smem:$0x3FDB];
	s0 =	simm.s32 @p2 $0x1  }
0x17: {  	s4 =	simm.s32 $0x1BF5;
	[smem:$0x3FB5] =	sst s0  }
0x18: {  	s0 =	sld [smem:$0x3F98];
	_ =	swait.ge [sflag:s4], $0x0  }
0x19: {  	s7 =	sld [smem:$0x3F99]  }
0x1a: {  	s8 =	sadd.s32 $0xFFFFE003, lr  }
0x1b: {  	s9 =	sadd.s32 $0xFFFFFEF7, lr;
	s5 =	simm.s32 $0xFFFFFFFF;
	p2 =	slt.u32 s8, $0xFFFFF086  }
0x1c: {  	p1 =	slt.u32 s9, $0xF7A;
	s5 =	simm.s32 @!p2 $0x0  }
0x1d: {  	s5 =	simm.s32 @p1 $0x1;
	p0 =	seq.s32 s7, s2  }
0x1e: {  	s7 =	smul.u32 @!p0 $0xF7A, s2;
	p2 =	seq.s32 @!p0 s5, $0x0  }
0x1f: {  	s9 =	smul.u32 $0xF7A, s1;
	s8 =	simm.s32 @!p0 $0x1BF5;
	p2 =	por !p2, p0  }
0x20: {  	[sflag:s8] =	ssyncset.s32 @!p0 $0xFFFFF086;
	s6 =	sadd.s32 @!p0 s3, s7;
	s7 =	simm.s32 @!p0 $0x108  }
0x21: {  	s3 =	sadd.s32 s3, s9;
	s6 =	sadd.s32 @!p0 $0x88, s6;
	s7 =	simm.s32 @p2 $0x1082  }
0x22: {  	[simem:s7], [sflag:s8] =	dma.local @!p0 [hbm:s6], $0xF7A  }
0x23: {  	s9 =	sor.u32 $0xD0000000, s2;
	s6 =	simm.s32 $0x108;
	_ =	swait.ge @!p0 [sflag:s8], $0x0  }
0x24: {  	s3 =	sadd.s32 $0x88, s3;
	s6 =	simm.s32 @!p1 $0x1082;
	[sflag:s4] =	ssyncset.s32 $0xFFFFF086  }
0x25: {  	[simem:s6], [sflag:s4] =	dma.local [hbm:s3], $0xF7A  }
0x26: {  	[smem:$0x3F99] =	sst s1;
	(tag) =	ssettag s2;
	_ =	strace s9  }
0x27: {  	s1 =	sld [smem:$0x3FA9]  }
0x28: {  	s2 =	sld [smem:$0x3FAA]  }
0x29: {  	s4 =	sld [smem:$0x3FAC]  }
0x2a: {  	p0 =	seq.s32 s5, $0x0;
	s5 =	sld [smem:$0x3FAD]  }
0x2b: {  	s6 =	sld [smem:$0x3FAE]  }
0x2c: {  	s7 =	sld [smem:$0x3FAF]  }
0x2d: {  	s3 =	simm.s32 $0x108;
	s8 =	sld [smem:$0x3FB0]  }
0x2e: {  	s3 =	simm.s32 @!p0 $0x1082;
	s9 =	sld [smem:$0x3FB1]  }
0x2f: {  	lr =	sadd.s32 s0, s3;
	s0 =	sld [smem:$0x3FA8]  }
0x30: {  	s3 =	sld [smem:$0x3FAB]  }
0x31: {  	[smem:$0x3FB4] =	sst s10  }
0x32: {  	s10 =	sld [smem:$0x3FB2];
	_ =	sdelay $0x3  }
0x33: {  	p0 =	seq.s32 s10, $0x1;
	s10 =	sld [smem:$0x3FB4];
	_ =	sdelay $0x3  }
0x34: {  	[smem:$0x3FB4] =	sst s10  }
0x35: {  	s10 =	sld [smem:$0x3FB3];
	_ =	sdelay $0x3  }
0x36: {  	p1 =	seq.s32 s10, $0x1;
	s10 =	sld [smem:$0x3FB4];
	_ =	sdelay $0x3  }
0x37: {  	[smem:$0x3FB4] =	sst s10  }
0x38: {  	s10 =	sld [smem:$0x3FB5]  }
0x39: {  	_ = 	snop;
	(pc) =	sbr.ind lr, $3  }
0x3a: {  	_ = 	snop  }
0x3b: {  	_ = 	snop  }
0x3c: {  	p2 =	seq.s32 s10, $0x1;
	s10 =	sld [smem:$0x3FB4]  }
0x3d: {  	_ =	shalt  }
0x3e: {  	_ =	shalt  }
0x3f: {  	_ =	shalt  }
0x40: {  	_ =	shalt  }
0x41: {  	_ =	shalt  }
0x42: {  	_ =	shalt  }
0x43: {  	_ =	shalt  }
0x44: {  	_ =	shalt  }
0x45: {  	_ =	shalt  }
0x46: {  	_ =	shalt  }
0x47: {  	_ =	shalt  }
0x48: {  	_ =	shalt  }
0x49: {  	_ =	shalt  }
0x4a: {  	_ =	shalt  }
0x4b: {  	_ =	shalt  }
0x4c: {  	_ =	shalt  }
0x4d: {  	_ =	shalt  }
0x4e: {  	_ =	shalt  }
0x4f: {  	_ =	shalt  }
0x50: {  	_ =	shalt  }
0x51: {  	_ =	shalt  }
0x52: {  	_ =	shalt  }
0x53: {  	_ =	shalt  }
0x54: {  	_ =	shalt  }
0x55: {  	_ =	shalt  }
0x56: {  	_ =	shalt  }
0x57: {  	_ =	shalt  }
0x58: {  	_ =	shalt  }
0x59: {  	_ =	shalt  }
0x5a: {  	_ =	shalt  }
0x5b: {  	_ =	shalt  }
0x5c: {  	_ =	shalt  }
0x5d: {  	_ =	shalt  }
0x5e: {  	_ =	shalt  }
0x5f: {  	_ =	shalt  }
0x60: {  	_ =	shalt  }
0x61: {  	_ =	shalt  }
0x62: {  	_ =	shalt  }
0x63: {  	_ =	shalt  }
0x64: {  	_ =	shalt  }
0x65: {  	_ =	shalt  }
0x66: {  	_ =	shalt  }
0x67: {  	_ =	shalt  }
0x68: {  	_ =	shalt  }
0x69: {  	_ =	shalt  }
0x6a: {  	_ =	shalt  }
0x6b: {  	_ =	shalt  }
0x6c: {  	_ =	shalt  }
0x6d: {  	_ =	shalt  }
0x6e: {  	_ =	shalt  }
0x6f: {  	_ =	shalt  }
0x70: {  	_ =	shalt  }
0x71: {  	_ =	shalt  }
0x72: {  	_ =	shalt  }
0x73: {  	_ =	shalt  }
0x74: {  	_ =	shalt  }
0x75: {  	_ =	shalt  }
0x76: {  	_ =	shalt  }
0x77: {  	_ =	shalt  }
0x78: {  	_ =	shalt  }
0x79: {  	_ =	shalt  }
0x7a: {  	_ =	shalt  }
0x7b: {  	_ =	shalt  }
0x7c: {  	_ =	shalt  }
0x7d: {  	_ =	shalt  }
0x7e: {  	_ =	shalt  }
0x7f: {  	_ =	shalt  }
0x80: {  	_ =	shalt  }
0x81: {  	_ =	shalt  }
0x82: {  	_ =	shalt  }
0x83: {  	_ =	shalt  }
0x84: {  	_ =	shalt  }
0x85: {  	_ =	shalt  }
0x86: {  	_ =	shalt  }
0x87: {  	_ =	shalt  }
.Lfunc_end0:
.L_simem_size_0:
called_computation.2_lowered:
.L_overlay_start_0:
0x88: {  	s2 =	sld [smem:$0x3FD9]  }
0x89: {  	s3 =	sld [smem:$0x3FFE];
	_ =	sdelay $0x1  }
0x8a: {  	s1 =	srdreg.scid  }
0x8b: {  	s0 =	sand.u32 $0x1, s1  }
0x8c: {  	s17 =	sshll.u32 s0, $0xA;
	s2 =	sadd.s32 s3, s2  }
0x8d: {  	s2 =	sadd.s32 s2, s17  }
0x8e: {  	[smem:$0x3FC0] =	sst s2  }
0x8f: {  	_ = 	snop  }
0x90: {  	s2 =	sld [smem:$0x3FD0];
	(tm) =	ssettm $0x1  }
0x91: {  	s18 =	sld [smem:$0x3FFB];
	_ =	sdelay $0x3  }
0x92: {  	_ =	strace s18  }
0x93: {  	s3 =	sld [smem:$0x3FFC];
	_ =	sdelay $0x3  }
0x94: {  	_ =	strace s3  }
0x95: {  	s3 =	sld [smem:$0x3FFD];
	_ =	sdelay $0x3  }
0x96: {  	_ =	strace s3  }
0x97: {  	_ =	strace $0x8FFFFFFF  }
0x98: {  	s19 =	sld [smem:$0x3FDB];
	_ =	sdelay $0x1  }
0x99: {  	s4 =	simm.s32 $_scs_section_size  }
0x9a: {  	s5 =	simm.s32 $_size__tile_overlayer_lowered;
	s6 =	simm.s32 $_tile_overlayer_lowered  }
0x9b: {  	s22 =	simm.s32 $0x1BFF;
	s21 =	sshll.u32 s6, $0x1;
	s3 =	sadd.s32 s4, s19  }
0x9c: {  	s7 =	simm.s32 $0x0;
	s20 =	sshll.u32 s5, $0x1;
	s5 =	sadd.s32 s21, s3  }
0x9d: {  	[timem:s7], [sflag:s22] =	dma.local [hbm:s5], s20  }
0x9e: {  	_ =	swait.ge [sflag:s22], s20  }
0x9f: {  	s4 =	ssub.s32 $0x0, s20;
	[sflag:s22] =	ssyncset.done $0x0  }
0xa0: {  	[sflag:s22] =	ssyncadd.s32 s4;
	_ =	sdelay $0x1  }
0xa1: {  	s23 =	simm.s32 $0x1B8B  }
0xa2: {  	_ =	swait.ge [sflag:s23], $0x1  }
0xa3: {  	[sflag:s23] =	ssyncset.done $0x0  }
0xa4: {  	s25 =	simm.s32 $0x1B8E;
	s24 =	sld [smem:$0x3FFE];
	[sflag:s23] =	ssyncadd.s32 $0xFFFFFFFF  }
0xa5: {  	s26 =	simm.s32 $execute0_lowered;
	[smem:$0x3FD2] =	sst s25  }
0xa6: {  	s5 =	sshll.u32 s26, $0x1;
	_ =	strace $0x8000004C;
	[dreg:$0x1] =	wrdreg $0xFFFFFFFF  }
0xa7: {  	s28 =	simm.s32 $_size_execute0_lowered;
	s3 =	sadd.s32 s3, s5;
	[dreg:$0x0] =	wrdreg $0x0  }
0xa8: {  	s5 =	sshll.u32 s28, $0x1;
	[dreg:$0x2] =	wrdreg s3  }
0xa9: {  	[dreg:$0x3] =	wrdreg s5  }
0xaa: {  	[dreg:$0x4] =	wrdreg $0xC0  }
0xab: {  	_ =	task [dreg:s7], $0x5FFFF  }
0xac: {  	[dreg:$0x1] =	wrdreg $0xFFFFFFFF  }
0xad: {  	[dreg:$0x0] =	wrdreg $0x60  }
0xae: {  	[dreg:$0x2] =	wrdreg s24  }
0xaf: {  	[dreg:$0x3] =	wrdreg s2  }
0xb0: {  	[dreg:$0x4] =	wrdreg $0x0  }
0xb1: {  	[dreg:$0x5] =	wrdreg $0x9  }
0xb2: {  	_ =	task.clear_ibuf [dreg:s7], $0x6FFFF;
	_ =	strace $0x9000004C  }
0xb3: {  	s29 =	simm.s32 $0x9;
	_ =	strace $0x8000004E  }
0xb4: {  	_ =	swait.ge [sflag:s29], $0x1  }
0xb5: {  	[sflag:s29] =	ssyncadd.s32 $0xFFFFFFFF  }
0xb6: {  	_ =	strace $0x9000004E  }
0xb7: {  	_ =	sfence  }
0xb8: {  	s30 =	sld [smem:$0x0];
	_ =	sdelay $0x2  }
0xb9: {  	s31 =	sshll.u32 s1, $0xD;
	s1 =	sshrl.u32 s1, $0x2  }
0xba: {  	s3 =	sand.u32 $0x4000, s31;
	s1 =	sadd.s32 s1, s30  }
0xbb: {  	s0 =	sor.u32 s3, s0;
	s1 =	sshll.u32 s1, $0x11  }
0xbc: {  	s0 =	sor.u32 s1, s0  }
0xbd: {  	s0 =	sadd.s32 $0x8F2B, s0  }
0xbe: {  	[sflag:s0] =	ssyncadd.remote.s32 $0x1  }
0xbf: {  	_ =	sfence.sel $0xFFFF  }
0xc0: {  	[dreg:$0x0] =	wrdreg $0xFFFFFFFF;
	(pc) =	sbr.abs _section_cstart, $3  }
0xc1: {  	[dreg:$0x1] =	wrdreg $0xFFFFFFFF  }
0xc2: {  	_ =	task.clear_ibuf [dreg:s7], $0x2FFFF;
	_ =	strace $0x9FFFFFFF  }
0xc3: {  	(tm) =	ssettm $0x7FFFFFFF  }
tec
execute0_lowered:
.L_overlay_start_1:
0x0: {  	(tag) =	ssettag $0x1  }
0x1: {  	s0 =	srdreg.scid;
	s1 =	rddreg [dreg:$0x0]  }
0x2: {  	s9 =	stileid.u32;
	s5 =	rddreg [dreg:$0x1]  }
0x3: {  	s2 =	rddreg [dreg:$0x2];
	s3 =	simm.s32 $0x0;
	s11 =	simm.s32 $0x13C80  }
0x4: {  	s13 =	simm.s32 $0x1C580;
	s15 =	simm.s32 $0x13D00;
	s16 =	simm.s32 $0x1C600  }
0x5: {  	s17 =	simm.s32 $0x13D80;
	s18 =	simm.s32 $0x1C680;
	[smem:$0x7FF] =	sst s3  }
0x6: {  	s19 =	simm.s32 $0x13E00;
	_ =	strace $0x8000004D;
	[dreg:$0x8] =	wrdreg s11  }
0x7: {  	s20 =	simm.s32 $0x1C700;
	s21 =	simm.s32 $0x13E80;
	[dreg:$0x9] =	wrdreg s13  }
0x8: {  	s22 =	simm.s32 $0x1C780;
	s23 =	simm.s32 $0x13F00;
	[dreg:$0xa] =	wrdreg s15  }
0x9: {  	s24 =	simm.s32 $0x1C800;
	s28 =	simm.s32 $0x1CA00;
	[dreg:$0xb] =	wrdreg s16  }
0xa: {  	s29 =	simm.s32 $0x14180;
	s4 =	smul.u32 $0x5000, s9;
	[dreg:$0xc] =	wrdreg s17  }
0xb: {  	s30 =	simm.s32 $0x1CA80;
	s8 =	smul.u32 $0x13C00, s9;
	[dreg:$0xd] =	wrdreg s18  }
0xc: {  	s0 =	sand.u32 $0x1, s0;
	s9 =	smul.u32 $0x4F000, s9;
	[dreg:$0xe] =	wrdreg s19  }
0xd: {  	s31 =	simm.s32 $0x14200;
	s6 =	smul.u32 $0x2800, s0;
	[dreg:$0xf] =	wrdreg s20  }
0xe: {  	s7 =	smul.u32 $0x13C000, s0;
	s0 =	ssub.s32 $0x2, s0;
	[dreg:$0x10] =	wrdreg s21  }
0xf: {  	s13 =	simm.s32 $0x5;
	s15 =	simm.s32 $0x13C00;
	[dreg:$0x11] =	wrdreg s22  }
0x10: {  	s16 =	simm.s32 $0x80;
	s17 =	simm.s32 $0x18400;
	[dreg:$0x12] =	wrdreg s23  }
0x11: {  	s18 =	simm.s32 $0x1;
	[dreg:$0x13] =	wrdreg s24;
	s19 =	simm.s32 $0x3  }
0x12: {  	s20 =	simm.s32 $0x2;
	s26 =	sshrl.u32 s0, $0x1;
	s6 =	sadd.s32 s6, s4  }
0x13: {  	s7 =	sadd.s32 s8, s7;
	s4 =	sadd.s32 $0xBA00, s1;
	s0 =	ssub.s32 s0, s26  }
0x14: {  	s26 =	simm.s32 $0x1C880;
	s6 =	sshrl.u32 s6, $0x3;
	s7 =	sshrl.u32 s7, $0x3  }
0x15: {  	s0 =	smax.u32 s0, $0x1;
	[dreg:$0x15] =	wrdreg s26;
	s25 =	sadd.s32 s6, s1  }
0x16: {  	s1 =	sadd.s32 s7, s1;
	s5 =	sadd.s32 s6, s5;
	[dreg:$0x1c] =	wrdreg s0  }
0x17: {  	s7 =	sshrl.u32 s9, $0x2;
	s9 =	simm.s32 $0x1C500;
	[dreg:$0x5] =	wrdreg s5  }
0x18: {  	s21 =	simm.s32 $0x4;
	s8 =	sadd.s32 $0x1A00, s25;
	[dreg:$0x7] =	wrdreg s9  }
0x19: {  	s22 =	simm.s32 $0x14000;
	s6 =	sadd.s32 s7, s2;
	[dreg:$0x4] =	wrdreg s8  }
0x1a: {  	s23 =	simm.s32 $0x1C900;
	s1 =	sadd.s32 $0x33200, s1;
	[dreg:$0x16] =	wrdreg s6  }
0x1b: {  	s24 =	simm.s32 $0x14080;
	s25 =	simm.s32 $0x13F80;
	[dreg:$0x1b] =	wrdreg s1  }
0x1c: {  	s26 =	simm.s32 $0x14100;
	s8 =	simm.s32 $0x1C480;
	[dreg:$0x14] =	wrdreg s25  }
0x1d: {  	s0 =	simm.s32 $0x14280;
	s10 =	sadd.s32 $0x4000, s6;
	[dreg:$0x6] =	wrdreg s8  }
0x1e: {  	s7 =	simm.s32 $0x14300;
	s12 =	sadd.s32 $0x8000, s6;
	[dreg:$0x17] =	wrdreg s10  }
0x1f: {  	s9 =	simm.s32 $0x0;
	s14 =	sadd.s32 $0xC000, s6;
	[dreg:$0x18] =	wrdreg s12  }
0x20: {  	s6 =	sadd.s32 $0x10000, s6;
	s25 =	simm.s32 $0x1C980;
	[dreg:$0x19] =	wrdreg s14  }
0x21: {  	s1 =	simm.s32 $0x1CB00;
	[dreg:$0x1a] =	wrdreg s6;
	s12 =	simm.s32 $0x14400  }
0x22: {  	v0 =	vimm.f32 $0.0e+00;
	s14 =	simm.s32 $0x1C400;
	s6 =	simm.s32 $0x1CB80;
	s8 =	simm.s32 $0x14380  }
.LBB2_1:
0x23: {  	s10 =	simm.s32 $0x0;
	s11 =	simm.s32 $0x200  }
.LBB2_2:
0x24: {  	p0 =	sne.s32 s11, $0xFE00;
	[tilespmem:s10+$0x14470] =	vst v0  }
0x25: {  	[tilespmem:s10+$0x14400] =	vst v0  }
0x26: {  	[tilespmem:s10+$0x14410] =	vst v0  }
.Ltmp0:
0x27: {  	[tilespmem:s10+$0x14420] =	vst v0;
	(pc) =	sbr.rel @p0 .LBB2_2-.Ltmp0, $4  }
0x28: {  	[tilespmem:s10+$0x14430] =	vst v0  }
0x29: {  	[tilespmem:s10+$0x14440] =	vst v0  }
0x2a: {  	[tilespmem:s10+$0x14450] =	vst v0  }
0x2b: {  	[tilespmem:s10+$0x14460] =	vst v0;
	s10 =	sshra.s32 s11, $0x2;
	s11 =	sadd.s32 $0x200, s11  }
0x2c: {  	[tilespmem:s10+$0x14470] =	vst v0  }
0x2d: {  	[tilespmem:s10+$0x14400] =	vst v0  }
0x2e: {  	[tilespmem:s10+$0x14410] =	vst v0  }
0x2f: {  	[tilespmem:s10+$0x14420] =	vst v0  }
0x30: {  	[tilespmem:s10+$0x14430] =	vst v0  }
0x31: {  	[tilespmem:s10+$0x14440] =	vst v0  }
0x32: {  	[dreg:$0x1d] =	wrdreg s9;
	[tilespmem:s10+$0x14450] =	vst v0  }
0x33: {  	[tilespmem:s10+$0x14460] =	vst v0;
	s5 =	rddreg [dreg:$0x16]  }
0x34: {  	[spmem:s5] =	stream.linear.scatter [tilespmem:s12], [sflag:$0x5], $0x4000, $0x38;
	[tilespmem:$0x1CC00] =	vst v63  }
0x35: {  	_ =	swait.ge [sflag:s13], $0x4000  }
0x36: {  	[sflag:s13] =	ssyncset.done $0x0  }
0x37: {  	s11 =	rddreg [dreg:$0x17];
	[sflag:s13] =	ssyncadd.s32 $0xFFFFC000  }
0x38: {  	[spmem:s11] =	stream.linear.scatter [tilespmem:s12], [sflag:$0x5], $0x4000, $0x38;
	[tilespmem:$0x1CC00] =	vst v63  }
0x39: {  	_ =	swait.ge [sflag:s13], $0x4000  }
0x3a: {  	[sflag:s13] =	ssyncset.done $0x0  }
0x3b: {  	s9 =	rddreg [dreg:$0x18];
	[sflag:s13] =	ssyncadd.s32 $0xFFFFC000  }
0x3c: {  	[spmem:s9] =	stream.linear.scatter [tilespmem:s12], [sflag:$0x5], $0x4000, $0x38;
	[tilespmem:$0x1CC00] =	vst v63  }
0x3d: {  	_ =	swait.ge [sflag:s13], $0x4000  }
0x3e: {  	[sflag:s13] =	ssyncset.done $0x0  }
0x3f: {  	s10 =	rddreg [dreg:$0x19];
	[sflag:s13] =	ssyncadd.s32 $0xFFFFC000  }
0x40: {  	[spmem:s10] =	stream.linear.scatter [tilespmem:s12], [sflag:$0x5], $0x4000, $0x38;
	[tilespmem:$0x1CC00] =	vst v63  }
0x41: {  	_ =	swait.ge [sflag:s13], $0x4000  }
0x42: {  	[sflag:s13] =	ssyncset.done $0x0  }
0x43: {  	s11 =	rddreg [dreg:$0x1a];
	[sflag:s13] =	ssyncadd.s32 $0xFFFFC000  }
0x44: {  	[spmem:s11] =	stream.linear.scatter [tilespmem:s12], [sflag:$0x5], $0x3C00, $0x38;
	[tilespmem:$0x1CC00] =	vst v63  }
0x45: {  	_ =	swait.ge [sflag:s13], $0x3C00  }
0x46: {  	[sflag:s13] =	ssyncset.done $0x0  }
0x47: {  	[sflag:s13] =	ssyncadd.s32 $0xFFFFC400  }
0x48: {  	[bflag:$0x0] =	sbarrier.arrive $0xFFFF  }
0x49: {  	s9 =	rddreg [dreg:$0x5]  }
0x4a: {  	s5 =	sadd.s32 $0x0, s9  }
0x4b: {  	[tilespmem:s14], [sflag:$0x5] =	stream.linear.gather [hbm4b:s5+s3], $0x800, $0x38;
	[tilespmem:$0x1CC00] =	vst v63  }
0x4c: {  	_ =	swait.ge [sflag:s13], $0x800  }
0x4d: {  	s10 =	rddreg [dreg:$0x4];
	[sflag:s13] =	ssyncset.done $0x0  }
0x4e: {  	[sflag:s13] =	ssyncadd.s32 $0xFFFFF800;
	s5 =	sadd.s32 $0x0, s10  }
0x4f: {  	[tilespmem:s15], [sflag:$0x5] =	stream.linear.gather [hbm4b:s5+s3], $0x800, $0x38;
	[tilespmem:$0x1CC00] =	vst v63  }
0x50: {  	_ =	swait.ge [sflag:s13], $0x800  }
0x51: {  	[sflag:s13] =	ssyncset.done $0x0  }
0x52: {  	[sflag:s13] =	ssyncadd.s32 $0xFFFFF800  }
0x53: {  	[tilespmem:s12], [sflag:$0x1] =	stream.indirect.gather [hbm4b:s4+s16], $0x80, s14, s16, $0xb8;
	[tilespmem:$0x1CC00] =	vst v63  }
0x54: {  	s11 =	rddreg [dreg:$0x6]  }
0x55: {  	[tilespmem:s17], [sflag:$0x2] =	stream.indirect.gather [hbm4b:s4+s16], $0x80, s11, s16, $0xb8;
	[tilespmem:$0x1CC00] =	vst v63  }
0x56: {  	_ =	swait.ge [sflag:s18], $0x4000  }
0x57: {  	[sflag:s18] =	ssyncset.done $0x0  }
0x58: {  	[sflag:s18] =	ssyncadd.s32 $0xFFFFC000  }
0x59: {  	[spmem:s2] =	stream.indirect.scatter.add.f32 [tilespmem:s12], [sflag:$0x3], $0x80, s15, s16, $0xb8;
	[tilespmem:$0x1CC00] =	vst v63  }
0x5a: {  	_ =	swait.ge [sflag:s19], $0x4000  }
0x5b: {  	[sflag:s19] =	ssyncset.done $0x0  }
0x5c: {  	s9 =	rddreg [dreg:$0x7];
	[sflag:s19] =	ssyncadd.s32 $0xFFFFC000  }
0x5d: {  	[tilespmem:s12], [sflag:$0x1] =	stream.indirect.gather [hbm4b:s4+s16], $0x80, s9, s16, $0xb8;
	[tilespmem:$0x1CC00] =	vst v63  }
0x5e: {  	_ =	swait.ge [sflag:s20], $0x4000  }
0x5f: {  	[sflag:s20] =	ssyncset.done $0x0  }
0x60: {  	s10 =	rddreg [dreg:$0x8];
	[sflag:s20] =	ssyncadd.s32 $0xFFFFC000  }
0x61: {  	[spmem:s2] =	stream.indirect.scatter.add.f32 [tilespmem:s17], [sflag:$0x4], $0x80, s10, s16, $0xb8;
	[tilespmem:$0x1CC00] =	vst v63  }
0x62: {  	_ =	swait.ge [sflag:s21], $0x4000  }
0x63: {  	[sflag:s21] =	ssyncset.done $0x0  }
0x64: {  	s11 =	rddreg [dreg:$0x9];
	[sflag:s21] =	ssyncadd.s32 $0xFFFFC000  }
0x65: {  	[tilespmem:s17], [sflag:$0x2] =	stream.indirect.gather [hbm4b:s4+s16], $0x80, s11, s16, $0xb8;
	[tilespmem:$0x1CC00] =	vst v63  }
0x66: {  	_ =	swait.ge [sflag:s18], $0x4000  }
0x67: {  	[sflag:s18] =	ssyncset.done $0x0  }
0x68: {  	s9 =	rddreg [dreg:$0xa];
	[sflag:s18] =	ssyncadd.s32 $0xFFFFC000  }
0x69: {  	[spmem:s2] =	stream.indirect.scatter.add.f32 [tilespmem:s12], [sflag:$0x3], $0x80, s9, s16, $0xb8;
	[tilespmem:$0x1CC00] =	vst v63  }
0x6a: {  	_ =	swait.ge [sflag:s19], $0x4000  }
0x6b: {  	[sflag:s19] =	ssyncset.done $0x0  }
0x6c: {  	s10 =	rddreg [dreg:$0xb];
	[sflag:s19] =	ssyncadd.s32 $0xFFFFC000  }
0x6d: {  	[tilespmem:s12], [sflag:$0x1] =	stream.indirect.gather [hbm4b:s4+s16], $0x80, s10, s16, $0xb8;
	[tilespmem:$0x1CC00] =	vst v63  }
0x6e: {  	_ =	swait.ge [sflag:s20], $0x4000  }
0x6f: {  	[sflag:s20] =	ssyncset.done $0x0  }
0x70: {  	s11 =	rddreg [dreg:$0xc];
	[sflag:s20] =	ssyncadd.s32 $0xFFFFC000  }
0x71: {  	[spmem:s2] =	stream.indirect.scatter.add.f32 [tilespmem:s17], [sflag:$0x4], $0x80, s11, s16, $0xb8;
	[tilespmem:$0x1CC00] =	vst v63  }
0x72: {  	_ =	swait.ge [sflag:s21], $0x4000  }
0x73: {  	[sflag:s21] =	ssyncset.done $0x0  }
0x74: {  	s9 =	rddreg [dreg:$0xd];
	[sflag:s21] =	ssyncadd.s32 $0xFFFFC000  }
0x75: {  	[tilespmem:s17], [sflag:$0x2] =	stream.indirect.gather [hbm4b:s4+s16], $0x80, s9, s16, $0xb8;
	[tilespmem:$0x1CC00] =	vst v63  }
0x76: {  	_ =	swait.ge [sflag:s18], $0x4000  }
0x77: {  	[sflag:s18] =	ssyncset.done $0x0  }
0x78: {  	s10 =	rddreg [dreg:$0xe];
	[sflag:s18] =	ssyncadd.s32 $0xFFFFC000  }
0x79: {  	[spmem:s2] =	stream.indirect.scatter.add.f32 [tilespmem:s12], [sflag:$0x3], $0x80, s10, s16, $0xb8;
	[tilespmem:$0x1CC00] =	vst v63  }
0x7a: {  	_ =	swait.ge [sflag:s19], $0x4000  }
0x7b: {  	[sflag:s19] =	ssyncset.done $0x0  }
0x7c: {  	s11 =	rddreg [dreg:$0xf];
	[sflag:s19] =	ssyncadd.s32 $0xFFFFC000  }
0x7d: {  	[tilespmem:s12], [sflag:$0x1] =	stream.indirect.gather [hbm4b:s4+s16], $0x80, s11, s16, $0xb8;
	[tilespmem:$0x1CC00] =	vst v63  }
0x7e: {  	_ =	swait.ge [sflag:s20], $0x4000  }
0x7f: {  	[sflag:s20] =	ssyncset.done $0x0  }
0x80: {  	s9 =	rddreg [dreg:$0x10];
	[sflag:s20] =	ssyncadd.s32 $0xFFFFC000  }
0x81: {  	[spmem:s2] =	stream.indirect.scatter.add.f32 [tilespmem:s17], [sflag:$0x4], $0x80, s9, s16, $0xb8;
	[tilespmem:$0x1CC00] =	vst v63  }
0x82: {  	_ =	swait.ge [sflag:s21], $0x4000  }
0x83: {  	[sflag:s21] =	ssyncset.done $0x0  }
0x84: {  	s10 =	rddreg [dreg:$0x11];
	[sflag:s21] =	ssyncadd.s32 $0xFFFFC000  }
0x85: {  	[tilespmem:s17], [sflag:$0x2] =	stream.indirect.gather [hbm4b:s4+s16], $0x80, s10, s16, $0xb8;
	[tilespmem:$0x1CC00] =	vst v63  }
0x86: {  	_ =	swait.ge [sflag:s18], $0x4000  }
0x87: {  	[sflag:s18] =	ssyncset.done $0x0  }
0x88: {  	s11 =	rddreg [dreg:$0x12];
	[sflag:s18] =	ssyncadd.s32 $0xFFFFC000  }
0x89: {  	[spmem:s2] =	stream.indirect.scatter.add.f32 [tilespmem:s12], [sflag:$0x3], $0x80, s11, s16, $0xb8;
	[tilespmem:$0x1CC00] =	vst v63  }
0x8a: {  	_ =	swait.ge [sflag:s19], $0x4000  }
0x8b: {  	[sflag:s19] =	ssyncset.done $0x0  }
0x8c: {  	s9 =	rddreg [dreg:$0x13];
	[sflag:s19] =	ssyncadd.s32 $0xFFFFC000  }
0x8d: {  	[tilespmem:s12], [sflag:$0x1] =	stream.indirect.gather [hbm4b:s4+s16], $0x80, s9, s16, $0xb8;
	[tilespmem:$0x1CC00] =	vst v63  }
0x8e: {  	_ =	swait.ge [sflag:s20], $0x4000  }
0x8f: {  	[sflag:s20] =	ssyncset.done $0x0  }
0x90: {  	s10 =	rddreg [dreg:$0x14];
	[sflag:s20] =	ssyncadd.s32 $0xFFFFC000  }
0x91: {  	[spmem:s2] =	stream.indirect.scatter.add.f32 [tilespmem:s17], [sflag:$0x4], $0x80, s10, s16, $0xb8;
	[tilespmem:$0x1CC00] =	vst v63  }
0x92: {  	_ =	swait.ge [sflag:s21], $0x4000  }
0x93: {  	[sflag:s21] =	ssyncset.done $0x0  }
0x94: {  	s11 =	rddreg [dreg:$0x15];
	[sflag:s21] =	ssyncadd.s32 $0xFFFFC000  }
0x95: {  	[tilespmem:s17], [sflag:$0x2] =	stream.indirect.gather [hbm4b:s4+s16], $0x80, s11, s16, $0xb8;
	[tilespmem:$0x1CC00] =	vst v63  }
0x96: {  	_ =	swait.ge [sflag:s18], $0x4000  }
0x97: {  	[sflag:s18] =	ssyncset.done $0x0  }
0x98: {  	[sflag:s18] =	ssyncadd.s32 $0xFFFFC000  }
0x99: {  	[spmem:s2] =	stream.indirect.scatter.add.f32 [tilespmem:s12], [sflag:$0x3], $0x80, s22, s16, $0xb8;
	[tilespmem:$0x1CC00] =	vst v63  }
0x9a: {  	_ =	swait.ge [sflag:s19], $0x4000  }
0x9b: {  	[sflag:s19] =	ssyncset.done $0x0  }
0x9c: {  	[sflag:s19] =	ssyncadd.s32 $0xFFFFC000  }
0x9d: {  	[tilespmem:s12], [sflag:$0x1] =	stream.indirect.gather [hbm4b:s4+s16], $0x80, s23, s16, $0xb8;
	[tilespmem:$0x1CC00] =	vst v63  }
0x9e: {  	_ =	swait.ge [sflag:s20], $0x4000  }
0x9f: {  	[sflag:s20] =	ssyncset.done $0x0  }
0xa0: {  	[sflag:s20] =	ssyncadd.s32 $0xFFFFC000  }
0xa1: {  	[spmem:s2] =	stream.indirect.scatter.add.f32 [tilespmem:s17], [sflag:$0x4], $0x80, s24, s16, $0xb8;
	[tilespmem:$0x1CC00] =	vst v63  }
0xa2: {  	_ =	swait.ge [sflag:s21], $0x4000  }
0xa3: {  	[sflag:s21] =	ssyncset.done $0x0  }
0xa4: {  	[sflag:s21] =	ssyncadd.s32 $0xFFFFC000  }
0xa5: {  	[tilespmem:s17], [sflag:$0x2] =	stream.indirect.gather [hbm4b:s4+s16], $0x80, s25, s16, $0xb8;
	[tilespmem:$0x1CC00] =	vst v63  }
0xa6: {  	_ =	swait.ge [sflag:s18], $0x4000  }
0xa7: {  	[sflag:s18] =	ssyncset.done $0x0  }
0xa8: {  	[sflag:s18] =	ssyncadd.s32 $0xFFFFC000  }
0xa9: {  	[spmem:s2] =	stream.indirect.scatter.add.f32 [tilespmem:s12], [sflag:$0x3], $0x80, s26, s16, $0xb8;
	[tilespmem:$0x1CC00] =	vst v63  }
0xaa: {  	_ =	swait.ge [sflag:s19], $0x4000  }
0xab: {  	[sflag:s19] =	ssyncset.done $0x0  }
0xac: {  	[sflag:s19] =	ssyncadd.s32 $0xFFFFC000  }
0xad: {  	[tilespmem:s12], [sflag:$0x1] =	stream.indirect.gather [hbm4b:s4+s16], $0x80, s28, s16, $0xb8;
	[tilespmem:$0x1CC00] =	vst v63  }
0xae: {  	_ =	swait.ge [sflag:s20], $0x4000  }
0xaf: {  	[sflag:s20] =	ssyncset.done $0x0  }
0xb0: {  	[sflag:s20] =	ssyncadd.s32 $0xFFFFC000  }
0xb1: {  	[spmem:s2] =	stream.indirect.scatter.add.f32 [tilespmem:s17], [sflag:$0x4], $0x80, s29, s16, $0xb8;
	[tilespmem:$0x1CC00] =	vst v63  }
0xb2: {  	_ =	swait.ge [sflag:s21], $0x4000  }
0xb3: {  	[sflag:s21] =	ssyncset.done $0x0  }
0xb4: {  	[sflag:s21] =	ssyncadd.s32 $0xFFFFC000  }
0xb5: {  	[tilespmem:s17], [sflag:$0x2] =	stream.indirect.gather [hbm4b:s4+s16], $0x80, s30, s16, $0xb8;
	[tilespmem:$0x1CC00] =	vst v63  }
0xb6: {  	_ =	swait.ge [sflag:s18], $0x4000  }
0xb7: {  	[sflag:s18] =	ssyncset.done $0x0  }
0xb8: {  	[sflag:s18] =	ssyncadd.s32 $0xFFFFC000  }
0xb9: {  	[spmem:s2] =	stream.indirect.scatter.add.f32 [tilespmem:s12], [sflag:$0x3], $0x80, s31, s16, $0xb8;
	[tilespmem:$0x1CC00] =	vst v63  }
0xba: {  	_ =	swait.ge [sflag:s19], $0x4000  }
0xbb: {  	[sflag:s19] =	ssyncset.done $0x0  }
0xbc: {  	[sflag:s19] =	ssyncadd.s32 $0xFFFFC000  }
0xbd: {  	[tilespmem:s12], [sflag:$0x1] =	stream.indirect.gather [hbm4b:s4+s16], $0x80, s1, s16, $0xb8;
	[tilespmem:$0x1CC00] =	vst v63  }
0xbe: {  	_ =	swait.ge [sflag:s20], $0x4000  }
0xbf: {  	[sflag:s20] =	ssyncset.done $0x0  }
0xc0: {  	[sflag:s20] =	ssyncadd.s32 $0xFFFFC000  }
0xc1: {  	[spmem:s2] =	stream.indirect.scatter.add.f32 [tilespmem:s17], [sflag:$0x4], $0x80, s0, s16, $0xb8;
	[tilespmem:$0x1CC00] =	vst v63  }
0xc2: {  	_ =	swait.ge [sflag:s21], $0x4000  }
0xc3: {  	[sflag:s21] =	ssyncset.done $0x0  }
0xc4: {  	[sflag:s21] =	ssyncadd.s32 $0xFFFFC000  }
0xc5: {  	[tilespmem:s17], [sflag:$0x2] =	stream.indirect.gather [hbm4b:s4+s16], $0x80, s6, s16, $0xb8;
	[tilespmem:$0x1CC00] =	vst v63  }
0xc6: {  	_ =	swait.ge [sflag:s18], $0x4000  }
0xc7: {  	[sflag:s18] =	ssyncset.done $0x0  }
0xc8: {  	[sflag:s18] =	ssyncadd.s32 $0xFFFFC000  }
0xc9: {  	[spmem:s2] =	stream.indirect.scatter.add.f32 [tilespmem:s12], [sflag:$0x3], $0x80, s7, s16, $0xb8;
	[tilespmem:$0x1CC00] =	vst v63  }
0xca: {  	_ =	swait.ge [sflag:s19], $0x4000  }
0xcb: {  	[sflag:s19] =	ssyncset.done $0x0  }
0xcc: {  	[sflag:s19] =	ssyncadd.s32 $0xFFFFC000  }
0xcd: {  	_ =	swait.ge [sflag:s20], $0x4000  }
0xce: {  	[sflag:s20] =	ssyncset.done $0x0  }
0xcf: {  	[sflag:s20] =	ssyncadd.s32 $0xFFFFC000  }
0xd0: {  	[spmem:s2] =	stream.indirect.scatter.add.f32 [tilespmem:s17], [sflag:$0x4], $0x80, s8, s16, $0xb8;
	[tilespmem:$0x1CC00] =	vst v63  }
0xd1: {  	s10 =	simm.s32 $0x100;
	_ =	swait.ge [sflag:s21], $0x4000  }
0xd2: {  	s11 =	simm.s32 $0x200;
	s5 =	rddreg [dreg:$0x5];
	[sflag:s21] =	ssyncset.done $0x0  }
.LBB2_4:
0xd3: {  	[sflag:s21] =	ssyncadd.s32 $0xFFFFC000;
	s5 =	sadd.s32 s10, s5  }
0xd4: {  	[tilespmem:s14], [sflag:$0x5] =	stream.linear.gather [hbm4b:s5+s3], $0x800, $0x38;
	[tilespmem:$0x1CC00] =	vst v63  }
0xd5: {  	_ =	swait.ge [sflag:s13], $0x800  }
0xd6: {  	s5 =	rddreg [dreg:$0x4];
	[sflag:s13] =	ssyncset.done $0x0  }
0xd7: {  	[sflag:s13] =	ssyncadd.s32 $0xFFFFF800;
	s5 =	sadd.s32 s10, s5  }
0xd8: {  	[tilespmem:s15], [sflag:$0x5] =	stream.linear.gather [hbm4b:s5+s3], $0x800, $0x38;
	[tilespmem:$0x1CC00] =	vst v63  }
0xd9: {  	_ =	swait.ge [sflag:s13], $0x800  }
0xda: {  	[sflag:s13] =	ssyncset.done $0x0  }
0xdb: {  	s9 =	smov.u32 s11;
	[sflag:s13] =	ssyncadd.s32 $0xFFFFF800  }
0xdc: {  	[tilespmem:s12], [sflag:$0x1] =	stream.indirect.gather [hbm4b:s4+s16], $0x80, s14, s16, $0xb8;
	[tilespmem:$0x1CC00] =	vst v63  }
0xdd: {  	s10 =	smov.u32 s9;
	s9 =	rddreg [dreg:$0x6]  }
0xde: {  	[tilespmem:s17], [sflag:$0x2] =	stream.indirect.gather [hbm4b:s4+s16], $0x80, s9, s16, $0xb8;
	[tilespmem:$0x1CC00] =	vst v63  }
0xdf: {  	_ =	swait.ge [sflag:s18], $0x4000  }
0xe0: {  	[sflag:s18] =	ssyncset.done $0x0  }
0xe1: {  	[sflag:s18] =	ssyncadd.s32 $0xFFFFC000  }
0xe2: {  	[spmem:s2] =	stream.indirect.scatter.add.f32 [tilespmem:s12], [sflag:$0x3], $0x80, s15, s16, $0xb8;
	[tilespmem:$0x1CC00] =	vst v63  }
0xe3: {  	_ =	swait.ge [sflag:s19], $0x4000  }
0xe4: {  	[sflag:s19] =	ssyncset.done $0x0  }
0xe5: {  	s9 =	rddreg [dreg:$0x7];
	[sflag:s19] =	ssyncadd.s32 $0xFFFFC000  }
0xe6: {  	[tilespmem:s12], [sflag:$0x1] =	stream.indirect.gather [hbm4b:s4+s16], $0x80, s9, s16, $0xb8;
	[tilespmem:$0x1CC00] =	vst v63  }
0xe7: {  	_ =	swait.ge [sflag:s20], $0x4000  }
0xe8: {  	[sflag:s20] =	ssyncset.done $0x0  }
0xe9: {  	s9 =	rddreg [dreg:$0x8];
	[sflag:s20] =	ssyncadd.s32 $0xFFFFC000  }
0xea: {  	[spmem:s2] =	stream.indirect.scatter.add.f32 [tilespmem:s17], [sflag:$0x4], $0x80, s9, s16, $0xb8;
	[tilespmem:$0x1CC00] =	vst v63  }
0xeb: {  	_ =	swait.ge [sflag:s21], $0x4000  }
0xec: {  	[sflag:s21] =	ssyncset.done $0x0  }
0xed: {  	s9 =	rddreg [dreg:$0x9];
	[sflag:s21] =	ssyncadd.s32 $0xFFFFC000  }
0xee: {  	[tilespmem:s17], [sflag:$0x2] =	stream.indirect.gather [hbm4b:s4+s16], $0x80, s9, s16, $0xb8;
	[tilespmem:$0x1CC00] =	vst v63  }
0xef: {  	_ =	swait.ge [sflag:s18], $0x4000  }
0xf0: {  	[sflag:s18] =	ssyncset.done $0x0  }
0xf1: {  	s9 =	rddreg [dreg:$0xa];
	[sflag:s18] =	ssyncadd.s32 $0xFFFFC000  }
0xf2: {  	[spmem:s2] =	stream.indirect.scatter.add.f32 [tilespmem:s12], [sflag:$0x3], $0x80, s9, s16, $0xb8;
	[tilespmem:$0x1CC00] =	vst v63  }
0xf3: {  	_ =	swait.ge [sflag:s19], $0x4000  }
0xf4: {  	[sflag:s19] =	ssyncset.done $0x0  }
0xf5: {  	s9 =	rddreg [dreg:$0xb];
	[sflag:s19] =	ssyncadd.s32 $0xFFFFC000  }
0xf6: {  	[tilespmem:s12], [sflag:$0x1] =	stream.indirect.gather [hbm4b:s4+s16], $0x80, s9, s16, $0xb8;
	[tilespmem:$0x1CC00] =	vst v63  }
0xf7: {  	_ =	swait.ge [sflag:s20], $0x4000  }
0xf8: {  	[sflag:s20] =	ssyncset.done $0x0  }
0xf9: {  	s9 =	rddreg [dreg:$0xc];
	[sflag:s20] =	ssyncadd.s32 $0xFFFFC000  }
0xfa: {  	[spmem:s2] =	stream.indirect.scatter.add.f32 [tilespmem:s17], [sflag:$0x4], $0x80, s9, s16, $0xb8;
	[tilespmem:$0x1CC00] =	vst v63  }
0xfb: {  	_ =	swait.ge [sflag:s21], $0x4000  }
0xfc: {  	[sflag:s21] =	ssyncset.done $0x0  }
0xfd: {  	s9 =	rddreg [dreg:$0xd];
	[sflag:s21] =	ssyncadd.s32 $0xFFFFC000  }
0xfe: {  	[tilespmem:s17], [sflag:$0x2] =	stream.indirect.gather [hbm4b:s4+s16], $0x80, s9, s16, $0xb8;
	[tilespmem:$0x1CC00] =	vst v63  }
0xff: {  	_ =	swait.ge [sflag:s18], $0x4000  }
0x100: {  	[sflag:s18] =	ssyncset.done $0x0  }
0x101: {  	s9 =	rddreg [dreg:$0xe];
	[sflag:s18] =	ssyncadd.s32 $0xFFFFC000  }
0x102: {  	[spmem:s2] =	stream.indirect.scatter.add.f32 [tilespmem:s12], [sflag:$0x3], $0x80, s9, s16, $0xb8;
	[tilespmem:$0x1CC00] =	vst v63  }
0x103: {  	_ =	swait.ge [sflag:s19], $0x4000  }
0x104: {  	[sflag:s19] =	ssyncset.done $0x0  }
0x105: {  	s9 =	rddreg [dreg:$0xf];
	[sflag:s19] =	ssyncadd.s32 $0xFFFFC000  }
0x106: {  	[tilespmem:s12], [sflag:$0x1] =	stream.indirect.gather [hbm4b:s4+s16], $0x80, s9, s16, $0xb8;
	[tilespmem:$0x1CC00] =	vst v63  }
0x107: {  	_ =	swait.ge [sflag:s20], $0x4000  }
0x108: {  	[sflag:s20] =	ssyncset.done $0x0  }
0x109: {  	s9 =	rddreg [dreg:$0x10];
	[sflag:s20] =	ssyncadd.s32 $0xFFFFC000  }
0x10a: {  	[spmem:s2] =	stream.indirect.scatter.add.f32 [tilespmem:s17], [sflag:$0x4], $0x80, s9, s16, $0xb8;
	[tilespmem:$0x1CC00] =	vst v63  }
0x10b: {  	_ =	swait.ge [sflag:s21], $0x4000  }
0x10c: {  	[sflag:s21] =	ssyncset.done $0x0  }
0x10d: {  	s9 =	rddreg [dreg:$0x11];
	[sflag:s21] =	ssyncadd.s32 $0xFFFFC000  }
0x10e: {  	[tilespmem:s17], [sflag:$0x2] =	stream.indirect.gather [hbm4b:s4+s16], $0x80, s9, s16, $0xb8;
	[tilespmem:$0x1CC00] =	vst v63  }
0x10f: {  	_ =	swait.ge [sflag:s18], $0x4000  }
0x110: {  	[sflag:s18] =	ssyncset.done $0x0  }
0x111: {  	s9 =	rddreg [dreg:$0x12];
	[sflag:s18] =	ssyncadd.s32 $0xFFFFC000  }
0x112: {  	[spmem:s2] =	stream.indirect.scatter.add.f32 [tilespmem:s12], [sflag:$0x3], $0x80, s9, s16, $0xb8;
	[tilespmem:$0x1CC00] =	vst v63  }
0x113: {  	_ =	swait.ge [sflag:s19], $0x4000  }
0x114: {  	[sflag:s19] =	ssyncset.done $0x0  }
0x115: {  	s9 =	rddreg [dreg:$0x13];
	[sflag:s19] =	ssyncadd.s32 $0xFFFFC000  }
0x116: {  	[tilespmem:s12], [sflag:$0x1] =	stream.indirect.gather [hbm4b:s4+s16], $0x80, s9, s16, $0xb8;
	[tilespmem:$0x1CC00] =	vst v63  }
0x117: {  	_ =	swait.ge [sflag:s20], $0x4000  }
0x118: {  	[sflag:s20] =	ssyncset.done $0x0  }
0x119: {  	s9 =	rddreg [dreg:$0x14];
	[sflag:s20] =	ssyncadd.s32 $0xFFFFC000  }
0x11a: {  	[spmem:s2] =	stream.indirect.scatter.add.f32 [tilespmem:s17], [sflag:$0x4], $0x80, s9, s16, $0xb8;
	[tilespmem:$0x1CC00] =	vst v63  }
0x11b: {  	_ =	swait.ge [sflag:s21], $0x4000  }
0x11c: {  	[sflag:s21] =	ssyncset.done $0x0  }
0x11d: {  	s9 =	rddreg [dreg:$0x15];
	[sflag:s21] =	ssyncadd.s32 $0xFFFFC000  }
0x11e: {  	[tilespmem:s17], [sflag:$0x2] =	stream.indirect.gather [hbm4b:s4+s16], $0x80, s9, s16, $0xb8;
	[tilespmem:$0x1CC00] =	vst v63  }
0x11f: {  	_ =	swait.ge [sflag:s18], $0x4000  }
0x120: {  	[sflag:s18] =	ssyncset.done $0x0  }
0x121: {  	[sflag:s18] =	ssyncadd.s32 $0xFFFFC000  }
0x122: {  	[spmem:s2] =	stream.indirect.scatter.add.f32 [tilespmem:s12], [sflag:$0x3], $0x80, s22, s16, $0xb8;
	[tilespmem:$0x1CC00] =	vst v63  }
0x123: {  	_ =	swait.ge [sflag:s19], $0x4000  }
0x124: {  	[sflag:s19] =	ssyncset.done $0x0  }
0x125: {  	[sflag:s19] =	ssyncadd.s32 $0xFFFFC000  }
0x126: {  	[tilespmem:s12], [sflag:$0x1] =	stream.indirect.gather [hbm4b:s4+s16], $0x80, s23, s16, $0xb8;
	[tilespmem:$0x1CC00] =	vst v63  }
0x127: {  	_ =	swait.ge [sflag:s20], $0x4000  }
0x128: {  	[sflag:s20] =	ssyncset.done $0x0  }
0x129: {  	[sflag:s20] =	ssyncadd.s32 $0xFFFFC000  }
0x12a: {  	[spmem:s2] =	stream.indirect.scatter.add.f32 [tilespmem:s17], [sflag:$0x4], $0x80, s24, s16, $0xb8;
	[tilespmem:$0x1CC00] =	vst v63  }
0x12b: {  	_ =	swait.ge [sflag:s21], $0x4000  }
0x12c: {  	[sflag:s21] =	ssyncset.done $0x0  }
0x12d: {  	[sflag:s21] =	ssyncadd.s32 $0xFFFFC000  }
0x12e: {  	[tilespmem:s17], [sflag:$0x2] =	stream.indirect.gather [hbm4b:s4+s16], $0x80, s25, s16, $0xb8;
	[tilespmem:$0x1CC00] =	vst v63  }
0x12f: {  	_ =	swait.ge [sflag:s18], $0x4000  }
0x130: {  	[sflag:s18] =	ssyncset.done $0x0  }
0x131: {  	[sflag:s18] =	ssyncadd.s32 $0xFFFFC000  }
0x132: {  	[spmem:s2] =	stream.indirect.scatter.add.f32 [tilespmem:s12], [sflag:$0x3], $0x80, s26, s16, $0xb8;
	[tilespmem:$0x1CC00] =	vst v63  }
0x133: {  	_ =	swait.ge [sflag:s19], $0x4000  }
0x134: {  	[sflag:s19] =	ssyncset.done $0x0  }
0x135: {  	[sflag:s19] =	ssyncadd.s32 $0xFFFFC000  }
0x136: {  	[tilespmem:s12], [sflag:$0x1] =	stream.indirect.gather [hbm4b:s4+s16], $0x80, s28, s16, $0xb8;
	[tilespmem:$0x1CC00] =	vst v63  }
0x137: {  	_ =	swait.ge [sflag:s20], $0x4000  }
0x138: {  	[sflag:s20] =	ssyncset.done $0x0  }
0x139: {  	[sflag:s20] =	ssyncadd.s32 $0xFFFFC000  }
0x13a: {  	[spmem:s2] =	stream.indirect.scatter.add.f32 [tilespmem:s17], [sflag:$0x4], $0x80, s29, s16, $0xb8;
	[tilespmem:$0x1CC00] =	vst v63  }
0x13b: {  	_ =	swait.ge [sflag:s21], $0x4000  }
0x13c: {  	[sflag:s21] =	ssyncset.done $0x0  }
0x13d: {  	[sflag:s21] =	ssyncadd.s32 $0xFFFFC000  }
0x13e: {  	[tilespmem:s17], [sflag:$0x2] =	stream.indirect.gather [hbm4b:s4+s16], $0x80, s30, s16, $0xb8;
	[tilespmem:$0x1CC00] =	vst v63  }
0x13f: {  	_ =	swait.ge [sflag:s18], $0x4000  }
0x140: {  	[sflag:s18] =	ssyncset.done $0x0  }
0x141: {  	[sflag:s18] =	ssyncadd.s32 $0xFFFFC000  }
0x142: {  	[spmem:s2] =	stream.indirect.scatter.add.f32 [tilespmem:s12], [sflag:$0x3], $0x80, s31, s16, $0xb8;
	[tilespmem:$0x1CC00] =	vst v63  }
0x143: {  	_ =	swait.ge [sflag:s19], $0x4000  }
0x144: {  	[sflag:s19] =	ssyncset.done $0x0  }
0x145: {  	[sflag:s19] =	ssyncadd.s32 $0xFFFFC000  }
0x146: {  	[tilespmem:s12], [sflag:$0x1] =	stream.indirect.gather [hbm4b:s4+s16], $0x80, s1, s16, $0xb8;
	[tilespmem:$0x1CC00] =	vst v63  }
0x147: {  	_ =	swait.ge [sflag:s20], $0x4000  }
0x148: {  	[sflag:s20] =	ssyncset.done $0x0  }
0x149: {  	[sflag:s20] =	ssyncadd.s32 $0xFFFFC000  }
0x14a: {  	[spmem:s2] =	stream.indirect.scatter.add.f32 [tilespmem:s17], [sflag:$0x4], $0x80, s0, s16, $0xb8;
	[tilespmem:$0x1CC00] =	vst v63  }
0x14b: {  	_ =	swait.ge [sflag:s21], $0x4000  }
0x14c: {  	[sflag:s21] =	ssyncset.done $0x0  }
0x14d: {  	[sflag:s21] =	ssyncadd.s32 $0xFFFFC000  }
0x14e: {  	[tilespmem:s17], [sflag:$0x2] =	stream.indirect.gather [hbm4b:s4+s16], $0x80, s6, s16, $0xb8;
	[tilespmem:$0x1CC00] =	vst v63  }
0x14f: {  	_ =	swait.ge [sflag:s18], $0x4000  }
0x150: {  	[sflag:s18] =	ssyncset.done $0x0  }
0x151: {  	[sflag:s18] =	ssyncadd.s32 $0xFFFFC000  }
0x152: {  	[spmem:s2] =	stream.indirect.scatter.add.f32 [tilespmem:s12], [sflag:$0x3], $0x80, s7, s16, $0xb8;
	[tilespmem:$0x1CC00] =	vst v63  }
0x153: {  	_ =	swait.ge [sflag:s19], $0x4000  }
0x154: {  	[sflag:s19] =	ssyncset.done $0x0  }
0x155: {  	[sflag:s19] =	ssyncadd.s32 $0xFFFFC000  }
0x156: {  	p0 =	sne.s32 s11, $0x400;
	_ =	swait.ge [sflag:s20], $0x4000  }
.Ltmp1:
0x157: {  	[sflag:s20] =	ssyncset.done $0x0;
	(pc) =	sbr.rel @p0 .LBB2_4-.Ltmp1, $4  }
0x158: {  	[sflag:s20] =	ssyncadd.s32 $0xFFFFC000  }
0x159: {  	[spmem:s2] =	stream.indirect.scatter.add.f32 [tilespmem:s17], [sflag:$0x4], $0x80, s8, s16, $0xb8;
	[tilespmem:$0x1CC00] =	vst v63  }
0x15a: {  	_ =	swait.ge [sflag:s21], $0x4000  }
0x15b: {  	s11 =	sadd.s32 $0x100, s11;
	s5 =	rddreg [dreg:$0x5];
	[sflag:s21] =	ssyncset.done $0x0  }
0x15c: {  	[sflag:s21] =	ssyncadd.s32 $0xFFFFC000;
	s5 =	sadd.s32 s10, s5  }
0x15d: {  	[tilespmem:s14], [sflag:$0x5] =	stream.linear.gather [hbm4b:s5+s3], $0x800, $0x38;
	[tilespmem:$0x1CC00] =	vst v63  }
0x15e: {  	_ =	swait.ge [sflag:s13], $0x800  }
0x15f: {  	s11 =	rddreg [dreg:$0x4];
	[sflag:s13] =	ssyncset.done $0x0  }
0x160: {  	[sflag:s13] =	ssyncadd.s32 $0xFFFFF800;
	s5 =	sadd.s32 s10, s11  }
0x161: {  	[tilespmem:s15], [sflag:$0x5] =	stream.linear.gather [hbm4b:s5+s3], $0x800, $0x38;
	[tilespmem:$0x1CC00] =	vst v63  }
0x162: {  	_ =	swait.ge [sflag:s13], $0x800  }
0x163: {  	[sflag:s13] =	ssyncset.done $0x0  }
0x164: {  	[sflag:s13] =	ssyncadd.s32 $0xFFFFF800  }
0x165: {  	[tilespmem:s12], [sflag:$0x1] =	stream.indirect.gather [hbm4b:s4+s16], $0x80, s14, s16, $0xb8;
	[tilespmem:$0x1CC00] =	vst v63  }
0x166: {  	s9 =	rddreg [dreg:$0x6]  }
0x167: {  	[tilespmem:s17], [sflag:$0x2] =	stream.indirect.gather [hbm4b:s4+s16], $0x80, s9, s16, $0xb8;
	[tilespmem:$0x1CC00] =	vst v63  }
0x168: {  	_ =	swait.ge [sflag:s18], $0x4000  }
0x169: {  	[sflag:s18] =	ssyncset.done $0x0  }
0x16a: {  	[sflag:s18] =	ssyncadd.s32 $0xFFFFC000  }
0x16b: {  	[spmem:s2] =	stream.indirect.scatter.add.f32 [tilespmem:s12], [sflag:$0x3], $0x80, s15, s16, $0xb8;
	[tilespmem:$0x1CC00] =	vst v63  }
0x16c: {  	_ =	swait.ge [sflag:s19], $0x4000  }
0x16d: {  	[sflag:s19] =	ssyncset.done $0x0  }
0x16e: {  	s10 =	rddreg [dreg:$0x7];
	[sflag:s19] =	ssyncadd.s32 $0xFFFFC000  }
0x16f: {  	[tilespmem:s12], [sflag:$0x1] =	stream.indirect.gather [hbm4b:s4+s16], $0x80, s10, s16, $0xb8;
	[tilespmem:$0x1CC00] =	vst v63  }
0x170: {  	_ =	swait.ge [sflag:s20], $0x4000  }
0x171: {  	[sflag:s20] =	ssyncset.done $0x0  }
0x172: {  	s11 =	rddreg [dreg:$0x8];
	[sflag:s20] =	ssyncadd.s32 $0xFFFFC000  }
0x173: {  	[spmem:s2] =	stream.indirect.scatter.add.f32 [tilespmem:s17], [sflag:$0x4], $0x80, s11, s16, $0xb8;
	[tilespmem:$0x1CC00] =	vst v63  }
0x174: {  	_ =	swait.ge [sflag:s21], $0x4000  }
0x175: {  	[sflag:s21] =	ssyncset.done $0x0  }
0x176: {  	s9 =	rddreg [dreg:$0x9];
	[sflag:s21] =	ssyncadd.s32 $0xFFFFC000  }
0x177: {  	[tilespmem:s17], [sflag:$0x2] =	stream.indirect.gather [hbm4b:s4+s16], $0x80, s9, s16, $0xb8;
	[tilespmem:$0x1CC00] =	vst v63  }
0x178: {  	_ =	swait.ge [sflag:s18], $0x4000  }
0x179: {  	[sflag:s18] =	ssyncset.done $0x0  }
0x17a: {  	s10 =	rddreg [dreg:$0xa];
	[sflag:s18] =	ssyncadd.s32 $0xFFFFC000  }
0x17b: {  	[spmem:s2] =	stream.indirect.scatter.add.f32 [tilespmem:s12], [sflag:$0x3], $0x80, s10, s16, $0xb8;
	[tilespmem:$0x1CC00] =	vst v63  }
0x17c: {  	_ =	swait.ge [sflag:s19], $0x4000  }
0x17d: {  	[sflag:s19] =	ssyncset.done $0x0  }
0x17e: {  	s11 =	rddreg [dreg:$0xb];
	[sflag:s19] =	ssyncadd.s32 $0xFFFFC000  }
0x17f: {  	[tilespmem:s12], [sflag:$0x1] =	stream.indirect.gather [hbm4b:s4+s16], $0x80, s11, s16, $0xb8;
	[tilespmem:$0x1CC00] =	vst v63  }
0x180: {  	_ =	swait.ge [sflag:s20], $0x4000  }
0x181: {  	[sflag:s20] =	ssyncset.done $0x0  }
0x182: {  	s9 =	rddreg [dreg:$0xc];
	[sflag:s20] =	ssyncadd.s32 $0xFFFFC000  }
0x183: {  	[spmem:s2] =	stream.indirect.scatter.add.f32 [tilespmem:s17], [sflag:$0x4], $0x80, s9, s16, $0xb8;
	[tilespmem:$0x1CC00] =	vst v63  }
0x184: {  	_ =	swait.ge [sflag:s21], $0x4000  }
0x185: {  	[sflag:s21] =	ssyncset.done $0x0  }
0x186: {  	s10 =	rddreg [dreg:$0xd];
	[sflag:s21] =	ssyncadd.s32 $0xFFFFC000  }
0x187: {  	[tilespmem:s17], [sflag:$0x2] =	stream.indirect.gather [hbm4b:s4+s16], $0x80, s10, s16, $0xb8;
	[tilespmem:$0x1CC00] =	vst v63  }
0x188: {  	_ =	swait.ge [sflag:s18], $0x4000  }
0x189: {  	[sflag:s18] =	ssyncset.done $0x0  }
0x18a: {  	s11 =	rddreg [dreg:$0xe];
	[sflag:s18] =	ssyncadd.s32 $0xFFFFC000  }
0x18b: {  	[spmem:s2] =	stream.indirect.scatter.add.f32 [tilespmem:s12], [sflag:$0x3], $0x80, s11, s16, $0xb8;
	[tilespmem:$0x1CC00] =	vst v63  }
0x18c: {  	_ =	swait.ge [sflag:s19], $0x4000  }
0x18d: {  	[sflag:s19] =	ssyncset.done $0x0  }
0x18e: {  	s9 =	rddreg [dreg:$0xf];
	[sflag:s19] =	ssyncadd.s32 $0xFFFFC000  }
0x18f: {  	[tilespmem:s12], [sflag:$0x1] =	stream.indirect.gather [hbm4b:s4+s16], $0x80, s9, s16, $0xb8;
	[tilespmem:$0x1CC00] =	vst v63  }
0x190: {  	_ =	swait.ge [sflag:s20], $0x4000  }
0x191: {  	[sflag:s20] =	ssyncset.done $0x0  }
0x192: {  	s10 =	rddreg [dreg:$0x10];
	[sflag:s20] =	ssyncadd.s32 $0xFFFFC000  }
0x193: {  	[spmem:s2] =	stream.indirect.scatter.add.f32 [tilespmem:s17], [sflag:$0x4], $0x80, s10, s16, $0xb8;
	[tilespmem:$0x1CC00] =	vst v63  }
0x194: {  	_ =	swait.ge [sflag:s21], $0x4000  }
0x195: {  	[sflag:s21] =	ssyncset.done $0x0  }
0x196: {  	s11 =	rddreg [dreg:$0x11];
	[sflag:s21] =	ssyncadd.s32 $0xFFFFC000  }
0x197: {  	[tilespmem:s17], [sflag:$0x2] =	stream.indirect.gather [hbm4b:s4+s16], $0x80, s11, s16, $0xb8;
	[tilespmem:$0x1CC00] =	vst v63  }
0x198: {  	_ =	swait.ge [sflag:s18], $0x4000  }
0x199: {  	[sflag:s18] =	ssyncset.done $0x0  }
0x19a: {  	s9 =	rddreg [dreg:$0x12];
	[sflag:s18] =	ssyncadd.s32 $0xFFFFC000  }
0x19b: {  	[spmem:s2] =	stream.indirect.scatter.add.f32 [tilespmem:s12], [sflag:$0x3], $0x80, s9, s16, $0xb8;
	[tilespmem:$0x1CC00] =	vst v63  }
0x19c: {  	_ =	swait.ge [sflag:s19], $0x4000  }
0x19d: {  	[sflag:s19] =	ssyncset.done $0x0  }
0x19e: {  	s10 =	rddreg [dreg:$0x13];
	[sflag:s19] =	ssyncadd.s32 $0xFFFFC000  }
0x19f: {  	[tilespmem:s12], [sflag:$0x1] =	stream.indirect.gather [hbm4b:s4+s16], $0x80, s10, s16, $0xb8;
	[tilespmem:$0x1CC00] =	vst v63  }
0x1a0: {  	_ =	swait.ge [sflag:s20], $0x4000  }
0x1a1: {  	[sflag:s20] =	ssyncset.done $0x0  }
0x1a2: {  	s11 =	rddreg [dreg:$0x14];
	[sflag:s20] =	ssyncadd.s32 $0xFFFFC000  }
0x1a3: {  	[spmem:s2] =	stream.indirect.scatter.add.f32 [tilespmem:s17], [sflag:$0x4], $0x80, s11, s16, $0xb8;
	[tilespmem:$0x1CC00] =	vst v63  }
0x1a4: {  	_ =	swait.ge [sflag:s21], $0x4000  }
0x1a5: {  	[sflag:s21] =	ssyncset.done $0x0  }
0x1a6: {  	s9 =	rddreg [dreg:$0x15];
	[sflag:s21] =	ssyncadd.s32 $0xFFFFC000  }
0x1a7: {  	[tilespmem:s17], [sflag:$0x2] =	stream.indirect.gather [hbm4b:s4+s16], $0x80, s9, s16, $0xb8;
	[tilespmem:$0x1CC00] =	vst v63  }
0x1a8: {  	_ =	swait.ge [sflag:s18], $0x4000  }
0x1a9: {  	[sflag:s18] =	ssyncset.done $0x0  }
0x1aa: {  	[sflag:s18] =	ssyncadd.s32 $0xFFFFC000  }
0x1ab: {  	[spmem:s2] =	stream.indirect.scatter.add.f32 [tilespmem:s12], [sflag:$0x3], $0x80, s22, s16, $0xb8;
	[tilespmem:$0x1CC00] =	vst v63  }
0x1ac: {  	_ =	swait.ge [sflag:s19], $0x4000  }
0x1ad: {  	[sflag:s19] =	ssyncset.done $0x0  }
0x1ae: {  	[sflag:s19] =	ssyncadd.s32 $0xFFFFC000  }
0x1af: {  	[tilespmem:s12], [sflag:$0x1] =	stream.indirect.gather [hbm4b:s4+s16], $0x80, s23, s16, $0xb8;
	[tilespmem:$0x1CC00] =	vst v63  }
0x1b0: {  	_ =	swait.ge [sflag:s20], $0x4000  }
0x1b1: {  	[sflag:s20] =	ssyncset.done $0x0  }
0x1b2: {  	[sflag:s20] =	ssyncadd.s32 $0xFFFFC000  }
0x1b3: {  	[spmem:s2] =	stream.indirect.scatter.add.f32 [tilespmem:s17], [sflag:$0x4], $0x80, s24, s16, $0xb8;
	[tilespmem:$0x1CC00] =	vst v63  }
0x1b4: {  	_ =	swait.ge [sflag:s21], $0x4000  }
0x1b5: {  	[sflag:s21] =	ssyncset.done $0x0  }
0x1b6: {  	[sflag:s21] =	ssyncadd.s32 $0xFFFFC000  }
0x1b7: {  	[tilespmem:s17], [sflag:$0x2] =	stream.indirect.gather [hbm4b:s4+s16], $0x80, s25, s16, $0xb8;
	[tilespmem:$0x1CC00] =	vst v63  }
0x1b8: {  	_ =	swait.ge [sflag:s18], $0x4000  }
0x1b9: {  	[sflag:s18] =	ssyncset.done $0x0  }
0x1ba: {  	[sflag:s18] =	ssyncadd.s32 $0xFFFFC000  }
0x1bb: {  	[spmem:s2] =	stream.indirect.scatter.add.f32 [tilespmem:s12], [sflag:$0x3], $0x80, s26, s16, $0xb8;
	[tilespmem:$0x1CC00] =	vst v63  }
0x1bc: {  	_ =	swait.ge [sflag:s19], $0x4000  }
0x1bd: {  	[sflag:s19] =	ssyncset.done $0x0  }
0x1be: {  	[sflag:s19] =	ssyncadd.s32 $0xFFFFC000  }
0x1bf: {  	[tilespmem:s12], [sflag:$0x1] =	stream.indirect.gather [hbm4b:s4+s16], $0x80, s28, s16, $0xb8;
	[tilespmem:$0x1CC00] =	vst v63  }
0x1c0: {  	_ =	swait.ge [sflag:s20], $0x4000  }
0x1c1: {  	[sflag:s20] =	ssyncset.done $0x0  }
0x1c2: {  	[sflag:s20] =	ssyncadd.s32 $0xFFFFC000  }
0x1c3: {  	[spmem:s2] =	stream.indirect.scatter.add.f32 [tilespmem:s17], [sflag:$0x4], $0x80, s29, s16, $0xb8;
	[tilespmem:$0x1CC00] =	vst v63  }
0x1c4: {  	_ =	swait.ge [sflag:s21], $0x4000  }
0x1c5: {  	[sflag:s21] =	ssyncset.done $0x0  }
0x1c6: {  	[sflag:s21] =	ssyncadd.s32 $0xFFFFC000  }
0x1c7: {  	[tilespmem:s17], [sflag:$0x2] =	stream.indirect.gather [hbm4b:s4+s16], $0x80, s30, s16, $0xb8;
	[tilespmem:$0x1CC00] =	vst v63  }
0x1c8: {  	_ =	swait.ge [sflag:s18], $0x4000  }
0x1c9: {  	[sflag:s18] =	ssyncset.done $0x0  }
0x1ca: {  	[sflag:s18] =	ssyncadd.s32 $0xFFFFC000  }
0x1cb: {  	[spmem:s2] =	stream.indirect.scatter.add.f32 [tilespmem:s12], [sflag:$0x3], $0x80, s31, s16, $0xb8;
	[tilespmem:$0x1CC00] =	vst v63  }
0x1cc: {  	_ =	swait.ge [sflag:s19], $0x4000  }
0x1cd: {  	[sflag:s19] =	ssyncset.done $0x0  }
0x1ce: {  	[sflag:s19] =	ssyncadd.s32 $0xFFFFC000  }
0x1cf: {  	[tilespmem:s12], [sflag:$0x1] =	stream.indirect.gather [hbm4b:s4+s16], $0x80, s1, s16, $0xb8;
	[tilespmem:$0x1CC00] =	vst v63  }
0x1d0: {  	_ =	swait.ge [sflag:s20], $0x4000  }
0x1d1: {  	[sflag:s20] =	ssyncset.done $0x0  }
0x1d2: {  	[sflag:s20] =	ssyncadd.s32 $0xFFFFC000  }
0x1d3: {  	[spmem:s2] =	stream.indirect.scatter.add.f32 [tilespmem:s17], [sflag:$0x4], $0x80, s0, s16, $0xb8;
	[tilespmem:$0x1CC00] =	vst v63  }
0x1d4: {  	_ =	swait.ge [sflag:s21], $0x4000  }
0x1d5: {  	[sflag:s21] =	ssyncset.done $0x0  }
0x1d6: {  	[sflag:s21] =	ssyncadd.s32 $0xFFFFC000  }
0x1d7: {  	[tilespmem:s17], [sflag:$0x2] =	stream.indirect.gather [hbm4b:s4+s16], $0x80, s6, s16, $0xb8;
	[tilespmem:$0x1CC00] =	vst v63  }
0x1d8: {  	_ =	swait.ge [sflag:s18], $0x4000  }
0x1d9: {  	[sflag:s18] =	ssyncset.done $0x0  }
0x1da: {  	[sflag:s18] =	ssyncadd.s32 $0xFFFFC000  }
0x1db: {  	[spmem:s2] =	stream.indirect.scatter.add.f32 [tilespmem:s12], [sflag:$0x3], $0x80, s7, s16, $0xb8;
	[tilespmem:$0x1CC00] =	vst v63  }
0x1dc: {  	_ =	swait.ge [sflag:s19], $0x4000  }
0x1dd: {  	[sflag:s19] =	ssyncset.done $0x0  }
0x1de: {  	[sflag:s19] =	ssyncadd.s32 $0xFFFFC000  }
0x1df: {  	_ =	swait.ge [sflag:s20], $0x4000  }
0x1e0: {  	[sflag:s20] =	ssyncset.done $0x0  }
0x1e1: {  	[sflag:s20] =	ssyncadd.s32 $0xFFFFC000  }
0x1e2: {  	[spmem:s2] =	stream.indirect.scatter.add.f32 [tilespmem:s17], [sflag:$0x4], $0x80, s8, s16, $0xb8;
	[tilespmem:$0x1CC00] =	vst v63  }
0x1e3: {  	_ =	swait.ge [sflag:s21], $0x4000  }
0x1e4: {  	[sflag:s21] =	ssyncset.done $0x0  }
0x1e5: {  	[sflag:s21] =	ssyncadd.s32 $0xFFFFC000  }
0x1e6: {  	s10 =	stileid.u32;
	[bflag:$0x0] =	sbarrier.arrive $0xFFFF  }
0x1e7: {  	s5 =	sshll.u32 s10, $0x6;
	s9 =	rddreg [dreg:$0x16]  }
0x1e8: {  	s5 =	sor.u32 $0x1C05, s5;
	s11 =	rddreg [dreg:$0x1b];
	s9 =	sshrl.u32 s9, $0x3  }
0x1e9: {  	[hbm:s11], [sflag:s5] =	dma.local [spmem:s9], $0x2780  }
0x1ea: {  	_ =	swait.ge [sflag:s13], $0x2780  }
0x1eb: {  	s10 =	rddreg [dreg:$0x1d]  }
0x1ec: {  	s11 =	rddreg [dreg:$0x1c];
	s9 =	sadd.s32 $0x1, s10  }
0x1ed: {  	p0 =	sne.s32 s9, s11  }
.Ltmp2:
0x1ee: {  	_ = 	snop;
	(pc) =	sbr.rel @p0 .LBB2_1-.Ltmp2, $3  }
0x1ef: {  	_ =	sdelay $0x1  }
0x1f0: {  	[sflag:s13] =	ssyncset.done $0x0  }
0x1f1: {  	[sflag:s13] =	ssyncadd.s32 $0xFFFFD880  }
0x1f2: {  	_ =	sfence.sel $0x180000  }
0x1f3: {  	[bflag:$0x0] =	sbarrier.arrive $0xFFFF  }
0x1f4: {  	_ =	strace $0x9000004D  }
0x1f5: {  	s0 =	stileid.u32;
	[bflag:$0x2] =	sbarrier.arrive $0xFFFF  }
0x1f6: {  	p0 =	sne.s32 s0, $0x0;
	s0 =	rddreg [dreg:$0x3]  }
0x1f7: {  	s0 =	sadd.s32 @!p0 $0x100000, s0  }
0x1f8: {  	[sflag:s0] =	ssyncadd.tile.s32 @!p0 $0x1;
	_ =	shalt  }
.Lfunc_end2:
_tile_overlayer_lowered:
.L_overlay_start_2:
0x1f9: {  	(tag) =	ssettag $0x2  }
0x1fa: {  	s0 =	rddreg [dreg:$0x0];
	s2 =	stileid.u32  }
0x1fb: {  	s1 =	rddreg [dreg:$0x1];
	p0 =	sne.s32 s2, $0x0  }
0x1fc: {  	s3 =	rddreg [dreg:$0x2];
	[bflag:$0x3] =	sbarrier.arrive $0xFFFF;
	s2 =	simm.s32 @!p0 $0x1C05  }
0x1fd: {  	[timem:s3], [sflag:s2] =	dma.local @!p0 [hbm:s0], s1  }
0x1fe: {  	s0 =	simm.s32 @!p0 $0x5  }
0x1ff: {  	_ =	swait.ge @!p0 [sflag:s0], s1  }
0x200: {  	s1 =	ssub.s32 @!p0 $0x0, s1;
	[sflag:s0] =	ssyncset.done @!p0 $0x0  }
0x201: {  	[sflag:s0] =	ssyncadd.s32 @!p0 s1  }
0x202: {  	[bflag:$0x3] =	sbarrier.arrive $0xFFFF  }
0x203: {  	_ =	shalt  }

// kernel: kernel.8.cloned.1.call-start
scs
__scs_entry_jumppad:
0x0: {  	(pc) =	sbr.rel $0x88, $3  }
0x1: {  	(tag) =	ssettag $0x0;
	lr =	simm.s32 $0x1  }
0x2: {  	[smem:$0x3F99] =	sst lr;
	_ =	strace $0xD0000000  }
0x3: {  	_ = 	snop  }
0x4: {  	_ = 	snop  }
0x5: {  	_ = 	snop  }
0x6: {  	_ = 	snop  }
0x7: {  	_ = 	snop  }
__scs_overlays_trampoline_lowered:
0x8: {  	[smem:$0x3FA8] =	sst s0  }
0x9: {  	[smem:$0x3FA9] =	sst s1  }
0xa: {  	[smem:$0x3FAA] =	sst s2  }
0xb: {  	[smem:$0x3FAB] =	sst s3  }
0xc: {  	[smem:$0x3FAC] =	sst s4  }
0xd: {  	[smem:$0x3FAD] =	sst s5  }
0xe: {  	[smem:$0x3FAE] =	sst s6  }
0xf: {  	[smem:$0x3FAF] =	sst s7  }
0x10: {  	[smem:$0x3FB0] =	sst s8  }
0x11: {  	[smem:$0x3FB1] =	sst s9;
	s0 =	simm.s32 @!p0 $0x0  }
0x12: {  	s1 =	sld [smem:$0x3F97];
	s0 =	simm.s32 @p0 $0x1  }
0x13: {  	[smem:$0x3FB2] =	sst s0;
	s0 =	simm.s32 @!p1 $0x0  }
0x14: {  	s2 =	sld [smem:$0x3F96];
	s0 =	simm.s32 @p1 $0x1  }
0x15: {  	[smem:$0x3FB3] =	sst s0;
	s0 =	simm.s32 @!p2 $0x0  }
0x16: {  	s3 =	sld [smem:$0x3FDB];
	s0 =	simm.s32 @p2 $0x1  }
0x17: {  	s4 =	simm.s32 $0x1BF5;
	[smem:$0x3FB5] =	sst s0  }
0x18: {  	s0 =	sld [smem:$0x3F98];
	_ =	swait.ge [sflag:s4], $0x0  }
0x19: {  	s7 =	sld [smem:$0x3F99]  }
0x1a: {  	s8 =	sadd.s32 $0xFFFFE003, lr  }
0x1b: {  	s9 =	sadd.s32 $0xFFFFFEF7, lr;
	s5 =	simm.s32 $0xFFFFFFFF;
	p2 =	slt.u32 s8, $0xFFFFF086  }
0x1c: {  	p1 =	slt.u32 s9, $0xF7A;
	s5 =	simm.s32 @!p2 $0x0  }
0x1d: {  	s5 =	simm.s32 @p1 $0x1;
	p0 =	seq.s32 s7, s2  }
0x1e: {  	s7 =	smul.u32 @!p0 $0xF7A, s2;
	p2 =	seq.s32 @!p0 s5, $0x0  }
0x1f: {  	s9 =	smul.u32 $0xF7A, s1;
	s8 =	simm.s32 @!p0 $0x1BF5;
	p2 =	por !p2, p0  }
0x20: {  	[sflag:s8] =	ssyncset.s32 @!p0 $0xFFFFF086;
	s6 =	sadd.s32 @!p0 s3, s7;
	s7 =	simm.s32 @!p0 $0x108  }
0x21: {  	s3 =	sadd.s32 s3, s9;
	s6 =	sadd.s32 @!p0 $0x88, s6;
	s7 =	simm.s32 @p2 $0x1082  }
0x22: {  	[simem:s7], [sflag:s8] =	dma.local @!p0 [hbm:s6], $0xF7A  }
0x23: {  	s9 =	sor.u32 $0xD0000000, s2;
	s6 =	simm.s32 $0x108;
	_ =	swait.ge @!p0 [sflag:s8], $0x0  }
0x24: {  	s3 =	sadd.s32 $0x88, s3;
	s6 =	simm.s32 @!p1 $0x1082;
	[sflag:s4] =	ssyncset.s32 $0xFFFFF086  }
0x25: {  	[simem:s6], [sflag:s4] =	dma.local [hbm:s3], $0xF7A  }
0x26: {  	[smem:$0x3F99] =	sst s1;
	(tag) =	ssettag s2;
	_ =	strace s9  }
0x27: {  	s1 =	sld [smem:$0x3FA9]  }
0x28: {  	s2 =	sld [smem:$0x3FAA]  }
0x29: {  	s4 =	sld [smem:$0x3FAC]  }
0x2a: {  	p0 =	seq.s32 s5, $0x0;
	s5 =	sld [smem:$0x3FAD]  }
0x2b: {  	s6 =	sld [smem:$0x3FAE]  }
0x2c: {  	s7 =	sld [smem:$0x3FAF]  }
0x2d: {  	s3 =	simm.s32 $0x108;
	s8 =	sld [smem:$0x3FB0]  }
0x2e: {  	s3 =	simm.s32 @!p0 $0x1082;
	s9 =	sld [smem:$0x3FB1]  }
0x2f: {  	lr =	sadd.s32 s0, s3;
	s0 =	sld [smem:$0x3FA8]  }
0x30: {  	s3 =	sld [smem:$0x3FAB]  }
0x31: {  	[smem:$0x3FB4] =	sst s10  }
0x32: {  	s10 =	sld [smem:$0x3FB2];
	_ =	sdelay $0x3  }
0x33: {  	p0 =	seq.s32 s10, $0x1;
	s10 =	sld [smem:$0x3FB4];
	_ =	sdelay $0x3  }
0x34: {  	[smem:$0x3FB4] =	sst s10  }
0x35: {  	s10 =	sld [smem:$0x3FB3];
	_ =	sdelay $0x3  }
0x36: {  	p1 =	seq.s32 s10, $0x1;
	s10 =	sld [smem:$0x3FB4];
	_ =	sdelay $0x3  }
0x37: {  	[smem:$0x3FB4] =	sst s10  }
0x38: {  	s10 =	sld [smem:$0x3FB5]  }
0x39: {  	_ = 	snop;
	(pc) =	sbr.ind lr, $3  }
0x3a: {  	_ = 	snop  }
0x3b: {  	_ = 	snop  }
0x3c: {  	p2 =	seq.s32 s10, $0x1;
	s10 =	sld [smem:$0x3FB4]  }
0x3d: {  	_ =	shalt  }
0x3e: {  	_ =	shalt  }
0x3f: {  	_ =	shalt  }
0x40: {  	_ =	shalt  }
0x41: {  	_ =	shalt  }
0x42: {  	_ =	shalt  }
0x43: {  	_ =	shalt  }
0x44: {  	_ =	shalt  }
0x45: {  	_ =	shalt  }
0x46: {  	_ =	shalt  }
0x47: {  	_ =	shalt  }
0x48: {  	_ =	shalt  }
0x49: {  	_ =	shalt  }
0x4a: {  	_ =	shalt  }
0x4b: {  	_ =	shalt  }
0x4c: {  	_ =	shalt  }
0x4d: {  	_ =	shalt  }
0x4e: {  	_ =	shalt  }
0x4f: {  	_ =	shalt  }
0x50: {  	_ =	shalt  }
0x51: {  	_ =	shalt  }
0x52: {  	_ =	shalt  }
0x53: {  	_ =	shalt  }
0x54: {  	_ =	shalt  }
0x55: {  	_ =	shalt  }
0x56: {  	_ =	shalt  }
0x57: {  	_ =	shalt  }
0x58: {  	_ =	shalt  }
0x59: {  	_ =	shalt  }
0x5a: {  	_ =	shalt  }
0x5b: {  	_ =	shalt  }
0x5c: {  	_ =	shalt  }
0x5d: {  	_ =	shalt  }
0x5e: {  	_ =	shalt  }
0x5f: {  	_ =	shalt  }
0x60: {  	_ =	shalt  }
0x61: {  	_ =	shalt  }
0x62: {  	_ =	shalt  }
0x63: {  	_ =	shalt  }
0x64: {  	_ =	shalt  }
0x65: {  	_ =	shalt  }
0x66: {  	_ =	shalt  }
0x67: {  	_ =	shalt  }
0x68: {  	_ =	shalt  }
0x69: {  	_ =	shalt  }
0x6a: {  	_ =	shalt  }
0x6b: {  	_ =	shalt  }
0x6c: {  	_ =	shalt  }
0x6d: {  	_ =	shalt  }
0x6e: {  	_ =	shalt  }
0x6f: {  	_ =	shalt  }
0x70: {  	_ =	shalt  }
0x71: {  	_ =	shalt  }
0x72: {  	_ =	shalt  }
0x73: {  	_ =	shalt  }
0x74: {  	_ =	shalt  }
0x75: {  	_ =	shalt  }
0x76: {  	_ =	shalt  }
0x77: {  	_ =	shalt  }
0x78: {  	_ =	shalt  }
0x79: {  	_ =	shalt  }
0x7a: {  	_ =	shalt  }
0x7b: {  	_ =	shalt  }
0x7c: {  	_ =	shalt  }
0x7d: {  	_ =	shalt  }
0x7e: {  	_ =	shalt  }
0x7f: {  	_ =	shalt  }
0x80: {  	_ =	shalt  }
0x81: {  	_ =	shalt  }
0x82: {  	_ =	shalt  }
0x83: {  	_ =	shalt  }
0x84: {  	_ =	shalt  }
0x85: {  	_ =	shalt  }
0x86: {  	_ =	shalt  }
0x87: {  	_ =	shalt  }
.Lfunc_end0:
.L_simem_size_0:
called_computation_lowered:
.L_overlay_start_0:
0x88: {  	s2 =	sld [smem:$0x3FD9]  }
0x89: {  	s3 =	sld [smem:$0x3FFE];
	_ =	sdelay $0x1  }
0x8a: {  	s1 =	srdreg.scid  }
0x8b: {  	s0 =	sand.u32 $0x1, s1  }
0x8c: {  	s17 =	sshll.u32 s0, $0xA;
	s2 =	sadd.s32 s3, s2  }
0x8d: {  	s2 =	sadd.s32 s2, s17  }
0x8e: {  	[smem:$0x3FC0] =	sst s2  }
0x8f: {  	_ = 	snop  }
0x90: {  	(tm) =	ssettm $0x1  }
0x91: {  	s18 =	sld [smem:$0x3FFB];
	_ =	sdelay $0x3  }
0x92: {  	_ =	strace s18  }
0x93: {  	s2 =	sld [smem:$0x3FFC];
	_ =	sdelay $0x3  }
0x94: {  	_ =	strace s2  }
0x95: {  	s2 =	sld [smem:$0x3FFD];
	_ =	sdelay $0x3  }
0x96: {  	_ =	strace s2  }
0x97: {  	_ =	strace $0x8FFFFFFF  }
0x98: {  	s19 =	sld [smem:$0x3FDB];
	_ =	sdelay $0x1  }
0x99: {  	s20 =	simm.s32 $_scs_section_size  }
0x9a: {  	s4 =	simm.s32 $_size__tile_overlayer_lowered;
	s5 =	simm.s32 $_tile_overlayer_lowered  }
0x9b: {  	s6 =	simm.s32 $0x1BFF;
	s21 =	sshll.u32 s5, $0x1;
	s3 =	sadd.s32 s20, s19  }
0x9c: {  	s22 =	simm.s32 $0x0;
	s4 =	sshll.u32 s4, $0x1;
	s5 =	sadd.s32 s21, s3  }
0x9d: {  	[timem:s22], [sflag:s6] =	dma.local [hbm:s5], s4  }
0x9e: {  	_ =	swait.ge [sflag:s6], s4  }
0x9f: {  	s4 =	ssub.s32 $0x0, s4;
	[sflag:s6] =	ssyncset.done $0x0  }
0xa0: {  	[sflag:s6] =	ssyncadd.s32 s4;
	_ =	sdelay $0x1  }
0xa1: {  	s23 =	simm.s32 $0x1B8B  }
0xa2: {  	_ =	swait.ge [sflag:s23], $0x1  }
0xa3: {  	[sflag:s23] =	ssyncset.done $0x0  }
0xa4: {  	[sflag:s23] =	ssyncadd.s32 $0xFFFFFFFF  }
0xa5: {  	s4 =	sld [smem:$0x0]  }
0xa6: {  	s5 =	sand.u32 $0xFFFFFFFE, s1  }
0xa7: {  	p0 =	sne.s32 s1, s5  }
0xa8: {  	s5 =	sshll.u32 @p0 s5, $0xE  }
0xa9: {  	s5 =	sadd.s32 @p0 $0x11B8D, s5;
	s6 =	sshll.u32 @p0 s4, $0x11  }
0xaa: {  	s5 =	sor.u32 @p0 s6, s5  }
0xab: {  	[sflag:s5] =	ssyncadd.remote.s32 @p0 $0x1;
	_ =	sdelay $0x1  }
0xac: {  	s5 =	simm.s32 @p0 $0x1B8D  }
0xad: {  	_ =	swait.eq @p0 [sflag:s5], $0x1  }
0xae: {  	[sflag:s5] =	ssyncadd.s32 @p0 $0xFFFFFFFF  }
0xaf: {  	s6 =	sshll.u32 @!p0 s1, $0xE  }
0xb0: {  	s6 =	sor.u32 @!p0 $0x4000, s6;
	s5 =	simm.s32 @!p0 $0x1B8D  }
0xb1: {  	s4 =	sshll.u32 @!p0 s4, $0x11;
	s6 =	sadd.s32 @!p0 $0x11B8D, s6;
	_ =	swait.eq @!p0 [sflag:s5], $0x1  }
0xb2: {  	s4 =	sor.u32 @!p0 s4, s6;
	[sflag:s5] =	ssyncadd.s32 @!p0 $0xFFFFFFFF  }
0xb3: {  	s25 =	simm.s32 $0x1B8E;
	s24 =	sld [smem:$0x3FFE];
	[sflag:s4] =	ssyncadd.remote.s32 @!p0 $0x1  }
0xb4: {  	s26 =	simm.s32 $execute0_lowered;
	[smem:$0x3FD2] =	sst s25  }
0xb5: {  	s5 =	sshll.u32 s26, $0x1;
	_ =	strace $0x80000049;
	[dreg:$0x1] =	wrdreg $0xFFFFFFFF  }
0xb6: {  	s28 =	simm.s32 $_size_execute0_lowered;
	s3 =	sadd.s32 s3, s5;
	[dreg:$0x0] =	wrdreg $0x0  }
0xb7: {  	s5 =	sshll.u32 s28, $0x1;
	[dreg:$0x2] =	wrdreg s3  }
0xb8: {  	[dreg:$0x3] =	wrdreg s5  }
0xb9: {  	[dreg:$0x4] =	wrdreg $0xC0  }
0xba: {  	_ =	task [dreg:s22], $0x5FFFF  }
0xbb: {  	[dreg:$0x1] =	wrdreg $0xFFFFFFFF  }
0xbc: {  	[dreg:$0x0] =	wrdreg $0x60  }
0xbd: {  	[dreg:$0x2] =	wrdreg s24  }
0xbe: {  	[dreg:$0x3] =	wrdreg $0x0  }
0xbf: {  	[dreg:$0x4] =	wrdreg $0x9  }
0xc0: {  	_ =	task.clear_ibuf [dreg:s22], $0x5FFFF;
	_ =	strace $0x90000049  }
0xc1: {  	s29 =	simm.s32 $0x9;
	_ =	strace $0x8000004B  }
0xc2: {  	_ =	swait.ge [sflag:s29], $0x1  }
0xc3: {  	[sflag:s29] =	ssyncadd.s32 $0xFFFFFFFF  }
0xc4: {  	_ =	strace $0x9000004B  }
0xc5: {  	_ =	sfence  }
0xc6: {  	s30 =	sld [smem:$0x0];
	_ =	sdelay $0x2  }
0xc7: {  	s31 =	sshll.u32 s1, $0xD;
	s1 =	sshrl.u32 s1, $0x2  }
0xc8: {  	s4 =	sand.u32 $0x4000, s31;
	s1 =	sadd.s32 s1, s30  }
0xc9: {  	s0 =	sor.u32 s4, s0;
	s1 =	sshll.u32 s1, $0x11  }
0xca: {  	s0 =	sor.u32 s1, s0  }
0xcb: {  	s0 =	sadd.s32 $0x8F2B, s0  }
0xcc: {  	[sflag:s0] =	ssyncadd.remote.s32 $0x1  }
0xcd: {  	_ =	sfence.sel $0xFFFF  }
0xce: {  	[dreg:$0x0] =	wrdreg $0xFFFFFFFF;
	(pc) =	sbr.abs _section_cstart, $3  }
0xcf: {  	[dreg:$0x1] =	wrdreg $0xFFFFFFFF  }
0xd0: {  	_ =	task.clear_ibuf [dreg:s22], $0x2FFFF;
	_ =	strace $0x9FFFFFFF  }
0xd1: {  	(tm) =	ssettm $0x7FFFFFFF  }
tec
execute0_lowered:
.L_overlay_start_1:
0x0: {  	(tag) =	ssettag $0x1  }
0x1: {  	s0 =	srdreg.scid;
	s1 =	rddreg [dreg:$0x0]  }
0x2: {  	s7 =	stileid.u32;
	s2 =	rddreg [dreg:$0x1];
	s3 =	simm.s32 $0x0  }
0x3: {  	s12 =	simm.s32 $0x14400;
	s13 =	simm.s32 $0x2;
	s14 =	simm.s32 $0x13C00  }
0x4: {  	s15 =	simm.s32 $0x80;
	s16 =	simm.s32 $0x13C80;
	s17 =	simm.s32 $0x13D00  }
0x5: {  	s18 =	simm.s32 $0x13D80;
	s19 =	simm.s32 $0x13E00;
	s4 =	smul.u32 $0x5000, s7  }
0x6: {  	s28 =	simm.s32 $0x14200;
	s29 =	simm.s32 $0x14280;
	s20 =	smul.u32 $0x13C00, s7  }
0x7: {  	s30 =	simm.s32 $0x14300;
	s0 =	sand.u32 $0x1, s0;
	s7 =	smul.u32 $0x4F000, s7  }
0x8: {  	s31 =	simm.s32 $0x14380;
	[smem:$0x7FF] =	sst s3;
	s5 =	smul.u32 $0x2800, s0  }
0x9: {  	s6 =	smul.u32 $0x13C000, s0;
	_ =	strace $0x8000004A;
	s0 =	ssub.s32 $0x2, s0  }
0xa: {  	s22 =	sshrl.u32 s7, $0x2;
	s23 =	sshrl.u32 s0, $0x1;
	s4 =	sadd.s32 s5, s4  }
0xb: {  	s21 =	sadd.s32 s20, s6;
	s0 =	ssub.s32 s0, s23;
	s20 =	simm.s32 $0x13E80  }
0xc: {  	s23 =	simm.s32 $0x14000;
	s4 =	sshrl.u32 s4, $0x3;
	s6 =	sshrl.u32 s21, $0x3  }
0xd: {  	s10 =	smax.u32 s0, $0x1;
	s11 =	sadd.s32 s4, s1;
	s4 =	sadd.s32 s22, s2  }
0xe: {  	s21 =	simm.s32 $0x13F00;
	s0 =	simm.s32 $0x0;
	s5 =	sadd.s32 $0x4000, s4  }
0xf: {  	s1 =	sadd.s32 s6, s1;
	s24 =	sadd.s32 $0x8000, s4;
	[dreg:$0x3] =	wrdreg s5  }
0x10: {  	s22 =	simm.s32 $0x13F80;
	s25 =	sadd.s32 $0xC000, s4;
	[dreg:$0x4] =	wrdreg s24  }
0x11: {  	s26 =	sadd.s32 $0x10000, s4;
	s9 =	sadd.s32 $0x82200, s1;
	[dreg:$0x5] =	wrdreg s25  }
0x12: {  	s11 =	sadd.s32 $0x1A00, s11;
	s1 =	simm.s32 $0x1;
	[dreg:$0x6] =	wrdreg s26  }
0x13: {  	v0 =	vimm.f32 $0.0e+00;
	v1 =	vimm.f32 $1.000000000e+00;
	s24 =	simm.s32 $0x14080;
	s25 =	simm.s32 $0x14100;
	s26 =	simm.s32 $0x14180  }
.LBB2_1:
0x14: {  	s5 =	simm.s32 $0x0;
	s6 =	simm.s32 $0x200  }
.LBB2_2:
0x15: {  	p0 =	sne.s32 s6, $0xFE00;
	[tilespmem:s5+$0x14470] =	vst v0  }
0x16: {  	[tilespmem:s5+$0x14400] =	vst v0  }
0x17: {  	[tilespmem:s5+$0x14410] =	vst v0  }
.Ltmp0:
0x18: {  	[tilespmem:s5+$0x14420] =	vst v0;
	(pc) =	sbr.rel @p0 .LBB2_2-.Ltmp0, $4  }
0x19: {  	[tilespmem:s5+$0x14430] =	vst v0  }
0x1a: {  	[tilespmem:s5+$0x14440] =	vst v0  }
0x1b: {  	[tilespmem:s5+$0x14450] =	vst v0  }
0x1c: {  	[tilespmem:s5+$0x14460] =	vst v0;
	s5 =	sshra.s32 s6, $0x2;
	s6 =	sadd.s32 $0x200, s6  }
0x1d: {  	[tilespmem:s5+$0x14470] =	vst v0  }
0x1e: {  	[tilespmem:s5+$0x14400] =	vst v0  }
0x1f: {  	[tilespmem:s5+$0x14410] =	vst v0  }
0x20: {  	[tilespmem:s5+$0x14420] =	vst v0  }
0x21: {  	[tilespmem:s5+$0x14430] =	vst v0  }
0x22: {  	[tilespmem:s5+$0x14440] =	vst v0  }
0x23: {  	[tilespmem:s5+$0x14450] =	vst v0  }
0x24: {  	[tilespmem:s5+$0x14460] =	vst v0  }
0x25: {  	[spmem:s4] =	stream.linear.scatter [tilespmem:s12], [sflag:$0x2], $0x4000, $0x38;
	[tilespmem:$0x18400] =	vst v63  }
0x26: {  	_ =	swait.ge [sflag:s13], $0x4000  }
0x27: {  	[sflag:s13] =	ssyncset.done $0x0  }
0x28: {  	s8 =	rddreg [dreg:$0x3];
	[sflag:s13] =	ssyncadd.s32 $0xFFFFC000  }
0x29: {  	[spmem:s8] =	stream.linear.scatter [tilespmem:s12], [sflag:$0x2], $0x4000, $0x38;
	[tilespmem:$0x18400] =	vst v63  }
0x2a: {  	_ =	swait.ge [sflag:s13], $0x4000  }
0x2b: {  	[sflag:s13] =	ssyncset.done $0x0  }
0x2c: {  	s6 =	rddreg [dreg:$0x4];
	[sflag:s13] =	ssyncadd.s32 $0xFFFFC000  }
0x2d: {  	[spmem:s6] =	stream.linear.scatter [tilespmem:s12], [sflag:$0x2], $0x4000, $0x38;
	[tilespmem:$0x18400] =	vst v63  }
0x2e: {  	_ =	swait.ge [sflag:s13], $0x4000  }
0x2f: {  	[sflag:s13] =	ssyncset.done $0x0  }
0x30: {  	s7 =	rddreg [dreg:$0x5];
	[sflag:s13] =	ssyncadd.s32 $0xFFFFC000  }
0x31: {  	[spmem:s7] =	stream.linear.scatter [tilespmem:s12], [sflag:$0x2], $0x4000, $0x38;
	[tilespmem:$0x18400] =	vst v63  }
0x32: {  	_ =	swait.ge [sflag:s13], $0x4000  }
0x33: {  	[sflag:s13] =	ssyncset.done $0x0  }
0x34: {  	s8 =	rddreg [dreg:$0x6];
	[sflag:s13] =	ssyncadd.s32 $0xFFFFC000  }
0x35: {  	[spmem:s8] =	stream.linear.scatter [tilespmem:s12], [sflag:$0x2], $0x3C00, $0x38;
	[tilespmem:$0x18400] =	vst v63  }
0x36: {  	_ =	swait.ge [sflag:s13], $0x3C00  }
0x37: {  	[sflag:s13] =	ssyncset.done $0x0  }
0x38: {  	s5 =	simm.s32 $0x0;
	s6 =	simm.s32 $0x200;
	[sflag:s13] =	ssyncadd.s32 $0xFFFFC400  }
.LBB2_4:
0x39: {  	p0 =	sne.s32 s6, $0xFE00;
	[tilespmem:s5+$0x14470] =	vst v1  }
0x3a: {  	[tilespmem:s5+$0x14400] =	vst v1  }
0x3b: {  	[tilespmem:s5+$0x14410] =	vst v1  }
.Ltmp1:
0x3c: {  	[tilespmem:s5+$0x14420] =	vst v1;
	(pc) =	sbr.rel @p0 .LBB2_4-.Ltmp1, $4  }
0x3d: {  	[tilespmem:s5+$0x14430] =	vst v1  }
0x3e: {  	[tilespmem:s5+$0x14440] =	vst v1  }
0x3f: {  	[tilespmem:s5+$0x14450] =	vst v1  }
0x40: {  	[tilespmem:s5+$0x14460] =	vst v1;
	s5 =	sshra.s32 s6, $0x2;
	s6 =	sadd.s32 $0x200, s6  }
0x41: {  	[tilespmem:s5+$0x14470] =	vst v1  }
0x42: {  	[tilespmem:s5+$0x14400] =	vst v1  }
0x43: {  	[tilespmem:s5+$0x14410] =	vst v1  }
0x44: {  	[tilespmem:s5+$0x14420] =	vst v1  }
0x45: {  	[tilespmem:s5+$0x14430] =	vst v1  }
0x46: {  	[tilespmem:s5+$0x14440] =	vst v1  }
0x47: {  	[tilespmem:s5+$0x14450] =	vst v1  }
0x48: {  	[tilespmem:s5+$0x14460] =	vst v1  }
0x49: {  	s8 =	sadd.s32 $0x0, s11;
	[bflag:$0x0] =	sbarrier.arrive $0xFFFF  }
0x4a: {  	[tilespmem:s14], [sflag:$0x2] =	stream.linear.gather [hbm4b:s8+s3], $0x800, $0x38;
	[tilespmem:$0x18400] =	vst v63  }
0x4b: {  	_ =	swait.ge [sflag:s13], $0x800  }
0x4c: {  	[sflag:s13] =	ssyncset.done $0x0  }
0x4d: {  	[sflag:s13] =	ssyncadd.s32 $0xFFFFF800  }
0x4e: {  	[spmem:s2] =	stream.indirect.scatter.add.f32 [tilespmem:s12], [sflag:$0x1], $0x80, s14, s15, $0xb8;
	[tilespmem:$0x18400] =	vst v63  }
0x4f: {  	_ = 	snop  }
0x50: {  	[spmem:s2] =	stream.indirect.scatter.add.f32 [tilespmem:s12], [sflag:$0x1], $0x80, s16, s15, $0xb8;
	[tilespmem:$0x18400] =	vst v63  }
0x51: {  	_ = 	snop  }
0x52: {  	[spmem:s2] =	stream.indirect.scatter.add.f32 [tilespmem:s12], [sflag:$0x1], $0x80, s17, s15, $0xb8;
	[tilespmem:$0x18400] =	vst v63  }
0x53: {  	_ = 	snop  }
0x54: {  	[spmem:s2] =	stream.indirect.scatter.add.f32 [tilespmem:s12], [sflag:$0x1], $0x80, s18, s15, $0xb8;
	[tilespmem:$0x18400] =	vst v63  }
0x55: {  	_ = 	snop  }
0x56: {  	[spmem:s2] =	stream.indirect.scatter.add.f32 [tilespmem:s12], [sflag:$0x1], $0x80, s19, s15, $0xb8;
	[tilespmem:$0x18400] =	vst v63  }
0x57: {  	_ = 	snop  }
0x58: {  	[spmem:s2] =	stream.indirect.scatter.add.f32 [tilespmem:s12], [sflag:$0x1], $0x80, s20, s15, $0xb8;
	[tilespmem:$0x18400] =	vst v63  }
0x59: {  	_ = 	snop  }
0x5a: {  	[spmem:s2] =	stream.indirect.scatter.add.f32 [tilespmem:s12], [sflag:$0x1], $0x80, s21, s15, $0xb8;
	[tilespmem:$0x18400] =	vst v63  }
0x5b: {  	_ = 	snop  }
0x5c: {  	[spmem:s2] =	stream.indirect.scatter.add.f32 [tilespmem:s12], [sflag:$0x1], $0x80, s22, s15, $0xb8;
	[tilespmem:$0x18400] =	vst v63  }
0x5d: {  	_ = 	snop  }
0x5e: {  	[spmem:s2] =	stream.indirect.scatter.add.f32 [tilespmem:s12], [sflag:$0x1], $0x80, s23, s15, $0xb8;
	[tilespmem:$0x18400] =	vst v63  }
0x5f: {  	_ = 	snop  }
0x60: {  	[spmem:s2] =	stream.indirect.scatter.add.f32 [tilespmem:s12], [sflag:$0x1], $0x80, s24, s15, $0xb8;
	[tilespmem:$0x18400] =	vst v63  }
0x61: {  	_ = 	snop  }
0x62: {  	[spmem:s2] =	stream.indirect.scatter.add.f32 [tilespmem:s12], [sflag:$0x1], $0x80, s25, s15, $0xb8;
	[tilespmem:$0x18400] =	vst v63  }
0x63: {  	_ = 	snop  }
0x64: {  	[spmem:s2] =	stream.indirect.scatter.add.f32 [tilespmem:s12], [sflag:$0x1], $0x80, s26, s15, $0xb8;
	[tilespmem:$0x18400] =	vst v63  }
0x65: {  	_ = 	snop  }
0x66: {  	[spmem:s2] =	stream.indirect.scatter.add.f32 [tilespmem:s12], [sflag:$0x1], $0x80, s28, s15, $0xb8;
	[tilespmem:$0x18400] =	vst v63  }
0x67: {  	_ = 	snop  }
0x68: {  	[spmem:s2] =	stream.indirect.scatter.add.f32 [tilespmem:s12], [sflag:$0x1], $0x80, s29, s15, $0xb8;
	[tilespmem:$0x18400] =	vst v63  }
0x69: {  	_ = 	snop  }
0x6a: {  	[spmem:s2] =	stream.indirect.scatter.add.f32 [tilespmem:s12], [sflag:$0x1], $0x80, s30, s15, $0xb8;
	[tilespmem:$0x18400] =	vst v63  }
0x6b: {  	_ = 	snop  }
0x6c: {  	[spmem:s2] =	stream.indirect.scatter.add.f32 [tilespmem:s12], [sflag:$0x1], $0x80, s31, s15, $0xb8;
	[tilespmem:$0x18400] =	vst v63  }
0x6d: {  	_ =	swait.ge [sflag:s1], $0x4000  }
0x6e: {  	[sflag:s1] =	ssyncset.done $0x0  }
0x6f: {  	[sflag:s1] =	ssyncadd.s32 $0xFFFFC000  }
0x70: {  	_ =	swait.ge [sflag:s1], $0x4000  }
0x71: {  	[sflag:s1] =	ssyncset.done $0x0  }
0x72: {  	[sflag:s1] =	ssyncadd.s32 $0xFFFFC000  }
0x73: {  	_ =	swait.ge [sflag:s1], $0x4000  }
0x74: {  	[sflag:s1] =	ssyncset.done $0x0  }
0x75: {  	[sflag:s1] =	ssyncadd.s32 $0xFFFFC000  }
0x76: {  	_ =	swait.ge [sflag:s1], $0x4000  }
0x77: {  	[sflag:s1] =	ssyncset.done $0x0  }
0x78: {  	[sflag:s1] =	ssyncadd.s32 $0xFFFFC000  }
0x79: {  	_ =	swait.ge [sflag:s1], $0x4000  }
0x7a: {  	[sflag:s1] =	ssyncset.done $0x0  }
0x7b: {  	[sflag:s1] =	ssyncadd.s32 $0xFFFFC000  }
0x7c: {  	_ =	swait.ge [sflag:s1], $0x4000  }
0x7d: {  	[sflag:s1] =	ssyncset.done $0x0  }
0x7e: {  	[sflag:s1] =	ssyncadd.s32 $0xFFFFC000  }
0x7f: {  	_ =	swait.ge [sflag:s1], $0x4000  }
0x80: {  	[sflag:s1] =	ssyncset.done $0x0  }
0x81: {  	[sflag:s1] =	ssyncadd.s32 $0xFFFFC000  }
0x82: {  	_ =	swait.ge [sflag:s1], $0x4000  }
0x83: {  	[sflag:s1] =	ssyncset.done $0x0  }
0x84: {  	[sflag:s1] =	ssyncadd.s32 $0xFFFFC000  }
0x85: {  	_ =	swait.ge [sflag:s1], $0x4000  }
0x86: {  	[sflag:s1] =	ssyncset.done $0x0  }
0x87: {  	[sflag:s1] =	ssyncadd.s32 $0xFFFFC000  }
0x88: {  	_ =	swait.ge [sflag:s1], $0x4000  }
0x89: {  	[sflag:s1] =	ssyncset.done $0x0  }
0x8a: {  	[sflag:s1] =	ssyncadd.s32 $0xFFFFC000  }
0x8b: {  	_ =	swait.ge [sflag:s1], $0x4000  }
0x8c: {  	[sflag:s1] =	ssyncset.done $0x0  }
0x8d: {  	[sflag:s1] =	ssyncadd.s32 $0xFFFFC000  }
0x8e: {  	_ =	swait.ge [sflag:s1], $0x4000  }
0x8f: {  	[sflag:s1] =	ssyncset.done $0x0  }
0x90: {  	[sflag:s1] =	ssyncadd.s32 $0xFFFFC000  }
0x91: {  	_ =	swait.ge [sflag:s1], $0x4000  }
0x92: {  	[sflag:s1] =	ssyncset.done $0x0  }
0x93: {  	[sflag:s1] =	ssyncadd.s32 $0xFFFFC000  }
0x94: {  	_ =	swait.ge [sflag:s1], $0x4000  }
0x95: {  	[sflag:s1] =	ssyncset.done $0x0  }
0x96: {  	[sflag:s1] =	ssyncadd.s32 $0xFFFFC000  }
0x97: {  	_ =	swait.ge [sflag:s1], $0x4000  }
0x98: {  	[sflag:s1] =	ssyncset.done $0x0  }
0x99: {  	[sflag:s1] =	ssyncadd.s32 $0xFFFFC000  }
0x9a: {  	_ =	swait.ge [sflag:s1], $0x4000  }
0x9b: {  	s5 =	simm.s32 $0x100;
	s6 =	simm.s32 $0x200;
	[sflag:s1] =	ssyncset.done $0x0  }
.LBB2_6:
0x9c: {  	s8 =	sadd.s32 s5, s11  }
0x9d: {  	[sflag:s1] =	ssyncadd.s32 $0xFFFFC000;
	s5 =	smov.u32 s6;
	s7 =	sadd.s32 $0x100, s6  }
0x9e: {  	[tilespmem:s14], [sflag:$0x2] =	stream.linear.gather [hbm4b:s8+s3], $0x800, $0x38;
	[tilespmem:$0x18400] =	vst v63  }
0x9f: {  	p0 =	sne.s32 s6, $0x400;
	_ =	swait.ge [sflag:s13], $0x800  }
0xa0: {  	[sflag:s13] =	ssyncset.done $0x0  }
0xa1: {  	[sflag:s13] =	ssyncadd.s32 $0xFFFFF800  }
0xa2: {  	[spmem:s2] =	stream.indirect.scatter.add.f32 [tilespmem:s12], [sflag:$0x1], $0x80, s14, s15, $0xb8;
	[tilespmem:$0x18400] =	vst v63  }
0xa3: {  	_ = 	snop  }
0xa4: {  	[spmem:s2] =	stream.indirect.scatter.add.f32 [tilespmem:s12], [sflag:$0x1], $0x80, s16, s15, $0xb8;
	[tilespmem:$0x18400] =	vst v63  }
0xa5: {  	_ = 	snop  }
0xa6: {  	[spmem:s2] =	stream.indirect.scatter.add.f32 [tilespmem:s12], [sflag:$0x1], $0x80, s17, s15, $0xb8;
	[tilespmem:$0x18400] =	vst v63  }
0xa7: {  	_ = 	snop  }
0xa8: {  	[spmem:s2] =	stream.indirect.scatter.add.f32 [tilespmem:s12], [sflag:$0x1], $0x80, s18, s15, $0xb8;
	[tilespmem:$0x18400] =	vst v63  }
0xa9: {  	_ = 	snop  }
0xaa: {  	[spmem:s2] =	stream.indirect.scatter.add.f32 [tilespmem:s12], [sflag:$0x1], $0x80, s19, s15, $0xb8;
	[tilespmem:$0x18400] =	vst v63  }
0xab: {  	_ = 	snop  }
0xac: {  	[spmem:s2] =	stream.indirect.scatter.add.f32 [tilespmem:s12], [sflag:$0x1], $0x80, s20, s15, $0xb8;
	[tilespmem:$0x18400] =	vst v63  }
0xad: {  	_ = 	snop  }
0xae: {  	[spmem:s2] =	stream.indirect.scatter.add.f32 [tilespmem:s12], [sflag:$0x1], $0x80, s21, s15, $0xb8;
	[tilespmem:$0x18400] =	vst v63  }
0xaf: {  	_ = 	snop  }
0xb0: {  	[spmem:s2] =	stream.indirect.scatter.add.f32 [tilespmem:s12], [sflag:$0x1], $0x80, s22, s15, $0xb8;
	[tilespmem:$0x18400] =	vst v63  }
0xb1: {  	_ = 	snop  }
0xb2: {  	[spmem:s2] =	stream.indirect.scatter.add.f32 [tilespmem:s12], [sflag:$0x1], $0x80, s23, s15, $0xb8;
	[tilespmem:$0x18400] =	vst v63  }
0xb3: {  	_ = 	snop  }
0xb4: {  	[spmem:s2] =	stream.indirect.scatter.add.f32 [tilespmem:s12], [sflag:$0x1], $0x80, s24, s15, $0xb8;
	[tilespmem:$0x18400] =	vst v63  }
0xb5: {  	_ = 	snop  }
0xb6: {  	[spmem:s2] =	stream.indirect.scatter.add.f32 [tilespmem:s12], [sflag:$0x1], $0x80, s25, s15, $0xb8;
	[tilespmem:$0x18400] =	vst v63  }
0xb7: {  	_ = 	snop  }
0xb8: {  	[spmem:s2] =	stream.indirect.scatter.add.f32 [tilespmem:s12], [sflag:$0x1], $0x80, s26, s15, $0xb8;
	[tilespmem:$0x18400] =	vst v63  }
0xb9: {  	_ = 	snop  }
0xba: {  	[spmem:s2] =	stream.indirect.scatter.add.f32 [tilespmem:s12], [sflag:$0x1], $0x80, s28, s15, $0xb8;
	[tilespmem:$0x18400] =	vst v63  }
0xbb: {  	_ = 	snop  }
0xbc: {  	[spmem:s2] =	stream.indirect.scatter.add.f32 [tilespmem:s12], [sflag:$0x1], $0x80, s29, s15, $0xb8;
	[tilespmem:$0x18400] =	vst v63  }
0xbd: {  	_ = 	snop  }
0xbe: {  	[spmem:s2] =	stream.indirect.scatter.add.f32 [tilespmem:s12], [sflag:$0x1], $0x80, s30, s15, $0xb8;
	[tilespmem:$0x18400] =	vst v63  }
0xbf: {  	_ = 	snop  }
0xc0: {  	[spmem:s2] =	stream.indirect.scatter.add.f32 [tilespmem:s12], [sflag:$0x1], $0x80, s31, s15, $0xb8;
	[tilespmem:$0x18400] =	vst v63  }
0xc1: {  	_ =	swait.ge [sflag:s1], $0x4000  }
0xc2: {  	[sflag:s1] =	ssyncset.done $0x0  }
0xc3: {  	[sflag:s1] =	ssyncadd.s32 $0xFFFFC000  }
0xc4: {  	_ =	swait.ge [sflag:s1], $0x4000  }
0xc5: {  	[sflag:s1] =	ssyncset.done $0x0  }
0xc6: {  	[sflag:s1] =	ssyncadd.s32 $0xFFFFC000  }
0xc7: {  	_ =	swait.ge [sflag:s1], $0x4000  }
0xc8: {  	[sflag:s1] =	ssyncset.done $0x0  }
0xc9: {  	[sflag:s1] =	ssyncadd.s32 $0xFFFFC000  }
0xca: {  	_ =	swait.ge [sflag:s1], $0x4000  }
0xcb: {  	[sflag:s1] =	ssyncset.done $0x0  }
0xcc: {  	[sflag:s1] =	ssyncadd.s32 $0xFFFFC000  }
0xcd: {  	_ =	swait.ge [sflag:s1], $0x4000  }
0xce: {  	[sflag:s1] =	ssyncset.done $0x0  }
0xcf: {  	[sflag:s1] =	ssyncadd.s32 $0xFFFFC000  }
0xd0: {  	_ =	swait.ge [sflag:s1], $0x4000  }
0xd1: {  	[sflag:s1] =	ssyncset.done $0x0  }
0xd2: {  	[sflag:s1] =	ssyncadd.s32 $0xFFFFC000  }
0xd3: {  	_ =	swait.ge [sflag:s1], $0x4000  }
0xd4: {  	[sflag:s1] =	ssyncset.done $0x0  }
0xd5: {  	[sflag:s1] =	ssyncadd.s32 $0xFFFFC000  }
0xd6: {  	_ =	swait.ge [sflag:s1], $0x4000  }
0xd7: {  	[sflag:s1] =	ssyncset.done $0x0  }
0xd8: {  	[sflag:s1] =	ssyncadd.s32 $0xFFFFC000  }
0xd9: {  	_ =	swait.ge [sflag:s1], $0x4000  }
0xda: {  	[sflag:s1] =	ssyncset.done $0x0  }
0xdb: {  	[sflag:s1] =	ssyncadd.s32 $0xFFFFC000  }
0xdc: {  	_ =	swait.ge [sflag:s1], $0x4000  }
0xdd: {  	[sflag:s1] =	ssyncset.done $0x0  }
0xde: {  	[sflag:s1] =	ssyncadd.s32 $0xFFFFC000  }
0xdf: {  	_ =	swait.ge [sflag:s1], $0x4000  }
0xe0: {  	[sflag:s1] =	ssyncset.done $0x0  }
0xe1: {  	[sflag:s1] =	ssyncadd.s32 $0xFFFFC000  }
0xe2: {  	_ =	swait.ge [sflag:s1], $0x4000  }
0xe3: {  	[sflag:s1] =	ssyncset.done $0x0  }
0xe4: {  	[sflag:s1] =	ssyncadd.s32 $0xFFFFC000  }
0xe5: {  	_ =	swait.ge [sflag:s1], $0x4000  }
0xe6: {  	[sflag:s1] =	ssyncset.done $0x0  }
0xe7: {  	[sflag:s1] =	ssyncadd.s32 $0xFFFFC000  }
0xe8: {  	_ =	swait.ge [sflag:s1], $0x4000  }
0xe9: {  	[sflag:s1] =	ssyncset.done $0x0  }
0xea: {  	[sflag:s1] =	ssyncadd.s32 $0xFFFFC000  }
.Ltmp2:
0xeb: {  	_ =	swait.ge [sflag:s1], $0x4000;
	(pc) =	sbr.rel @p0 .LBB2_6-.Ltmp2, $4  }
0xec: {  	[sflag:s1] =	ssyncset.done $0x0  }
0xed: {  	[sflag:s1] =	ssyncadd.s32 $0xFFFFC000  }
0xee: {  	_ =	swait.ge [sflag:s1], $0x4000  }
0xef: {  	s6 =	smov.u32 s7;
	[sflag:s1] =	ssyncset.done $0x0  }
0xf0: {  	s5 =	sadd.s32 s5, s11;
	[sflag:s1] =	ssyncadd.s32 $0xFFFFC000  }
0xf1: {  	[tilespmem:s14], [sflag:$0x2] =	stream.linear.gather [hbm4b:s5+s3], $0x800, $0x38;
	[tilespmem:$0x18400] =	vst v63  }
0xf2: {  	_ =	swait.ge [sflag:s13], $0x800  }
0xf3: {  	[sflag:s13] =	ssyncset.done $0x0  }
0xf4: {  	[sflag:s13] =	ssyncadd.s32 $0xFFFFF800  }
0xf5: {  	[spmem:s2] =	stream.indirect.scatter.add.f32 [tilespmem:s12], [sflag:$0x1], $0x80, s14, s15, $0xb8;
	[tilespmem:$0x18400] =	vst v63  }
0xf6: {  	_ = 	snop  }
0xf7: {  	[spmem:s2] =	stream.indirect.scatter.add.f32 [tilespmem:s12], [sflag:$0x1], $0x80, s16, s15, $0xb8;
	[tilespmem:$0x18400] =	vst v63  }
0xf8: {  	_ = 	snop  }
0xf9: {  	[spmem:s2] =	stream.indirect.scatter.add.f32 [tilespmem:s12], [sflag:$0x1], $0x80, s17, s15, $0xb8;
	[tilespmem:$0x18400] =	vst v63  }
0xfa: {  	_ = 	snop  }
0xfb: {  	[spmem:s2] =	stream.indirect.scatter.add.f32 [tilespmem:s12], [sflag:$0x1], $0x80, s18, s15, $0xb8;
	[tilespmem:$0x18400] =	vst v63  }
0xfc: {  	_ = 	snop  }
0xfd: {  	[spmem:s2] =	stream.indirect.scatter.add.f32 [tilespmem:s12], [sflag:$0x1], $0x80, s19, s15, $0xb8;
	[tilespmem:$0x18400] =	vst v63  }
0xfe: {  	_ = 	snop  }
0xff: {  	[spmem:s2] =	stream.indirect.scatter.add.f32 [tilespmem:s12], [sflag:$0x1], $0x80, s20, s15, $0xb8;
	[tilespmem:$0x18400] =	vst v63  }
0x100: {  	_ = 	snop  }
0x101: {  	[spmem:s2] =	stream.indirect.scatter.add.f32 [tilespmem:s12], [sflag:$0x1], $0x80, s21, s15, $0xb8;
	[tilespmem:$0x18400] =	vst v63  }
0x102: {  	_ = 	snop  }
0x103: {  	[spmem:s2] =	stream.indirect.scatter.add.f32 [tilespmem:s12], [sflag:$0x1], $0x80, s22, s15, $0xb8;
	[tilespmem:$0x18400] =	vst v63  }
0x104: {  	_ = 	snop  }
0x105: {  	[spmem:s2] =	stream.indirect.scatter.add.f32 [tilespmem:s12], [sflag:$0x1], $0x80, s23, s15, $0xb8;
	[tilespmem:$0x18400] =	vst v63  }
0x106: {  	_ = 	snop  }
0x107: {  	[spmem:s2] =	stream.indirect.scatter.add.f32 [tilespmem:s12], [sflag:$0x1], $0x80, s24, s15, $0xb8;
	[tilespmem:$0x18400] =	vst v63  }
0x108: {  	_ = 	snop  }
0x109: {  	[spmem:s2] =	stream.indirect.scatter.add.f32 [tilespmem:s12], [sflag:$0x1], $0x80, s25, s15, $0xb8;
	[tilespmem:$0x18400] =	vst v63  }
0x10a: {  	_ = 	snop  }
0x10b: {  	[spmem:s2] =	stream.indirect.scatter.add.f32 [tilespmem:s12], [sflag:$0x1], $0x80, s26, s15, $0xb8;
	[tilespmem:$0x18400] =	vst v63  }
0x10c: {  	_ = 	snop  }
0x10d: {  	[spmem:s2] =	stream.indirect.scatter.add.f32 [tilespmem:s12], [sflag:$0x1], $0x80, s28, s15, $0xb8;
	[tilespmem:$0x18400] =	vst v63  }
0x10e: {  	_ = 	snop  }
0x10f: {  	[spmem:s2] =	stream.indirect.scatter.add.f32 [tilespmem:s12], [sflag:$0x1], $0x80, s29, s15, $0xb8;
	[tilespmem:$0x18400] =	vst v63  }
0x110: {  	_ = 	snop  }
0x111: {  	[spmem:s2] =	stream.indirect.scatter.add.f32 [tilespmem:s12], [sflag:$0x1], $0x80, s30, s15, $0xb8;
	[tilespmem:$0x18400] =	vst v63  }
0x112: {  	_ = 	snop  }
0x113: {  	[spmem:s2] =	stream.indirect.scatter.add.f32 [tilespmem:s12], [sflag:$0x1], $0x80, s31, s15, $0xb8;
	[tilespmem:$0x18400] =	vst v63  }
0x114: {  	_ =	swait.ge [sflag:s1], $0x4000  }
0x115: {  	[sflag:s1] =	ssyncset.done $0x0  }
0x116: {  	[sflag:s1] =	ssyncadd.s32 $0xFFFFC000  }
0x117: {  	_ =	swait.ge [sflag:s1], $0x4000  }
0x118: {  	[sflag:s1] =	ssyncset.done $0x0  }
0x119: {  	[sflag:s1] =	ssyncadd.s32 $0xFFFFC000  }
0x11a: {  	_ =	swait.ge [sflag:s1], $0x4000  }
0x11b: {  	[sflag:s1] =	ssyncset.done $0x0  }
0x11c: {  	[sflag:s1] =	ssyncadd.s32 $0xFFFFC000  }
0x11d: {  	_ =	swait.ge [sflag:s1], $0x4000  }
0x11e: {  	[sflag:s1] =	ssyncset.done $0x0  }
0x11f: {  	[sflag:s1] =	ssyncadd.s32 $0xFFFFC000  }
0x120: {  	_ =	swait.ge [sflag:s1], $0x4000  }
0x121: {  	[sflag:s1] =	ssyncset.done $0x0  }
0x122: {  	[sflag:s1] =	ssyncadd.s32 $0xFFFFC000  }
0x123: {  	_ =	swait.ge [sflag:s1], $0x4000  }
0x124: {  	[sflag:s1] =	ssyncset.done $0x0  }
0x125: {  	[sflag:s1] =	ssyncadd.s32 $0xFFFFC000  }
0x126: {  	_ =	swait.ge [sflag:s1], $0x4000  }
0x127: {  	[sflag:s1] =	ssyncset.done $0x0  }
0x128: {  	[sflag:s1] =	ssyncadd.s32 $0xFFFFC000  }
0x129: {  	_ =	swait.ge [sflag:s1], $0x4000  }
0x12a: {  	[sflag:s1] =	ssyncset.done $0x0  }
0x12b: {  	[sflag:s1] =	ssyncadd.s32 $0xFFFFC000  }
0x12c: {  	_ =	swait.ge [sflag:s1], $0x4000  }
0x12d: {  	[sflag:s1] =	ssyncset.done $0x0  }
0x12e: {  	[sflag:s1] =	ssyncadd.s32 $0xFFFFC000  }
0x12f: {  	_ =	swait.ge [sflag:s1], $0x4000  }
0x130: {  	[sflag:s1] =	ssyncset.done $0x0  }
0x131: {  	[sflag:s1] =	ssyncadd.s32 $0xFFFFC000  }
0x132: {  	_ =	swait.ge [sflag:s1], $0x4000  }
0x133: {  	[sflag:s1] =	ssyncset.done $0x0  }
0x134: {  	[sflag:s1] =	ssyncadd.s32 $0xFFFFC000  }
0x135: {  	_ =	swait.ge [sflag:s1], $0x4000  }
0x136: {  	[sflag:s1] =	ssyncset.done $0x0  }
0x137: {  	[sflag:s1] =	ssyncadd.s32 $0xFFFFC000  }
0x138: {  	_ =	swait.ge [sflag:s1], $0x4000  }
0x139: {  	[sflag:s1] =	ssyncset.done $0x0  }
0x13a: {  	[sflag:s1] =	ssyncadd.s32 $0xFFFFC000  }
0x13b: {  	_ =	swait.ge [sflag:s1], $0x4000  }
0x13c: {  	[sflag:s1] =	ssyncset.done $0x0  }
0x13d: {  	[sflag:s1] =	ssyncadd.s32 $0xFFFFC000  }
0x13e: {  	_ =	swait.ge [sflag:s1], $0x4000  }
0x13f: {  	[sflag:s1] =	ssyncset.done $0x0  }
0x140: {  	[sflag:s1] =	ssyncadd.s32 $0xFFFFC000  }
0x141: {  	s8 =	stileid.u32;
	_ =	swait.ge [sflag:s1], $0x4000  }
0x142: {  	s6 =	sshrl.u32 s4, $0x3;
	s0 =	sadd.s32 $0x1, s0;
	[sflag:s1] =	ssyncset.done $0x0  }
0x143: {  	s5 =	sshll.u32 s8, $0x6;
	p0 =	sne.s32 s0, s10;
	[sflag:s1] =	ssyncadd.s32 $0xFFFFC000  }
.Ltmp3:
0x144: {  	s5 =	sor.u32 $0x1C02, s5;
	[bflag:$0x0] =	sbarrier.arrive $0xFFFF;
	(pc) =	sbr.rel @p0 .LBB2_1-.Ltmp3, $4  }
0x145: {  	[hbm:s9], [sflag:s5] =	dma.local [spmem:s6], $0x2780  }
0x146: {  	_ =	swait.ge [sflag:s13], $0x2780  }
0x147: {  	[sflag:s13] =	ssyncset.done $0x0  }
0x148: {  	[sflag:s13] =	ssyncadd.s32 $0xFFFFD880  }
0x149: {  	_ =	sfence.sel $0x180000  }
0x14a: {  	[bflag:$0x0] =	sbarrier.arrive $0xFFFF  }
0x14b: {  	_ =	strace $0x9000004A  }
0x14c: {  	s0 =	stileid.u32;
	[bflag:$0x2] =	sbarrier.arrive $0xFFFF  }
0x14d: {  	p0 =	sne.s32 s0, $0x0;
	s0 =	rddreg [dreg:$0x2]  }
0x14e: {  	s0 =	sadd.s32 @!p0 $0x100000, s0  }
0x14f: {  	[sflag:s0] =	ssyncadd.tile.s32 @!p0 $0x1;
	_ =	shalt  }
.Lfunc_end2:
_tile_overlayer_lowered:
.L_overlay_start_2:
0x150: {  	(tag) =	ssettag $0x2  }
0x151: {  	s0 =	rddreg [dreg:$0x0];
	s2 =	stileid.u32  }
0x152: {  	s1 =	rddreg [dreg:$0x1];
	p0 =	sne.s32 s2, $0x0  }
0x153: {  	s3 =	rddreg [dreg:$0x2];
	[bflag:$0x3] =	sbarrier.arrive $0xFFFF;
	s2 =	simm.s32 @!p0 $0x1C02  }
0x154: {  	[timem:s3], [sflag:s2] =	dma.local @!p0 [hbm:s0], s1  }
0x155: {  	s0 =	simm.s32 @!p0 $0x2  }
0x156: {  	_ =	swait.ge @!p0 [sflag:s0], s1  }
0x157: {  	s1 =	ssub.s32 @!p0 $0x0, s1;
	[sflag:s0] =	ssyncset.done @!p0 $0x0  }
0x158: {  	[sflag:s0] =	ssyncadd.s32 @!p0 s1  }
0x159: {  	[bflag:$0x3] =	sbarrier.arrive $0xFFFF  }
0x15a: {  	_ =	shalt  }

</sc_bundles>
